<compile_context>
chip_gen: v7x
topology: tpu7x:2x2x1
jax: 0.10.2.dev20260603
libtpu: 0.0.44.dev20260713+nightly
codegen_flags: <defaults>
</compile_context>

<pallas_src>
import functools

import jax
import jax.numpy as jnp
from jax import lax
from jax.experimental import pallas as pl
from jax.experimental.pallas import tpu as pltpu
from jax.experimental.pallas import tpu_sc as plsc

_NC = 2
_NS = 16
_NW = _NC * _NS

_TR = 8
_LANES = 16
_UNROLL = 4
_NBUF = 3


def _sc_add(B, seq_len, D):
    rows_per_w = seq_len // _NW
    steps = rows_per_w // _TR
    tile = _TR * D
    n_iter = tile // (_LANES * _UNROLL)
    groups = steps // _NBUF
    tail = steps - groups * _NBUF

    mesh = plsc.VectorSubcoreMesh(core_axis_name="c", subcore_axis_name="s")

    scratch = (
        [pltpu.VMEM((_TR, D), jnp.float32) for _ in range(_NBUF)]
        + [pltpu.VMEM((_TR, D), jnp.float32) for _ in range(_NBUF * B)]
        + [pltpu.SemaphoreType.DMA for _ in range(_NBUF)]
        + [pltpu.SemaphoreType.DMA for _ in range(_NBUF * B)]
        + [pltpu.SemaphoreType.DMA for _ in range(_NBUF * B)]
    )

    @functools.partial(
        pl.kernel,
        mesh=mesh,
        out_type=jax.ShapeDtypeStruct((B, seq_len, D), jnp.float32),
        scratch_types=scratch,
        compiler_params=pltpu.CompilerParams(use_tc_tiling_on_sc=True),
    )
    def run(x_hbm, pe_hbm, out_hbm, *s):
        k = _NBUF
        pe_v = s[0:k]
        x_v = tuple(s[k + q * B:k + (q + 1) * B] for q in range(k))
        o = k + k * B
        pe_sem = s[o:o + k]
        ld_sem = tuple(s[o + k + q * B:o + k + (q + 1) * B] for q in range(k))
        o2 = o + k + k * B
        st_sem = tuple(s[o2 + q * B:o2 + (q + 1) * B] for q in range(k))

        wid = lax.axis_index("s") * _NC + lax.axis_index("c")
        base = wid * rows_per_w

        def pe_copy(t, q):
            return pltpu.make_async_copy(
                pe_hbm.at[pl.ds(base + t * _TR, _TR)], pe_v[q], pe_sem[q])

        def ld_copy(t, q, b):
            return pltpu.make_async_copy(
                x_hbm.at[b, pl.ds(base + t * _TR, _TR)], x_v[q][b],
                ld_sem[q][b])

        def st_copy(t, q, b):
            return pltpu.make_async_copy(
                x_v[q][b], out_hbm.at[b, pl.ds(base + t * _TR, _TR)],
                st_sem[q][b])

        pe_copy(0, 0).start()
        for b in range(B):
            ld_copy(0, 0, b).start()

        def halfstep(t, q):
            nq = (q + 1) % _NBUF

            @pl.when(t + 1 < steps)
            def _():
                pe_copy(t + 1, nq).start()

            for b in range(B):
                @pl.when(t + 1 < steps)
                def _():
                    @pl.when(t >= 2)
                    def _():
                        st_copy(t - 2, nq, b).wait()
                    ld_copy(t + 1, nq, b).start()

            pe_copy(t, q).wait()
            for b in range(B):
                ld_copy(t, q, b).wait()

            def add_body(j, c):
                for u in range(_UNROLL):
                    flat = (j * _UNROLL + u) * _LANES
                    r = flat // D
                    sl = pl.ds(flat % D, _LANES)
                    pv = pe_v[q][r, sl]
                    for b in range(B):
                        x_v[q][b][r, sl] = x_v[q][b][r, sl] + pv
                return c

            lax.fori_loop(0, n_iter, add_body, 0, unroll=False)

            for b in range(B):
                st_copy(t, q, b).start()

        def outer(g, carry):
            for h in range(_NBUF):
                halfstep(g * _NBUF + h, h)
            return carry

        lax.fori_loop(0, groups, outer, 0, unroll=False)
        for h in range(tail):
            halfstep(groups * _NBUF + h, h)

        for t in range(steps - _NBUF, steps):
            for b in range(B):
                st_copy(t, t % _NBUF, b).wait()

    return run


def kernel(x, pe_table):
    B, S, D = x.shape
    seq_len = min(S, pe_table.shape[0])
    return _sc_add(B, seq_len, D)(x[:, :seq_len, :], pe_table[:seq_len])

# --- scband reference (transcript-rebuilt; emitter-appended) ---
"""Pipeline reference for scband-learned-positional-encoding-15530601742594 (READ-ONLY COPY).

The authoritative reference and input builder live on the scoring server;
editing this copy changes nothing except your own understanding.
"""

import jax, jax.numpy as jnp
import numpy as np

D_MODEL = 1024
MAX_LEN = 8192
BATCH = 4
SEQ = 8192

def setup_inputs(seed: int = 0) -> dict:
    key = jax.random.key(seed)
    kx, kp = jax.random.split(key)
    x = jax.random.normal(kx, (BATCH, SEQ, D_MODEL), dtype=jnp.float32)
    pe_table = jax.random.normal(kp, (MAX_LEN, D_MODEL), dtype=jnp.float32) * 0.02
    return {"x": x, "pe_table": pe_table}

def reference(x, pe_table):
    seq_len = min(x.shape[1], pe_table.shape[0])
    pos = jnp.arange(seq_len)[None, :]  # [1, seq_len]
    pe = jnp.take(pe_table, pos, axis=0)  # [1, seq_len, d_model]
    return x[:, :seq_len, :] + pe

if __name__ == "__main__":
    import jax
    _d = setup_inputs()
    print(jax.jit(kernel)(*tuple(_d.values())))

</pallas_src>

<mosaic_0001>
#map = affine_map<(d0, d1) -> (0, 0, 0)>
#map1 = affine_map<(d0, d1) -> (0, 0)>
module attributes {stable_mosaic.version = 14 : i64} {
  func.func @run(%arg0: i32, %arg1: i32, %arg2: memref<4x8192x1024xf32, #tpu.memory_space<hbm>>, %arg3: memref<8192x1024xf32, #tpu.memory_space<hbm>>, %arg4: memref<4x8192x1024xf32, #tpu.memory_space<hbm>>, %arg5: memref<8x1024xf32, #tpu.memory_space<vmem>>, %arg6: memref<8x1024xf32, #tpu.memory_space<vmem>>, %arg7: memref<8x1024xf32, #tpu.memory_space<vmem>>, %arg8: memref<8x1024xf32, #tpu.memory_space<vmem>>, %arg9: memref<8x1024xf32, #tpu.memory_space<vmem>>, %arg10: memref<8x1024xf32, #tpu.memory_space<vmem>>, %arg11: memref<8x1024xf32, #tpu.memory_space<vmem>>, %arg12: memref<8x1024xf32, #tpu.memory_space<vmem>>, %arg13: memref<8x1024xf32, #tpu.memory_space<vmem>>, %arg14: memref<8x1024xf32, #tpu.memory_space<vmem>>, %arg15: memref<8x1024xf32, #tpu.memory_space<vmem>>, %arg16: memref<8x1024xf32, #tpu.memory_space<vmem>>, %arg17: memref<8x1024xf32, #tpu.memory_space<vmem>>, %arg18: memref<8x1024xf32, #tpu.memory_space<vmem>>, %arg19: memref<8x1024xf32, #tpu.memory_space<vmem>>, %arg20: memref<!tpu.dma_semaphore, #tpu.memory_space<semaphore_mem>>, %arg21: memref<!tpu.dma_semaphore, #tpu.memory_space<semaphore_mem>>, %arg22: memref<!tpu.dma_semaphore, #tpu.memory_space<semaphore_mem>>, %arg23: memref<!tpu.dma_semaphore, #tpu.memory_space<semaphore_mem>>, %arg24: memref<!tpu.dma_semaphore, #tpu.memory_space<semaphore_mem>>, %arg25: memref<!tpu.dma_semaphore, #tpu.memory_space<semaphore_mem>>, %arg26: memref<!tpu.dma_semaphore, #tpu.memory_space<semaphore_mem>>, %arg27: memref<!tpu.dma_semaphore, #tpu.memory_space<semaphore_mem>>, %arg28: memref<!tpu.dma_semaphore, #tpu.memory_space<semaphore_mem>>, %arg29: memref<!tpu.dma_semaphore, #tpu.memory_space<semaphore_mem>>, %arg30: memref<!tpu.dma_semaphore, #tpu.memory_space<semaphore_mem>>, %arg31: memref<!tpu.dma_semaphore, #tpu.memory_space<semaphore_mem>>, %arg32: memref<!tpu.dma_semaphore, #tpu.memory_space<semaphore_mem>>, %arg33: memref<!tpu.dma_semaphore, #tpu.memory_space<semaphore_mem>>, %arg34: memref<!tpu.dma_semaphore, #tpu.memory_space<semaphore_mem>>, %arg35: memref<!tpu.dma_semaphore, #tpu.memory_space<semaphore_mem>>, %arg36: memref<!tpu.dma_semaphore, #tpu.memory_space<semaphore_mem>>, %arg37: memref<!tpu.dma_semaphore, #tpu.memory_space<semaphore_mem>>, %arg38: memref<!tpu.dma_semaphore, #tpu.memory_space<semaphore_mem>>, %arg39: memref<!tpu.dma_semaphore, #tpu.memory_space<semaphore_mem>>, %arg40: memref<!tpu.dma_semaphore, #tpu.memory_space<semaphore_mem>>, %arg41: memref<!tpu.dma_semaphore, #tpu.memory_space<semaphore_mem>>, %arg42: memref<!tpu.dma_semaphore, #tpu.memory_space<semaphore_mem>>, %arg43: memref<!tpu.dma_semaphore, #tpu.memory_space<semaphore_mem>>, %arg44: memref<!tpu.dma_semaphore, #tpu.memory_space<semaphore_mem>>, %arg45: memref<!tpu.dma_semaphore, #tpu.memory_space<semaphore_mem>>, %arg46: memref<!tpu.dma_semaphore, #tpu.memory_space<semaphore_mem>>) attributes {dimension_semantics = [#tpu.dimension_semantics<core_parallel>, #tpu.dimension_semantics<subcore_parallel>], iteration_bounds = array<i64: 2, 16>, scalar_prefetch = 0 : i64, scratch_operands = 42 : i64, tpu.core_type = #tpu.core_type<sc_vector_subcore>, window_params = [{transform_indices = #map}, {transform_indices = #map1}, {transform_indices = #map}]} {
    %mul3A = arith.constant 2 : i32
    %mul3A_0 = arith.muli %arg1, %mul3A : i32
    %add3A = arith.addi %mul3A_0, %arg0 : i32
    %mul3A_1 = arith.constant 256 : i32
    %mul3A_2 = arith.muli %add3A, %mul3A_1 : i32
    %add3A_3 = arith.constant 0 : i32
    %add3A_4 = arith.addi %mul3A_2, %add3A_3 : i32
    %dma_start3A = arith.constant 0 : i32
    %dma_start3A_5 = tpu.memref_slice %arg3[%add3A_4, %dma_start3A] : memref<8192x1024xf32, #tpu.memory_space<hbm>> -> memref<8x1024xf32, #tpu.memory_space<hbm>>
    %dma_start3A_6 = arith.constant 0 : i32
    %dma_start3A_7 = tpu.memref_slice %arg3[%add3A_4, %dma_start3A_6] : memref<8192x1024xf32, #tpu.memory_space<hbm>> -> memref<8x1024xf32, #tpu.memory_space<hbm>>
    tpu.enqueue_dma source(%dma_start3A_7 : memref<8x1024xf32, #tpu.memory_space<hbm>>) target(%arg5 : memref<8x1024xf32, #tpu.memory_space<vmem>>) target_semaphore(%arg20 : memref<!tpu.dma_semaphore, #tpu.memory_space<semaphore_mem>>)
    %add3A_8 = arith.constant 0 : i32
    %add3A_9 = arith.addi %mul3A_2, %add3A_8 : i32
    %dma_start3A_10 = arith.constant 0 : i32
    %dma_start3A_11 = arith.constant 0 : i32
    %dma_start3A_12 = tpu.memref_slice %arg2[%dma_start3A_10, %add3A_9, %dma_start3A_11] : memref<4x8192x1024xf32, #tpu.memory_space<hbm>> -> memref<1x8x1024xf32, #tpu.memory_space<hbm>>
    %dma_start3A_13 = tpu.memref_squeeze %dma_start3A_12 : memref<1x8x1024xf32, #tpu.memory_space<hbm>> -> memref<8x1024xf32, #tpu.memory_space<hbm>>
    %dma_start3A_14 = arith.constant 0 : i32
    %dma_start3A_15 = tpu.memref_slice %arg2[%dma_start3A_10, %add3A_9, %dma_start3A_14] : memref<4x8192x1024xf32, #tpu.memory_space<hbm>> -> memref<1x8x1024xf32, #tpu.memory_space<hbm>>
    %dma_start3A_16 = tpu.memref_squeeze %dma_start3A_15 : memref<1x8x1024xf32, #tpu.memory_space<hbm>> -> memref<8x1024xf32, #tpu.memory_space<hbm>>
    tpu.enqueue_dma source(%dma_start3A_16 : memref<8x1024xf32, #tpu.memory_space<hbm>>) target(%arg8 : memref<8x1024xf32, #tpu.memory_space<vmem>>) target_semaphore(%arg23 : memref<!tpu.dma_semaphore, #tpu.memory_space<semaphore_mem>>)
    %add3A_17 = arith.constant 0 : i32
    %add3A_18 = arith.addi %mul3A_2, %add3A_17 : i32
    %dma_start3A_19 = arith.constant 1 : i32
    %dma_start3A_20 = arith.constant 0 : i32
    %dma_start3A_21 = tpu.memref_slice %arg2[%dma_start3A_19, %add3A_18, %dma_start3A_20] : memref<4x8192x1024xf32, #tpu.memory_space<hbm>> -> memref<1x8x1024xf32, #tpu.memory_space<hbm>>
    %dma_start3A_22 = tpu.memref_squeeze %dma_start3A_21 : memref<1x8x1024xf32, #tpu.memory_space<hbm>> -> memref<8x1024xf32, #tpu.memory_space<hbm>>
    %dma_start3A_23 = arith.constant 0 : i32
    %dma_start3A_24 = tpu.memref_slice %arg2[%dma_start3A_19, %add3A_18, %dma_start3A_23] : memref<4x8192x1024xf32, #tpu.memory_space<hbm>> -> memref<1x8x1024xf32, #tpu.memory_space<hbm>>
    %dma_start3A_25 = tpu.memref_squeeze %dma_start3A_24 : memref<1x8x1024xf32, #tpu.memory_space<hbm>> -> memref<8x1024xf32, #tpu.memory_space<hbm>>
    tpu.enqueue_dma source(%dma_start3A_25 : memref<8x1024xf32, #tpu.memory_space<hbm>>) target(%arg9 : memref<8x1024xf32, #tpu.memory_space<vmem>>) target_semaphore(%arg24 : memref<!tpu.dma_semaphore, #tpu.memory_space<semaphore_mem>>)
    %add3A_26 = arith.constant 0 : i32
    %add3A_27 = arith.addi %mul3A_2, %add3A_26 : i32
    %dma_start3A_28 = arith.constant 2 : i32
    %dma_start3A_29 = arith.constant 0 : i32
    %dma_start3A_30 = tpu.memref_slice %arg2[%dma_start3A_28, %add3A_27, %dma_start3A_29] : memref<4x8192x1024xf32, #tpu.memory_space<hbm>> -> memref<1x8x1024xf32, #tpu.memory_space<hbm>>
    %dma_start3A_31 = tpu.memref_squeeze %dma_start3A_30 : memref<1x8x1024xf32, #tpu.memory_space<hbm>> -> memref<8x1024xf32, #tpu.memory_space<hbm>>
    %dma_start3A_32 = arith.constant 0 : i32
    %dma_start3A_33 = tpu.memref_slice %arg2[%dma_start3A_28, %add3A_27, %dma_start3A_32] : memref<4x8192x1024xf32, #tpu.memory_space<hbm>> -> memref<1x8x1024xf32, #tpu.memory_space<hbm>>
    %dma_start3A_34 = tpu.memref_squeeze %dma_start3A_33 : memref<1x8x1024xf32, #tpu.memory_space<hbm>> -> memref<8x1024xf32, #tpu.memory_space<hbm>>
    tpu.enqueue_dma source(%dma_start3A_34 : memref<8x1024xf32, #tpu.memory_space<hbm>>) target(%arg10 : memref<8x1024xf32, #tpu.memory_space<vmem>>) target_semaphore(%arg25 : memref<!tpu.dma_semaphore, #tpu.memory_space<semaphore_mem>>)
    %add3A_35 = arith.constant 0 : i32
    %add3A_36 = arith.addi %mul3A_2, %add3A_35 : i32
    %dma_start3A_37 = arith.constant 3 : i32
    %dma_start3A_38 = arith.constant 0 : i32
    %dma_start3A_39 = tpu.memref_slice %arg2[%dma_start3A_37, %add3A_36, %dma_start3A_38] : memref<4x8192x1024xf32, #tpu.memory_space<hbm>> -> memref<1x8x1024xf32, #tpu.memory_space<hbm>>
    %dma_start3A_40 = tpu.memref_squeeze %dma_start3A_39 : memref<1x8x1024xf32, #tpu.memory_space<hbm>> -> memref<8x1024xf32, #tpu.memory_space<hbm>>
    %dma_start3A_41 = arith.constant 0 : i32
    %dma_start3A_42 = tpu.memref_slice %arg2[%dma_start3A_37, %add3A_36, %dma_start3A_41] : memref<4x8192x1024xf32, #tpu.memory_space<hbm>> -> memref<1x8x1024xf32, #tpu.memory_space<hbm>>
    %dma_start3A_43 = tpu.memref_squeeze %dma_start3A_42 : memref<1x8x1024xf32, #tpu.memory_space<hbm>> -> memref<8x1024xf32, #tpu.memory_space<hbm>>
    tpu.enqueue_dma source(%dma_start3A_43 : memref<8x1024xf32, #tpu.memory_space<hbm>>) target(%arg11 : memref<8x1024xf32, #tpu.memory_space<vmem>>) target_semaphore(%arg26 : memref<!tpu.dma_semaphore, #tpu.memory_space<semaphore_mem>>)
    %scan3A = arith.constant 0 : i32
    %scan3A_44 = arith.constant 0 : i32
    %scan3A_45 = arith.constant 10 : i32
    %scan3A_46 = arith.addi %scan3A_44, %scan3A_45 : i32
    %scan3A_47 = arith.constant 1 : i32
    scf.for %scan3A_402 = %scan3A_44 to %scan3A_46 step %scan3A_47  : i32 {
      %mul3A_403 = arith.constant 3 : i32
      %mul3A_404 = arith.muli %scan3A_402, %mul3A_403 : i32
      %add3A_405 = arith.constant 0 : i32
      %add3A_406 = arith.addi %mul3A_404, %add3A_405 : i32
      %add3A_407 = arith.constant 1 : i32
      %add3A_408 = arith.addi %add3A_406, %add3A_407 : i32
      %lt3A = arith.constant 32 : i32
      %lt3A_409 = arith.cmpi slt, %add3A_408, %lt3A : i32
      %convert_element_type3A = arith.extui %lt3A_409 : i1 to i32
      %cond3A = arith.constant 0 : i32
      %cond3A_410 = arith.cmpi ne, %convert_element_type3A, %cond3A : i32
      scf.if %cond3A_410 {
        %add3A_796 = arith.constant 1 : i32
        %add3A_797 = arith.addi %add3A_406, %add3A_796 : i32
        %mul3A_798 = arith.constant 8 : i32
        %mul3A_799 = arith.muli %add3A_797, %mul3A_798 : i32
        %add3A_800 = arith.addi %mul3A_2, %mul3A_799 : i32
        %dma_start3A_801 = arith.constant 0 : i32
        %dma_start3A_802 = tpu.memref_slice %arg3[%add3A_800, %dma_start3A_801] : memref<8192x1024xf32, #tpu.memory_space<hbm>> -> memref<8x1024xf32, #tpu.memory_space<hbm>>
        %dma_start3A_803 = arith.constant 0 : i32
        %dma_start3A_804 = tpu.memref_slice %arg3[%add3A_800, %dma_start3A_803] : memref<8192x1024xf32, #tpu.memory_space<hbm>> -> memref<8x1024xf32, #tpu.memory_space<hbm>>
        tpu.enqueue_dma source(%dma_start3A_804 : memref<8x1024xf32, #tpu.memory_space<hbm>>) target(%arg6 : memref<8x1024xf32, #tpu.memory_space<vmem>>) target_semaphore(%arg21 : memref<!tpu.dma_semaphore, #tpu.memory_space<semaphore_mem>>)
      } else {
      }
      %add3A_411 = arith.constant 1 : i32
      %add3A_412 = arith.addi %add3A_406, %add3A_411 : i32
      %lt3A_413 = arith.constant 32 : i32
      %lt3A_414 = arith.cmpi slt, %add3A_412, %lt3A_413 : i32
      %convert_element_type3A_415 = arith.extui %lt3A_414 : i1 to i32
      %cond3A_416 = arith.constant 0 : i32
      %cond3A_417 = arith.cmpi ne, %convert_element_type3A_415, %cond3A_416 : i32
      scf.if %cond3A_417 {
        %ge3A = arith.constant 2 : i32
        %ge3A_796 = arith.cmpi sge, %add3A_406, %ge3A : i32
        %convert_element_type3A_797 = arith.extui %ge3A_796 : i1 to i32
        %cond3A_798 = arith.constant 0 : i32
        %cond3A_799 = arith.cmpi ne, %convert_element_type3A_797, %cond3A_798 : i32
        scf.if %cond3A_799 {
          %sub3A = arith.constant 2 : i32
          %sub3A_812 = arith.subi %add3A_406, %sub3A : i32
          %mul3A_813 = arith.constant 8 : i32
          %mul3A_814 = arith.muli %sub3A_812, %mul3A_813 : i32
          %add3A_815 = arith.addi %mul3A_2, %mul3A_814 : i32
          %dma_wait3A_816 = arith.constant 0 : i32
          %dma_wait3A_817 = arith.constant 0 : i32
          %dma_wait3A_818 = tpu.memref_slice %arg4[%dma_wait3A_816, %add3A_815, %dma_wait3A_817] : memref<4x8192x1024xf32, #tpu.memory_space<hbm>> -> memref<1x8x1024xf32, #tpu.memory_space<hbm>>
          %dma_wait3A_819 = tpu.memref_squeeze %dma_wait3A_818 : memref<1x8x1024xf32, #tpu.memory_space<hbm>> -> memref<8x1024xf32, #tpu.memory_space<hbm>>
          %dma_wait3A_820 = arith.constant 0 : i32
          %dma_wait3A_821 = tpu.memref_slice %arg4[%dma_wait3A_816, %add3A_815, %dma_wait3A_820] : memref<4x8192x1024xf32, #tpu.memory_space<hbm>> -> memref<1x8x1024xf32, #tpu.memory_space<hbm>>
          %dma_wait3A_822 = tpu.memref_squeeze %dma_wait3A_821 : memref<1x8x1024xf32, #tpu.memory_space<hbm>> -> memref<8x1024xf32, #tpu.memory_space<hbm>>
          tpu.wait_dma2 semaphore(%arg39 : memref<!tpu.dma_semaphore, #tpu.memory_space<semaphore_mem>>) src(%arg12 : memref<8x1024xf32, #tpu.memory_space<vmem>>) dst(%dma_wait3A_822 : memref<8x1024xf32, #tpu.memory_space<hbm>>)
        } else {
        }
        %add3A_800 = arith.constant 1 : i32
        %add3A_801 = arith.addi %add3A_406, %add3A_800 : i32
        %mul3A_802 = arith.constant 8 : i32
        %mul3A_803 = arith.muli %add3A_801, %mul3A_802 : i32
        %add3A_804 = arith.addi %mul3A_2, %mul3A_803 : i32
        %dma_start3A_805 = arith.constant 0 : i32
        %dma_start3A_806 = arith.constant 0 : i32
        %dma_start3A_807 = tpu.memref_slice %arg2[%dma_start3A_805, %add3A_804, %dma_start3A_806] : memref<4x8192x1024xf32, #tpu.memory_space<hbm>> -> memref<1x8x1024xf32, #tpu.memory_space<hbm>>
        %dma_start3A_808 = tpu.memref_squeeze %dma_start3A_807 : memref<1x8x1024xf32, #tpu.memory_space<hbm>> -> memref<8x1024xf32, #tpu.memory_space<hbm>>
        %dma_start3A_809 = arith.constant 0 : i32
        %dma_start3A_810 = tpu.memref_slice %arg2[%dma_start3A_805, %add3A_804, %dma_start3A_809] : memref<4x8192x1024xf32, #tpu.memory_space<hbm>> -> memref<1x8x1024xf32, #tpu.memory_space<hbm>>
        %dma_start3A_811 = tpu.memref_squeeze %dma_start3A_810 : memref<1x8x1024xf32, #tpu.memory_space<hbm>> -> memref<8x1024xf32, #tpu.memory_space<hbm>>
        tpu.enqueue_dma source(%dma_start3A_811 : memref<8x1024xf32, #tpu.memory_space<hbm>>) target(%arg12 : memref<8x1024xf32, #tpu.memory_space<vmem>>) target_semaphore(%arg27 : memref<!tpu.dma_semaphore, #tpu.memory_space<semaphore_mem>>)
      } else {
      }
      %add3A_418 = arith.constant 1 : i32
      %add3A_419 = arith.addi %add3A_406, %add3A_418 : i32
      %lt3A_420 = arith.constant 32 : i32
      %lt3A_421 = arith.cmpi slt, %add3A_419, %lt3A_420 : i32
      %convert_element_type3A_422 = arith.extui %lt3A_421 : i1 to i32
      %cond3A_423 = arith.constant 0 : i32
      %cond3A_424 = arith.cmpi ne, %convert_element_type3A_422, %cond3A_423 : i32
      scf.if %cond3A_424 {
        %ge3A = arith.constant 2 : i32
        %ge3A_796 = arith.cmpi sge, %add3A_406, %ge3A : i32
        %convert_element_type3A_797 = arith.extui %ge3A_796 : i1 to i32
        %cond3A_798 = arith.constant 0 : i32
        %cond3A_799 = arith.cmpi ne, %convert_element_type3A_797, %cond3A_798 : i32
        scf.if %cond3A_799 {
          %sub3A = arith.constant 2 : i32
          %sub3A_812 = arith.subi %add3A_406, %sub3A : i32
          %mul3A_813 = arith.constant 8 : i32
          %mul3A_814 = arith.muli %sub3A_812, %mul3A_813 : i32
          %add3A_815 = arith.addi %mul3A_2, %mul3A_814 : i32
          %dma_wait3A_816 = arith.constant 1 : i32
          %dma_wait3A_817 = arith.constant 0 : i32
          %dma_wait3A_818 = tpu.memref_slice %arg4[%dma_wait3A_816, %add3A_815, %dma_wait3A_817] : memref<4x8192x1024xf32, #tpu.memory_space<hbm>> -> memref<1x8x1024xf32, #tpu.memory_space<hbm>>
          %dma_wait3A_819 = tpu.memref_squeeze %dma_wait3A_818 : memref<1x8x1024xf32, #tpu.memory_space<hbm>> -> memref<8x1024xf32, #tpu.memory_space<hbm>>
          %dma_wait3A_820 = arith.constant 0 : i32
          %dma_wait3A_821 = tpu.memref_slice %arg4[%dma_wait3A_816, %add3A_815, %dma_wait3A_820] : memref<4x8192x1024xf32, #tpu.memory_space<hbm>> -> memref<1x8x1024xf32, #tpu.memory_space<hbm>>
          %dma_wait3A_822 = tpu.memref_squeeze %dma_wait3A_821 : memref<1x8x1024xf32, #tpu.memory_space<hbm>> -> memref<8x1024xf32, #tpu.memory_space<hbm>>
          tpu.wait_dma2 semaphore(%arg40 : memref<!tpu.dma_semaphore, #tpu.memory_space<semaphore_mem>>) src(%arg13 : memref<8x1024xf32, #tpu.memory_space<vmem>>) dst(%dma_wait3A_822 : memref<8x1024xf32, #tpu.memory_space<hbm>>)
        } else {
        }
        %add3A_800 = arith.constant 1 : i32
        %add3A_801 = arith.addi %add3A_406, %add3A_800 : i32
        %mul3A_802 = arith.constant 8 : i32
        %mul3A_803 = arith.muli %add3A_801, %mul3A_802 : i32
        %add3A_804 = arith.addi %mul3A_2, %mul3A_803 : i32
        %dma_start3A_805 = arith.constant 1 : i32
        %dma_start3A_806 = arith.constant 0 : i32
        %dma_start3A_807 = tpu.memref_slice %arg2[%dma_start3A_805, %add3A_804, %dma_start3A_806] : memref<4x8192x1024xf32, #tpu.memory_space<hbm>> -> memref<1x8x1024xf32, #tpu.memory_space<hbm>>
        %dma_start3A_808 = tpu.memref_squeeze %dma_start3A_807 : memref<1x8x1024xf32, #tpu.memory_space<hbm>> -> memref<8x1024xf32, #tpu.memory_space<hbm>>
        %dma_start3A_809 = arith.constant 0 : i32
        %dma_start3A_810 = tpu.memref_slice %arg2[%dma_start3A_805, %add3A_804, %dma_start3A_809] : memref<4x8192x1024xf32, #tpu.memory_space<hbm>> -> memref<1x8x1024xf32, #tpu.memory_space<hbm>>
        %dma_start3A_811 = tpu.memref_squeeze %dma_start3A_810 : memref<1x8x1024xf32, #tpu.memory_space<hbm>> -> memref<8x1024xf32, #tpu.memory_space<hbm>>
        tpu.enqueue_dma source(%dma_start3A_811 : memref<8x1024xf32, #tpu.memory_space<hbm>>) target(%arg13 : memref<8x1024xf32, #tpu.memory_space<vmem>>) target_semaphore(%arg28 : memref<!tpu.dma_semaphore, #tpu.memory_space<semaphore_mem>>)
      } else {
      }
      %add3A_425 = arith.constant 1 : i32
      %add3A_426 = arith.addi %add3A_406, %add3A_425 : i32
      %lt3A_427 = arith.constant 32 : i32
      %lt3A_428 = arith.cmpi slt, %add3A_426, %lt3A_427 : i32
      %convert_element_type3A_429 = arith.extui %lt3A_428 : i1 to i32
      %cond3A_430 = arith.constant 0 : i32
      %cond3A_431 = arith.cmpi ne, %convert_element_type3A_429, %cond3A_430 : i32
      scf.if %cond3A_431 {
        %ge3A = arith.constant 2 : i32
        %ge3A_796 = arith.cmpi sge, %add3A_406, %ge3A : i32
        %convert_element_type3A_797 = arith.extui %ge3A_796 : i1 to i32
        %cond3A_798 = arith.constant 0 : i32
        %cond3A_799 = arith.cmpi ne, %convert_element_type3A_797, %cond3A_798 : i32
        scf.if %cond3A_799 {
          %sub3A = arith.constant 2 : i32
          %sub3A_812 = arith.subi %add3A_406, %sub3A : i32
          %mul3A_813 = arith.constant 8 : i32
          %mul3A_814 = arith.muli %sub3A_812, %mul3A_813 : i32
          %add3A_815 = arith.addi %mul3A_2, %mul3A_814 : i32
          %dma_wait3A_816 = arith.constant 2 : i32
          %dma_wait3A_817 = arith.constant 0 : i32
          %dma_wait3A_818 = tpu.memref_slice %arg4[%dma_wait3A_816, %add3A_815, %dma_wait3A_817] : memref<4x8192x1024xf32, #tpu.memory_space<hbm>> -> memref<1x8x1024xf32, #tpu.memory_space<hbm>>
          %dma_wait3A_819 = tpu.memref_squeeze %dma_wait3A_818 : memref<1x8x1024xf32, #tpu.memory_space<hbm>> -> memref<8x1024xf32, #tpu.memory_space<hbm>>
          %dma_wait3A_820 = arith.constant 0 : i32
          %dma_wait3A_821 = tpu.memref_slice %arg4[%dma_wait3A_816, %add3A_815, %dma_wait3A_820] : memref<4x8192x1024xf32, #tpu.memory_space<hbm>> -> memref<1x8x1024xf32, #tpu.memory_space<hbm>>
          %dma_wait3A_822 = tpu.memref_squeeze %dma_wait3A_821 : memref<1x8x1024xf32, #tpu.memory_space<hbm>> -> memref<8x1024xf32, #tpu.memory_space<hbm>>
          tpu.wait_dma2 semaphore(%arg41 : memref<!tpu.dma_semaphore, #tpu.memory_space<semaphore_mem>>) src(%arg14 : memref<8x1024xf32, #tpu.memory_space<vmem>>) dst(%dma_wait3A_822 : memref<8x1024xf32, #tpu.memory_space<hbm>>)
        } else {
        }
        %add3A_800 = arith.constant 1 : i32
        %add3A_801 = arith.addi %add3A_406, %add3A_800 : i32
        %mul3A_802 = arith.constant 8 : i32
        %mul3A_803 = arith.muli %add3A_801, %mul3A_802 : i32
        %add3A_804 = arith.addi %mul3A_2, %mul3A_803 : i32
        %dma_start3A_805 = arith.constant 2 : i32
        %dma_start3A_806 = arith.constant 0 : i32
        %dma_start3A_807 = tpu.memref_slice %arg2[%dma_start3A_805, %add3A_804, %dma_start3A_806] : memref<4x8192x1024xf32, #tpu.memory_space<hbm>> -> memref<1x8x1024xf32, #tpu.memory_space<hbm>>
        %dma_start3A_808 = tpu.memref_squeeze %dma_start3A_807 : memref<1x8x1024xf32, #tpu.memory_space<hbm>> -> memref<8x1024xf32, #tpu.memory_space<hbm>>
        %dma_start3A_809 = arith.constant 0 : i32
        %dma_start3A_810 = tpu.memref_slice %arg2[%dma_start3A_805, %add3A_804, %dma_start3A_809] : memref<4x8192x1024xf32, #tpu.memory_space<hbm>> -> memref<1x8x1024xf32, #tpu.memory_space<hbm>>
        %dma_start3A_811 = tpu.memref_squeeze %dma_start3A_810 : memref<1x8x1024xf32, #tpu.memory_space<hbm>> -> memref<8x1024xf32, #tpu.memory_space<hbm>>
        tpu.enqueue_dma source(%dma_start3A_811 : memref<8x1024xf32, #tpu.memory_space<hbm>>) target(%arg14 : memref<8x1024xf32, #tpu.memory_space<vmem>>) target_semaphore(%arg29 : memref<!tpu.dma_semaphore, #tpu.memory_space<semaphore_mem>>)
      } else {
      }
      %add3A_432 = arith.constant 1 : i32
      %add3A_433 = arith.addi %add3A_406, %add3A_432 : i32
      %lt3A_434 = arith.constant 32 : i32
      %lt3A_435 = arith.cmpi slt, %add3A_433, %lt3A_434 : i32
      %convert_element_type3A_436 = arith.extui %lt3A_435 : i1 to i32
      %cond3A_437 = arith.constant 0 : i32
      %cond3A_438 = arith.cmpi ne, %convert_element_type3A_436, %cond3A_437 : i32
      scf.if %cond3A_438 {
        %ge3A = arith.constant 2 : i32
        %ge3A_796 = arith.cmpi sge, %add3A_406, %ge3A : i32
        %convert_element_type3A_797 = arith.extui %ge3A_796 : i1 to i32
        %cond3A_798 = arith.constant 0 : i32
        %cond3A_799 = arith.cmpi ne, %convert_element_type3A_797, %cond3A_798 : i32
        scf.if %cond3A_799 {
          %sub3A = arith.constant 2 : i32
          %sub3A_812 = arith.subi %add3A_406, %sub3A : i32
          %mul3A_813 = arith.constant 8 : i32
          %mul3A_814 = arith.muli %sub3A_812, %mul3A_813 : i32
          %add3A_815 = arith.addi %mul3A_2, %mul3A_814 : i32
          %dma_wait3A_816 = arith.constant 3 : i32
          %dma_wait3A_817 = arith.constant 0 : i32
          %dma_wait3A_818 = tpu.memref_slice %arg4[%dma_wait3A_816, %add3A_815, %dma_wait3A_817] : memref<4x8192x1024xf32, #tpu.memory_space<hbm>> -> memref<1x8x1024xf32, #tpu.memory_space<hbm>>
          %dma_wait3A_819 = tpu.memref_squeeze %dma_wait3A_818 : memref<1x8x1024xf32, #tpu.memory_space<hbm>> -> memref<8x1024xf32, #tpu.memory_space<hbm>>
          %dma_wait3A_820 = arith.constant 0 : i32
          %dma_wait3A_821 = tpu.memref_slice %arg4[%dma_wait3A_816, %add3A_815, %dma_wait3A_820] : memref<4x8192x1024xf32, #tpu.memory_space<hbm>> -> memref<1x8x1024xf32, #tpu.memory_space<hbm>>
          %dma_wait3A_822 = tpu.memref_squeeze %dma_wait3A_821 : memref<1x8x1024xf32, #tpu.memory_space<hbm>> -> memref<8x1024xf32, #tpu.memory_space<hbm>>
          tpu.wait_dma2 semaphore(%arg42 : memref<!tpu.dma_semaphore, #tpu.memory_space<semaphore_mem>>) src(%arg15 : memref<8x1024xf32, #tpu.memory_space<vmem>>) dst(%dma_wait3A_822 : memref<8x1024xf32, #tpu.memory_space<hbm>>)
        } else {
        }
        %add3A_800 = arith.constant 1 : i32
        %add3A_801 = arith.addi %add3A_406, %add3A_800 : i32
        %mul3A_802 = arith.constant 8 : i32
        %mul3A_803 = arith.muli %add3A_801, %mul3A_802 : i32
        %add3A_804 = arith.addi %mul3A_2, %mul3A_803 : i32
        %dma_start3A_805 = arith.constant 3 : i32
        %dma_start3A_806 = arith.constant 0 : i32
        %dma_start3A_807 = tpu.memref_slice %arg2[%dma_start3A_805, %add3A_804, %dma_start3A_806] : memref<4x8192x1024xf32, #tpu.memory_space<hbm>> -> memref<1x8x1024xf32, #tpu.memory_space<hbm>>
        %dma_start3A_808 = tpu.memref_squeeze %dma_start3A_807 : memref<1x8x1024xf32, #tpu.memory_space<hbm>> -> memref<8x1024xf32, #tpu.memory_space<hbm>>
        %dma_start3A_809 = arith.constant 0 : i32
        %dma_start3A_810 = tpu.memref_slice %arg2[%dma_start3A_805, %add3A_804, %dma_start3A_809] : memref<4x8192x1024xf32, #tpu.memory_space<hbm>> -> memref<1x8x1024xf32, #tpu.memory_space<hbm>>
        %dma_start3A_811 = tpu.memref_squeeze %dma_start3A_810 : memref<1x8x1024xf32, #tpu.memory_space<hbm>> -> memref<8x1024xf32, #tpu.memory_space<hbm>>
        tpu.enqueue_dma source(%dma_start3A_811 : memref<8x1024xf32, #tpu.memory_space<hbm>>) target(%arg15 : memref<8x1024xf32, #tpu.memory_space<vmem>>) target_semaphore(%arg30 : memref<!tpu.dma_semaphore, #tpu.memory_space<semaphore_mem>>)
      } else {
      }
      %mul3A_439 = arith.constant 8 : i32
      %mul3A_440 = arith.muli %add3A_406, %mul3A_439 : i32
      %add3A_441 = arith.addi %mul3A_2, %mul3A_440 : i32
      %dma_wait3A_442 = arith.constant 0 : i32
      %dma_wait3A_443 = tpu.memref_slice %arg3[%add3A_441, %dma_wait3A_442] : memref<8192x1024xf32, #tpu.memory_space<hbm>> -> memref<8x1024xf32, #tpu.memory_space<hbm>>
      %dma_wait3A_444 = arith.constant 0 : i32
      %dma_wait3A_445 = tpu.memref_slice %arg3[%add3A_441, %dma_wait3A_444] : memref<8192x1024xf32, #tpu.memory_space<hbm>> -> memref<8x1024xf32, #tpu.memory_space<hbm>>
      tpu.wait_dma2 semaphore(%arg20 : memref<!tpu.dma_semaphore, #tpu.memory_space<semaphore_mem>>) src(%dma_wait3A_445 : memref<8x1024xf32, #tpu.memory_space<hbm>>) dst(%arg5 : memref<8x1024xf32, #tpu.memory_space<vmem>>)
      %mul3A_446 = arith.constant 8 : i32
      %mul3A_447 = arith.muli %add3A_406, %mul3A_446 : i32
      %add3A_448 = arith.addi %mul3A_2, %mul3A_447 : i32
      %dma_wait3A_449 = arith.constant 0 : i32
      %dma_wait3A_450 = arith.constant 0 : i32
      %dma_wait3A_451 = tpu.memref_slice %arg2[%dma_wait3A_449, %add3A_448, %dma_wait3A_450] : memref<4x8192x1024xf32, #tpu.memory_space<hbm>> -> memref<1x8x1024xf32, #tpu.memory_space<hbm>>
      %dma_wait3A_452 = tpu.memref_squeeze %dma_wait3A_451 : memref<1x8x1024xf32, #tpu.memory_space<hbm>> -> memref<8x1024xf32, #tpu.memory_space<hbm>>
      %dma_wait3A_453 = arith.constant 0 : i32
      %dma_wait3A_454 = tpu.memref_slice %arg2[%dma_wait3A_449, %add3A_448, %dma_wait3A_453] : memref<4x8192x1024xf32, #tpu.memory_space<hbm>> -> memref<1x8x1024xf32, #tpu.memory_space<hbm>>
      %dma_wait3A_455 = tpu.memref_squeeze %dma_wait3A_454 : memref<1x8x1024xf32, #tpu.memory_space<hbm>> -> memref<8x1024xf32, #tpu.memory_space<hbm>>
      tpu.wait_dma2 semaphore(%arg23 : memref<!tpu.dma_semaphore, #tpu.memory_space<semaphore_mem>>) src(%dma_wait3A_455 : memref<8x1024xf32, #tpu.memory_space<hbm>>) dst(%arg8 : memref<8x1024xf32, #tpu.memory_space<vmem>>)
      %mul3A_456 = arith.constant 8 : i32
      %mul3A_457 = arith.muli %add3A_406, %mul3A_456 : i32
      %add3A_458 = arith.addi %mul3A_2, %mul3A_457 : i32
      %dma_wait3A_459 = arith.constant 1 : i32
      %dma_wait3A_460 = arith.constant 0 : i32
      %dma_wait3A_461 = tpu.memref_slice %arg2[%dma_wait3A_459, %add3A_458, %dma_wait3A_460] : memref<4x8192x1024xf32, #tpu.memory_space<hbm>> -> memref<1x8x1024xf32, #tpu.memory_space<hbm>>
      %dma_wait3A_462 = tpu.memref_squeeze %dma_wait3A_461 : memref<1x8x1024xf32, #tpu.memory_space<hbm>> -> memref<8x1024xf32, #tpu.memory_space<hbm>>
      %dma_wait3A_463 = arith.constant 0 : i32
      %dma_wait3A_464 = tpu.memref_slice %arg2[%dma_wait3A_459, %add3A_458, %dma_wait3A_463] : memref<4x8192x1024xf32, #tpu.memory_space<hbm>> -> memref<1x8x1024xf32, #tpu.memory_space<hbm>>
      %dma_wait3A_465 = tpu.memref_squeeze %dma_wait3A_464 : memref<1x8x1024xf32, #tpu.memory_space<hbm>> -> memref<8x1024xf32, #tpu.memory_space<hbm>>
      tpu.wait_dma2 semaphore(%arg24 : memref<!tpu.dma_semaphore, #tpu.memory_space<semaphore_mem>>) src(%dma_wait3A_465 : memref<8x1024xf32, #tpu.memory_space<hbm>>) dst(%arg9 : memref<8x1024xf32, #tpu.memory_space<vmem>>)
      %mul3A_466 = arith.constant 8 : i32
      %mul3A_467 = arith.muli %add3A_406, %mul3A_466 : i32
      %add3A_468 = arith.addi %mul3A_2, %mul3A_467 : i32
      %dma_wait3A_469 = arith.constant 2 : i32
      %dma_wait3A_470 = arith.constant 0 : i32
      %dma_wait3A_471 = tpu.memref_slice %arg2[%dma_wait3A_469, %add3A_468, %dma_wait3A_470] : memref<4x8192x1024xf32, #tpu.memory_space<hbm>> -> memref<1x8x1024xf32, #tpu.memory_space<hbm>>
      %dma_wait3A_472 = tpu.memref_squeeze %dma_wait3A_471 : memref<1x8x1024xf32, #tpu.memory_space<hbm>> -> memref<8x1024xf32, #tpu.memory_space<hbm>>
      %dma_wait3A_473 = arith.constant 0 : i32
      %dma_wait3A_474 = tpu.memref_slice %arg2[%dma_wait3A_469, %add3A_468, %dma_wait3A_473] : memref<4x8192x1024xf32, #tpu.memory_space<hbm>> -> memref<1x8x1024xf32, #tpu.memory_space<hbm>>
      %dma_wait3A_475 = tpu.memref_squeeze %dma_wait3A_474 : memref<1x8x1024xf32, #tpu.memory_space<hbm>> -> memref<8x1024xf32, #tpu.memory_space<hbm>>
      tpu.wait_dma2 semaphore(%arg25 : memref<!tpu.dma_semaphore, #tpu.memory_space<semaphore_mem>>) src(%dma_wait3A_475 : memref<8x1024xf32, #tpu.memory_space<hbm>>) dst(%arg10 : memref<8x1024xf32, #tpu.memory_space<vmem>>)
      %mul3A_476 = arith.constant 8 : i32
      %mul3A_477 = arith.muli %add3A_406, %mul3A_476 : i32
      %add3A_478 = arith.addi %mul3A_2, %mul3A_477 : i32
      %dma_wait3A_479 = arith.constant 3 : i32
      %dma_wait3A_480 = arith.constant 0 : i32
      %dma_wait3A_481 = tpu.memref_slice %arg2[%dma_wait3A_479, %add3A_478, %dma_wait3A_480] : memref<4x8192x1024xf32, #tpu.memory_space<hbm>> -> memref<1x8x1024xf32, #tpu.memory_space<hbm>>
      %dma_wait3A_482 = tpu.memref_squeeze %dma_wait3A_481 : memref<1x8x1024xf32, #tpu.memory_space<hbm>> -> memref<8x1024xf32, #tpu.memory_space<hbm>>
      %dma_wait3A_483 = arith.constant 0 : i32
      %dma_wait3A_484 = tpu.memref_slice %arg2[%dma_wait3A_479, %add3A_478, %dma_wait3A_483] : memref<4x8192x1024xf32, #tpu.memory_space<hbm>> -> memref<1x8x1024xf32, #tpu.memory_space<hbm>>
      %dma_wait3A_485 = tpu.memref_squeeze %dma_wait3A_484 : memref<1x8x1024xf32, #tpu.memory_space<hbm>> -> memref<8x1024xf32, #tpu.memory_space<hbm>>
      tpu.wait_dma2 semaphore(%arg26 : memref<!tpu.dma_semaphore, #tpu.memory_space<semaphore_mem>>) src(%dma_wait3A_485 : memref<8x1024xf32, #tpu.memory_space<hbm>>) dst(%arg11 : memref<8x1024xf32, #tpu.memory_space<vmem>>)
      %scan3A_486 = arith.constant 0 : i32
      %scan3A_487 = arith.constant 0 : i32
      %scan3A_488 = arith.constant 128 : i32
      %scan3A_489 = arith.addi %scan3A_487, %scan3A_488 : i32
      %scan3A_490 = arith.constant 1 : i32
      scf.for %scan3A_796 = %scan3A_487 to %scan3A_489 step %scan3A_490  : i32 {
        %mul3A_797 = arith.constant 4 : i32
        %mul3A_798 = arith.muli %scan3A_796, %mul3A_797 : i32
        %add3A_799 = arith.constant 0 : i32
        %add3A_800 = arith.addi %mul3A_798, %add3A_799 : i32
        %mul3A_801 = arith.constant 16 : i32
        %mul3A_802 = arith.muli %add3A_800, %mul3A_801 : i32
        %jit3A = arith.constant 1024 : i32
        %div3A = arith.divsi %mul3A_802, %jit3A : i32
        %sign3A = arith.constant 0 : i32
        %sign3A_803 = arith.cmpi sgt, %mul3A_802, %sign3A : i32
        %sign3A_804 = arith.extui %sign3A_803 : i1 to i32
        %sign3A_805 = arith.constant 0 : i32
        %sign3A_806 = arith.cmpi slt, %mul3A_802, %sign3A_805 : i32
        %sign3A_807 = arith.extui %sign3A_806 : i1 to i32
        %sign3A_808 = arith.subi %sign3A_804, %sign3A_807 : i32
        %sign3A_809 = arith.constant 0 : i32
        %sign3A_810 = arith.cmpi sgt, %jit3A, %sign3A_809 : i32
        %sign3A_811 = arith.extui %sign3A_810 : i1 to i32
        %sign3A_812 = arith.constant 0 : i32
        %sign3A_813 = arith.cmpi slt, %jit3A, %sign3A_812 : i32
        %sign3A_814 = arith.extui %sign3A_813 : i1 to i32
        %sign3A_815 = arith.subi %sign3A_811, %sign3A_814 : i32
        %ne3A = arith.cmpi ne, %sign3A_808, %sign3A_815 : i32
        %rem3A = arith.remsi %mul3A_802, %jit3A : i32
        %ne3A_816 = arith.constant 0 : i32
        %ne3A_817 = arith.cmpi ne, %rem3A, %ne3A_816 : i32
        %and3A = arith.andi %ne3A, %ne3A_817 : i1
        %sub3A = arith.constant 1 : i32
        %sub3A_818 = arith.subi %div3A, %sub3A : i32
        %select_n3A = arith.select %and3A, %sub3A_818, %div3A : i32
        %jit3A_819 = arith.constant 1024 : i32
        %eq3A = arith.constant 0 : i32
        %eq3A_820 = arith.cmpi eq, %jit3A_819, %eq3A : i32
        %jit3A_821 = arith.constant 1 : i32
        %select_n3A_822 = arith.select %eq3A_820, %jit3A_821, %jit3A_819 : i32
        %rem3A_823 = arith.remsi %mul3A_802, %select_n3A_822 : i32
        %ne3A_824 = arith.constant 0 : i32
        %ne3A_825 = arith.cmpi ne, %rem3A_823, %ne3A_824 : i32
        %lt3A_826 = arith.constant 0 : i32
        %lt3A_827 = arith.cmpi slt, %rem3A_823, %lt3A_826 : i32
        %lt3A_828 = arith.constant 0 : i32
        %lt3A_829 = arith.cmpi slt, %select_n3A_822, %lt3A_828 : i32
        %ne3A_830 = arith.xori %lt3A_827, %lt3A_829 : i1
        %and3A_831 = arith.andi %ne3A_830, %ne3A_825 : i1
        %add3A_832 = arith.addi %rem3A_823, %select_n3A_822 : i32
        %select_n3A_833 = arith.select %and3A_831, %add3A_832, %rem3A_823 : i32
        %get3A = arith.index_cast %select_n3A : i32 to index
        %get3A_834 = arith.index_cast %select_n3A_833 : i32 to index
        %get3A_835 = tpu.vector_load %arg5[%get3A, %get3A_834] {strides = array<i32>} : memref<8x1024xf32, #tpu.memory_space<vmem>>, vector<1x16xf32>,
        %get3A_836 = vector.shape_cast %get3A_835 : vector<1x16xf32> to vector<16xf32>
        %get3A_837 = arith.index_cast %select_n3A : i32 to index
        %get3A_838 = arith.index_cast %select_n3A_833 : i32 to index
        %get3A_839 = tpu.vector_load %arg8[%get3A_837, %get3A_838] {strides = array<i32>} : memref<8x1024xf32, #tpu.memory_space<vmem>>, vector<1x16xf32>,
        %get3A_840 = vector.shape_cast %get3A_839 : vector<1x16xf32> to vector<16xf32>
        %add3A_841 = arith.addf %get3A_840, %get3A_836 : vector<16xf32>
        %swap3A = arith.index_cast %select_n3A : i32 to index
        %swap3A_842 = arith.index_cast %select_n3A_833 : i32 to index
        %swap3A_843 = tpu.vector_load %arg8[%swap3A, %swap3A_842] {strides = array<i32>} : memref<8x1024xf32, #tpu.memory_space<vmem>>, vector<1x16xf32>,
        %swap3A_844 = vector.shape_cast %swap3A_843 : vector<1x16xf32> to vector<16xf32>
        %swap3A_845 = vector.shape_cast %add3A_841 : vector<16xf32> to vector<1x16xf32>
        tpu.vector_store %arg8[%swap3A, %swap3A_842], %swap3A_845 {strides = array<i32>} : memref<8x1024xf32, #tpu.memory_space<vmem>>, vector<1x16xf32>,
        %get3A_846 = arith.index_cast %select_n3A : i32 to index
        %get3A_847 = arith.index_cast %select_n3A_833 : i32 to index
        %get3A_848 = tpu.vector_load %arg9[%get3A_846, %get3A_847] {strides = array<i32>} : memref<8x1024xf32, #tpu.memory_space<vmem>>, vector<1x16xf32>,
        %get3A_849 = vector.shape_cast %get3A_848 : vector<1x16xf32> to vector<16xf32>
        %add3A_850 = arith.addf %get3A_849, %get3A_836 : vector<16xf32>
        %swap3A_851 = arith.index_cast %select_n3A : i32 to index
        %swap3A_852 = arith.index_cast %select_n3A_833 : i32 to index
        %swap3A_853 = tpu.vector_load %arg9[%swap3A_851, %swap3A_852] {strides = array<i32>} : memref<8x1024xf32, #tpu.memory_space<vmem>>, vector<1x16xf32>,
        %swap3A_854 = vector.shape_cast %swap3A_853 : vector<1x16xf32> to vector<16xf32>
        %swap3A_855 = vector.shape_cast %add3A_850 : vector<16xf32> to vector<1x16xf32>
        tpu.vector_store %arg9[%swap3A_851, %swap3A_852], %swap3A_855 {strides = array<i32>} : memref<8x1024xf32, #tpu.memory_space<vmem>>, vector<1x16xf32>,
        %get3A_856 = arith.index_cast %select_n3A : i32 to index
        %get3A_857 = arith.index_cast %select_n3A_833 : i32 to index
        %get3A_858 = tpu.vector_load %arg10[%get3A_856, %get3A_857] {strides = array<i32>} : memref<8x1024xf32, #tpu.memory_space<vmem>>, vector<1x16xf32>,
        %get3A_859 = vector.shape_cast %get3A_858 : vector<1x16xf32> to vector<16xf32>
        %add3A_860 = arith.addf %get3A_859, %get3A_836 : vector<16xf32>
        %swap3A_861 = arith.index_cast %select_n3A : i32 to index
        %swap3A_862 = arith.index_cast %select_n3A_833 : i32 to index
        %swap3A_863 = tpu.vector_load %arg10[%swap3A_861, %swap3A_862] {strides = array<i32>} : memref<8x1024xf32, #tpu.memory_space<vmem>>, vector<1x16xf32>,
        %swap3A_864 = vector.shape_cast %swap3A_863 : vector<1x16xf32> to vector<16xf32>
        %swap3A_865 = vector.shape_cast %add3A_860 : vector<16xf32> to vector<1x16xf32>
        tpu.vector_store %arg10[%swap3A_861, %swap3A_862], %swap3A_865 {strides = array<i32>} : memref<8x1024xf32, #tpu.memory_space<vmem>>, vector<1x16xf32>,
        %get3A_866 = arith.index_cast %select_n3A : i32 to index
        %get3A_867 = arith.index_cast %select_n3A_833 : i32 to index
        %get3A_868 = tpu.vector_load %arg11[%get3A_866, %get3A_867] {strides = array<i32>} : memref<8x1024xf32, #tpu.memory_space<vmem>>, vector<1x16xf32>,
        %get3A_869 = vector.shape_cast %get3A_868 : vector<1x16xf32> to vector<16xf32>
        %add3A_870 = arith.addf %get3A_869, %get3A_836 : vector<16xf32>
        %swap3A_871 = arith.index_cast %select_n3A : i32 to index
        %swap3A_872 = arith.index_cast %select_n3A_833 : i32 to index
        %swap3A_873 = tpu.vector_load %arg11[%swap3A_871, %swap3A_872] {strides = array<i32>} : memref<8x1024xf32, #tpu.memory_space<vmem>>, vector<1x16xf32>,
        %swap3A_874 = vector.shape_cast %swap3A_873 : vector<1x16xf32> to vector<16xf32>
        %swap3A_875 = vector.shape_cast %add3A_870 : vector<16xf32> to vector<1x16xf32>
        tpu.vector_store %arg11[%swap3A_871, %swap3A_872], %swap3A_875 {strides = array<i32>} : memref<8x1024xf32, #tpu.memory_space<vmem>>, vector<1x16xf32>,
        %mul3A_876 = arith.constant 4 : i32
        %mul3A_877 = arith.muli %scan3A_796, %mul3A_876 : i32
        %add3A_878 = arith.constant 1 : i32
        %add3A_879 = arith.addi %mul3A_877, %add3A_878 : i32
        %mul3A_880 = arith.constant 16 : i32
        %mul3A_881 = arith.muli %add3A_879, %mul3A_880 : i32
        %jit3A_882 = arith.constant 1024 : i32
        %div3A_883 = arith.divsi %mul3A_881, %jit3A_882 : i32
        %sign3A_884 = arith.constant 0 : i32
        %sign3A_885 = arith.cmpi sgt, %mul3A_881, %sign3A_884 : i32
        %sign3A_886 = arith.extui %sign3A_885 : i1 to i32
        %sign3A_887 = arith.constant 0 : i32
        %sign3A_888 = arith.cmpi slt, %mul3A_881, %sign3A_887 : i32
        %sign3A_889 = arith.extui %sign3A_888 : i1 to i32
        %sign3A_890 = arith.subi %sign3A_886, %sign3A_889 : i32
        %sign3A_891 = arith.constant 0 : i32
        %sign3A_892 = arith.cmpi sgt, %jit3A_882, %sign3A_891 : i32
        %sign3A_893 = arith.extui %sign3A_892 : i1 to i32
        %sign3A_894 = arith.constant 0 : i32
        %sign3A_895 = arith.cmpi slt, %jit3A_882, %sign3A_894 : i32
        %sign3A_896 = arith.extui %sign3A_895 : i1 to i32
        %sign3A_897 = arith.subi %sign3A_893, %sign3A_896 : i32
        %ne3A_898 = arith.cmpi ne, %sign3A_890, %sign3A_897 : i32
        %rem3A_899 = arith.remsi %mul3A_881, %jit3A_882 : i32
        %ne3A_900 = arith.constant 0 : i32
        %ne3A_901 = arith.cmpi ne, %rem3A_899, %ne3A_900 : i32
        %and3A_902 = arith.andi %ne3A_898, %ne3A_901 : i1
        %sub3A_903 = arith.constant 1 : i32
        %sub3A_904 = arith.subi %div3A_883, %sub3A_903 : i32
        %select_n3A_905 = arith.select %and3A_902, %sub3A_904, %div3A_883 : i32
        %jit3A_906 = arith.constant 1024 : i32
        %eq3A_907 = arith.constant 0 : i32
        %eq3A_908 = arith.cmpi eq, %jit3A_906, %eq3A_907 : i32
        %jit3A_909 = arith.constant 1 : i32
        %select_n3A_910 = arith.select %eq3A_908, %jit3A_909, %jit3A_906 : i32
        %rem3A_911 = arith.remsi %mul3A_881, %select_n3A_910 : i32
        %ne3A_912 = arith.constant 0 : i32
        %ne3A_913 = arith.cmpi ne, %rem3A_911, %ne3A_912 : i32
        %lt3A_914 = arith.constant 0 : i32
        %lt3A_915 = arith.cmpi slt, %rem3A_911, %lt3A_914 : i32
        %lt3A_916 = arith.constant 0 : i32
        %lt3A_917 = arith.cmpi slt, %select_n3A_910, %lt3A_916 : i32
        %ne3A_918 = arith.xori %lt3A_915, %lt3A_917 : i1
        %and3A_919 = arith.andi %ne3A_918, %ne3A_913 : i1
        %add3A_920 = arith.addi %rem3A_911, %select_n3A_910 : i32
        %select_n3A_921 = arith.select %and3A_919, %add3A_920, %rem3A_911 : i32
        %get3A_922 = arith.index_cast %select_n3A_905 : i32 to index
        %get3A_923 = arith.index_cast %select_n3A_921 : i32 to index
        %get3A_924 = tpu.vector_load %arg5[%get3A_922, %get3A_923] {strides = array<i32>} : memref<8x1024xf32, #tpu.memory_space<vmem>>, vector<1x16xf32>,
        %get3A_925 = vector.shape_cast %get3A_924 : vector<1x16xf32> to vector<16xf32>
        %get3A_926 = arith.index_cast %select_n3A_905 : i32 to index
        %get3A_927 = arith.index_cast %select_n3A_921 : i32 to index
        %get3A_928 = tpu.vector_load %arg8[%get3A_926, %get3A_927] {strides = array<i32>} : memref<8x1024xf32, #tpu.memory_space<vmem>>, vector<1x16xf32>,
        %get3A_929 = vector.shape_cast %get3A_928 : vector<1x16xf32> to vector<16xf32>
        %add3A_930 = arith.addf %get3A_929, %get3A_925 : vector<16xf32>
        %swap3A_931 = arith.index_cast %select_n3A_905 : i32 to index
        %swap3A_932 = arith.index_cast %select_n3A_921 : i32 to index
        %swap3A_933 = tpu.vector_load %arg8[%swap3A_931, %swap3A_932] {strides = array<i32>} : memref<8x1024xf32, #tpu.memory_space<vmem>>, vector<1x16xf32>,
        %swap3A_934 = vector.shape_cast %swap3A_933 : vector<1x16xf32> to vector<16xf32>
        %swap3A_935 = vector.shape_cast %add3A_930 : vector<16xf32> to vector<1x16xf32>
        tpu.vector_store %arg8[%swap3A_931, %swap3A_932], %swap3A_935 {strides = array<i32>} : memref<8x1024xf32, #tpu.memory_space<vmem>>, vector<1x16xf32>,
        %get3A_936 = arith.index_cast %select_n3A_905 : i32 to index
        %get3A_937 = arith.index_cast %select_n3A_921 : i32 to index
        %get3A_938 = tpu.vector_load %arg9[%get3A_936, %get3A_937] {strides = array<i32>} : memref<8x1024xf32, #tpu.memory_space<vmem>>, vector<1x16xf32>,
        %get3A_939 = vector.shape_cast %get3A_938 : vector<1x16xf32> to vector<16xf32>
        %add3A_940 = arith.addf %get3A_939, %get3A_925 : vector<16xf32>
        %swap3A_941 = arith.index_cast %select_n3A_905 : i32 to index
        %swap3A_942 = arith.index_cast %select_n3A_921 : i32 to index
        %swap3A_943 = tpu.vector_load %arg9[%swap3A_941, %swap3A_942] {strides = array<i32>} : memref<8x1024xf32, #tpu.memory_space<vmem>>, vector<1x16xf32>,
        %swap3A_944 = vector.shape_cast %swap3A_943 : vector<1x16xf32> to vector<16xf32>
        %swap3A_945 = vector.shape_cast %add3A_940 : vector<16xf32> to vector<1x16xf32>
        tpu.vector_store %arg9[%swap3A_941, %swap3A_942], %swap3A_945 {strides = array<i32>} : memref<8x1024xf32, #tpu.memory_space<vmem>>, vector<1x16xf32>,
        %get3A_946 = arith.index_cast %select_n3A_905 : i32 to index
        %get3A_947 = arith.index_cast %select_n3A_921 : i32 to index
        %get3A_948 = tpu.vector_load %arg10[%get3A_946, %get3A_947] {strides = array<i32>} : memref<8x1024xf32, #tpu.memory_space<vmem>>, vector<1x16xf32>,
        %get3A_949 = vector.shape_cast %get3A_948 : vector<1x16xf32> to vector<16xf32>
        %add3A_950 = arith.addf %get3A_949, %get3A_925 : vector<16xf32>
        %swap3A_951 = arith.index_cast %select_n3A_905 : i32 to index
        %swap3A_952 = arith.index_cast %select_n3A_921 : i32 to index
        %swap3A_953 = tpu.vector_load %arg10[%swap3A_951, %swap3A_952] {strides = array<i32>} : memref<8x1024xf32, #tpu.memory_space<vmem>>, vector<1x16xf32>,
        %swap3A_954 = vector.shape_cast %swap3A_953 : vector<1x16xf32> to vector<16xf32>
        %swap3A_955 = vector.shape_cast %add3A_950 : vector<16xf32> to vector<1x16xf32>
        tpu.vector_store %arg10[%swap3A_951, %swap3A_952], %swap3A_955 {strides = array<i32>} : memref<8x1024xf32, #tpu.memory_space<vmem>>, vector<1x16xf32>,
        %get3A_956 = arith.index_cast %select_n3A_905 : i32 to index
        %get3A_957 = arith.index_cast %select_n3A_921 : i32 to index
        %get3A_958 = tpu.vector_load %arg11[%get3A_956, %get3A_957] {strides = array<i32>} : memref<8x1024xf32, #tpu.memory_space<vmem>>, vector<1x16xf32>,
        %get3A_959 = vector.shape_cast %get3A_958 : vector<1x16xf32> to vector<16xf32>
        %add3A_960 = arith.addf %get3A_959, %get3A_925 : vector<16xf32>
        %swap3A_961 = arith.index_cast %select_n3A_905 : i32 to index
        %swap3A_962 = arith.index_cast %select_n3A_921 : i32 to index
        %swap3A_963 = tpu.vector_load %arg11[%swap3A_961, %swap3A_962] {strides = array<i32>} : memref<8x1024xf32, #tpu.memory_space<vmem>>, vector<1x16xf32>,
        %swap3A_964 = vector.shape_cast %swap3A_963 : vector<1x16xf32> to vector<16xf32>
        %swap3A_965 = vector.shape_cast %add3A_960 : vector<16xf32> to vector<1x16xf32>
        tpu.vector_store %arg11[%swap3A_961, %swap3A_962], %swap3A_965 {strides = array<i32>} : memref<8x1024xf32, #tpu.memory_space<vmem>>, vector<1x16xf32>,
        %mul3A_966 = arith.constant 4 : i32
        %mul3A_967 = arith.muli %scan3A_796, %mul3A_966 : i32
        %add3A_968 = arith.constant 2 : i32
        %add3A_969 = arith.addi %mul3A_967, %add3A_968 : i32
        %mul3A_970 = arith.constant 16 : i32
        %mul3A_971 = arith.muli %add3A_969, %mul3A_970 : i32
        %jit3A_972 = arith.constant 1024 : i32
        %div3A_973 = arith.divsi %mul3A_971, %jit3A_972 : i32
        %sign3A_974 = arith.constant 0 : i32
        %sign3A_975 = arith.cmpi sgt, %mul3A_971, %sign3A_974 : i32
        %sign3A_976 = arith.extui %sign3A_975 : i1 to i32
        %sign3A_977 = arith.constant 0 : i32
        %sign3A_978 = arith.cmpi slt, %mul3A_971, %sign3A_977 : i32
        %sign3A_979 = arith.extui %sign3A_978 : i1 to i32
        %sign3A_980 = arith.subi %sign3A_976, %sign3A_979 : i32
        %sign3A_981 = arith.constant 0 : i32
        %sign3A_982 = arith.cmpi sgt, %jit3A_972, %sign3A_981 : i32
        %sign3A_983 = arith.extui %sign3A_982 : i1 to i32
        %sign3A_984 = arith.constant 0 : i32
        %sign3A_985 = arith.cmpi slt, %jit3A_972, %sign3A_984 : i32
        %sign3A_986 = arith.extui %sign3A_985 : i1 to i32
        %sign3A_987 = arith.subi %sign3A_983, %sign3A_986 : i32
        %ne3A_988 = arith.cmpi ne, %sign3A_980, %sign3A_987 : i32
        %rem3A_989 = arith.remsi %mul3A_971, %jit3A_972 : i32
        %ne3A_990 = arith.constant 0 : i32
        %ne3A_991 = arith.cmpi ne, %rem3A_989, %ne3A_990 : i32
        %and3A_992 = arith.andi %ne3A_988, %ne3A_991 : i1
        %sub3A_993 = arith.constant 1 : i32
        %sub3A_994 = arith.subi %div3A_973, %sub3A_993 : i32
        %select_n3A_995 = arith.select %and3A_992, %sub3A_994, %div3A_973 : i32
        %jit3A_996 = arith.constant 1024 : i32
        %eq3A_997 = arith.constant 0 : i32
        %eq3A_998 = arith.cmpi eq, %jit3A_996, %eq3A_997 : i32
        %jit3A_999 = arith.constant 1 : i32
        %select_n3A_1000 = arith.select %eq3A_998, %jit3A_999, %jit3A_996 : i32
        %rem3A_1001 = arith.remsi %mul3A_971, %select_n3A_1000 : i32
        %ne3A_1002 = arith.constant 0 : i32
        %ne3A_1003 = arith.cmpi ne, %rem3A_1001, %ne3A_1002 : i32
        %lt3A_1004 = arith.constant 0 : i32
        %lt3A_1005 = arith.cmpi slt, %rem3A_1001, %lt3A_1004 : i32
        %lt3A_1006 = arith.constant 0 : i32
        %lt3A_1007 = arith.cmpi slt, %select_n3A_1000, %lt3A_1006 : i32
        %ne3A_1008 = arith.xori %lt3A_1005, %lt3A_1007 : i1
        %and3A_1009 = arith.andi %ne3A_1008, %ne3A_1003 : i1
        %add3A_1010 = arith.addi %rem3A_1001, %select_n3A_1000 : i32
        %select_n3A_1011 = arith.select %and3A_1009, %add3A_1010, %rem3A_1001 : i32
        %get3A_1012 = arith.index_cast %select_n3A_995 : i32 to index
        %get3A_1013 = arith.index_cast %select_n3A_1011 : i32 to index
        %get3A_1014 = tpu.vector_load %arg5[%get3A_1012, %get3A_1013] {strides = array<i32>} : memref<8x1024xf32, #tpu.memory_space<vmem>>, vector<1x16xf32>,
        %get3A_1015 = vector.shape_cast %get3A_1014 : vector<1x16xf32> to vector<16xf32>
        %get3A_1016 = arith.index_cast %select_n3A_995 : i32 to index
        %get3A_1017 = arith.index_cast %select_n3A_1011 : i32 to index
        %get3A_1018 = tpu.vector_load %arg8[%get3A_1016, %get3A_1017] {strides = array<i32>} : memref<8x1024xf32, #tpu.memory_space<vmem>>, vector<1x16xf32>,
        %get3A_1019 = vector.shape_cast %get3A_1018 : vector<1x16xf32> to vector<16xf32>
        %add3A_1020 = arith.addf %get3A_1019, %get3A_1015 : vector<16xf32>
        %swap3A_1021 = arith.index_cast %select_n3A_995 : i32 to index
        %swap3A_1022 = arith.index_cast %select_n3A_1011 : i32 to index
        %swap3A_1023 = tpu.vector_load %arg8[%swap3A_1021, %swap3A_1022] {strides = array<i32>} : memref<8x1024xf32, #tpu.memory_space<vmem>>, vector<1x16xf32>,
        %swap3A_1024 = vector.shape_cast %swap3A_1023 : vector<1x16xf32> to vector<16xf32>
        %swap3A_1025 = vector.shape_cast %add3A_1020 : vector<16xf32> to vector<1x16xf32>
        tpu.vector_store %arg8[%swap3A_1021, %swap3A_1022], %swap3A_1025 {strides = array<i32>} : memref<8x1024xf32, #tpu.memory_space<vmem>>, vector<1x16xf32>,
        %get3A_1026 = arith.index_cast %select_n3A_995 : i32 to index
        %get3A_1027 = arith.index_cast %select_n3A_1011 : i32 to index
        %get3A_1028 = tpu.vector_load %arg9[%get3A_1026, %get3A_1027] {strides = array<i32>} : memref<8x1024xf32, #tpu.memory_space<vmem>>, vector<1x16xf32>,
        %get3A_1029 = vector.shape_cast %get3A_1028 : vector<1x16xf32> to vector<16xf32>
        %add3A_1030 = arith.addf %get3A_1029, %get3A_1015 : vector<16xf32>
        %swap3A_1031 = arith.index_cast %select_n3A_995 : i32 to index
        %swap3A_1032 = arith.index_cast %select_n3A_1011 : i32 to index
        %swap3A_1033 = tpu.vector_load %arg9[%swap3A_1031, %swap3A_1032] {strides = array<i32>} : memref<8x1024xf32, #tpu.memory_space<vmem>>, vector<1x16xf32>,
        %swap3A_1034 = vector.shape_cast %swap3A_1033 : vector<1x16xf32> to vector<16xf32>
        %swap3A_1035 = vector.shape_cast %add3A_1030 : vector<16xf32> to vector<1x16xf32>
        tpu.vector_store %arg9[%swap3A_1031, %swap3A_1032], %swap3A_1035 {strides = array<i32>} : memref<8x1024xf32, #tpu.memory_space<vmem>>, vector<1x16xf32>,
        %get3A_1036 = arith.index_cast %select_n3A_995 : i32 to index
        %get3A_1037 = arith.index_cast %select_n3A_1011 : i32 to index
        %get3A_1038 = tpu.vector_load %arg10[%get3A_1036, %get3A_1037] {strides = array<i32>} : memref<8x1024xf32, #tpu.memory_space<vmem>>, vector<1x16xf32>,
        %get3A_1039 = vector.shape_cast %get3A_1038 : vector<1x16xf32> to vector<16xf32>
        %add3A_1040 = arith.addf %get3A_1039, %get3A_1015 : vector<16xf32>
        %swap3A_1041 = arith.index_cast %select_n3A_995 : i32 to index
        %swap3A_1042 = arith.index_cast %select_n3A_1011 : i32 to index
        %swap3A_1043 = tpu.vector_load %arg10[%swap3A_1041, %swap3A_1042] {strides = array<i32>} : memref<8x1024xf32, #tpu.memory_space<vmem>>, vector<1x16xf32>,
        %swap3A_1044 = vector.shape_cast %swap3A_1043 : vector<1x16xf32> to vector<16xf32>
        %swap3A_1045 = vector.shape_cast %add3A_1040 : vector<16xf32> to vector<1x16xf32>
        tpu.vector_store %arg10[%swap3A_1041, %swap3A_1042], %swap3A_1045 {strides = array<i32>} : memref<8x1024xf32, #tpu.memory_space<vmem>>, vector<1x16xf32>,
        %get3A_1046 = arith.index_cast %select_n3A_995 : i32 to index
        %get3A_1047 = arith.index_cast %select_n3A_1011 : i32 to index
        %get3A_1048 = tpu.vector_load %arg11[%get3A_1046, %get3A_1047] {strides = array<i32>} : memref<8x1024xf32, #tpu.memory_space<vmem>>, vector<1x16xf32>,
        %get3A_1049 = vector.shape_cast %get3A_1048 : vector<1x16xf32> to vector<16xf32>
        %add3A_1050 = arith.addf %get3A_1049, %get3A_1015 : vector<16xf32>
        %swap3A_1051 = arith.index_cast %select_n3A_995 : i32 to index
        %swap3A_1052 = arith.index_cast %select_n3A_1011 : i32 to index
        %swap3A_1053 = tpu.vector_load %arg11[%swap3A_1051, %swap3A_1052] {strides = array<i32>} : memref<8x1024xf32, #tpu.memory_space<vmem>>, vector<1x16xf32>,
        %swap3A_1054 = vector.shape_cast %swap3A_1053 : vector<1x16xf32> to vector<16xf32>
        %swap3A_1055 = vector.shape_cast %add3A_1050 : vector<16xf32> to vector<1x16xf32>
        tpu.vector_store %arg11[%swap3A_1051, %swap3A_1052], %swap3A_1055 {strides = array<i32>} : memref<8x1024xf32, #tpu.memory_space<vmem>>, vector<1x16xf32>,
        %mul3A_1056 = arith.constant 4 : i32
        %mul3A_1057 = arith.muli %scan3A_796, %mul3A_1056 : i32
        %add3A_1058 = arith.constant 3 : i32
        %add3A_1059 = arith.addi %mul3A_1057, %add3A_1058 : i32
        %mul3A_1060 = arith.constant 16 : i32
        %mul3A_1061 = arith.muli %add3A_1059, %mul3A_1060 : i32
        %jit3A_1062 = arith.constant 1024 : i32
        %div3A_1063 = arith.divsi %mul3A_1061, %jit3A_1062 : i32
        %sign3A_1064 = arith.constant 0 : i32
        %sign3A_1065 = arith.cmpi sgt, %mul3A_1061, %sign3A_1064 : i32
        %sign3A_1066 = arith.extui %sign3A_1065 : i1 to i32
        %sign3A_1067 = arith.constant 0 : i32
        %sign3A_1068 = arith.cmpi slt, %mul3A_1061, %sign3A_1067 : i32
        %sign3A_1069 = arith.extui %sign3A_1068 : i1 to i32
        %sign3A_1070 = arith.subi %sign3A_1066, %sign3A_1069 : i32
        %sign3A_1071 = arith.constant 0 : i32
        %sign3A_1072 = arith.cmpi sgt, %jit3A_1062, %sign3A_1071 : i32
        %sign3A_1073 = arith.extui %sign3A_1072 : i1 to i32
        %sign3A_1074 = arith.constant 0 : i32
        %sign3A_1075 = arith.cmpi slt, %jit3A_1062, %sign3A_1074 : i32
        %sign3A_1076 = arith.extui %sign3A_1075 : i1 to i32
        %sign3A_1077 = arith.subi %sign3A_1073, %sign3A_1076 : i32
        %ne3A_1078 = arith.cmpi ne, %sign3A_1070, %sign3A_1077 : i32
        %rem3A_1079 = arith.remsi %mul3A_1061, %jit3A_1062 : i32
        %ne3A_1080 = arith.constant 0 : i32
        %ne3A_1081 = arith.cmpi ne, %rem3A_1079, %ne3A_1080 : i32
        %and3A_1082 = arith.andi %ne3A_1078, %ne3A_1081 : i1
        %sub3A_1083 = arith.constant 1 : i32
        %sub3A_1084 = arith.subi %div3A_1063, %sub3A_1083 : i32
        %select_n3A_1085 = arith.select %and3A_1082, %sub3A_1084, %div3A_1063 : i32
        %jit3A_1086 = arith.constant 1024 : i32
        %eq3A_1087 = arith.constant 0 : i32
        %eq3A_1088 = arith.cmpi eq, %jit3A_1086, %eq3A_1087 : i32
        %jit3A_1089 = arith.constant 1 : i32
        %select_n3A_1090 = arith.select %eq3A_1088, %jit3A_1089, %jit3A_1086 : i32
        %rem3A_1091 = arith.remsi %mul3A_1061, %select_n3A_1090 : i32
        %ne3A_1092 = arith.constant 0 : i32
        %ne3A_1093 = arith.cmpi ne, %rem3A_1091, %ne3A_1092 : i32
        %lt3A_1094 = arith.constant 0 : i32
        %lt3A_1095 = arith.cmpi slt, %rem3A_1091, %lt3A_1094 : i32
        %lt3A_1096 = arith.constant 0 : i32
        %lt3A_1097 = arith.cmpi slt, %select_n3A_1090, %lt3A_1096 : i32
        %ne3A_1098 = arith.xori %lt3A_1095, %lt3A_1097 : i1
        %and3A_1099 = arith.andi %ne3A_1098, %ne3A_1093 : i1
        %add3A_1100 = arith.addi %rem3A_1091, %select_n3A_1090 : i32
        %select_n3A_1101 = arith.select %and3A_1099, %add3A_1100, %rem3A_1091 : i32
        %get3A_1102 = arith.index_cast %select_n3A_1085 : i32 to index
        %get3A_1103 = arith.index_cast %select_n3A_1101 : i32 to index
        %get3A_1104 = tpu.vector_load %arg5[%get3A_1102, %get3A_1103] {strides = array<i32>} : memref<8x1024xf32, #tpu.memory_space<vmem>>, vector<1x16xf32>,
        %get3A_1105 = vector.shape_cast %get3A_1104 : vector<1x16xf32> to vector<16xf32>
        %get3A_1106 = arith.index_cast %select_n3A_1085 : i32 to index
        %get3A_1107 = arith.index_cast %select_n3A_1101 : i32 to index
        %get3A_1108 = tpu.vector_load %arg8[%get3A_1106, %get3A_1107] {strides = array<i32>} : memref<8x1024xf32, #tpu.memory_space<vmem>>, vector<1x16xf32>,
        %get3A_1109 = vector.shape_cast %get3A_1108 : vector<1x16xf32> to vector<16xf32>
        %add3A_1110 = arith.addf %get3A_1109, %get3A_1105 : vector<16xf32>
        %swap3A_1111 = arith.index_cast %select_n3A_1085 : i32 to index
        %swap3A_1112 = arith.index_cast %select_n3A_1101 : i32 to index
        %swap3A_1113 = tpu.vector_load %arg8[%swap3A_1111, %swap3A_1112] {strides = array<i32>} : memref<8x1024xf32, #tpu.memory_space<vmem>>, vector<1x16xf32>,
        %swap3A_1114 = vector.shape_cast %swap3A_1113 : vector<1x16xf32> to vector<16xf32>
        %swap3A_1115 = vector.shape_cast %add3A_1110 : vector<16xf32> to vector<1x16xf32>
        tpu.vector_store %arg8[%swap3A_1111, %swap3A_1112], %swap3A_1115 {strides = array<i32>} : memref<8x1024xf32, #tpu.memory_space<vmem>>, vector<1x16xf32>,
        %get3A_1116 = arith.index_cast %select_n3A_1085 : i32 to index
        %get3A_1117 = arith.index_cast %select_n3A_1101 : i32 to index
        %get3A_1118 = tpu.vector_load %arg9[%get3A_1116, %get3A_1117] {strides = array<i32>} : memref<8x1024xf32, #tpu.memory_space<vmem>>, vector<1x16xf32>,
        %get3A_1119 = vector.shape_cast %get3A_1118 : vector<1x16xf32> to vector<16xf32>
        %add3A_1120 = arith.addf %get3A_1119, %get3A_1105 : vector<16xf32>
        %swap3A_1121 = arith.index_cast %select_n3A_1085 : i32 to index
        %swap3A_1122 = arith.index_cast %select_n3A_1101 : i32 to index
        %swap3A_1123 = tpu.vector_load %arg9[%swap3A_1121, %swap3A_1122] {strides = array<i32>} : memref<8x1024xf32, #tpu.memory_space<vmem>>, vector<1x16xf32>,
        %swap3A_1124 = vector.shape_cast %swap3A_1123 : vector<1x16xf32> to vector<16xf32>
        %swap3A_1125 = vector.shape_cast %add3A_1120 : vector<16xf32> to vector<1x16xf32>
        tpu.vector_store %arg9[%swap3A_1121, %swap3A_1122], %swap3A_1125 {strides = array<i32>} : memref<8x1024xf32, #tpu.memory_space<vmem>>, vector<1x16xf32>,
        %get3A_1126 = arith.index_cast %select_n3A_1085 : i32 to index
        %get3A_1127 = arith.index_cast %select_n3A_1101 : i32 to index
        %get3A_1128 = tpu.vector_load %arg10[%get3A_1126, %get3A_1127] {strides = array<i32>} : memref<8x1024xf32, #tpu.memory_space<vmem>>, vector<1x16xf32>,
        %get3A_1129 = vector.shape_cast %get3A_1128 : vector<1x16xf32> to vector<16xf32>
        %add3A_1130 = arith.addf %get3A_1129, %get3A_1105 : vector<16xf32>
        %swap3A_1131 = arith.index_cast %select_n3A_1085 : i32 to index
        %swap3A_1132 = arith.index_cast %select_n3A_1101 : i32 to index
        %swap3A_1133 = tpu.vector_load %arg10[%swap3A_1131, %swap3A_1132] {strides = array<i32>} : memref<8x1024xf32, #tpu.memory_space<vmem>>, vector<1x16xf32>,
        %swap3A_1134 = vector.shape_cast %swap3A_1133 : vector<1x16xf32> to vector<16xf32>
        %swap3A_1135 = vector.shape_cast %add3A_1130 : vector<16xf32> to vector<1x16xf32>
        tpu.vector_store %arg10[%swap3A_1131, %swap3A_1132], %swap3A_1135 {strides = array<i32>} : memref<8x1024xf32, #tpu.memory_space<vmem>>, vector<1x16xf32>,
        %get3A_1136 = arith.index_cast %select_n3A_1085 : i32 to index
        %get3A_1137 = arith.index_cast %select_n3A_1101 : i32 to index
        %get3A_1138 = tpu.vector_load %arg11[%get3A_1136, %get3A_1137] {strides = array<i32>} : memref<8x1024xf32, #tpu.memory_space<vmem>>, vector<1x16xf32>,
        %get3A_1139 = vector.shape_cast %get3A_1138 : vector<1x16xf32> to vector<16xf32>
        %add3A_1140 = arith.addf %get3A_1139, %get3A_1105 : vector<16xf32>
        %swap3A_1141 = arith.index_cast %select_n3A_1085 : i32 to index
        %swap3A_1142 = arith.index_cast %select_n3A_1101 : i32 to index
        %swap3A_1143 = tpu.vector_load %arg11[%swap3A_1141, %swap3A_1142] {strides = array<i32>} : memref<8x1024xf32, #tpu.memory_space<vmem>>, vector<1x16xf32>,
        %swap3A_1144 = vector.shape_cast %swap3A_1143 : vector<1x16xf32> to vector<16xf32>
        %swap3A_1145 = vector.shape_cast %add3A_1140 : vector<16xf32> to vector<1x16xf32>
        tpu.vector_store %arg11[%swap3A_1141, %swap3A_1142], %swap3A_1145 {strides = array<i32>} : memref<8x1024xf32, #tpu.memory_space<vmem>>, vector<1x16xf32>,
      }
      %scan3A_491 = arith.constant 128 : i32
      %mul3A_492 = arith.constant 8 : i32
      %mul3A_493 = arith.muli %add3A_406, %mul3A_492 : i32
      %add3A_494 = arith.addi %mul3A_2, %mul3A_493 : i32
      %dma_start3A_495 = arith.constant 0 : i32
      %dma_start3A_496 = arith.constant 0 : i32
      %dma_start3A_497 = tpu.memref_slice %arg4[%dma_start3A_495, %add3A_494, %dma_start3A_496] : memref<4x8192x1024xf32, #tpu.memory_space<hbm>> -> memref<1x8x1024xf32, #tpu.memory_space<hbm>>
      %dma_start3A_498 = tpu.memref_squeeze %dma_start3A_497 : memref<1x8x1024xf32, #tpu.memory_space<hbm>> -> memref<8x1024xf32, #tpu.memory_space<hbm>>
      %dma_start3A_499 = arith.constant 0 : i32
      %dma_start3A_500 = tpu.memref_slice %arg4[%dma_start3A_495, %add3A_494, %dma_start3A_499] : memref<4x8192x1024xf32, #tpu.memory_space<hbm>> -> memref<1x8x1024xf32, #tpu.memory_space<hbm>>
      %dma_start3A_501 = tpu.memref_squeeze %dma_start3A_500 : memref<1x8x1024xf32, #tpu.memory_space<hbm>> -> memref<8x1024xf32, #tpu.memory_space<hbm>>
      tpu.enqueue_dma source(%arg8 : memref<8x1024xf32, #tpu.memory_space<vmem>>) target(%dma_start3A_501 : memref<8x1024xf32, #tpu.memory_space<hbm>>) target_semaphore(%arg35 : memref<!tpu.dma_semaphore, #tpu.memory_space<semaphore_mem>>)
      %mul3A_502 = arith.constant 8 : i32
      %mul3A_503 = arith.muli %add3A_406, %mul3A_502 : i32
      %add3A_504 = arith.addi %mul3A_2, %mul3A_503 : i32
      %dma_start3A_505 = arith.constant 1 : i32
      %dma_start3A_506 = arith.constant 0 : i32
      %dma_start3A_507 = tpu.memref_slice %arg4[%dma_start3A_505, %add3A_504, %dma_start3A_506] : memref<4x8192x1024xf32, #tpu.memory_space<hbm>> -> memref<1x8x1024xf32, #tpu.memory_space<hbm>>
      %dma_start3A_508 = tpu.memref_squeeze %dma_start3A_507 : memref<1x8x1024xf32, #tpu.memory_space<hbm>> -> memref<8x1024xf32, #tpu.memory_space<hbm>>
      %dma_start3A_509 = arith.constant 0 : i32
      %dma_start3A_510 = tpu.memref_slice %arg4[%dma_start3A_505, %add3A_504, %dma_start3A_509] : memref<4x8192x1024xf32, #tpu.memory_space<hbm>> -> memref<1x8x1024xf32, #tpu.memory_space<hbm>>
      %dma_start3A_511 = tpu.memref_squeeze %dma_start3A_510 : memref<1x8x1024xf32, #tpu.memory_space<hbm>> -> memref<8x1024xf32, #tpu.memory_space<hbm>>
      tpu.enqueue_dma source(%arg9 : memref<8x1024xf32, #tpu.memory_space<vmem>>) target(%dma_start3A_511 : memref<8x1024xf32, #tpu.memory_space<hbm>>) target_semaphore(%arg36 : memref<!tpu.dma_semaphore, #tpu.memory_space<semaphore_mem>>)
      %mul3A_512 = arith.constant 8 : i32
      %mul3A_513 = arith.muli %add3A_406, %mul3A_512 : i32
      %add3A_514 = arith.addi %mul3A_2, %mul3A_513 : i32
      %dma_start3A_515 = arith.constant 2 : i32
      %dma_start3A_516 = arith.constant 0 : i32
      %dma_start3A_517 = tpu.memref_slice %arg4[%dma_start3A_515, %add3A_514, %dma_start3A_516] : memref<4x8192x1024xf32, #tpu.memory_space<hbm>> -> memref<1x8x1024xf32, #tpu.memory_space<hbm>>
      %dma_start3A_518 = tpu.memref_squeeze %dma_start3A_517 : memref<1x8x1024xf32, #tpu.memory_space<hbm>> -> memref<8x1024xf32, #tpu.memory_space<hbm>>
      %dma_start3A_519 = arith.constant 0 : i32
      %dma_start3A_520 = tpu.memref_slice %arg4[%dma_start3A_515, %add3A_514, %dma_start3A_519] : memref<4x8192x1024xf32, #tpu.memory_space<hbm>> -> memref<1x8x1024xf32, #tpu.memory_space<hbm>>
      %dma_start3A_521 = tpu.memref_squeeze %dma_start3A_520 : memref<1x8x1024xf32, #tpu.memory_space<hbm>> -> memref<8x1024xf32, #tpu.memory_space<hbm>>
      tpu.enqueue_dma source(%arg10 : memref<8x1024xf32, #tpu.memory_space<vmem>>) target(%dma_start3A_521 : memref<8x1024xf32, #tpu.memory_space<hbm>>) target_semaphore(%arg37 : memref<!tpu.dma_semaphore, #tpu.memory_space<semaphore_mem>>)
      %mul3A_522 = arith.constant 8 : i32
      %mul3A_523 = arith.muli %add3A_406, %mul3A_522 : i32
      %add3A_524 = arith.addi %mul3A_2, %mul3A_523 : i32
      %dma_start3A_525 = arith.constant 3 : i32
      %dma_start3A_526 = arith.constant 0 : i32
      %dma_start3A_527 = tpu.memref_slice %arg4[%dma_start3A_525, %add3A_524, %dma_start3A_526] : memref<4x8192x1024xf32, #tpu.memory_space<hbm>> -> memref<1x8x1024xf32, #tpu.memory_space<hbm>>
      %dma_start3A_528 = tpu.memref_squeeze %dma_start3A_527 : memref<1x8x1024xf32, #tpu.memory_space<hbm>> -> memref<8x1024xf32, #tpu.memory_space<hbm>>
      %dma_start3A_529 = arith.constant 0 : i32
      %dma_start3A_530 = tpu.memref_slice %arg4[%dma_start3A_525, %add3A_524, %dma_start3A_529] : memref<4x8192x1024xf32, #tpu.memory_space<hbm>> -> memref<1x8x1024xf32, #tpu.memory_space<hbm>>
      %dma_start3A_531 = tpu.memref_squeeze %dma_start3A_530 : memref<1x8x1024xf32, #tpu.memory_space<hbm>> -> memref<8x1024xf32, #tpu.memory_space<hbm>>
      tpu.enqueue_dma source(%arg11 : memref<8x1024xf32, #tpu.memory_space<vmem>>) target(%dma_start3A_531 : memref<8x1024xf32, #tpu.memory_space<hbm>>) target_semaphore(%arg38 : memref<!tpu.dma_semaphore, #tpu.memory_space<semaphore_mem>>)
      %mul3A_532 = arith.constant 3 : i32
      %mul3A_533 = arith.muli %scan3A_402, %mul3A_532 : i32
      %add3A_534 = arith.constant 1 : i32
      %add3A_535 = arith.addi %mul3A_533, %add3A_534 : i32
      %add3A_536 = arith.constant 1 : i32
      %add3A_537 = arith.addi %add3A_535, %add3A_536 : i32
      %lt3A_538 = arith.constant 32 : i32
      %lt3A_539 = arith.cmpi slt, %add3A_537, %lt3A_538 : i32
      %convert_element_type3A_540 = arith.extui %lt3A_539 : i1 to i32
      %cond3A_541 = arith.constant 0 : i32
      %cond3A_542 = arith.cmpi ne, %convert_element_type3A_540, %cond3A_541 : i32
      scf.if %cond3A_542 {
        %add3A_796 = arith.constant 1 : i32
        %add3A_797 = arith.addi %add3A_535, %add3A_796 : i32
        %mul3A_798 = arith.constant 8 : i32
        %mul3A_799 = arith.muli %add3A_797, %mul3A_798 : i32
        %add3A_800 = arith.addi %mul3A_2, %mul3A_799 : i32
        %dma_start3A_801 = arith.constant 0 : i32
        %dma_start3A_802 = tpu.memref_slice %arg3[%add3A_800, %dma_start3A_801] : memref<8192x1024xf32, #tpu.memory_space<hbm>> -> memref<8x1024xf32, #tpu.memory_space<hbm>>
        %dma_start3A_803 = arith.constant 0 : i32
        %dma_start3A_804 = tpu.memref_slice %arg3[%add3A_800, %dma_start3A_803] : memref<8192x1024xf32, #tpu.memory_space<hbm>> -> memref<8x1024xf32, #tpu.memory_space<hbm>>
        tpu.enqueue_dma source(%dma_start3A_804 : memref<8x1024xf32, #tpu.memory_space<hbm>>) target(%arg7 : memref<8x1024xf32, #tpu.memory_space<vmem>>) target_semaphore(%arg22 : memref<!tpu.dma_semaphore, #tpu.memory_space<semaphore_mem>>)
      } else {
      }
      %add3A_543 = arith.constant 1 : i32
      %add3A_544 = arith.addi %add3A_535, %add3A_543 : i32
      %lt3A_545 = arith.constant 32 : i32
      %lt3A_546 = arith.cmpi slt, %add3A_544, %lt3A_545 : i32
      %convert_element_type3A_547 = arith.extui %lt3A_546 : i1 to i32
      %cond3A_548 = arith.constant 0 : i32
      %cond3A_549 = arith.cmpi ne, %convert_element_type3A_547, %cond3A_548 : i32
      scf.if %cond3A_549 {
        %ge3A = arith.constant 2 : i32
        %ge3A_796 = arith.cmpi sge, %add3A_535, %ge3A : i32
        %convert_element_type3A_797 = arith.extui %ge3A_796 : i1 to i32
        %cond3A_798 = arith.constant 0 : i32
        %cond3A_799 = arith.cmpi ne, %convert_element_type3A_797, %cond3A_798 : i32
        scf.if %cond3A_799 {
          %sub3A = arith.constant 2 : i32
          %sub3A_812 = arith.subi %add3A_535, %sub3A : i32
          %mul3A_813 = arith.constant 8 : i32
          %mul3A_814 = arith.muli %sub3A_812, %mul3A_813 : i32
          %add3A_815 = arith.addi %mul3A_2, %mul3A_814 : i32
          %dma_wait3A_816 = arith.constant 0 : i32
          %dma_wait3A_817 = arith.constant 0 : i32
          %dma_wait3A_818 = tpu.memref_slice %arg4[%dma_wait3A_816, %add3A_815, %dma_wait3A_817] : memref<4x8192x1024xf32, #tpu.memory_space<hbm>> -> memref<1x8x1024xf32, #tpu.memory_space<hbm>>
          %dma_wait3A_819 = tpu.memref_squeeze %dma_wait3A_818 : memref<1x8x1024xf32, #tpu.memory_space<hbm>> -> memref<8x1024xf32, #tpu.memory_space<hbm>>
          %dma_wait3A_820 = arith.constant 0 : i32
          %dma_wait3A_821 = tpu.memref_slice %arg4[%dma_wait3A_816, %add3A_815, %dma_wait3A_820] : memref<4x8192x1024xf32, #tpu.memory_space<hbm>> -> memref<1x8x1024xf32, #tpu.memory_space<hbm>>
          %dma_wait3A_822 = tpu.memref_squeeze %dma_wait3A_821 : memref<1x8x1024xf32, #tpu.memory_space<hbm>> -> memref<8x1024xf32, #tpu.memory_space<hbm>>
          tpu.wait_dma2 semaphore(%arg43 : memref<!tpu.dma_semaphore, #tpu.memory_space<semaphore_mem>>) src(%arg16 : memref<8x1024xf32, #tpu.memory_space<vmem>>) dst(%dma_wait3A_822 : memref<8x1024xf32, #tpu.memory_space<hbm>>)
        } else {
        }
        %add3A_800 = arith.constant 1 : i32
        %add3A_801 = arith.addi %add3A_535, %add3A_800 : i32
        %mul3A_802 = arith.constant 8 : i32
        %mul3A_803 = arith.muli %add3A_801, %mul3A_802 : i32
        %add3A_804 = arith.addi %mul3A_2, %mul3A_803 : i32
        %dma_start3A_805 = arith.constant 0 : i32
        %dma_start3A_806 = arith.constant 0 : i32
        %dma_start3A_807 = tpu.memref_slice %arg2[%dma_start3A_805, %add3A_804, %dma_start3A_806] : memref<4x8192x1024xf32, #tpu.memory_space<hbm>> -> memref<1x8x1024xf32, #tpu.memory_space<hbm>>
        %dma_start3A_808 = tpu.memref_squeeze %dma_start3A_807 : memref<1x8x1024xf32, #tpu.memory_space<hbm>> -> memref<8x1024xf32, #tpu.memory_space<hbm>>
        %dma_start3A_809 = arith.constant 0 : i32
        %dma_start3A_810 = tpu.memref_slice %arg2[%dma_start3A_805, %add3A_804, %dma_start3A_809] : memref<4x8192x1024xf32, #tpu.memory_space<hbm>> -> memref<1x8x1024xf32, #tpu.memory_space<hbm>>
        %dma_start3A_811 = tpu.memref_squeeze %dma_start3A_810 : memref<1x8x1024xf32, #tpu.memory_space<hbm>> -> memref<8x1024xf32, #tpu.memory_space<hbm>>
        tpu.enqueue_dma source(%dma_start3A_811 : memref<8x1024xf32, #tpu.memory_space<hbm>>) target(%arg16 : memref<8x1024xf32, #tpu.memory_space<vmem>>) target_semaphore(%arg31 : memref<!tpu.dma_semaphore, #tpu.memory_space<semaphore_mem>>)
      } else {
      }
      %add3A_550 = arith.constant 1 : i32
      %add3A_551 = arith.addi %add3A_535, %add3A_550 : i32
      %lt3A_552 = arith.constant 32 : i32
      %lt3A_553 = arith.cmpi slt, %add3A_551, %lt3A_552 : i32
      %convert_element_type3A_554 = arith.extui %lt3A_553 : i1 to i32
      %cond3A_555 = arith.constant 0 : i32
      %cond3A_556 = arith.cmpi ne, %convert_element_type3A_554, %cond3A_555 : i32
      scf.if %cond3A_556 {
        %ge3A = arith.constant 2 : i32
        %ge3A_796 = arith.cmpi sge, %add3A_535, %ge3A : i32
        %convert_element_type3A_797 = arith.extui %ge3A_796 : i1 to i32
        %cond3A_798 = arith.constant 0 : i32
        %cond3A_799 = arith.cmpi ne, %convert_element_type3A_797, %cond3A_798 : i32
        scf.if %cond3A_799 {
          %sub3A = arith.constant 2 : i32
          %sub3A_812 = arith.subi %add3A_535, %sub3A : i32
          %mul3A_813 = arith.constant 8 : i32
          %mul3A_814 = arith.muli %sub3A_812, %mul3A_813 : i32
          %add3A_815 = arith.addi %mul3A_2, %mul3A_814 : i32
          %dma_wait3A_816 = arith.constant 1 : i32
          %dma_wait3A_817 = arith.constant 0 : i32
          %dma_wait3A_818 = tpu.memref_slice %arg4[%dma_wait3A_816, %add3A_815, %dma_wait3A_817] : memref<4x8192x1024xf32, #tpu.memory_space<hbm>> -> memref<1x8x1024xf32, #tpu.memory_space<hbm>>
          %dma_wait3A_819 = tpu.memref_squeeze %dma_wait3A_818 : memref<1x8x1024xf32, #tpu.memory_space<hbm>> -> memref<8x1024xf32, #tpu.memory_space<hbm>>
          %dma_wait3A_820 = arith.constant 0 : i32
          %dma_wait3A_821 = tpu.memref_slice %arg4[%dma_wait3A_816, %add3A_815, %dma_wait3A_820] : memref<4x8192x1024xf32, #tpu.memory_space<hbm>> -> memref<1x8x1024xf32, #tpu.memory_space<hbm>>
          %dma_wait3A_822 = tpu.memref_squeeze %dma_wait3A_821 : memref<1x8x1024xf32, #tpu.memory_space<hbm>> -> memref<8x1024xf32, #tpu.memory_space<hbm>>
          tpu.wait_dma2 semaphore(%arg44 : memref<!tpu.dma_semaphore, #tpu.memory_space<semaphore_mem>>) src(%arg17 : memref<8x1024xf32, #tpu.memory_space<vmem>>) dst(%dma_wait3A_822 : memref<8x1024xf32, #tpu.memory_space<hbm>>)
        } else {
        }
        %add3A_800 = arith.constant 1 : i32
        %add3A_801 = arith.addi %add3A_535, %add3A_800 : i32
        %mul3A_802 = arith.constant 8 : i32
        %mul3A_803 = arith.muli %add3A_801, %mul3A_802 : i32
        %add3A_804 = arith.addi %mul3A_2, %mul3A_803 : i32
        %dma_start3A_805 = arith.constant 1 : i32
        %dma_start3A_806 = arith.constant 0 : i32
        %dma_start3A_807 = tpu.memref_slice %arg2[%dma_start3A_805, %add3A_804, %dma_start3A_806] : memref<4x8192x1024xf32, #tpu.memory_space<hbm>> -> memref<1x8x1024xf32, #tpu.memory_space<hbm>>
        %dma_start3A_808 = tpu.memref_squeeze %dma_start3A_807 : memref<1x8x1024xf32, #tpu.memory_space<hbm>> -> memref<8x1024xf32, #tpu.memory_space<hbm>>
        %dma_start3A_809 = arith.constant 0 : i32
        %dma_start3A_810 = tpu.memref_slice %arg2[%dma_start3A_805, %add3A_804, %dma_start3A_809] : memref<4x8192x1024xf32, #tpu.memory_space<hbm>> -> memref<1x8x1024xf32, #tpu.memory_space<hbm>>
        %dma_start3A_811 = tpu.memref_squeeze %dma_start3A_810 : memref<1x8x1024xf32, #tpu.memory_space<hbm>> -> memref<8x1024xf32, #tpu.memory_space<hbm>>
        tpu.enqueue_dma source(%dma_start3A_811 : memref<8x1024xf32, #tpu.memory_space<hbm>>) target(%arg17 : memref<8x1024xf32, #tpu.memory_space<vmem>>) target_semaphore(%arg32 : memref<!tpu.dma_semaphore, #tpu.memory_space<semaphore_mem>>)
      } else {
      }
      %add3A_557 = arith.constant 1 : i32
      %add3A_558 = arith.addi %add3A_535, %add3A_557 : i32
      %lt3A_559 = arith.constant 32 : i32
      %lt3A_560 = arith.cmpi slt, %add3A_558, %lt3A_559 : i32
      %convert_element_type3A_561 = arith.extui %lt3A_560 : i1 to i32
      %cond3A_562 = arith.constant 0 : i32
      %cond3A_563 = arith.cmpi ne, %convert_element_type3A_561, %cond3A_562 : i32
      scf.if %cond3A_563 {
        %ge3A = arith.constant 2 : i32
        %ge3A_796 = arith.cmpi sge, %add3A_535, %ge3A : i32
        %convert_element_type3A_797 = arith.extui %ge3A_796 : i1 to i32
        %cond3A_798 = arith.constant 0 : i32
        %cond3A_799 = arith.cmpi ne, %convert_element_type3A_797, %cond3A_798 : i32
        scf.if %cond3A_799 {
          %sub3A = arith.constant 2 : i32
          %sub3A_812 = arith.subi %add3A_535, %sub3A : i32
          %mul3A_813 = arith.constant 8 : i32
          %mul3A_814 = arith.muli %sub3A_812, %mul3A_813 : i32
          %add3A_815 = arith.addi %mul3A_2, %mul3A_814 : i32
          %dma_wait3A_816 = arith.constant 2 : i32
          %dma_wait3A_817 = arith.constant 0 : i32
          %dma_wait3A_818 = tpu.memref_slice %arg4[%dma_wait3A_816, %add3A_815, %dma_wait3A_817] : memref<4x8192x1024xf32, #tpu.memory_space<hbm>> -> memref<1x8x1024xf32, #tpu.memory_space<hbm>>
          %dma_wait3A_819 = tpu.memref_squeeze %dma_wait3A_818 : memref<1x8x1024xf32, #tpu.memory_space<hbm>> -> memref<8x1024xf32, #tpu.memory_space<hbm>>
          %dma_wait3A_820 = arith.constant 0 : i32
          %dma_wait3A_821 = tpu.memref_slice %arg4[%dma_wait3A_816, %add3A_815, %dma_wait3A_820] : memref<4x8192x1024xf32, #tpu.memory_space<hbm>> -> memref<1x8x1024xf32, #tpu.memory_space<hbm>>
          %dma_wait3A_822 = tpu.memref_squeeze %dma_wait3A_821 : memref<1x8x1024xf32, #tpu.memory_space<hbm>> -> memref<8x1024xf32, #tpu.memory_space<hbm>>
          tpu.wait_dma2 semaphore(%arg45 : memref<!tpu.dma_semaphore, #tpu.memory_space<semaphore_mem>>) src(%arg18 : memref<8x1024xf32, #tpu.memory_space<vmem>>) dst(%dma_wait3A_822 : memref<8x1024xf32, #tpu.memory_space<hbm>>)
        } else {
        }
        %add3A_800 = arith.constant 1 : i32
        %add3A_801 = arith.addi %add3A_535, %add3A_800 : i32
        %mul3A_802 = arith.constant 8 : i32
        %mul3A_803 = arith.muli %add3A_801, %mul3A_802 : i32
        %add3A_804 = arith.addi %mul3A_2, %mul3A_803 : i32
        %dma_start3A_805 = arith.constant 2 : i32
        %dma_start3A_806 = arith.constant 0 : i32
        %dma_start3A_807 = tpu.memref_slice %arg2[%dma_start3A_805, %add3A_804, %dma_start3A_806] : memref<4x8192x1024xf32, #tpu.memory_space<hbm>> -> memref<1x8x1024xf32, #tpu.memory_space<hbm>>
        %dma_start3A_808 = tpu.memref_squeeze %dma_start3A_807 : memref<1x8x1024xf32, #tpu.memory_space<hbm>> -> memref<8x1024xf32, #tpu.memory_space<hbm>>
        %dma_start3A_809 = arith.constant 0 : i32
        %dma_start3A_810 = tpu.memref_slice %arg2[%dma_start3A_805, %add3A_804, %dma_start3A_809] : memref<4x8192x1024xf32, #tpu.memory_space<hbm>> -> memref<1x8x1024xf32, #tpu.memory_space<hbm>>
        %dma_start3A_811 = tpu.memref_squeeze %dma_start3A_810 : memref<1x8x1024xf32, #tpu.memory_space<hbm>> -> memref<8x1024xf32, #tpu.memory_space<hbm>>
        tpu.enqueue_dma source(%dma_start3A_811 : memref<8x1024xf32, #tpu.memory_space<hbm>>) target(%arg18 : memref<8x1024xf32, #tpu.memory_space<vmem>>) target_semaphore(%arg33 : memref<!tpu.dma_semaphore, #tpu.memory_space<semaphore_mem>>)
      } else {
      }
      %add3A_564 = arith.constant 1 : i32
      %add3A_565 = arith.addi %add3A_535, %add3A_564 : i32
      %lt3A_566 = arith.constant 32 : i32
      %lt3A_567 = arith.cmpi slt, %add3A_565, %lt3A_566 : i32
      %convert_element_type3A_568 = arith.extui %lt3A_567 : i1 to i32
      %cond3A_569 = arith.constant 0 : i32
      %cond3A_570 = arith.cmpi ne, %convert_element_type3A_568, %cond3A_569 : i32
      scf.if %cond3A_570 {
        %ge3A = arith.constant 2 : i32
        %ge3A_796 = arith.cmpi sge, %add3A_535, %ge3A : i32
        %convert_element_type3A_797 = arith.extui %ge3A_796 : i1 to i32
        %cond3A_798 = arith.constant 0 : i32
        %cond3A_799 = arith.cmpi ne, %convert_element_type3A_797, %cond3A_798 : i32
        scf.if %cond3A_799 {
          %sub3A = arith.constant 2 : i32
          %sub3A_812 = arith.subi %add3A_535, %sub3A : i32
          %mul3A_813 = arith.constant 8 : i32
          %mul3A_814 = arith.muli %sub3A_812, %mul3A_813 : i32
          %add3A_815 = arith.addi %mul3A_2, %mul3A_814 : i32
          %dma_wait3A_816 = arith.constant 3 : i32
          %dma_wait3A_817 = arith.constant 0 : i32
          %dma_wait3A_818 = tpu.memref_slice %arg4[%dma_wait3A_816, %add3A_815, %dma_wait3A_817] : memref<4x8192x1024xf32, #tpu.memory_space<hbm>> -> memref<1x8x1024xf32, #tpu.memory_space<hbm>>
          %dma_wait3A_819 = tpu.memref_squeeze %dma_wait3A_818 : memref<1x8x1024xf32, #tpu.memory_space<hbm>> -> memref<8x1024xf32, #tpu.memory_space<hbm>>
          %dma_wait3A_820 = arith.constant 0 : i32
          %dma_wait3A_821 = tpu.memref_slice %arg4[%dma_wait3A_816, %add3A_815, %dma_wait3A_820] : memref<4x8192x1024xf32, #tpu.memory_space<hbm>> -> memref<1x8x1024xf32, #tpu.memory_space<hbm>>
          %dma_wait3A_822 = tpu.memref_squeeze %dma_wait3A_821 : memref<1x8x1024xf32, #tpu.memory_space<hbm>> -> memref<8x1024xf32, #tpu.memory_space<hbm>>
          tpu.wait_dma2 semaphore(%arg46 : memref<!tpu.dma_semaphore, #tpu.memory_space<semaphore_mem>>) src(%arg19 : memref<8x1024xf32, #tpu.memory_space<vmem>>) dst(%dma_wait3A_822 : memref<8x1024xf32, #tpu.memory_space<hbm>>)
        } else {
        }
        %add3A_800 = arith.constant 1 : i32
        %add3A_801 = arith.addi %add3A_535, %add3A_800 : i32
        %mul3A_802 = arith.constant 8 : i32
        %mul3A_803 = arith.muli %add3A_801, %mul3A_802 : i32
        %add3A_804 = arith.addi %mul3A_2, %mul3A_803 : i32
        %dma_start3A_805 = arith.constant 3 : i32
        %dma_start3A_806 = arith.constant 0 : i32
        %dma_start3A_807 = tpu.memref_slice %arg2[%dma_start3A_805, %add3A_804, %dma_start3A_806] : memref<4x8192x1024xf32, #tpu.memory_space<hbm>> -> memref<1x8x1024xf32, #tpu.memory_space<hbm>>
        %dma_start3A_808 = tpu.memref_squeeze %dma_start3A_807 : memref<1x8x1024xf32, #tpu.memory_space<hbm>> -> memref<8x1024xf32, #tpu.memory_space<hbm>>
        %dma_start3A_809 = arith.constant 0 : i32
        %dma_start3A_810 = tpu.memref_slice %arg2[%dma_start3A_805, %add3A_804, %dma_start3A_809] : memref<4x8192x1024xf32, #tpu.memory_space<hbm>> -> memref<1x8x1024xf32, #tpu.memory_space<hbm>>
        %dma_start3A_811 = tpu.memref_squeeze %dma_start3A_810 : memref<1x8x1024xf32, #tpu.memory_space<hbm>> -> memref<8x1024xf32, #tpu.memory_space<hbm>>
        tpu.enqueue_dma source(%dma_start3A_811 : memref<8x1024xf32, #tpu.memory_space<hbm>>) target(%arg19 : memref<8x1024xf32, #tpu.memory_space<vmem>>) target_semaphore(%arg34 : memref<!tpu.dma_semaphore, #tpu.memory_space<semaphore_mem>>)
      } else {
      }
      %mul3A_571 = arith.constant 8 : i32
      %mul3A_572 = arith.muli %add3A_535, %mul3A_571 : i32
      %add3A_573 = arith.addi %mul3A_2, %mul3A_572 : i32
      %dma_wait3A_574 = arith.constant 0 : i32
      %dma_wait3A_575 = tpu.memref_slice %arg3[%add3A_573, %dma_wait3A_574] : memref<8192x1024xf32, #tpu.memory_space<hbm>> -> memref<8x1024xf32, #tpu.memory_space<hbm>>
      %dma_wait3A_576 = arith.constant 0 : i32
      %dma_wait3A_577 = tpu.memref_slice %arg3[%add3A_573, %dma_wait3A_576] : memref<8192x1024xf32, #tpu.memory_space<hbm>> -> memref<8x1024xf32, #tpu.memory_space<hbm>>
      tpu.wait_dma2 semaphore(%arg21 : memref<!tpu.dma_semaphore, #tpu.memory_space<semaphore_mem>>) src(%dma_wait3A_577 : memref<8x1024xf32, #tpu.memory_space<hbm>>) dst(%arg6 : memref<8x1024xf32, #tpu.memory_space<vmem>>)
      %mul3A_578 = arith.constant 8 : i32
      %mul3A_579 = arith.muli %add3A_535, %mul3A_578 : i32
      %add3A_580 = arith.addi %mul3A_2, %mul3A_579 : i32
      %dma_wait3A_581 = arith.constant 0 : i32
      %dma_wait3A_582 = arith.constant 0 : i32
      %dma_wait3A_583 = tpu.memref_slice %arg2[%dma_wait3A_581, %add3A_580, %dma_wait3A_582] : memref<4x8192x1024xf32, #tpu.memory_space<hbm>> -> memref<1x8x1024xf32, #tpu.memory_space<hbm>>
      %dma_wait3A_584 = tpu.memref_squeeze %dma_wait3A_583 : memref<1x8x1024xf32, #tpu.memory_space<hbm>> -> memref<8x1024xf32, #tpu.memory_space<hbm>>
      %dma_wait3A_585 = arith.constant 0 : i32
      %dma_wait3A_586 = tpu.memref_slice %arg2[%dma_wait3A_581, %add3A_580, %dma_wait3A_585] : memref<4x8192x1024xf32, #tpu.memory_space<hbm>> -> memref<1x8x1024xf32, #tpu.memory_space<hbm>>
      %dma_wait3A_587 = tpu.memref_squeeze %dma_wait3A_586 : memref<1x8x1024xf32, #tpu.memory_space<hbm>> -> memref<8x1024xf32, #tpu.memory_space<hbm>>
      tpu.wait_dma2 semaphore(%arg27 : memref<!tpu.dma_semaphore, #tpu.memory_space<semaphore_mem>>) src(%dma_wait3A_587 : memref<8x1024xf32, #tpu.memory_space<hbm>>) dst(%arg12 : memref<8x1024xf32, #tpu.memory_space<vmem>>)
      %mul3A_588 = arith.constant 8 : i32
      %mul3A_589 = arith.muli %add3A_535, %mul3A_588 : i32
      %add3A_590 = arith.addi %mul3A_2, %mul3A_589 : i32
      %dma_wait3A_591 = arith.constant 1 : i32
      %dma_wait3A_592 = arith.constant 0 : i32
      %dma_wait3A_593 = tpu.memref_slice %arg2[%dma_wait3A_591, %add3A_590, %dma_wait3A_592] : memref<4x8192x1024xf32, #tpu.memory_space<hbm>> -> memref<1x8x1024xf32, #tpu.memory_space<hbm>>
      %dma_wait3A_594 = tpu.memref_squeeze %dma_wait3A_593 : memref<1x8x1024xf32, #tpu.memory_space<hbm>> -> memref<8x1024xf32, #tpu.memory_space<hbm>>
      %dma_wait3A_595 = arith.constant 0 : i32
      %dma_wait3A_596 = tpu.memref_slice %arg2[%dma_wait3A_591, %add3A_590, %dma_wait3A_595] : memref<4x8192x1024xf32, #tpu.memory_space<hbm>> -> memref<1x8x1024xf32, #tpu.memory_space<hbm>>
      %dma_wait3A_597 = tpu.memref_squeeze %dma_wait3A_596 : memref<1x8x1024xf32, #tpu.memory_space<hbm>> -> memref<8x1024xf32, #tpu.memory_space<hbm>>
      tpu.wait_dma2 semaphore(%arg28 : memref<!tpu.dma_semaphore, #tpu.memory_space<semaphore_mem>>) src(%dma_wait3A_597 : memref<8x1024xf32, #tpu.memory_space<hbm>>) dst(%arg13 : memref<8x1024xf32, #tpu.memory_space<vmem>>)
      %mul3A_598 = arith.constant 8 : i32
      %mul3A_599 = arith.muli %add3A_535, %mul3A_598 : i32
      %add3A_600 = arith.addi %mul3A_2, %mul3A_599 : i32
      %dma_wait3A_601 = arith.constant 2 : i32
      %dma_wait3A_602 = arith.constant 0 : i32
      %dma_wait3A_603 = tpu.memref_slice %arg2[%dma_wait3A_601, %add3A_600, %dma_wait3A_602] : memref<4x8192x1024xf32, #tpu.memory_space<hbm>> -> memref<1x8x1024xf32, #tpu.memory_space<hbm>>
      %dma_wait3A_604 = tpu.memref_squeeze %dma_wait3A_603 : memref<1x8x1024xf32, #tpu.memory_space<hbm>> -> memref<8x1024xf32, #tpu.memory_space<hbm>>
      %dma_wait3A_605 = arith.constant 0 : i32
      %dma_wait3A_606 = tpu.memref_slice %arg2[%dma_wait3A_601, %add3A_600, %dma_wait3A_605] : memref<4x8192x1024xf32, #tpu.memory_space<hbm>> -> memref<1x8x1024xf32, #tpu.memory_space<hbm>>
      %dma_wait3A_607 = tpu.memref_squeeze %dma_wait3A_606 : memref<1x8x1024xf32, #tpu.memory_space<hbm>> -> memref<8x1024xf32, #tpu.memory_space<hbm>>
      tpu.wait_dma2 semaphore(%arg29 : memref<!tpu.dma_semaphore, #tpu.memory_space<semaphore_mem>>) src(%dma_wait3A_607 : memref<8x1024xf32, #tpu.memory_space<hbm>>) dst(%arg14 : memref<8x1024xf32, #tpu.memory_space<vmem>>)
      %mul3A_608 = arith.constant 8 : i32
      %mul3A_609 = arith.muli %add3A_535, %mul3A_608 : i32
      %add3A_610 = arith.addi %mul3A_2, %mul3A_609 : i32
      %dma_wait3A_611 = arith.constant 3 : i32
      %dma_wait3A_612 = arith.constant 0 : i32
      %dma_wait3A_613 = tpu.memref_slice %arg2[%dma_wait3A_611, %add3A_610, %dma_wait3A_612] : memref<4x8192x1024xf32, #tpu.memory_space<hbm>> -> memref<1x8x1024xf32, #tpu.memory_space<hbm>>
      %dma_wait3A_614 = tpu.memref_squeeze %dma_wait3A_613 : memref<1x8x1024xf32, #tpu.memory_space<hbm>> -> memref<8x1024xf32, #tpu.memory_space<hbm>>
      %dma_wait3A_615 = arith.constant 0 : i32
      %dma_wait3A_616 = tpu.memref_slice %arg2[%dma_wait3A_611, %add3A_610, %dma_wait3A_615] : memref<4x8192x1024xf32, #tpu.memory_space<hbm>> -> memref<1x8x1024xf32, #tpu.memory_space<hbm>>
      %dma_wait3A_617 = tpu.memref_squeeze %dma_wait3A_616 : memref<1x8x1024xf32, #tpu.memory_space<hbm>> -> memref<8x1024xf32, #tpu.memory_space<hbm>>
      tpu.wait_dma2 semaphore(%arg30 : memref<!tpu.dma_semaphore, #tpu.memory_space<semaphore_mem>>) src(%dma_wait3A_617 : memref<8x1024xf32, #tpu.memory_space<hbm>>) dst(%arg15 : memref<8x1024xf32, #tpu.memory_space<vmem>>)
      %scan3A_618 = arith.constant 0 : i32
      %scan3A_619 = arith.constant 0 : i32
      %scan3A_620 = arith.constant 128 : i32
      %scan3A_621 = arith.addi %scan3A_619, %scan3A_620 : i32
      %scan3A_622 = arith.constant 1 : i32
      scf.for %scan3A_796 = %scan3A_619 to %scan3A_621 step %scan3A_622  : i32 {
        %mul3A_797 = arith.constant 4 : i32
        %mul3A_798 = arith.muli %scan3A_796, %mul3A_797 : i32
        %add3A_799 = arith.constant 0 : i32
        %add3A_800 = arith.addi %mul3A_798, %add3A_799 : i32
        %mul3A_801 = arith.constant 16 : i32
        %mul3A_802 = arith.muli %add3A_800, %mul3A_801 : i32
        %jit3A = arith.constant 1024 : i32
        %div3A = arith.divsi %mul3A_802, %jit3A : i32
        %sign3A = arith.constant 0 : i32
        %sign3A_803 = arith.cmpi sgt, %mul3A_802, %sign3A : i32
        %sign3A_804 = arith.extui %sign3A_803 : i1 to i32
        %sign3A_805 = arith.constant 0 : i32
        %sign3A_806 = arith.cmpi slt, %mul3A_802, %sign3A_805 : i32
        %sign3A_807 = arith.extui %sign3A_806 : i1 to i32
        %sign3A_808 = arith.subi %sign3A_804, %sign3A_807 : i32
        %sign3A_809 = arith.constant 0 : i32
        %sign3A_810 = arith.cmpi sgt, %jit3A, %sign3A_809 : i32
        %sign3A_811 = arith.extui %sign3A_810 : i1 to i32
        %sign3A_812 = arith.constant 0 : i32
        %sign3A_813 = arith.cmpi slt, %jit3A, %sign3A_812 : i32
        %sign3A_814 = arith.extui %sign3A_813 : i1 to i32
        %sign3A_815 = arith.subi %sign3A_811, %sign3A_814 : i32
        %ne3A = arith.cmpi ne, %sign3A_808, %sign3A_815 : i32
        %rem3A = arith.remsi %mul3A_802, %jit3A : i32
        %ne3A_816 = arith.constant 0 : i32
        %ne3A_817 = arith.cmpi ne, %rem3A, %ne3A_816 : i32
        %and3A = arith.andi %ne3A, %ne3A_817 : i1
        %sub3A = arith.constant 1 : i32
        %sub3A_818 = arith.subi %div3A, %sub3A : i32
        %select_n3A = arith.select %and3A, %sub3A_818, %div3A : i32
        %jit3A_819 = arith.constant 1024 : i32
        %eq3A = arith.constant 0 : i32
        %eq3A_820 = arith.cmpi eq, %jit3A_819, %eq3A : i32
        %jit3A_821 = arith.constant 1 : i32
        %select_n3A_822 = arith.select %eq3A_820, %jit3A_821, %jit3A_819 : i32
        %rem3A_823 = arith.remsi %mul3A_802, %select_n3A_822 : i32
        %ne3A_824 = arith.constant 0 : i32
        %ne3A_825 = arith.cmpi ne, %rem3A_823, %ne3A_824 : i32
        %lt3A_826 = arith.constant 0 : i32
        %lt3A_827 = arith.cmpi slt, %rem3A_823, %lt3A_826 : i32
        %lt3A_828 = arith.constant 0 : i32
        %lt3A_829 = arith.cmpi slt, %select_n3A_822, %lt3A_828 : i32
        %ne3A_830 = arith.xori %lt3A_827, %lt3A_829 : i1
        %and3A_831 = arith.andi %ne3A_830, %ne3A_825 : i1
        %add3A_832 = arith.addi %rem3A_823, %select_n3A_822 : i32
        %select_n3A_833 = arith.select %and3A_831, %add3A_832, %rem3A_823 : i32
        %get3A = arith.index_cast %select_n3A : i32 to index
        %get3A_834 = arith.index_cast %select_n3A_833 : i32 to index
        %get3A_835 = tpu.vector_load %arg6[%get3A, %get3A_834] {strides = array<i32>} : memref<8x1024xf32, #tpu.memory_space<vmem>>, vector<1x16xf32>,
        %get3A_836 = vector.shape_cast %get3A_835 : vector<1x16xf32> to vector<16xf32>
        %get3A_837 = arith.index_cast %select_n3A : i32 to index
        %get3A_838 = arith.index_cast %select_n3A_833 : i32 to index
        %get3A_839 = tpu.vector_load %arg12[%get3A_837, %get3A_838] {strides = array<i32>} : memref<8x1024xf32, #tpu.memory_space<vmem>>, vector<1x16xf32>,
        %get3A_840 = vector.shape_cast %get3A_839 : vector<1x16xf32> to vector<16xf32>
        %add3A_841 = arith.addf %get3A_840, %get3A_836 : vector<16xf32>
        %swap3A = arith.index_cast %select_n3A : i32 to index
        %swap3A_842 = arith.index_cast %select_n3A_833 : i32 to index
        %swap3A_843 = tpu.vector_load %arg12[%swap3A, %swap3A_842] {strides = array<i32>} : memref<8x1024xf32, #tpu.memory_space<vmem>>, vector<1x16xf32>,
        %swap3A_844 = vector.shape_cast %swap3A_843 : vector<1x16xf32> to vector<16xf32>
        %swap3A_845 = vector.shape_cast %add3A_841 : vector<16xf32> to vector<1x16xf32>
        tpu.vector_store %arg12[%swap3A, %swap3A_842], %swap3A_845 {strides = array<i32>} : memref<8x1024xf32, #tpu.memory_space<vmem>>, vector<1x16xf32>,
        %get3A_846 = arith.index_cast %select_n3A : i32 to index
        %get3A_847 = arith.index_cast %select_n3A_833 : i32 to index
        %get3A_848 = tpu.vector_load %arg13[%get3A_846, %get3A_847] {strides = array<i32>} : memref<8x1024xf32, #tpu.memory_space<vmem>>, vector<1x16xf32>,
        %get3A_849 = vector.shape_cast %get3A_848 : vector<1x16xf32> to vector<16xf32>
        %add3A_850 = arith.addf %get3A_849, %get3A_836 : vector<16xf32>
        %swap3A_851 = arith.index_cast %select_n3A : i32 to index
        %swap3A_852 = arith.index_cast %select_n3A_833 : i32 to index
        %swap3A_853 = tpu.vector_load %arg13[%swap3A_851, %swap3A_852] {strides = array<i32>} : memref<8x1024xf32, #tpu.memory_space<vmem>>, vector<1x16xf32>,
        %swap3A_854 = vector.shape_cast %swap3A_853 : vector<1x16xf32> to vector<16xf32>
        %swap3A_855 = vector.shape_cast %add3A_850 : vector<16xf32> to vector<1x16xf32>
        tpu.vector_store %arg13[%swap3A_851, %swap3A_852], %swap3A_855 {strides = array<i32>} : memref<8x1024xf32, #tpu.memory_space<vmem>>, vector<1x16xf32>,
        %get3A_856 = arith.index_cast %select_n3A : i32 to index
        %get3A_857 = arith.index_cast %select_n3A_833 : i32 to index
        %get3A_858 = tpu.vector_load %arg14[%get3A_856, %get3A_857] {strides = array<i32>} : memref<8x1024xf32, #tpu.memory_space<vmem>>, vector<1x16xf32>,
        %get3A_859 = vector.shape_cast %get3A_858 : vector<1x16xf32> to vector<16xf32>
        %add3A_860 = arith.addf %get3A_859, %get3A_836 : vector<16xf32>
        %swap3A_861 = arith.index_cast %select_n3A : i32 to index
        %swap3A_862 = arith.index_cast %select_n3A_833 : i32 to index
        %swap3A_863 = tpu.vector_load %arg14[%swap3A_861, %swap3A_862] {strides = array<i32>} : memref<8x1024xf32, #tpu.memory_space<vmem>>, vector<1x16xf32>,
        %swap3A_864 = vector.shape_cast %swap3A_863 : vector<1x16xf32> to vector<16xf32>
        %swap3A_865 = vector.shape_cast %add3A_860 : vector<16xf32> to vector<1x16xf32>
        tpu.vector_store %arg14[%swap3A_861, %swap3A_862], %swap3A_865 {strides = array<i32>} : memref<8x1024xf32, #tpu.memory_space<vmem>>, vector<1x16xf32>,
        %get3A_866 = arith.index_cast %select_n3A : i32 to index
        %get3A_867 = arith.index_cast %select_n3A_833 : i32 to index
        %get3A_868 = tpu.vector_load %arg15[%get3A_866, %get3A_867] {strides = array<i32>} : memref<8x1024xf32, #tpu.memory_space<vmem>>, vector<1x16xf32>,
        %get3A_869 = vector.shape_cast %get3A_868 : vector<1x16xf32> to vector<16xf32>
        %add3A_870 = arith.addf %get3A_869, %get3A_836 : vector<16xf32>
        %swap3A_871 = arith.index_cast %select_n3A : i32 to index
        %swap3A_872 = arith.index_cast %select_n3A_833 : i32 to index
        %swap3A_873 = tpu.vector_load %arg15[%swap3A_871, %swap3A_872] {strides = array<i32>} : memref<8x1024xf32, #tpu.memory_space<vmem>>, vector<1x16xf32>,
        %swap3A_874 = vector.shape_cast %swap3A_873 : vector<1x16xf32> to vector<16xf32>
        %swap3A_875 = vector.shape_cast %add3A_870 : vector<16xf32> to vector<1x16xf32>
        tpu.vector_store %arg15[%swap3A_871, %swap3A_872], %swap3A_875 {strides = array<i32>} : memref<8x1024xf32, #tpu.memory_space<vmem>>, vector<1x16xf32>,
        %mul3A_876 = arith.constant 4 : i32
        %mul3A_877 = arith.muli %scan3A_796, %mul3A_876 : i32
        %add3A_878 = arith.constant 1 : i32
        %add3A_879 = arith.addi %mul3A_877, %add3A_878 : i32
        %mul3A_880 = arith.constant 16 : i32
        %mul3A_881 = arith.muli %add3A_879, %mul3A_880 : i32
        %jit3A_882 = arith.constant 1024 : i32
        %div3A_883 = arith.divsi %mul3A_881, %jit3A_882 : i32
        %sign3A_884 = arith.constant 0 : i32
        %sign3A_885 = arith.cmpi sgt, %mul3A_881, %sign3A_884 : i32
        %sign3A_886 = arith.extui %sign3A_885 : i1 to i32
        %sign3A_887 = arith.constant 0 : i32
        %sign3A_888 = arith.cmpi slt, %mul3A_881, %sign3A_887 : i32
        %sign3A_889 = arith.extui %sign3A_888 : i1 to i32
        %sign3A_890 = arith.subi %sign3A_886, %sign3A_889 : i32
        %sign3A_891 = arith.constant 0 : i32
        %sign3A_892 = arith.cmpi sgt, %jit3A_882, %sign3A_891 : i32
        %sign3A_893 = arith.extui %sign3A_892 : i1 to i32
        %sign3A_894 = arith.constant 0 : i32
        %sign3A_895 = arith.cmpi slt, %jit3A_882, %sign3A_894 : i32
        %sign3A_896 = arith.extui %sign3A_895 : i1 to i32
        %sign3A_897 = arith.subi %sign3A_893, %sign3A_896 : i32
        %ne3A_898 = arith.cmpi ne, %sign3A_890, %sign3A_897 : i32
        %rem3A_899 = arith.remsi %mul3A_881, %jit3A_882 : i32
        %ne3A_900 = arith.constant 0 : i32
        %ne3A_901 = arith.cmpi ne, %rem3A_899, %ne3A_900 : i32
        %and3A_902 = arith.andi %ne3A_898, %ne3A_901 : i1
        %sub3A_903 = arith.constant 1 : i32
        %sub3A_904 = arith.subi %div3A_883, %sub3A_903 : i32
        %select_n3A_905 = arith.select %and3A_902, %sub3A_904, %div3A_883 : i32
        %jit3A_906 = arith.constant 1024 : i32
        %eq3A_907 = arith.constant 0 : i32
        %eq3A_908 = arith.cmpi eq, %jit3A_906, %eq3A_907 : i32
        %jit3A_909 = arith.constant 1 : i32
        %select_n3A_910 = arith.select %eq3A_908, %jit3A_909, %jit3A_906 : i32
        %rem3A_911 = arith.remsi %mul3A_881, %select_n3A_910 : i32
        %ne3A_912 = arith.constant 0 : i32
        %ne3A_913 = arith.cmpi ne, %rem3A_911, %ne3A_912 : i32
        %lt3A_914 = arith.constant 0 : i32
        %lt3A_915 = arith.cmpi slt, %rem3A_911, %lt3A_914 : i32
        %lt3A_916 = arith.constant 0 : i32
        %lt3A_917 = arith.cmpi slt, %select_n3A_910, %lt3A_916 : i32
        %ne3A_918 = arith.xori %lt3A_915, %lt3A_917 : i1
        %and3A_919 = arith.andi %ne3A_918, %ne3A_913 : i1
        %add3A_920 = arith.addi %rem3A_911, %select_n3A_910 : i32
        %select_n3A_921 = arith.select %and3A_919, %add3A_920, %rem3A_911 : i32
        %get3A_922 = arith.index_cast %select_n3A_905 : i32 to index
        %get3A_923 = arith.index_cast %select_n3A_921 : i32 to index
        %get3A_924 = tpu.vector_load %arg6[%get3A_922, %get3A_923] {strides = array<i32>} : memref<8x1024xf32, #tpu.memory_space<vmem>>, vector<1x16xf32>,
        %get3A_925 = vector.shape_cast %get3A_924 : vector<1x16xf32> to vector<16xf32>
        %get3A_926 = arith.index_cast %select_n3A_905 : i32 to index
        %get3A_927 = arith.index_cast %select_n3A_921 : i32 to index
        %get3A_928 = tpu.vector_load %arg12[%get3A_926, %get3A_927] {strides = array<i32>} : memref<8x1024xf32, #tpu.memory_space<vmem>>, vector<1x16xf32>,
        %get3A_929 = vector.shape_cast %get3A_928 : vector<1x16xf32> to vector<16xf32>
        %add3A_930 = arith.addf %get3A_929, %get3A_925 : vector<16xf32>
        %swap3A_931 = arith.index_cast %select_n3A_905 : i32 to index
        %swap3A_932 = arith.index_cast %select_n3A_921 : i32 to index
        %swap3A_933 = tpu.vector_load %arg12[%swap3A_931, %swap3A_932] {strides = array<i32>} : memref<8x1024xf32, #tpu.memory_space<vmem>>, vector<1x16xf32>,
        %swap3A_934 = vector.shape_cast %swap3A_933 : vector<1x16xf32> to vector<16xf32>
        %swap3A_935 = vector.shape_cast %add3A_930 : vector<16xf32> to vector<1x16xf32>
        tpu.vector_store %arg12[%swap3A_931, %swap3A_932], %swap3A_935 {strides = array<i32>} : memref<8x1024xf32, #tpu.memory_space<vmem>>, vector<1x16xf32>,
        %get3A_936 = arith.index_cast %select_n3A_905 : i32 to index
        %get3A_937 = arith.index_cast %select_n3A_921 : i32 to index
        %get3A_938 = tpu.vector_load %arg13[%get3A_936, %get3A_937] {strides = array<i32>} : memref<8x1024xf32, #tpu.memory_space<vmem>>, vector<1x16xf32>,
        %get3A_939 = vector.shape_cast %get3A_938 : vector<1x16xf32> to vector<16xf32>
        %add3A_940 = arith.addf %get3A_939, %get3A_925 : vector<16xf32>
        %swap3A_941 = arith.index_cast %select_n3A_905 : i32 to index
        %swap3A_942 = arith.index_cast %select_n3A_921 : i32 to index
        %swap3A_943 = tpu.vector_load %arg13[%swap3A_941, %swap3A_942] {strides = array<i32>} : memref<8x1024xf32, #tpu.memory_space<vmem>>, vector<1x16xf32>,
        %swap3A_944 = vector.shape_cast %swap3A_943 : vector<1x16xf32> to vector<16xf32>
        %swap3A_945 = vector.shape_cast %add3A_940 : vector<16xf32> to vector<1x16xf32>
        tpu.vector_store %arg13[%swap3A_941, %swap3A_942], %swap3A_945 {strides = array<i32>} : memref<8x1024xf32, #tpu.memory_space<vmem>>, vector<1x16xf32>,
        %get3A_946 = arith.index_cast %select_n3A_905 : i32 to index
        %get3A_947 = arith.index_cast %select_n3A_921 : i32 to index
        %get3A_948 = tpu.vector_load %arg14[%get3A_946, %get3A_947] {strides = array<i32>} : memref<8x1024xf32, #tpu.memory_space<vmem>>, vector<1x16xf32>,
        %get3A_949 = vector.shape_cast %get3A_948 : vector<1x16xf32> to vector<16xf32>
        %add3A_950 = arith.addf %get3A_949, %get3A_925 : vector<16xf32>
        %swap3A_951 = arith.index_cast %select_n3A_905 : i32 to index
        %swap3A_952 = arith.index_cast %select_n3A_921 : i32 to index
        %swap3A_953 = tpu.vector_load %arg14[%swap3A_951, %swap3A_952] {strides = array<i32>} : memref<8x1024xf32, #tpu.memory_space<vmem>>, vector<1x16xf32>,
        %swap3A_954 = vector.shape_cast %swap3A_953 : vector<1x16xf32> to vector<16xf32>
        %swap3A_955 = vector.shape_cast %add3A_950 : vector<16xf32> to vector<1x16xf32>
        tpu.vector_store %arg14[%swap3A_951, %swap3A_952], %swap3A_955 {strides = array<i32>} : memref<8x1024xf32, #tpu.memory_space<vmem>>, vector<1x16xf32>,
        %get3A_956 = arith.index_cast %select_n3A_905 : i32 to index
        %get3A_957 = arith.index_cast %select_n3A_921 : i32 to index
        %get3A_958 = tpu.vector_load %arg15[%get3A_956, %get3A_957] {strides = array<i32>} : memref<8x1024xf32, #tpu.memory_space<vmem>>, vector<1x16xf32>,
        %get3A_959 = vector.shape_cast %get3A_958 : vector<1x16xf32> to vector<16xf32>
        %add3A_960 = arith.addf %get3A_959, %get3A_925 : vector<16xf32>
        %swap3A_961 = arith.index_cast %select_n3A_905 : i32 to index
        %swap3A_962 = arith.index_cast %select_n3A_921 : i32 to index
        %swap3A_963 = tpu.vector_load %arg15[%swap3A_961, %swap3A_962] {strides = array<i32>} : memref<8x1024xf32, #tpu.memory_space<vmem>>, vector<1x16xf32>,
        %swap3A_964 = vector.shape_cast %swap3A_963 : vector<1x16xf32> to vector<16xf32>
        %swap3A_965 = vector.shape_cast %add3A_960 : vector<16xf32> to vector<1x16xf32>
        tpu.vector_store %arg15[%swap3A_961, %swap3A_962], %swap3A_965 {strides = array<i32>} : memref<8x1024xf32, #tpu.memory_space<vmem>>, vector<1x16xf32>,
        %mul3A_966 = arith.constant 4 : i32
        %mul3A_967 = arith.muli %scan3A_796, %mul3A_966 : i32
        %add3A_968 = arith.constant 2 : i32
        %add3A_969 = arith.addi %mul3A_967, %add3A_968 : i32
        %mul3A_970 = arith.constant 16 : i32
        %mul3A_971 = arith.muli %add3A_969, %mul3A_970 : i32
        %jit3A_972 = arith.constant 1024 : i32
        %div3A_973 = arith.divsi %mul3A_971, %jit3A_972 : i32
        %sign3A_974 = arith.constant 0 : i32
        %sign3A_975 = arith.cmpi sgt, %mul3A_971, %sign3A_974 : i32
        %sign3A_976 = arith.extui %sign3A_975 : i1 to i32
        %sign3A_977 = arith.constant 0 : i32
        %sign3A_978 = arith.cmpi slt, %mul3A_971, %sign3A_977 : i32
        %sign3A_979 = arith.extui %sign3A_978 : i1 to i32
        %sign3A_980 = arith.subi %sign3A_976, %sign3A_979 : i32
        %sign3A_981 = arith.constant 0 : i32
        %sign3A_982 = arith.cmpi sgt, %jit3A_972, %sign3A_981 : i32
        %sign3A_983 = arith.extui %sign3A_982 : i1 to i32
        %sign3A_984 = arith.constant 0 : i32
        %sign3A_985 = arith.cmpi slt, %jit3A_972, %sign3A_984 : i32
        %sign3A_986 = arith.extui %sign3A_985 : i1 to i32
        %sign3A_987 = arith.subi %sign3A_983, %sign3A_986 : i32
        %ne3A_988 = arith.cmpi ne, %sign3A_980, %sign3A_987 : i32
        %rem3A_989 = arith.remsi %mul3A_971, %jit3A_972 : i32
        %ne3A_990 = arith.constant 0 : i32
        %ne3A_991 = arith.cmpi ne, %rem3A_989, %ne3A_990 : i32
        %and3A_992 = arith.andi %ne3A_988, %ne3A_991 : i1
        %sub3A_993 = arith.constant 1 : i32
        %sub3A_994 = arith.subi %div3A_973, %sub3A_993 : i32
        %select_n3A_995 = arith.select %and3A_992, %sub3A_994, %div3A_973 : i32
        %jit3A_996 = arith.constant 1024 : i32
        %eq3A_997 = arith.constant 0 : i32
        %eq3A_998 = arith.cmpi eq, %jit3A_996, %eq3A_997 : i32
        %jit3A_999 = arith.constant 1 : i32
        %select_n3A_1000 = arith.select %eq3A_998, %jit3A_999, %jit3A_996 : i32
        %rem3A_1001 = arith.remsi %mul3A_971, %select_n3A_1000 : i32
        %ne3A_1002 = arith.constant 0 : i32
        %ne3A_1003 = arith.cmpi ne, %rem3A_1001, %ne3A_1002 : i32
        %lt3A_1004 = arith.constant 0 : i32
        %lt3A_1005 = arith.cmpi slt, %rem3A_1001, %lt3A_1004 : i32
        %lt3A_1006 = arith.constant 0 : i32
        %lt3A_1007 = arith.cmpi slt, %select_n3A_1000, %lt3A_1006 : i32
        %ne3A_1008 = arith.xori %lt3A_1005, %lt3A_1007 : i1
        %and3A_1009 = arith.andi %ne3A_1008, %ne3A_1003 : i1
        %add3A_1010 = arith.addi %rem3A_1001, %select_n3A_1000 : i32
        %select_n3A_1011 = arith.select %and3A_1009, %add3A_1010, %rem3A_1001 : i32
        %get3A_1012 = arith.index_cast %select_n3A_995 : i32 to index
        %get3A_1013 = arith.index_cast %select_n3A_1011 : i32 to index
        %get3A_1014 = tpu.vector_load %arg6[%get3A_1012, %get3A_1013] {strides = array<i32>} : memref<8x1024xf32, #tpu.memory_space<vmem>>, vector<1x16xf32>,
        %get3A_1015 = vector.shape_cast %get3A_1014 : vector<1x16xf32> to vector<16xf32>
        %get3A_1016 = arith.index_cast %select_n3A_995 : i32 to index
        %get3A_1017 = arith.index_cast %select_n3A_1011 : i32 to index
        %get3A_1018 = tpu.vector_load %arg12[%get3A_1016, %get3A_1017] {strides = array<i32>} : memref<8x1024xf32, #tpu.memory_space<vmem>>, vector<1x16xf32>,
        %get3A_1019 = vector.shape_cast %get3A_1018 : vector<1x16xf32> to vector<16xf32>
        %add3A_1020 = arith.addf %get3A_1019, %get3A_1015 : vector<16xf32>
        %swap3A_1021 = arith.index_cast %select_n3A_995 : i32 to index
        %swap3A_1022 = arith.index_cast %select_n3A_1011 : i32 to index
        %swap3A_1023 = tpu.vector_load %arg12[%swap3A_1021, %swap3A_1022] {strides = array<i32>} : memref<8x1024xf32, #tpu.memory_space<vmem>>, vector<1x16xf32>,
        %swap3A_1024 = vector.shape_cast %swap3A_1023 : vector<1x16xf32> to vector<16xf32>
        %swap3A_1025 = vector.shape_cast %add3A_1020 : vector<16xf32> to vector<1x16xf32>
        tpu.vector_store %arg12[%swap3A_1021, %swap3A_1022], %swap3A_1025 {strides = array<i32>} : memref<8x1024xf32, #tpu.memory_space<vmem>>, vector<1x16xf32>,
        %get3A_1026 = arith.index_cast %select_n3A_995 : i32 to index
        %get3A_1027 = arith.index_cast %select_n3A_1011 : i32 to index
        %get3A_1028 = tpu.vector_load %arg13[%get3A_1026, %get3A_1027] {strides = array<i32>} : memref<8x1024xf32, #tpu.memory_space<vmem>>, vector<1x16xf32>,
        %get3A_1029 = vector.shape_cast %get3A_1028 : vector<1x16xf32> to vector<16xf32>
        %add3A_1030 = arith.addf %get3A_1029, %get3A_1015 : vector<16xf32>
        %swap3A_1031 = arith.index_cast %select_n3A_995 : i32 to index
        %swap3A_1032 = arith.index_cast %select_n3A_1011 : i32 to index
        %swap3A_1033 = tpu.vector_load %arg13[%swap3A_1031, %swap3A_1032] {strides = array<i32>} : memref<8x1024xf32, #tpu.memory_space<vmem>>, vector<1x16xf32>,
        %swap3A_1034 = vector.shape_cast %swap3A_1033 : vector<1x16xf32> to vector<16xf32>
        %swap3A_1035 = vector.shape_cast %add3A_1030 : vector<16xf32> to vector<1x16xf32>
        tpu.vector_store %arg13[%swap3A_1031, %swap3A_1032], %swap3A_1035 {strides = array<i32>} : memref<8x1024xf32, #tpu.memory_space<vmem>>, vector<1x16xf32>,
        %get3A_1036 = arith.index_cast %select_n3A_995 : i32 to index
        %get3A_1037 = arith.index_cast %select_n3A_1011 : i32 to index
        %get3A_1038 = tpu.vector_load %arg14[%get3A_1036, %get3A_1037] {strides = array<i32>} : memref<8x1024xf32, #tpu.memory_space<vmem>>, vector<1x16xf32>,
        %get3A_1039 = vector.shape_cast %get3A_1038 : vector<1x16xf32> to vector<16xf32>
        %add3A_1040 = arith.addf %get3A_1039, %get3A_1015 : vector<16xf32>
        %swap3A_1041 = arith.index_cast %select_n3A_995 : i32 to index
        %swap3A_1042 = arith.index_cast %select_n3A_1011 : i32 to index
        %swap3A_1043 = tpu.vector_load %arg14[%swap3A_1041, %swap3A_1042] {strides = array<i32>} : memref<8x1024xf32, #tpu.memory_space<vmem>>, vector<1x16xf32>,
        %swap3A_1044 = vector.shape_cast %swap3A_1043 : vector<1x16xf32> to vector<16xf32>
        %swap3A_1045 = vector.shape_cast %add3A_1040 : vector<16xf32> to vector<1x16xf32>
        tpu.vector_store %arg14[%swap3A_1041, %swap3A_1042], %swap3A_1045 {strides = array<i32>} : memref<8x1024xf32, #tpu.memory_space<vmem>>, vector<1x16xf32>,
        %get3A_1046 = arith.index_cast %select_n3A_995 : i32 to index
        %get3A_1047 = arith.index_cast %select_n3A_1011 : i32 to index
        %get3A_1048 = tpu.vector_load %arg15[%get3A_1046, %get3A_1047] {strides = array<i32>} : memref<8x1024xf32, #tpu.memory_space<vmem>>, vector<1x16xf32>,
        %get3A_1049 = vector.shape_cast %get3A_1048 : vector<1x16xf32> to vector<16xf32>
        %add3A_1050 = arith.addf %get3A_1049, %get3A_1015 : vector<16xf32>
        %swap3A_1051 = arith.index_cast %select_n3A_995 : i32 to index
        %swap3A_1052 = arith.index_cast %select_n3A_1011 : i32 to index
        %swap3A_1053 = tpu.vector_load %arg15[%swap3A_1051, %swap3A_1052] {strides = array<i32>} : memref<8x1024xf32, #tpu.memory_space<vmem>>, vector<1x16xf32>,
        %swap3A_1054 = vector.shape_cast %swap3A_1053 : vector<1x16xf32> to vector<16xf32>
        %swap3A_1055 = vector.shape_cast %add3A_1050 : vector<16xf32> to vector<1x16xf32>
        tpu.vector_store %arg15[%swap3A_1051, %swap3A_1052], %swap3A_1055 {strides = array<i32>} : memref<8x1024xf32, #tpu.memory_space<vmem>>, vector<1x16xf32>,
        %mul3A_1056 = arith.constant 4 : i32
        %mul3A_1057 = arith.muli %scan3A_796, %mul3A_1056 : i32
        %add3A_1058 = arith.constant 3 : i32
        %add3A_1059 = arith.addi %mul3A_1057, %add3A_1058 : i32
        %mul3A_1060 = arith.constant 16 : i32
        %mul3A_1061 = arith.muli %add3A_1059, %mul3A_1060 : i32
        %jit3A_1062 = arith.constant 1024 : i32
        %div3A_1063 = arith.divsi %mul3A_1061, %jit3A_1062 : i32
        %sign3A_1064 = arith.constant 0 : i32
        %sign3A_1065 = arith.cmpi sgt, %mul3A_1061, %sign3A_1064 : i32
        %sign3A_1066 = arith.extui %sign3A_1065 : i1 to i32
        %sign3A_1067 = arith.constant 0 : i32
        %sign3A_1068 = arith.cmpi slt, %mul3A_1061, %sign3A_1067 : i32
        %sign3A_1069 = arith.extui %sign3A_1068 : i1 to i32
        %sign3A_1070 = arith.subi %sign3A_1066, %sign3A_1069 : i32
        %sign3A_1071 = arith.constant 0 : i32
        %sign3A_1072 = arith.cmpi sgt, %jit3A_1062, %sign3A_1071 : i32
        %sign3A_1073 = arith.extui %sign3A_1072 : i1 to i32
        %sign3A_1074 = arith.constant 0 : i32
        %sign3A_1075 = arith.cmpi slt, %jit3A_1062, %sign3A_1074 : i32
        %sign3A_1076 = arith.extui %sign3A_1075 : i1 to i32
        %sign3A_1077 = arith.subi %sign3A_1073, %sign3A_1076 : i32
        %ne3A_1078 = arith.cmpi ne, %sign3A_1070, %sign3A_1077 : i32
        %rem3A_1079 = arith.remsi %mul3A_1061, %jit3A_1062 : i32
        %ne3A_1080 = arith.constant 0 : i32
        %ne3A_1081 = arith.cmpi ne, %rem3A_1079, %ne3A_1080 : i32
        %and3A_1082 = arith.andi %ne3A_1078, %ne3A_1081 : i1
        %sub3A_1083 = arith.constant 1 : i32
        %sub3A_1084 = arith.subi %div3A_1063, %sub3A_1083 : i32
        %select_n3A_1085 = arith.select %and3A_1082, %sub3A_1084, %div3A_1063 : i32
        %jit3A_1086 = arith.constant 1024 : i32
        %eq3A_1087 = arith.constant 0 : i32
        %eq3A_1088 = arith.cmpi eq, %jit3A_1086, %eq3A_1087 : i32
        %jit3A_1089 = arith.constant 1 : i32
        %select_n3A_1090 = arith.select %eq3A_1088, %jit3A_1089, %jit3A_1086 : i32
        %rem3A_1091 = arith.remsi %mul3A_1061, %select_n3A_1090 : i32
        %ne3A_1092 = arith.constant 0 : i32
        %ne3A_1093 = arith.cmpi ne, %rem3A_1091, %ne3A_1092 : i32
        %lt3A_1094 = arith.constant 0 : i32
        %lt3A_1095 = arith.cmpi slt, %rem3A_1091, %lt3A_1094 : i32
        %lt3A_1096 = arith.constant 0 : i32
        %lt3A_1097 = arith.cmpi slt, %select_n3A_1090, %lt3A_1096 : i32
        %ne3A_1098 = arith.xori %lt3A_1095, %lt3A_1097 : i1
        %and3A_1099 = arith.andi %ne3A_1098, %ne3A_1093 : i1
        %add3A_1100 = arith.addi %rem3A_1091, %select_n3A_1090 : i32
        %select_n3A_1101 = arith.select %and3A_1099, %add3A_1100, %rem3A_1091 : i32
        %get3A_1102 = arith.index_cast %select_n3A_1085 : i32 to index
        %get3A_1103 = arith.index_cast %select_n3A_1101 : i32 to index
        %get3A_1104 = tpu.vector_load %arg6[%get3A_1102, %get3A_1103] {strides = array<i32>} : memref<8x1024xf32, #tpu.memory_space<vmem>>, vector<1x16xf32>,
        %get3A_1105 = vector.shape_cast %get3A_1104 : vector<1x16xf32> to vector<16xf32>
        %get3A_1106 = arith.index_cast %select_n3A_1085 : i32 to index
        %get3A_1107 = arith.index_cast %select_n3A_1101 : i32 to index
        %get3A_1108 = tpu.vector_load %arg12[%get3A_1106, %get3A_1107] {strides = array<i32>} : memref<8x1024xf32, #tpu.memory_space<vmem>>, vector<1x16xf32>,
        %get3A_1109 = vector.shape_cast %get3A_1108 : vector<1x16xf32> to vector<16xf32>
        %add3A_1110 = arith.addf %get3A_1109, %get3A_1105 : vector<16xf32>
        %swap3A_1111 = arith.index_cast %select_n3A_1085 : i32 to index
        %swap3A_1112 = arith.index_cast %select_n3A_1101 : i32 to index
        %swap3A_1113 = tpu.vector_load %arg12[%swap3A_1111, %swap3A_1112] {strides = array<i32>} : memref<8x1024xf32, #tpu.memory_space<vmem>>, vector<1x16xf32>,
        %swap3A_1114 = vector.shape_cast %swap3A_1113 : vector<1x16xf32> to vector<16xf32>
        %swap3A_1115 = vector.shape_cast %add3A_1110 : vector<16xf32> to vector<1x16xf32>
        tpu.vector_store %arg12[%swap3A_1111, %swap3A_1112], %swap3A_1115 {strides = array<i32>} : memref<8x1024xf32, #tpu.memory_space<vmem>>, vector<1x16xf32>,
        %get3A_1116 = arith.index_cast %select_n3A_1085 : i32 to index
        %get3A_1117 = arith.index_cast %select_n3A_1101 : i32 to index
        %get3A_1118 = tpu.vector_load %arg13[%get3A_1116, %get3A_1117] {strides = array<i32>} : memref<8x1024xf32, #tpu.memory_space<vmem>>, vector<1x16xf32>,
        %get3A_1119 = vector.shape_cast %get3A_1118 : vector<1x16xf32> to vector<16xf32>
        %add3A_1120 = arith.addf %get3A_1119, %get3A_1105 : vector<16xf32>
        %swap3A_1121 = arith.index_cast %select_n3A_1085 : i32 to index
        %swap3A_1122 = arith.index_cast %select_n3A_1101 : i32 to index
        %swap3A_1123 = tpu.vector_load %arg13[%swap3A_1121, %swap3A_1122] {strides = array<i32>} : memref<8x1024xf32, #tpu.memory_space<vmem>>, vector<1x16xf32>,
        %swap3A_1124 = vector.shape_cast %swap3A_1123 : vector<1x16xf32> to vector<16xf32>
        %swap3A_1125 = vector.shape_cast %add3A_1120 : vector<16xf32> to vector<1x16xf32>
        tpu.vector_store %arg13[%swap3A_1121, %swap3A_1122], %swap3A_1125 {strides = array<i32>} : memref<8x1024xf32, #tpu.memory_space<vmem>>, vector<1x16xf32>,
        %get3A_1126 = arith.index_cast %select_n3A_1085 : i32 to index
        %get3A_1127 = arith.index_cast %select_n3A_1101 : i32 to index
        %get3A_1128 = tpu.vector_load %arg14[%get3A_1126, %get3A_1127] {strides = array<i32>} : memref<8x1024xf32, #tpu.memory_space<vmem>>, vector<1x16xf32>,
        %get3A_1129 = vector.shape_cast %get3A_1128 : vector<1x16xf32> to vector<16xf32>
        %add3A_1130 = arith.addf %get3A_1129, %get3A_1105 : vector<16xf32>
        %swap3A_1131 = arith.index_cast %select_n3A_1085 : i32 to index
        %swap3A_1132 = arith.index_cast %select_n3A_1101 : i32 to index
        %swap3A_1133 = tpu.vector_load %arg14[%swap3A_1131, %swap3A_1132] {strides = array<i32>} : memref<8x1024xf32, #tpu.memory_space<vmem>>, vector<1x16xf32>,
        %swap3A_1134 = vector.shape_cast %swap3A_1133 : vector<1x16xf32> to vector<16xf32>
        %swap3A_1135 = vector.shape_cast %add3A_1130 : vector<16xf32> to vector<1x16xf32>
        tpu.vector_store %arg14[%swap3A_1131, %swap3A_1132], %swap3A_1135 {strides = array<i32>} : memref<8x1024xf32, #tpu.memory_space<vmem>>, vector<1x16xf32>,
        %get3A_1136 = arith.index_cast %select_n3A_1085 : i32 to index
        %get3A_1137 = arith.index_cast %select_n3A_1101 : i32 to index
        %get3A_1138 = tpu.vector_load %arg15[%get3A_1136, %get3A_1137] {strides = array<i32>} : memref<8x1024xf32, #tpu.memory_space<vmem>>, vector<1x16xf32>,
        %get3A_1139 = vector.shape_cast %get3A_1138 : vector<1x16xf32> to vector<16xf32>
        %add3A_1140 = arith.addf %get3A_1139, %get3A_1105 : vector<16xf32>
        %swap3A_1141 = arith.index_cast %select_n3A_1085 : i32 to index
        %swap3A_1142 = arith.index_cast %select_n3A_1101 : i32 to index
        %swap3A_1143 = tpu.vector_load %arg15[%swap3A_1141, %swap3A_1142] {strides = array<i32>} : memref<8x1024xf32, #tpu.memory_space<vmem>>, vector<1x16xf32>,
        %swap3A_1144 = vector.shape_cast %swap3A_1143 : vector<1x16xf32> to vector<16xf32>
        %swap3A_1145 = vector.shape_cast %add3A_1140 : vector<16xf32> to vector<1x16xf32>
        tpu.vector_store %arg15[%swap3A_1141, %swap3A_1142], %swap3A_1145 {strides = array<i32>} : memref<8x1024xf32, #tpu.memory_space<vmem>>, vector<1x16xf32>,
      }
      %scan3A_623 = arith.constant 128 : i32
      %mul3A_624 = arith.constant 8 : i32
      %mul3A_625 = arith.muli %add3A_535, %mul3A_624 : i32
      %add3A_626 = arith.addi %mul3A_2, %mul3A_625 : i32
      %dma_start3A_627 = arith.constant 0 : i32
      %dma_start3A_628 = arith.constant 0 : i32
      %dma_start3A_629 = tpu.memref_slice %arg4[%dma_start3A_627, %add3A_626, %dma_start3A_628] : memref<4x8192x1024xf32, #tpu.memory_space<hbm>> -> memref<1x8x1024xf32, #tpu.memory_space<hbm>>
      %dma_start3A_630 = tpu.memref_squeeze %dma_start3A_629 : memref<1x8x1024xf32, #tpu.memory_space<hbm>> -> memref<8x1024xf32, #tpu.memory_space<hbm>>
      %dma_start3A_631 = arith.constant 0 : i32
      %dma_start3A_632 = tpu.memref_slice %arg4[%dma_start3A_627, %add3A_626, %dma_start3A_631] : memref<4x8192x1024xf32, #tpu.memory_space<hbm>> -> memref<1x8x1024xf32, #tpu.memory_space<hbm>>
      %dma_start3A_633 = tpu.memref_squeeze %dma_start3A_632 : memref<1x8x1024xf32, #tpu.memory_space<hbm>> -> memref<8x1024xf32, #tpu.memory_space<hbm>>
      tpu.enqueue_dma source(%arg12 : memref<8x1024xf32, #tpu.memory_space<vmem>>) target(%dma_start3A_633 : memref<8x1024xf32, #tpu.memory_space<hbm>>) target_semaphore(%arg39 : memref<!tpu.dma_semaphore, #tpu.memory_space<semaphore_mem>>)
      %mul3A_634 = arith.constant 8 : i32
      %mul3A_635 = arith.muli %add3A_535, %mul3A_634 : i32
      %add3A_636 = arith.addi %mul3A_2, %mul3A_635 : i32
      %dma_start3A_637 = arith.constant 1 : i32
      %dma_start3A_638 = arith.constant 0 : i32
      %dma_start3A_639 = tpu.memref_slice %arg4[%dma_start3A_637, %add3A_636, %dma_start3A_638] : memref<4x8192x1024xf32, #tpu.memory_space<hbm>> -> memref<1x8x1024xf32, #tpu.memory_space<hbm>>
      %dma_start3A_640 = tpu.memref_squeeze %dma_start3A_639 : memref<1x8x1024xf32, #tpu.memory_space<hbm>> -> memref<8x1024xf32, #tpu.memory_space<hbm>>
      %dma_start3A_641 = arith.constant 0 : i32
      %dma_start3A_642 = tpu.memref_slice %arg4[%dma_start3A_637, %add3A_636, %dma_start3A_641] : memref<4x8192x1024xf32, #tpu.memory_space<hbm>> -> memref<1x8x1024xf32, #tpu.memory_space<hbm>>
      %dma_start3A_643 = tpu.memref_squeeze %dma_start3A_642 : memref<1x8x1024xf32, #tpu.memory_space<hbm>> -> memref<8x1024xf32, #tpu.memory_space<hbm>>
      tpu.enqueue_dma source(%arg13 : memref<8x1024xf32, #tpu.memory_space<vmem>>) target(%dma_start3A_643 : memref<8x1024xf32, #tpu.memory_space<hbm>>) target_semaphore(%arg40 : memref<!tpu.dma_semaphore, #tpu.memory_space<semaphore_mem>>)
      %mul3A_644 = arith.constant 8 : i32
      %mul3A_645 = arith.muli %add3A_535, %mul3A_644 : i32
      %add3A_646 = arith.addi %mul3A_2, %mul3A_645 : i32
      %dma_start3A_647 = arith.constant 2 : i32
      %dma_start3A_648 = arith.constant 0 : i32
      %dma_start3A_649 = tpu.memref_slice %arg4[%dma_start3A_647, %add3A_646, %dma_start3A_648] : memref<4x8192x1024xf32, #tpu.memory_space<hbm>> -> memref<1x8x1024xf32, #tpu.memory_space<hbm>>
      %dma_start3A_650 = tpu.memref_squeeze %dma_start3A_649 : memref<1x8x1024xf32, #tpu.memory_space<hbm>> -> memref<8x1024xf32, #tpu.memory_space<hbm>>
      %dma_start3A_651 = arith.constant 0 : i32
      %dma_start3A_652 = tpu.memref_slice %arg4[%dma_start3A_647, %add3A_646, %dma_start3A_651] : memref<4x8192x1024xf32, #tpu.memory_space<hbm>> -> memref<1x8x1024xf32, #tpu.memory_space<hbm>>
      %dma_start3A_653 = tpu.memref_squeeze %dma_start3A_652 : memref<1x8x1024xf32, #tpu.memory_space<hbm>> -> memref<8x1024xf32, #tpu.memory_space<hbm>>
      tpu.enqueue_dma source(%arg14 : memref<8x1024xf32, #tpu.memory_space<vmem>>) target(%dma_start3A_653 : memref<8x1024xf32, #tpu.memory_space<hbm>>) target_semaphore(%arg41 : memref<!tpu.dma_semaphore, #tpu.memory_space<semaphore_mem>>)
      %mul3A_654 = arith.constant 8 : i32
      %mul3A_655 = arith.muli %add3A_535, %mul3A_654 : i32
      %add3A_656 = arith.addi %mul3A_2, %mul3A_655 : i32
      %dma_start3A_657 = arith.constant 3 : i32
      %dma_start3A_658 = arith.constant 0 : i32
      %dma_start3A_659 = tpu.memref_slice %arg4[%dma_start3A_657, %add3A_656, %dma_start3A_658] : memref<4x8192x1024xf32, #tpu.memory_space<hbm>> -> memref<1x8x1024xf32, #tpu.memory_space<hbm>>
      %dma_start3A_660 = tpu.memref_squeeze %dma_start3A_659 : memref<1x8x1024xf32, #tpu.memory_space<hbm>> -> memref<8x1024xf32, #tpu.memory_space<hbm>>
      %dma_start3A_661 = arith.constant 0 : i32
      %dma_start3A_662 = tpu.memref_slice %arg4[%dma_start3A_657, %add3A_656, %dma_start3A_661] : memref<4x8192x1024xf32, #tpu.memory_space<hbm>> -> memref<1x8x1024xf32, #tpu.memory_space<hbm>>
      %dma_start3A_663 = tpu.memref_squeeze %dma_start3A_662 : memref<1x8x1024xf32, #tpu.memory_space<hbm>> -> memref<8x1024xf32, #tpu.memory_space<hbm>>
      tpu.enqueue_dma source(%arg15 : memref<8x1024xf32, #tpu.memory_space<vmem>>) target(%dma_start3A_663 : memref<8x1024xf32, #tpu.memory_space<hbm>>) target_semaphore(%arg42 : memref<!tpu.dma_semaphore, #tpu.memory_space<semaphore_mem>>)
      %mul3A_664 = arith.constant 3 : i32
      %mul3A_665 = arith.muli %scan3A_402, %mul3A_664 : i32
      %add3A_666 = arith.constant 2 : i32
      %add3A_667 = arith.addi %mul3A_665, %add3A_666 : i32
      %add3A_668 = arith.constant 1 : i32
      %add3A_669 = arith.addi %add3A_667, %add3A_668 : i32
      %lt3A_670 = arith.constant 32 : i32
      %lt3A_671 = arith.cmpi slt, %add3A_669, %lt3A_670 : i32
      %convert_element_type3A_672 = arith.extui %lt3A_671 : i1 to i32
      %cond3A_673 = arith.constant 0 : i32
      %cond3A_674 = arith.cmpi ne, %convert_element_type3A_672, %cond3A_673 : i32
      scf.if %cond3A_674 {
        %add3A_796 = arith.constant 1 : i32
        %add3A_797 = arith.addi %add3A_667, %add3A_796 : i32
        %mul3A_798 = arith.constant 8 : i32
        %mul3A_799 = arith.muli %add3A_797, %mul3A_798 : i32
        %add3A_800 = arith.addi %mul3A_2, %mul3A_799 : i32
        %dma_start3A_801 = arith.constant 0 : i32
        %dma_start3A_802 = tpu.memref_slice %arg3[%add3A_800, %dma_start3A_801] : memref<8192x1024xf32, #tpu.memory_space<hbm>> -> memref<8x1024xf32, #tpu.memory_space<hbm>>
        %dma_start3A_803 = arith.constant 0 : i32
        %dma_start3A_804 = tpu.memref_slice %arg3[%add3A_800, %dma_start3A_803] : memref<8192x1024xf32, #tpu.memory_space<hbm>> -> memref<8x1024xf32, #tpu.memory_space<hbm>>
        tpu.enqueue_dma source(%dma_start3A_804 : memref<8x1024xf32, #tpu.memory_space<hbm>>) target(%arg5 : memref<8x1024xf32, #tpu.memory_space<vmem>>) target_semaphore(%arg20 : memref<!tpu.dma_semaphore, #tpu.memory_space<semaphore_mem>>)
      } else {
      }
      %add3A_675 = arith.constant 1 : i32
      %add3A_676 = arith.addi %add3A_667, %add3A_675 : i32
      %lt3A_677 = arith.constant 32 : i32
      %lt3A_678 = arith.cmpi slt, %add3A_676, %lt3A_677 : i32
      %convert_element_type3A_679 = arith.extui %lt3A_678 : i1 to i32
      %cond3A_680 = arith.constant 0 : i32
      %cond3A_681 = arith.cmpi ne, %convert_element_type3A_679, %cond3A_680 : i32
      scf.if %cond3A_681 {
        %ge3A = arith.constant 2 : i32
        %ge3A_796 = arith.cmpi sge, %add3A_667, %ge3A : i32
        %convert_element_type3A_797 = arith.extui %ge3A_796 : i1 to i32
        %cond3A_798 = arith.constant 0 : i32
        %cond3A_799 = arith.cmpi ne, %convert_element_type3A_797, %cond3A_798 : i32
        scf.if %cond3A_799 {
          %sub3A = arith.constant 2 : i32
          %sub3A_812 = arith.subi %add3A_667, %sub3A : i32
          %mul3A_813 = arith.constant 8 : i32
          %mul3A_814 = arith.muli %sub3A_812, %mul3A_813 : i32
          %add3A_815 = arith.addi %mul3A_2, %mul3A_814 : i32
          %dma_wait3A_816 = arith.constant 0 : i32
          %dma_wait3A_817 = arith.constant 0 : i32
          %dma_wait3A_818 = tpu.memref_slice %arg4[%dma_wait3A_816, %add3A_815, %dma_wait3A_817] : memref<4x8192x1024xf32, #tpu.memory_space<hbm>> -> memref<1x8x1024xf32, #tpu.memory_space<hbm>>
          %dma_wait3A_819 = tpu.memref_squeeze %dma_wait3A_818 : memref<1x8x1024xf32, #tpu.memory_space<hbm>> -> memref<8x1024xf32, #tpu.memory_space<hbm>>
          %dma_wait3A_820 = arith.constant 0 : i32
          %dma_wait3A_821 = tpu.memref_slice %arg4[%dma_wait3A_816, %add3A_815, %dma_wait3A_820] : memref<4x8192x1024xf32, #tpu.memory_space<hbm>> -> memref<1x8x1024xf32, #tpu.memory_space<hbm>>
          %dma_wait3A_822 = tpu.memref_squeeze %dma_wait3A_821 : memref<1x8x1024xf32, #tpu.memory_space<hbm>> -> memref<8x1024xf32, #tpu.memory_space<hbm>>
          tpu.wait_dma2 semaphore(%arg35 : memref<!tpu.dma_semaphore, #tpu.memory_space<semaphore_mem>>) src(%arg8 : memref<8x1024xf32, #tpu.memory_space<vmem>>) dst(%dma_wait3A_822 : memref<8x1024xf32, #tpu.memory_space<hbm>>)
        } else {
        }
        %add3A_800 = arith.constant 1 : i32
        %add3A_801 = arith.addi %add3A_667, %add3A_800 : i32
        %mul3A_802 = arith.constant 8 : i32
        %mul3A_803 = arith.muli %add3A_801, %mul3A_802 : i32
        %add3A_804 = arith.addi %mul3A_2, %mul3A_803 : i32
        %dma_start3A_805 = arith.constant 0 : i32
        %dma_start3A_806 = arith.constant 0 : i32
        %dma_start3A_807 = tpu.memref_slice %arg2[%dma_start3A_805, %add3A_804, %dma_start3A_806] : memref<4x8192x1024xf32, #tpu.memory_space<hbm>> -> memref<1x8x1024xf32, #tpu.memory_space<hbm>>
        %dma_start3A_808 = tpu.memref_squeeze %dma_start3A_807 : memref<1x8x1024xf32, #tpu.memory_space<hbm>> -> memref<8x1024xf32, #tpu.memory_space<hbm>>
        %dma_start3A_809 = arith.constant 0 : i32
        %dma_start3A_810 = tpu.memref_slice %arg2[%dma_start3A_805, %add3A_804, %dma_start3A_809] : memref<4x8192x1024xf32, #tpu.memory_space<hbm>> -> memref<1x8x1024xf32, #tpu.memory_space<hbm>>
        %dma_start3A_811 = tpu.memref_squeeze %dma_start3A_810 : memref<1x8x1024xf32, #tpu.memory_space<hbm>> -> memref<8x1024xf32, #tpu.memory_space<hbm>>
        tpu.enqueue_dma source(%dma_start3A_811 : memref<8x1024xf32, #tpu.memory_space<hbm>>) target(%arg8 : memref<8x1024xf32, #tpu.memory_space<vmem>>) target_semaphore(%arg23 : memref<!tpu.dma_semaphore, #tpu.memory_space<semaphore_mem>>)
      } else {
      }
      %add3A_682 = arith.constant 1 : i32
      %add3A_683 = arith.addi %add3A_667, %add3A_682 : i32
      %lt3A_684 = arith.constant 32 : i32
      %lt3A_685 = arith.cmpi slt, %add3A_683, %lt3A_684 : i32
      %convert_element_type3A_686 = arith.extui %lt3A_685 : i1 to i32
      %cond3A_687 = arith.constant 0 : i32
      %cond3A_688 = arith.cmpi ne, %convert_element_type3A_686, %cond3A_687 : i32
      scf.if %cond3A_688 {
        %ge3A = arith.constant 2 : i32
        %ge3A_796 = arith.cmpi sge, %add3A_667, %ge3A : i32
        %convert_element_type3A_797 = arith.extui %ge3A_796 : i1 to i32
        %cond3A_798 = arith.constant 0 : i32
        %cond3A_799 = arith.cmpi ne, %convert_element_type3A_797, %cond3A_798 : i32
        scf.if %cond3A_799 {
          %sub3A = arith.constant 2 : i32
          %sub3A_812 = arith.subi %add3A_667, %sub3A : i32
          %mul3A_813 = arith.constant 8 : i32
          %mul3A_814 = arith.muli %sub3A_812, %mul3A_813 : i32
          %add3A_815 = arith.addi %mul3A_2, %mul3A_814 : i32
          %dma_wait3A_816 = arith.constant 1 : i32
          %dma_wait3A_817 = arith.constant 0 : i32
          %dma_wait3A_818 = tpu.memref_slice %arg4[%dma_wait3A_816, %add3A_815, %dma_wait3A_817] : memref<4x8192x1024xf32, #tpu.memory_space<hbm>> -> memref<1x8x1024xf32, #tpu.memory_space<hbm>>
          %dma_wait3A_819 = tpu.memref_squeeze %dma_wait3A_818 : memref<1x8x1024xf32, #tpu.memory_space<hbm>> -> memref<8x1024xf32, #tpu.memory_space<hbm>>
          %dma_wait3A_820 = arith.constant 0 : i32
          %dma_wait3A_821 = tpu.memref_slice %arg4[%dma_wait3A_816, %add3A_815, %dma_wait3A_820] : memref<4x8192x1024xf32, #tpu.memory_space<hbm>> -> memref<1x8x1024xf32, #tpu.memory_space<hbm>>
          %dma_wait3A_822 = tpu.memref_squeeze %dma_wait3A_821 : memref<1x8x1024xf32, #tpu.memory_space<hbm>> -> memref<8x1024xf32, #tpu.memory_space<hbm>>
          tpu.wait_dma2 semaphore(%arg36 : memref<!tpu.dma_semaphore, #tpu.memory_space<semaphore_mem>>) src(%arg9 : memref<8x1024xf32, #tpu.memory_space<vmem>>) dst(%dma_wait3A_822 : memref<8x1024xf32, #tpu.memory_space<hbm>>)
        } else {
        }
        %add3A_800 = arith.constant 1 : i32
        %add3A_801 = arith.addi %add3A_667, %add3A_800 : i32
        %mul3A_802 = arith.constant 8 : i32
        %mul3A_803 = arith.muli %add3A_801, %mul3A_802 : i32
        %add3A_804 = arith.addi %mul3A_2, %mul3A_803 : i32
        %dma_start3A_805 = arith.constant 1 : i32
        %dma_start3A_806 = arith.constant 0 : i32
        %dma_start3A_807 = tpu.memref_slice %arg2[%dma_start3A_805, %add3A_804, %dma_start3A_806] : memref<4x8192x1024xf32, #tpu.memory_space<hbm>> -> memref<1x8x1024xf32, #tpu.memory_space<hbm>>
        %dma_start3A_808 = tpu.memref_squeeze %dma_start3A_807 : memref<1x8x1024xf32, #tpu.memory_space<hbm>> -> memref<8x1024xf32, #tpu.memory_space<hbm>>
        %dma_start3A_809 = arith.constant 0 : i32
        %dma_start3A_810 = tpu.memref_slice %arg2[%dma_start3A_805, %add3A_804, %dma_start3A_809] : memref<4x8192x1024xf32, #tpu.memory_space<hbm>> -> memref<1x8x1024xf32, #tpu.memory_space<hbm>>
        %dma_start3A_811 = tpu.memref_squeeze %dma_start3A_810 : memref<1x8x1024xf32, #tpu.memory_space<hbm>> -> memref<8x1024xf32, #tpu.memory_space<hbm>>
        tpu.enqueue_dma source(%dma_start3A_811 : memref<8x1024xf32, #tpu.memory_space<hbm>>) target(%arg9 : memref<8x1024xf32, #tpu.memory_space<vmem>>) target_semaphore(%arg24 : memref<!tpu.dma_semaphore, #tpu.memory_space<semaphore_mem>>)
      } else {
      }
      %add3A_689 = arith.constant 1 : i32
      %add3A_690 = arith.addi %add3A_667, %add3A_689 : i32
      %lt3A_691 = arith.constant 32 : i32
      %lt3A_692 = arith.cmpi slt, %add3A_690, %lt3A_691 : i32
      %convert_element_type3A_693 = arith.extui %lt3A_692 : i1 to i32
      %cond3A_694 = arith.constant 0 : i32
      %cond3A_695 = arith.cmpi ne, %convert_element_type3A_693, %cond3A_694 : i32
      scf.if %cond3A_695 {
        %ge3A = arith.constant 2 : i32
        %ge3A_796 = arith.cmpi sge, %add3A_667, %ge3A : i32
        %convert_element_type3A_797 = arith.extui %ge3A_796 : i1 to i32
        %cond3A_798 = arith.constant 0 : i32
        %cond3A_799 = arith.cmpi ne, %convert_element_type3A_797, %cond3A_798 : i32
        scf.if %cond3A_799 {
          %sub3A = arith.constant 2 : i32
          %sub3A_812 = arith.subi %add3A_667, %sub3A : i32
          %mul3A_813 = arith.constant 8 : i32
          %mul3A_814 = arith.muli %sub3A_812, %mul3A_813 : i32
          %add3A_815 = arith.addi %mul3A_2, %mul3A_814 : i32
          %dma_wait3A_816 = arith.constant 2 : i32
          %dma_wait3A_817 = arith.constant 0 : i32
          %dma_wait3A_818 = tpu.memref_slice %arg4[%dma_wait3A_816, %add3A_815, %dma_wait3A_817] : memref<4x8192x1024xf32, #tpu.memory_space<hbm>> -> memref<1x8x1024xf32, #tpu.memory_space<hbm>>
          %dma_wait3A_819 = tpu.memref_squeeze %dma_wait3A_818 : memref<1x8x1024xf32, #tpu.memory_space<hbm>> -> memref<8x1024xf32, #tpu.memory_space<hbm>>
          %dma_wait3A_820 = arith.constant 0 : i32
          %dma_wait3A_821 = tpu.memref_slice %arg4[%dma_wait3A_816, %add3A_815, %dma_wait3A_820] : memref<4x8192x1024xf32, #tpu.memory_space<hbm>> -> memref<1x8x1024xf32, #tpu.memory_space<hbm>>
          %dma_wait3A_822 = tpu.memref_squeeze %dma_wait3A_821 : memref<1x8x1024xf32, #tpu.memory_space<hbm>> -> memref<8x1024xf32, #tpu.memory_space<hbm>>
          tpu.wait_dma2 semaphore(%arg37 : memref<!tpu.dma_semaphore, #tpu.memory_space<semaphore_mem>>) src(%arg10 : memref<8x1024xf32, #tpu.memory_space<vmem>>) dst(%dma_wait3A_822 : memref<8x1024xf32, #tpu.memory_space<hbm>>)
        } else {
        }
        %add3A_800 = arith.constant 1 : i32
        %add3A_801 = arith.addi %add3A_667, %add3A_800 : i32
        %mul3A_802 = arith.constant 8 : i32
        %mul3A_803 = arith.muli %add3A_801, %mul3A_802 : i32
        %add3A_804 = arith.addi %mul3A_2, %mul3A_803 : i32
        %dma_start3A_805 = arith.constant 2 : i32
        %dma_start3A_806 = arith.constant 0 : i32
        %dma_start3A_807 = tpu.memref_slice %arg2[%dma_start3A_805, %add3A_804, %dma_start3A_806] : memref<4x8192x1024xf32, #tpu.memory_space<hbm>> -> memref<1x8x1024xf32, #tpu.memory_space<hbm>>
        %dma_start3A_808 = tpu.memref_squeeze %dma_start3A_807 : memref<1x8x1024xf32, #tpu.memory_space<hbm>> -> memref<8x1024xf32, #tpu.memory_space<hbm>>
        %dma_start3A_809 = arith.constant 0 : i32
        %dma_start3A_810 = tpu.memref_slice %arg2[%dma_start3A_805, %add3A_804, %dma_start3A_809] : memref<4x8192x1024xf32, #tpu.memory_space<hbm>> -> memref<1x8x1024xf32, #tpu.memory_space<hbm>>
        %dma_start3A_811 = tpu.memref_squeeze %dma_start3A_810 : memref<1x8x1024xf32, #tpu.memory_space<hbm>> -> memref<8x1024xf32, #tpu.memory_space<hbm>>
        tpu.enqueue_dma source(%dma_start3A_811 : memref<8x1024xf32, #tpu.memory_space<hbm>>) target(%arg10 : memref<8x1024xf32, #tpu.memory_space<vmem>>) target_semaphore(%arg25 : memref<!tpu.dma_semaphore, #tpu.memory_space<semaphore_mem>>)
      } else {
      }
      %add3A_696 = arith.constant 1 : i32
      %add3A_697 = arith.addi %add3A_667, %add3A_696 : i32
      %lt3A_698 = arith.constant 32 : i32
      %lt3A_699 = arith.cmpi slt, %add3A_697, %lt3A_698 : i32
      %convert_element_type3A_700 = arith.extui %lt3A_699 : i1 to i32
      %cond3A_701 = arith.constant 0 : i32
      %cond3A_702 = arith.cmpi ne, %convert_element_type3A_700, %cond3A_701 : i32
      scf.if %cond3A_702 {
        %ge3A = arith.constant 2 : i32
        %ge3A_796 = arith.cmpi sge, %add3A_667, %ge3A : i32
        %convert_element_type3A_797 = arith.extui %ge3A_796 : i1 to i32
        %cond3A_798 = arith.constant 0 : i32
        %cond3A_799 = arith.cmpi ne, %convert_element_type3A_797, %cond3A_798 : i32
        scf.if %cond3A_799 {
          %sub3A = arith.constant 2 : i32
          %sub3A_812 = arith.subi %add3A_667, %sub3A : i32
          %mul3A_813 = arith.constant 8 : i32
          %mul3A_814 = arith.muli %sub3A_812, %mul3A_813 : i32
          %add3A_815 = arith.addi %mul3A_2, %mul3A_814 : i32
          %dma_wait3A_816 = arith.constant 3 : i32
          %dma_wait3A_817 = arith.constant 0 : i32
          %dma_wait3A_818 = tpu.memref_slice %arg4[%dma_wait3A_816, %add3A_815, %dma_wait3A_817] : memref<4x8192x1024xf32, #tpu.memory_space<hbm>> -> memref<1x8x1024xf32, #tpu.memory_space<hbm>>
          %dma_wait3A_819 = tpu.memref_squeeze %dma_wait3A_818 : memref<1x8x1024xf32, #tpu.memory_space<hbm>> -> memref<8x1024xf32, #tpu.memory_space<hbm>>
          %dma_wait3A_820 = arith.constant 0 : i32
          %dma_wait3A_821 = tpu.memref_slice %arg4[%dma_wait3A_816, %add3A_815, %dma_wait3A_820] : memref<4x8192x1024xf32, #tpu.memory_space<hbm>> -> memref<1x8x1024xf32, #tpu.memory_space<hbm>>
          %dma_wait3A_822 = tpu.memref_squeeze %dma_wait3A_821 : memref<1x8x1024xf32, #tpu.memory_space<hbm>> -> memref<8x1024xf32, #tpu.memory_space<hbm>>
          tpu.wait_dma2 semaphore(%arg38 : memref<!tpu.dma_semaphore, #tpu.memory_space<semaphore_mem>>) src(%arg11 : memref<8x1024xf32, #tpu.memory_space<vmem>>) dst(%dma_wait3A_822 : memref<8x1024xf32, #tpu.memory_space<hbm>>)
        } else {
        }
        %add3A_800 = arith.constant 1 : i32
        %add3A_801 = arith.addi %add3A_667, %add3A_800 : i32
        %mul3A_802 = arith.constant 8 : i32
        %mul3A_803 = arith.muli %add3A_801, %mul3A_802 : i32
        %add3A_804 = arith.addi %mul3A_2, %mul3A_803 : i32
        %dma_start3A_805 = arith.constant 3 : i32
        %dma_start3A_806 = arith.constant 0 : i32
        %dma_start3A_807 = tpu.memref_slice %arg2[%dma_start3A_805, %add3A_804, %dma_start3A_806] : memref<4x8192x1024xf32, #tpu.memory_space<hbm>> -> memref<1x8x1024xf32, #tpu.memory_space<hbm>>
        %dma_start3A_808 = tpu.memref_squeeze %dma_start3A_807 : memref<1x8x1024xf32, #tpu.memory_space<hbm>> -> memref<8x1024xf32, #tpu.memory_space<hbm>>
        %dma_start3A_809 = arith.constant 0 : i32
        %dma_start3A_810 = tpu.memref_slice %arg2[%dma_start3A_805, %add3A_804, %dma_start3A_809] : memref<4x8192x1024xf32, #tpu.memory_space<hbm>> -> memref<1x8x1024xf32, #tpu.memory_space<hbm>>
        %dma_start3A_811 = tpu.memref_squeeze %dma_start3A_810 : memref<1x8x1024xf32, #tpu.memory_space<hbm>> -> memref<8x1024xf32, #tpu.memory_space<hbm>>
        tpu.enqueue_dma source(%dma_start3A_811 : memref<8x1024xf32, #tpu.memory_space<hbm>>) target(%arg11 : memref<8x1024xf32, #tpu.memory_space<vmem>>) target_semaphore(%arg26 : memref<!tpu.dma_semaphore, #tpu.memory_space<semaphore_mem>>)
      } else {
      }
      %mul3A_703 = arith.constant 8 : i32
      %mul3A_704 = arith.muli %add3A_667, %mul3A_703 : i32
      %add3A_705 = arith.addi %mul3A_2, %mul3A_704 : i32
      %dma_wait3A_706 = arith.constant 0 : i32
      %dma_wait3A_707 = tpu.memref_slice %arg3[%add3A_705, %dma_wait3A_706] : memref<8192x1024xf32, #tpu.memory_space<hbm>> -> memref<8x1024xf32, #tpu.memory_space<hbm>>
      %dma_wait3A_708 = arith.constant 0 : i32
      %dma_wait3A_709 = tpu.memref_slice %arg3[%add3A_705, %dma_wait3A_708] : memref<8192x1024xf32, #tpu.memory_space<hbm>> -> memref<8x1024xf32, #tpu.memory_space<hbm>>
      tpu.wait_dma2 semaphore(%arg22 : memref<!tpu.dma_semaphore, #tpu.memory_space<semaphore_mem>>) src(%dma_wait3A_709 : memref<8x1024xf32, #tpu.memory_space<hbm>>) dst(%arg7 : memref<8x1024xf32, #tpu.memory_space<vmem>>)
      %mul3A_710 = arith.constant 8 : i32
      %mul3A_711 = arith.muli %add3A_667, %mul3A_710 : i32
      %add3A_712 = arith.addi %mul3A_2, %mul3A_711 : i32
      %dma_wait3A_713 = arith.constant 0 : i32
      %dma_wait3A_714 = arith.constant 0 : i32
      %dma_wait3A_715 = tpu.memref_slice %arg2[%dma_wait3A_713, %add3A_712, %dma_wait3A_714] : memref<4x8192x1024xf32, #tpu.memory_space<hbm>> -> memref<1x8x1024xf32, #tpu.memory_space<hbm>>
      %dma_wait3A_716 = tpu.memref_squeeze %dma_wait3A_715 : memref<1x8x1024xf32, #tpu.memory_space<hbm>> -> memref<8x1024xf32, #tpu.memory_space<hbm>>
      %dma_wait3A_717 = arith.constant 0 : i32
      %dma_wait3A_718 = tpu.memref_slice %arg2[%dma_wait3A_713, %add3A_712, %dma_wait3A_717] : memref<4x8192x1024xf32, #tpu.memory_space<hbm>> -> memref<1x8x1024xf32, #tpu.memory_space<hbm>>
      %dma_wait3A_719 = tpu.memref_squeeze %dma_wait3A_718 : memref<1x8x1024xf32, #tpu.memory_space<hbm>> -> memref<8x1024xf32, #tpu.memory_space<hbm>>
      tpu.wait_dma2 semaphore(%arg31 : memref<!tpu.dma_semaphore, #tpu.memory_space<semaphore_mem>>) src(%dma_wait3A_719 : memref<8x1024xf32, #tpu.memory_space<hbm>>) dst(%arg16 : memref<8x1024xf32, #tpu.memory_space<vmem>>)
      %mul3A_720 = arith.constant 8 : i32
      %mul3A_721 = arith.muli %add3A_667, %mul3A_720 : i32
      %add3A_722 = arith.addi %mul3A_2, %mul3A_721 : i32
      %dma_wait3A_723 = arith.constant 1 : i32
      %dma_wait3A_724 = arith.constant 0 : i32
      %dma_wait3A_725 = tpu.memref_slice %arg2[%dma_wait3A_723, %add3A_722, %dma_wait3A_724] : memref<4x8192x1024xf32, #tpu.memory_space<hbm>> -> memref<1x8x1024xf32, #tpu.memory_space<hbm>>
      %dma_wait3A_726 = tpu.memref_squeeze %dma_wait3A_725 : memref<1x8x1024xf32, #tpu.memory_space<hbm>> -> memref<8x1024xf32, #tpu.memory_space<hbm>>
      %dma_wait3A_727 = arith.constant 0 : i32
      %dma_wait3A_728 = tpu.memref_slice %arg2[%dma_wait3A_723, %add3A_722, %dma_wait3A_727] : memref<4x8192x1024xf32, #tpu.memory_space<hbm>> -> memref<1x8x1024xf32, #tpu.memory_space<hbm>>
      %dma_wait3A_729 = tpu.memref_squeeze %dma_wait3A_728 : memref<1x8x1024xf32, #tpu.memory_space<hbm>> -> memref<8x1024xf32, #tpu.memory_space<hbm>>
      tpu.wait_dma2 semaphore(%arg32 : memref<!tpu.dma_semaphore, #tpu.memory_space<semaphore_mem>>) src(%dma_wait3A_729 : memref<8x1024xf32, #tpu.memory_space<hbm>>) dst(%arg17 : memref<8x1024xf32, #tpu.memory_space<vmem>>)
      %mul3A_730 = arith.constant 8 : i32
      %mul3A_731 = arith.muli %add3A_667, %mul3A_730 : i32
      %add3A_732 = arith.addi %mul3A_2, %mul3A_731 : i32
      %dma_wait3A_733 = arith.constant 2 : i32
      %dma_wait3A_734 = arith.constant 0 : i32
      %dma_wait3A_735 = tpu.memref_slice %arg2[%dma_wait3A_733, %add3A_732, %dma_wait3A_734] : memref<4x8192x1024xf32, #tpu.memory_space<hbm>> -> memref<1x8x1024xf32, #tpu.memory_space<hbm>>
      %dma_wait3A_736 = tpu.memref_squeeze %dma_wait3A_735 : memref<1x8x1024xf32, #tpu.memory_space<hbm>> -> memref<8x1024xf32, #tpu.memory_space<hbm>>
      %dma_wait3A_737 = arith.constant 0 : i32
      %dma_wait3A_738 = tpu.memref_slice %arg2[%dma_wait3A_733, %add3A_732, %dma_wait3A_737] : memref<4x8192x1024xf32, #tpu.memory_space<hbm>> -> memref<1x8x1024xf32, #tpu.memory_space<hbm>>
      %dma_wait3A_739 = tpu.memref_squeeze %dma_wait3A_738 : memref<1x8x1024xf32, #tpu.memory_space<hbm>> -> memref<8x1024xf32, #tpu.memory_space<hbm>>
      tpu.wait_dma2 semaphore(%arg33 : memref<!tpu.dma_semaphore, #tpu.memory_space<semaphore_mem>>) src(%dma_wait3A_739 : memref<8x1024xf32, #tpu.memory_space<hbm>>) dst(%arg18 : memref<8x1024xf32, #tpu.memory_space<vmem>>)
      %mul3A_740 = arith.constant 8 : i32
      %mul3A_741 = arith.muli %add3A_667, %mul3A_740 : i32
      %add3A_742 = arith.addi %mul3A_2, %mul3A_741 : i32
      %dma_wait3A_743 = arith.constant 3 : i32
      %dma_wait3A_744 = arith.constant 0 : i32
      %dma_wait3A_745 = tpu.memref_slice %arg2[%dma_wait3A_743, %add3A_742, %dma_wait3A_744] : memref<4x8192x1024xf32, #tpu.memory_space<hbm>> -> memref<1x8x1024xf32, #tpu.memory_space<hbm>>
      %dma_wait3A_746 = tpu.memref_squeeze %dma_wait3A_745 : memref<1x8x1024xf32, #tpu.memory_space<hbm>> -> memref<8x1024xf32, #tpu.memory_space<hbm>>
      %dma_wait3A_747 = arith.constant 0 : i32
      %dma_wait3A_748 = tpu.memref_slice %arg2[%dma_wait3A_743, %add3A_742, %dma_wait3A_747] : memref<4x8192x1024xf32, #tpu.memory_space<hbm>> -> memref<1x8x1024xf32, #tpu.memory_space<hbm>>
      %dma_wait3A_749 = tpu.memref_squeeze %dma_wait3A_748 : memref<1x8x1024xf32, #tpu.memory_space<hbm>> -> memref<8x1024xf32, #tpu.memory_space<hbm>>
      tpu.wait_dma2 semaphore(%arg34 : memref<!tpu.dma_semaphore, #tpu.memory_space<semaphore_mem>>) src(%dma_wait3A_749 : memref<8x1024xf32, #tpu.memory_space<hbm>>) dst(%arg19 : memref<8x1024xf32, #tpu.memory_space<vmem>>)
      %scan3A_750 = arith.constant 0 : i32
      %scan3A_751 = arith.constant 0 : i32
      %scan3A_752 = arith.constant 128 : i32
      %scan3A_753 = arith.addi %scan3A_751, %scan3A_752 : i32
      %scan3A_754 = arith.constant 1 : i32
      scf.for %scan3A_796 = %scan3A_751 to %scan3A_753 step %scan3A_754  : i32 {
        %mul3A_797 = arith.constant 4 : i32
        %mul3A_798 = arith.muli %scan3A_796, %mul3A_797 : i32
        %add3A_799 = arith.constant 0 : i32
        %add3A_800 = arith.addi %mul3A_798, %add3A_799 : i32
        %mul3A_801 = arith.constant 16 : i32
        %mul3A_802 = arith.muli %add3A_800, %mul3A_801 : i32
        %jit3A = arith.constant 1024 : i32
        %div3A = arith.divsi %mul3A_802, %jit3A : i32
        %sign3A = arith.constant 0 : i32
        %sign3A_803 = arith.cmpi sgt, %mul3A_802, %sign3A : i32
        %sign3A_804 = arith.extui %sign3A_803 : i1 to i32
        %sign3A_805 = arith.constant 0 : i32
        %sign3A_806 = arith.cmpi slt, %mul3A_802, %sign3A_805 : i32
        %sign3A_807 = arith.extui %sign3A_806 : i1 to i32
        %sign3A_808 = arith.subi %sign3A_804, %sign3A_807 : i32
        %sign3A_809 = arith.constant 0 : i32
        %sign3A_810 = arith.cmpi sgt, %jit3A, %sign3A_809 : i32
        %sign3A_811 = arith.extui %sign3A_810 : i1 to i32
        %sign3A_812 = arith.constant 0 : i32
        %sign3A_813 = arith.cmpi slt, %jit3A, %sign3A_812 : i32
        %sign3A_814 = arith.extui %sign3A_813 : i1 to i32
        %sign3A_815 = arith.subi %sign3A_811, %sign3A_814 : i32
        %ne3A = arith.cmpi ne, %sign3A_808, %sign3A_815 : i32
        %rem3A = arith.remsi %mul3A_802, %jit3A : i32
        %ne3A_816 = arith.constant 0 : i32
        %ne3A_817 = arith.cmpi ne, %rem3A, %ne3A_816 : i32
        %and3A = arith.andi %ne3A, %ne3A_817 : i1
        %sub3A = arith.constant 1 : i32
        %sub3A_818 = arith.subi %div3A, %sub3A : i32
        %select_n3A = arith.select %and3A, %sub3A_818, %div3A : i32
        %jit3A_819 = arith.constant 1024 : i32
        %eq3A = arith.constant 0 : i32
        %eq3A_820 = arith.cmpi eq, %jit3A_819, %eq3A : i32
        %jit3A_821 = arith.constant 1 : i32
        %select_n3A_822 = arith.select %eq3A_820, %jit3A_821, %jit3A_819 : i32
        %rem3A_823 = arith.remsi %mul3A_802, %select_n3A_822 : i32
        %ne3A_824 = arith.constant 0 : i32
        %ne3A_825 = arith.cmpi ne, %rem3A_823, %ne3A_824 : i32
        %lt3A_826 = arith.constant 0 : i32
        %lt3A_827 = arith.cmpi slt, %rem3A_823, %lt3A_826 : i32
        %lt3A_828 = arith.constant 0 : i32
        %lt3A_829 = arith.cmpi slt, %select_n3A_822, %lt3A_828 : i32
        %ne3A_830 = arith.xori %lt3A_827, %lt3A_829 : i1
        %and3A_831 = arith.andi %ne3A_830, %ne3A_825 : i1
        %add3A_832 = arith.addi %rem3A_823, %select_n3A_822 : i32
        %select_n3A_833 = arith.select %and3A_831, %add3A_832, %rem3A_823 : i32
        %get3A = arith.index_cast %select_n3A : i32 to index
        %get3A_834 = arith.index_cast %select_n3A_833 : i32 to index
        %get3A_835 = tpu.vector_load %arg7[%get3A, %get3A_834] {strides = array<i32>} : memref<8x1024xf32, #tpu.memory_space<vmem>>, vector<1x16xf32>,
        %get3A_836 = vector.shape_cast %get3A_835 : vector<1x16xf32> to vector<16xf32>
        %get3A_837 = arith.index_cast %select_n3A : i32 to index
        %get3A_838 = arith.index_cast %select_n3A_833 : i32 to index
        %get3A_839 = tpu.vector_load %arg16[%get3A_837, %get3A_838] {strides = array<i32>} : memref<8x1024xf32, #tpu.memory_space<vmem>>, vector<1x16xf32>,
        %get3A_840 = vector.shape_cast %get3A_839 : vector<1x16xf32> to vector<16xf32>
        %add3A_841 = arith.addf %get3A_840, %get3A_836 : vector<16xf32>
        %swap3A = arith.index_cast %select_n3A : i32 to index
        %swap3A_842 = arith.index_cast %select_n3A_833 : i32 to index
        %swap3A_843 = tpu.vector_load %arg16[%swap3A, %swap3A_842] {strides = array<i32>} : memref<8x1024xf32, #tpu.memory_space<vmem>>, vector<1x16xf32>,
        %swap3A_844 = vector.shape_cast %swap3A_843 : vector<1x16xf32> to vector<16xf32>
        %swap3A_845 = vector.shape_cast %add3A_841 : vector<16xf32> to vector<1x16xf32>
        tpu.vector_store %arg16[%swap3A, %swap3A_842], %swap3A_845 {strides = array<i32>} : memref<8x1024xf32, #tpu.memory_space<vmem>>, vector<1x16xf32>,
        %get3A_846 = arith.index_cast %select_n3A : i32 to index
        %get3A_847 = arith.index_cast %select_n3A_833 : i32 to index
        %get3A_848 = tpu.vector_load %arg17[%get3A_846, %get3A_847] {strides = array<i32>} : memref<8x1024xf32, #tpu.memory_space<vmem>>, vector<1x16xf32>,
        %get3A_849 = vector.shape_cast %get3A_848 : vector<1x16xf32> to vector<16xf32>
        %add3A_850 = arith.addf %get3A_849, %get3A_836 : vector<16xf32>
        %swap3A_851 = arith.index_cast %select_n3A : i32 to index
        %swap3A_852 = arith.index_cast %select_n3A_833 : i32 to index
        %swap3A_853 = tpu.vector_load %arg17[%swap3A_851, %swap3A_852] {strides = array<i32>} : memref<8x1024xf32, #tpu.memory_space<vmem>>, vector<1x16xf32>,
        %swap3A_854 = vector.shape_cast %swap3A_853 : vector<1x16xf32> to vector<16xf32>
        %swap3A_855 = vector.shape_cast %add3A_850 : vector<16xf32> to vector<1x16xf32>
        tpu.vector_store %arg17[%swap3A_851, %swap3A_852], %swap3A_855 {strides = array<i32>} : memref<8x1024xf32, #tpu.memory_space<vmem>>, vector<1x16xf32>,
        %get3A_856 = arith.index_cast %select_n3A : i32 to index
        %get3A_857 = arith.index_cast %select_n3A_833 : i32 to index
        %get3A_858 = tpu.vector_load %arg18[%get3A_856, %get3A_857] {strides = array<i32>} : memref<8x1024xf32, #tpu.memory_space<vmem>>, vector<1x16xf32>,
        %get3A_859 = vector.shape_cast %get3A_858 : vector<1x16xf32> to vector<16xf32>
        %add3A_860 = arith.addf %get3A_859, %get3A_836 : vector<16xf32>
        %swap3A_861 = arith.index_cast %select_n3A : i32 to index
        %swap3A_862 = arith.index_cast %select_n3A_833 : i32 to index
        %swap3A_863 = tpu.vector_load %arg18[%swap3A_861, %swap3A_862] {strides = array<i32>} : memref<8x1024xf32, #tpu.memory_space<vmem>>, vector<1x16xf32>,
        %swap3A_864 = vector.shape_cast %swap3A_863 : vector<1x16xf32> to vector<16xf32>
        %swap3A_865 = vector.shape_cast %add3A_860 : vector<16xf32> to vector<1x16xf32>
        tpu.vector_store %arg18[%swap3A_861, %swap3A_862], %swap3A_865 {strides = array<i32>} : memref<8x1024xf32, #tpu.memory_space<vmem>>, vector<1x16xf32>,
        %get3A_866 = arith.index_cast %select_n3A : i32 to index
        %get3A_867 = arith.index_cast %select_n3A_833 : i32 to index
        %get3A_868 = tpu.vector_load %arg19[%get3A_866, %get3A_867] {strides = array<i32>} : memref<8x1024xf32, #tpu.memory_space<vmem>>, vector<1x16xf32>,
        %get3A_869 = vector.shape_cast %get3A_868 : vector<1x16xf32> to vector<16xf32>
        %add3A_870 = arith.addf %get3A_869, %get3A_836 : vector<16xf32>
        %swap3A_871 = arith.index_cast %select_n3A : i32 to index
        %swap3A_872 = arith.index_cast %select_n3A_833 : i32 to index
        %swap3A_873 = tpu.vector_load %arg19[%swap3A_871, %swap3A_872] {strides = array<i32>} : memref<8x1024xf32, #tpu.memory_space<vmem>>, vector<1x16xf32>,
        %swap3A_874 = vector.shape_cast %swap3A_873 : vector<1x16xf32> to vector<16xf32>
        %swap3A_875 = vector.shape_cast %add3A_870 : vector<16xf32> to vector<1x16xf32>
        tpu.vector_store %arg19[%swap3A_871, %swap3A_872], %swap3A_875 {strides = array<i32>} : memref<8x1024xf32, #tpu.memory_space<vmem>>, vector<1x16xf32>,
        %mul3A_876 = arith.constant 4 : i32
        %mul3A_877 = arith.muli %scan3A_796, %mul3A_876 : i32
        %add3A_878 = arith.constant 1 : i32
        %add3A_879 = arith.addi %mul3A_877, %add3A_878 : i32
        %mul3A_880 = arith.constant 16 : i32
        %mul3A_881 = arith.muli %add3A_879, %mul3A_880 : i32
        %jit3A_882 = arith.constant 1024 : i32
        %div3A_883 = arith.divsi %mul3A_881, %jit3A_882 : i32
        %sign3A_884 = arith.constant 0 : i32
        %sign3A_885 = arith.cmpi sgt, %mul3A_881, %sign3A_884 : i32
        %sign3A_886 = arith.extui %sign3A_885 : i1 to i32
        %sign3A_887 = arith.constant 0 : i32
        %sign3A_888 = arith.cmpi slt, %mul3A_881, %sign3A_887 : i32
        %sign3A_889 = arith.extui %sign3A_888 : i1 to i32
        %sign3A_890 = arith.subi %sign3A_886, %sign3A_889 : i32
        %sign3A_891 = arith.constant 0 : i32
        %sign3A_892 = arith.cmpi sgt, %jit3A_882, %sign3A_891 : i32
        %sign3A_893 = arith.extui %sign3A_892 : i1 to i32
        %sign3A_894 = arith.constant 0 : i32
        %sign3A_895 = arith.cmpi slt, %jit3A_882, %sign3A_894 : i32
        %sign3A_896 = arith.extui %sign3A_895 : i1 to i32
        %sign3A_897 = arith.subi %sign3A_893, %sign3A_896 : i32
        %ne3A_898 = arith.cmpi ne, %sign3A_890, %sign3A_897 : i32
        %rem3A_899 = arith.remsi %mul3A_881, %jit3A_882 : i32
        %ne3A_900 = arith.constant 0 : i32
        %ne3A_901 = arith.cmpi ne, %rem3A_899, %ne3A_900 : i32
        %and3A_902 = arith.andi %ne3A_898, %ne3A_901 : i1
        %sub3A_903 = arith.constant 1 : i32
        %sub3A_904 = arith.subi %div3A_883, %sub3A_903 : i32
        %select_n3A_905 = arith.select %and3A_902, %sub3A_904, %div3A_883 : i32
        %jit3A_906 = arith.constant 1024 : i32
        %eq3A_907 = arith.constant 0 : i32
        %eq3A_908 = arith.cmpi eq, %jit3A_906, %eq3A_907 : i32
        %jit3A_909 = arith.constant 1 : i32
        %select_n3A_910 = arith.select %eq3A_908, %jit3A_909, %jit3A_906 : i32
        %rem3A_911 = arith.remsi %mul3A_881, %select_n3A_910 : i32
        %ne3A_912 = arith.constant 0 : i32
        %ne3A_913 = arith.cmpi ne, %rem3A_911, %ne3A_912 : i32
        %lt3A_914 = arith.constant 0 : i32
        %lt3A_915 = arith.cmpi slt, %rem3A_911, %lt3A_914 : i32
        %lt3A_916 = arith.constant 0 : i32
        %lt3A_917 = arith.cmpi slt, %select_n3A_910, %lt3A_916 : i32
        %ne3A_918 = arith.xori %lt3A_915, %lt3A_917 : i1
        %and3A_919 = arith.andi %ne3A_918, %ne3A_913 : i1
        %add3A_920 = arith.addi %rem3A_911, %select_n3A_910 : i32
        %select_n3A_921 = arith.select %and3A_919, %add3A_920, %rem3A_911 : i32
        %get3A_922 = arith.index_cast %select_n3A_905 : i32 to index
        %get3A_923 = arith.index_cast %select_n3A_921 : i32 to index
        %get3A_924 = tpu.vector_load %arg7[%get3A_922, %get3A_923] {strides = array<i32>} : memref<8x1024xf32, #tpu.memory_space<vmem>>, vector<1x16xf32>,
        %get3A_925 = vector.shape_cast %get3A_924 : vector<1x16xf32> to vector<16xf32>
        %get3A_926 = arith.index_cast %select_n3A_905 : i32 to index
        %get3A_927 = arith.index_cast %select_n3A_921 : i32 to index
        %get3A_928 = tpu.vector_load %arg16[%get3A_926, %get3A_927] {strides = array<i32>} : memref<8x1024xf32, #tpu.memory_space<vmem>>, vector<1x16xf32>,
        %get3A_929 = vector.shape_cast %get3A_928 : vector<1x16xf32> to vector<16xf32>
        %add3A_930 = arith.addf %get3A_929, %get3A_925 : vector<16xf32>
        %swap3A_931 = arith.index_cast %select_n3A_905 : i32 to index
        %swap3A_932 = arith.index_cast %select_n3A_921 : i32 to index
        %swap3A_933 = tpu.vector_load %arg16[%swap3A_931, %swap3A_932] {strides = array<i32>} : memref<8x1024xf32, #tpu.memory_space<vmem>>, vector<1x16xf32>,
        %swap3A_934 = vector.shape_cast %swap3A_933 : vector<1x16xf32> to vector<16xf32>
        %swap3A_935 = vector.shape_cast %add3A_930 : vector<16xf32> to vector<1x16xf32>
        tpu.vector_store %arg16[%swap3A_931, %swap3A_932], %swap3A_935 {strides = array<i32>} : memref<8x1024xf32, #tpu.memory_space<vmem>>, vector<1x16xf32>,
        %get3A_936 = arith.index_cast %select_n3A_905 : i32 to index
        %get3A_937 = arith.index_cast %select_n3A_921 : i32 to index
        %get3A_938 = tpu.vector_load %arg17[%get3A_936, %get3A_937] {strides = array<i32>} : memref<8x1024xf32, #tpu.memory_space<vmem>>, vector<1x16xf32>,
        %get3A_939 = vector.shape_cast %get3A_938 : vector<1x16xf32> to vector<16xf32>
        %add3A_940 = arith.addf %get3A_939, %get3A_925 : vector<16xf32>
        %swap3A_941 = arith.index_cast %select_n3A_905 : i32 to index
        %swap3A_942 = arith.index_cast %select_n3A_921 : i32 to index
        %swap3A_943 = tpu.vector_load %arg17[%swap3A_941, %swap3A_942] {strides = array<i32>} : memref<8x1024xf32, #tpu.memory_space<vmem>>, vector<1x16xf32>,
        %swap3A_944 = vector.shape_cast %swap3A_943 : vector<1x16xf32> to vector<16xf32>
        %swap3A_945 = vector.shape_cast %add3A_940 : vector<16xf32> to vector<1x16xf32>
        tpu.vector_store %arg17[%swap3A_941, %swap3A_942], %swap3A_945 {strides = array<i32>} : memref<8x1024xf32, #tpu.memory_space<vmem>>, vector<1x16xf32>,
        %get3A_946 = arith.index_cast %select_n3A_905 : i32 to index
        %get3A_947 = arith.index_cast %select_n3A_921 : i32 to index
        %get3A_948 = tpu.vector_load %arg18[%get3A_946, %get3A_947] {strides = array<i32>} : memref<8x1024xf32, #tpu.memory_space<vmem>>, vector<1x16xf32>,
        %get3A_949 = vector.shape_cast %get3A_948 : vector<1x16xf32> to vector<16xf32>
        %add3A_950 = arith.addf %get3A_949, %get3A_925 : vector<16xf32>
        %swap3A_951 = arith.index_cast %select_n3A_905 : i32 to index
        %swap3A_952 = arith.index_cast %select_n3A_921 : i32 to index
        %swap3A_953 = tpu.vector_load %arg18[%swap3A_951, %swap3A_952] {strides = array<i32>} : memref<8x1024xf32, #tpu.memory_space<vmem>>, vector<1x16xf32>,
        %swap3A_954 = vector.shape_cast %swap3A_953 : vector<1x16xf32> to vector<16xf32>
        %swap3A_955 = vector.shape_cast %add3A_950 : vector<16xf32> to vector<1x16xf32>
        tpu.vector_store %arg18[%swap3A_951, %swap3A_952], %swap3A_955 {strides = array<i32>} : memref<8x1024xf32, #tpu.memory_space<vmem>>, vector<1x16xf32>,
        %get3A_956 = arith.index_cast %select_n3A_905 : i32 to index
        %get3A_957 = arith.index_cast %select_n3A_921 : i32 to index
        %get3A_958 = tpu.vector_load %arg19[%get3A_956, %get3A_957] {strides = array<i32>} : memref<8x1024xf32, #tpu.memory_space<vmem>>, vector<1x16xf32>,
        %get3A_959 = vector.shape_cast %get3A_958 : vector<1x16xf32> to vector<16xf32>
        %add3A_960 = arith.addf %get3A_959, %get3A_925 : vector<16xf32>
        %swap3A_961 = arith.index_cast %select_n3A_905 : i32 to index
        %swap3A_962 = arith.index_cast %select_n3A_921 : i32 to index
        %swap3A_963 = tpu.vector_load %arg19[%swap3A_961, %swap3A_962] {strides = array<i32>} : memref<8x1024xf32, #tpu.memory_space<vmem>>, vector<1x16xf32>,
        %swap3A_964 = vector.shape_cast %swap3A_963 : vector<1x16xf32> to vector<16xf32>
        %swap3A_965 = vector.shape_cast %add3A_960 : vector<16xf32> to vector<1x16xf32>
        tpu.vector_store %arg19[%swap3A_961, %swap3A_962], %swap3A_965 {strides = array<i32>} : memref<8x1024xf32, #tpu.memory_space<vmem>>, vector<1x16xf32>,
        %mul3A_966 = arith.constant 4 : i32
        %mul3A_967 = arith.muli %scan3A_796, %mul3A_966 : i32
        %add3A_968 = arith.constant 2 : i32
        %add3A_969 = arith.addi %mul3A_967, %add3A_968 : i32
        %mul3A_970 = arith.constant 16 : i32
        %mul3A_971 = arith.muli %add3A_969, %mul3A_970 : i32
        %jit3A_972 = arith.constant 1024 : i32
        %div3A_973 = arith.divsi %mul3A_971, %jit3A_972 : i32
        %sign3A_974 = arith.constant 0 : i32
        %sign3A_975 = arith.cmpi sgt, %mul3A_971, %sign3A_974 : i32
        %sign3A_976 = arith.extui %sign3A_975 : i1 to i32
        %sign3A_977 = arith.constant 0 : i32
        %sign3A_978 = arith.cmpi slt, %mul3A_971, %sign3A_977 : i32
        %sign3A_979 = arith.extui %sign3A_978 : i1 to i32
        %sign3A_980 = arith.subi %sign3A_976, %sign3A_979 : i32
        %sign3A_981 = arith.constant 0 : i32
        %sign3A_982 = arith.cmpi sgt, %jit3A_972, %sign3A_981 : i32
        %sign3A_983 = arith.extui %sign3A_982 : i1 to i32
        %sign3A_984 = arith.constant 0 : i32
        %sign3A_985 = arith.cmpi slt, %jit3A_972, %sign3A_984 : i32
        %sign3A_986 = arith.extui %sign3A_985 : i1 to i32
        %sign3A_987 = arith.subi %sign3A_983, %sign3A_986 : i32
        %ne3A_988 = arith.cmpi ne, %sign3A_980, %sign3A_987 : i32
        %rem3A_989 = arith.remsi %mul3A_971, %jit3A_972 : i32
        %ne3A_990 = arith.constant 0 : i32
        %ne3A_991 = arith.cmpi ne, %rem3A_989, %ne3A_990 : i32
        %and3A_992 = arith.andi %ne3A_988, %ne3A_991 : i1
        %sub3A_993 = arith.constant 1 : i32
        %sub3A_994 = arith.subi %div3A_973, %sub3A_993 : i32
        %select_n3A_995 = arith.select %and3A_992, %sub3A_994, %div3A_973 : i32
        %jit3A_996 = arith.constant 1024 : i32
        %eq3A_997 = arith.constant 0 : i32
        %eq3A_998 = arith.cmpi eq, %jit3A_996, %eq3A_997 : i32
        %jit3A_999 = arith.constant 1 : i32
        %select_n3A_1000 = arith.select %eq3A_998, %jit3A_999, %jit3A_996 : i32
        %rem3A_1001 = arith.remsi %mul3A_971, %select_n3A_1000 : i32
        %ne3A_1002 = arith.constant 0 : i32
        %ne3A_1003 = arith.cmpi ne, %rem3A_1001, %ne3A_1002 : i32
        %lt3A_1004 = arith.constant 0 : i32
        %lt3A_1005 = arith.cmpi slt, %rem3A_1001, %lt3A_1004 : i32
        %lt3A_1006 = arith.constant 0 : i32
        %lt3A_1007 = arith.cmpi slt, %select_n3A_1000, %lt3A_1006 : i32
        %ne3A_1008 = arith.xori %lt3A_1005, %lt3A_1007 : i1
        %and3A_1009 = arith.andi %ne3A_1008, %ne3A_1003 : i1
        %add3A_1010 = arith.addi %rem3A_1001, %select_n3A_1000 : i32
        %select_n3A_1011 = arith.select %and3A_1009, %add3A_1010, %rem3A_1001 : i32
        %get3A_1012 = arith.index_cast %select_n3A_995 : i32 to index
        %get3A_1013 = arith.index_cast %select_n3A_1011 : i32 to index
        %get3A_1014 = tpu.vector_load %arg7[%get3A_1012, %get3A_1013] {strides = array<i32>} : memref<8x1024xf32, #tpu.memory_space<vmem>>, vector<1x16xf32>,
        %get3A_1015 = vector.shape_cast %get3A_1014 : vector<1x16xf32> to vector<16xf32>
        %get3A_1016 = arith.index_cast %select_n3A_995 : i32 to index
        %get3A_1017 = arith.index_cast %select_n3A_1011 : i32 to index
        %get3A_1018 = tpu.vector_load %arg16[%get3A_1016, %get3A_1017] {strides = array<i32>} : memref<8x1024xf32, #tpu.memory_space<vmem>>, vector<1x16xf32>,
        %get3A_1019 = vector.shape_cast %get3A_1018 : vector<1x16xf32> to vector<16xf32>
        %add3A_1020 = arith.addf %get3A_1019, %get3A_1015 : vector<16xf32>
        %swap3A_1021 = arith.index_cast %select_n3A_995 : i32 to index
        %swap3A_1022 = arith.index_cast %select_n3A_1011 : i32 to index
        %swap3A_1023 = tpu.vector_load %arg16[%swap3A_1021, %swap3A_1022] {strides = array<i32>} : memref<8x1024xf32, #tpu.memory_space<vmem>>, vector<1x16xf32>,
        %swap3A_1024 = vector.shape_cast %swap3A_1023 : vector<1x16xf32> to vector<16xf32>
        %swap3A_1025 = vector.shape_cast %add3A_1020 : vector<16xf32> to vector<1x16xf32>
        tpu.vector_store %arg16[%swap3A_1021, %swap3A_1022], %swap3A_1025 {strides = array<i32>} : memref<8x1024xf32, #tpu.memory_space<vmem>>, vector<1x16xf32>,
        %get3A_1026 = arith.index_cast %select_n3A_995 : i32 to index
        %get3A_1027 = arith.index_cast %select_n3A_1011 : i32 to index
        %get3A_1028 = tpu.vector_load %arg17[%get3A_1026, %get3A_1027] {strides = array<i32>} : memref<8x1024xf32, #tpu.memory_space<vmem>>, vector<1x16xf32>,
        %get3A_1029 = vector.shape_cast %get3A_1028 : vector<1x16xf32> to vector<16xf32>
        %add3A_1030 = arith.addf %get3A_1029, %get3A_1015 : vector<16xf32>
        %swap3A_1031 = arith.index_cast %select_n3A_995 : i32 to index
        %swap3A_1032 = arith.index_cast %select_n3A_1011 : i32 to index
        %swap3A_1033 = tpu.vector_load %arg17[%swap3A_1031, %swap3A_1032] {strides = array<i32>} : memref<8x1024xf32, #tpu.memory_space<vmem>>, vector<1x16xf32>,
        %swap3A_1034 = vector.shape_cast %swap3A_1033 : vector<1x16xf32> to vector<16xf32>
        %swap3A_1035 = vector.shape_cast %add3A_1030 : vector<16xf32> to vector<1x16xf32>
        tpu.vector_store %arg17[%swap3A_1031, %swap3A_1032], %swap3A_1035 {strides = array<i32>} : memref<8x1024xf32, #tpu.memory_space<vmem>>, vector<1x16xf32>,
        %get3A_1036 = arith.index_cast %select_n3A_995 : i32 to index
        %get3A_1037 = arith.index_cast %select_n3A_1011 : i32 to index
        %get3A_1038 = tpu.vector_load %arg18[%get3A_1036, %get3A_1037] {strides = array<i32>} : memref<8x1024xf32, #tpu.memory_space<vmem>>, vector<1x16xf32>,
        %get3A_1039 = vector.shape_cast %get3A_1038 : vector<1x16xf32> to vector<16xf32>
        %add3A_1040 = arith.addf %get3A_1039, %get3A_1015 : vector<16xf32>
        %swap3A_1041 = arith.index_cast %select_n3A_995 : i32 to index
        %swap3A_1042 = arith.index_cast %select_n3A_1011 : i32 to index
        %swap3A_1043 = tpu.vector_load %arg18[%swap3A_1041, %swap3A_1042] {strides = array<i32>} : memref<8x1024xf32, #tpu.memory_space<vmem>>, vector<1x16xf32>,
        %swap3A_1044 = vector.shape_cast %swap3A_1043 : vector<1x16xf32> to vector<16xf32>
        %swap3A_1045 = vector.shape_cast %add3A_1040 : vector<16xf32> to vector<1x16xf32>
        tpu.vector_store %arg18[%swap3A_1041, %swap3A_1042], %swap3A_1045 {strides = array<i32>} : memref<8x1024xf32, #tpu.memory_space<vmem>>, vector<1x16xf32>,
        %get3A_1046 = arith.index_cast %select_n3A_995 : i32 to index
        %get3A_1047 = arith.index_cast %select_n3A_1011 : i32 to index
        %get3A_1048 = tpu.vector_load %arg19[%get3A_1046, %get3A_1047] {strides = array<i32>} : memref<8x1024xf32, #tpu.memory_space<vmem>>, vector<1x16xf32>,
        %get3A_1049 = vector.shape_cast %get3A_1048 : vector<1x16xf32> to vector<16xf32>
        %add3A_1050 = arith.addf %get3A_1049, %get3A_1015 : vector<16xf32>
        %swap3A_1051 = arith.index_cast %select_n3A_995 : i32 to index
        %swap3A_1052 = arith.index_cast %select_n3A_1011 : i32 to index
        %swap3A_1053 = tpu.vector_load %arg19[%swap3A_1051, %swap3A_1052] {strides = array<i32>} : memref<8x1024xf32, #tpu.memory_space<vmem>>, vector<1x16xf32>,
        %swap3A_1054 = vector.shape_cast %swap3A_1053 : vector<1x16xf32> to vector<16xf32>
        %swap3A_1055 = vector.shape_cast %add3A_1050 : vector<16xf32> to vector<1x16xf32>
        tpu.vector_store %arg19[%swap3A_1051, %swap3A_1052], %swap3A_1055 {strides = array<i32>} : memref<8x1024xf32, #tpu.memory_space<vmem>>, vector<1x16xf32>,
        %mul3A_1056 = arith.constant 4 : i32
        %mul3A_1057 = arith.muli %scan3A_796, %mul3A_1056 : i32
        %add3A_1058 = arith.constant 3 : i32
        %add3A_1059 = arith.addi %mul3A_1057, %add3A_1058 : i32
        %mul3A_1060 = arith.constant 16 : i32
        %mul3A_1061 = arith.muli %add3A_1059, %mul3A_1060 : i32
        %jit3A_1062 = arith.constant 1024 : i32
        %div3A_1063 = arith.divsi %mul3A_1061, %jit3A_1062 : i32
        %sign3A_1064 = arith.constant 0 : i32
        %sign3A_1065 = arith.cmpi sgt, %mul3A_1061, %sign3A_1064 : i32
        %sign3A_1066 = arith.extui %sign3A_1065 : i1 to i32
        %sign3A_1067 = arith.constant 0 : i32
        %sign3A_1068 = arith.cmpi slt, %mul3A_1061, %sign3A_1067 : i32
        %sign3A_1069 = arith.extui %sign3A_1068 : i1 to i32
        %sign3A_1070 = arith.subi %sign3A_1066, %sign3A_1069 : i32
        %sign3A_1071 = arith.constant 0 : i32
        %sign3A_1072 = arith.cmpi sgt, %jit3A_1062, %sign3A_1071 : i32
        %sign3A_1073 = arith.extui %sign3A_1072 : i1 to i32
        %sign3A_1074 = arith.constant 0 : i32
        %sign3A_1075 = arith.cmpi slt, %jit3A_1062, %sign3A_1074 : i32
        %sign3A_1076 = arith.extui %sign3A_1075 : i1 to i32
        %sign3A_1077 = arith.subi %sign3A_1073, %sign3A_1076 : i32
        %ne3A_1078 = arith.cmpi ne, %sign3A_1070, %sign3A_1077 : i32
        %rem3A_1079 = arith.remsi %mul3A_1061, %jit3A_1062 : i32
        %ne3A_1080 = arith.constant 0 : i32
        %ne3A_1081 = arith.cmpi ne, %rem3A_1079, %ne3A_1080 : i32
        %and3A_1082 = arith.andi %ne3A_1078, %ne3A_1081 : i1
        %sub3A_1083 = arith.constant 1 : i32
        %sub3A_1084 = arith.subi %div3A_1063, %sub3A_1083 : i32
        %select_n3A_1085 = arith.select %and3A_1082, %sub3A_1084, %div3A_1063 : i32
        %jit3A_1086 = arith.constant 1024 : i32
        %eq3A_1087 = arith.constant 0 : i32
        %eq3A_1088 = arith.cmpi eq, %jit3A_1086, %eq3A_1087 : i32
        %jit3A_1089 = arith.constant 1 : i32
        %select_n3A_1090 = arith.select %eq3A_1088, %jit3A_1089, %jit3A_1086 : i32
        %rem3A_1091 = arith.remsi %mul3A_1061, %select_n3A_1090 : i32
        %ne3A_1092 = arith.constant 0 : i32
        %ne3A_1093 = arith.cmpi ne, %rem3A_1091, %ne3A_1092 : i32
        %lt3A_1094 = arith.constant 0 : i32
        %lt3A_1095 = arith.cmpi slt, %rem3A_1091, %lt3A_1094 : i32
        %lt3A_1096 = arith.constant 0 : i32
        %lt3A_1097 = arith.cmpi slt, %select_n3A_1090, %lt3A_1096 : i32
        %ne3A_1098 = arith.xori %lt3A_1095, %lt3A_1097 : i1
        %and3A_1099 = arith.andi %ne3A_1098, %ne3A_1093 : i1
        %add3A_1100 = arith.addi %rem3A_1091, %select_n3A_1090 : i32
        %select_n3A_1101 = arith.select %and3A_1099, %add3A_1100, %rem3A_1091 : i32
        %get3A_1102 = arith.index_cast %select_n3A_1085 : i32 to index
        %get3A_1103 = arith.index_cast %select_n3A_1101 : i32 to index
        %get3A_1104 = tpu.vector_load %arg7[%get3A_1102, %get3A_1103] {strides = array<i32>} : memref<8x1024xf32, #tpu.memory_space<vmem>>, vector<1x16xf32>,
        %get3A_1105 = vector.shape_cast %get3A_1104 : vector<1x16xf32> to vector<16xf32>
        %get3A_1106 = arith.index_cast %select_n3A_1085 : i32 to index
        %get3A_1107 = arith.index_cast %select_n3A_1101 : i32 to index
        %get3A_1108 = tpu.vector_load %arg16[%get3A_1106, %get3A_1107] {strides = array<i32>} : memref<8x1024xf32, #tpu.memory_space<vmem>>, vector<1x16xf32>,
        %get3A_1109 = vector.shape_cast %get3A_1108 : vector<1x16xf32> to vector<16xf32>
        %add3A_1110 = arith.addf %get3A_1109, %get3A_1105 : vector<16xf32>
        %swap3A_1111 = arith.index_cast %select_n3A_1085 : i32 to index
        %swap3A_1112 = arith.index_cast %select_n3A_1101 : i32 to index
        %swap3A_1113 = tpu.vector_load %arg16[%swap3A_1111, %swap3A_1112] {strides = array<i32>} : memref<8x1024xf32, #tpu.memory_space<vmem>>, vector<1x16xf32>,
        %swap3A_1114 = vector.shape_cast %swap3A_1113 : vector<1x16xf32> to vector<16xf32>
        %swap3A_1115 = vector.shape_cast %add3A_1110 : vector<16xf32> to vector<1x16xf32>
        tpu.vector_store %arg16[%swap3A_1111, %swap3A_1112], %swap3A_1115 {strides = array<i32>} : memref<8x1024xf32, #tpu.memory_space<vmem>>, vector<1x16xf32>,
        %get3A_1116 = arith.index_cast %select_n3A_1085 : i32 to index
        %get3A_1117 = arith.index_cast %select_n3A_1101 : i32 to index
        %get3A_1118 = tpu.vector_load %arg17[%get3A_1116, %get3A_1117] {strides = array<i32>} : memref<8x1024xf32, #tpu.memory_space<vmem>>, vector<1x16xf32>,
        %get3A_1119 = vector.shape_cast %get3A_1118 : vector<1x16xf32> to vector<16xf32>
        %add3A_1120 = arith.addf %get3A_1119, %get3A_1105 : vector<16xf32>
        %swap3A_1121 = arith.index_cast %select_n3A_1085 : i32 to index
        %swap3A_1122 = arith.index_cast %select_n3A_1101 : i32 to index
        %swap3A_1123 = tpu.vector_load %arg17[%swap3A_1121, %swap3A_1122] {strides = array<i32>} : memref<8x1024xf32, #tpu.memory_space<vmem>>, vector<1x16xf32>,
        %swap3A_1124 = vector.shape_cast %swap3A_1123 : vector<1x16xf32> to vector<16xf32>
        %swap3A_1125 = vector.shape_cast %add3A_1120 : vector<16xf32> to vector<1x16xf32>
        tpu.vector_store %arg17[%swap3A_1121, %swap3A_1122], %swap3A_1125 {strides = array<i32>} : memref<8x1024xf32, #tpu.memory_space<vmem>>, vector<1x16xf32>,
        %get3A_1126 = arith.index_cast %select_n3A_1085 : i32 to index
        %get3A_1127 = arith.index_cast %select_n3A_1101 : i32 to index
        %get3A_1128 = tpu.vector_load %arg18[%get3A_1126, %get3A_1127] {strides = array<i32>} : memref<8x1024xf32, #tpu.memory_space<vmem>>, vector<1x16xf32>,
        %get3A_1129 = vector.shape_cast %get3A_1128 : vector<1x16xf32> to vector<16xf32>
        %add3A_1130 = arith.addf %get3A_1129, %get3A_1105 : vector<16xf32>
        %swap3A_1131 = arith.index_cast %select_n3A_1085 : i32 to index
        %swap3A_1132 = arith.index_cast %select_n3A_1101 : i32 to index
        %swap3A_1133 = tpu.vector_load %arg18[%swap3A_1131, %swap3A_1132] {strides = array<i32>} : memref<8x1024xf32, #tpu.memory_space<vmem>>, vector<1x16xf32>,
        %swap3A_1134 = vector.shape_cast %swap3A_1133 : vector<1x16xf32> to vector<16xf32>
        %swap3A_1135 = vector.shape_cast %add3A_1130 : vector<16xf32> to vector<1x16xf32>
        tpu.vector_store %arg18[%swap3A_1131, %swap3A_1132], %swap3A_1135 {strides = array<i32>} : memref<8x1024xf32, #tpu.memory_space<vmem>>, vector<1x16xf32>,
        %get3A_1136 = arith.index_cast %select_n3A_1085 : i32 to index
        %get3A_1137 = arith.index_cast %select_n3A_1101 : i32 to index
        %get3A_1138 = tpu.vector_load %arg19[%get3A_1136, %get3A_1137] {strides = array<i32>} : memref<8x1024xf32, #tpu.memory_space<vmem>>, vector<1x16xf32>,
        %get3A_1139 = vector.shape_cast %get3A_1138 : vector<1x16xf32> to vector<16xf32>
        %add3A_1140 = arith.addf %get3A_1139, %get3A_1105 : vector<16xf32>
        %swap3A_1141 = arith.index_cast %select_n3A_1085 : i32 to index
        %swap3A_1142 = arith.index_cast %select_n3A_1101 : i32 to index
        %swap3A_1143 = tpu.vector_load %arg19[%swap3A_1141, %swap3A_1142] {strides = array<i32>} : memref<8x1024xf32, #tpu.memory_space<vmem>>, vector<1x16xf32>,
        %swap3A_1144 = vector.shape_cast %swap3A_1143 : vector<1x16xf32> to vector<16xf32>
        %swap3A_1145 = vector.shape_cast %add3A_1140 : vector<16xf32> to vector<1x16xf32>
        tpu.vector_store %arg19[%swap3A_1141, %swap3A_1142], %swap3A_1145 {strides = array<i32>} : memref<8x1024xf32, #tpu.memory_space<vmem>>, vector<1x16xf32>,
      }
      %scan3A_755 = arith.constant 128 : i32
      %mul3A_756 = arith.constant 8 : i32
      %mul3A_757 = arith.muli %add3A_667, %mul3A_756 : i32
      %add3A_758 = arith.addi %mul3A_2, %mul3A_757 : i32
      %dma_start3A_759 = arith.constant 0 : i32
      %dma_start3A_760 = arith.constant 0 : i32
      %dma_start3A_761 = tpu.memref_slice %arg4[%dma_start3A_759, %add3A_758, %dma_start3A_760] : memref<4x8192x1024xf32, #tpu.memory_space<hbm>> -> memref<1x8x1024xf32, #tpu.memory_space<hbm>>
      %dma_start3A_762 = tpu.memref_squeeze %dma_start3A_761 : memref<1x8x1024xf32, #tpu.memory_space<hbm>> -> memref<8x1024xf32, #tpu.memory_space<hbm>>
      %dma_start3A_763 = arith.constant 0 : i32
      %dma_start3A_764 = tpu.memref_slice %arg4[%dma_start3A_759, %add3A_758, %dma_start3A_763] : memref<4x8192x1024xf32, #tpu.memory_space<hbm>> -> memref<1x8x1024xf32, #tpu.memory_space<hbm>>
      %dma_start3A_765 = tpu.memref_squeeze %dma_start3A_764 : memref<1x8x1024xf32, #tpu.memory_space<hbm>> -> memref<8x1024xf32, #tpu.memory_space<hbm>>
      tpu.enqueue_dma source(%arg16 : memref<8x1024xf32, #tpu.memory_space<vmem>>) target(%dma_start3A_765 : memref<8x1024xf32, #tpu.memory_space<hbm>>) target_semaphore(%arg43 : memref<!tpu.dma_semaphore, #tpu.memory_space<semaphore_mem>>)
      %mul3A_766 = arith.constant 8 : i32
      %mul3A_767 = arith.muli %add3A_667, %mul3A_766 : i32
      %add3A_768 = arith.addi %mul3A_2, %mul3A_767 : i32
      %dma_start3A_769 = arith.constant 1 : i32
      %dma_start3A_770 = arith.constant 0 : i32
      %dma_start3A_771 = tpu.memref_slice %arg4[%dma_start3A_769, %add3A_768, %dma_start3A_770] : memref<4x8192x1024xf32, #tpu.memory_space<hbm>> -> memref<1x8x1024xf32, #tpu.memory_space<hbm>>
      %dma_start3A_772 = tpu.memref_squeeze %dma_start3A_771 : memref<1x8x1024xf32, #tpu.memory_space<hbm>> -> memref<8x1024xf32, #tpu.memory_space<hbm>>
      %dma_start3A_773 = arith.constant 0 : i32
      %dma_start3A_774 = tpu.memref_slice %arg4[%dma_start3A_769, %add3A_768, %dma_start3A_773] : memref<4x8192x1024xf32, #tpu.memory_space<hbm>> -> memref<1x8x1024xf32, #tpu.memory_space<hbm>>
      %dma_start3A_775 = tpu.memref_squeeze %dma_start3A_774 : memref<1x8x1024xf32, #tpu.memory_space<hbm>> -> memref<8x1024xf32, #tpu.memory_space<hbm>>
      tpu.enqueue_dma source(%arg17 : memref<8x1024xf32, #tpu.memory_space<vmem>>) target(%dma_start3A_775 : memref<8x1024xf32, #tpu.memory_space<hbm>>) target_semaphore(%arg44 : memref<!tpu.dma_semaphore, #tpu.memory_space<semaphore_mem>>)
      %mul3A_776 = arith.constant 8 : i32
      %mul3A_777 = arith.muli %add3A_667, %mul3A_776 : i32
      %add3A_778 = arith.addi %mul3A_2, %mul3A_777 : i32
      %dma_start3A_779 = arith.constant 2 : i32
      %dma_start3A_780 = arith.constant 0 : i32
      %dma_start3A_781 = tpu.memref_slice %arg4[%dma_start3A_779, %add3A_778, %dma_start3A_780] : memref<4x8192x1024xf32, #tpu.memory_space<hbm>> -> memref<1x8x1024xf32, #tpu.memory_space<hbm>>
      %dma_start3A_782 = tpu.memref_squeeze %dma_start3A_781 : memref<1x8x1024xf32, #tpu.memory_space<hbm>> -> memref<8x1024xf32, #tpu.memory_space<hbm>>
      %dma_start3A_783 = arith.constant 0 : i32
      %dma_start3A_784 = tpu.memref_slice %arg4[%dma_start3A_779, %add3A_778, %dma_start3A_783] : memref<4x8192x1024xf32, #tpu.memory_space<hbm>> -> memref<1x8x1024xf32, #tpu.memory_space<hbm>>
      %dma_start3A_785 = tpu.memref_squeeze %dma_start3A_784 : memref<1x8x1024xf32, #tpu.memory_space<hbm>> -> memref<8x1024xf32, #tpu.memory_space<hbm>>
      tpu.enqueue_dma source(%arg18 : memref<8x1024xf32, #tpu.memory_space<vmem>>) target(%dma_start3A_785 : memref<8x1024xf32, #tpu.memory_space<hbm>>) target_semaphore(%arg45 : memref<!tpu.dma_semaphore, #tpu.memory_space<semaphore_mem>>)
      %mul3A_786 = arith.constant 8 : i32
      %mul3A_787 = arith.muli %add3A_667, %mul3A_786 : i32
      %add3A_788 = arith.addi %mul3A_2, %mul3A_787 : i32
      %dma_start3A_789 = arith.constant 3 : i32
      %dma_start3A_790 = arith.constant 0 : i32
      %dma_start3A_791 = tpu.memref_slice %arg4[%dma_start3A_789, %add3A_788, %dma_start3A_790] : memref<4x8192x1024xf32, #tpu.memory_space<hbm>> -> memref<1x8x1024xf32, #tpu.memory_space<hbm>>
      %dma_start3A_792 = tpu.memref_squeeze %dma_start3A_791 : memref<1x8x1024xf32, #tpu.memory_space<hbm>> -> memref<8x1024xf32, #tpu.memory_space<hbm>>
      %dma_start3A_793 = arith.constant 0 : i32
      %dma_start3A_794 = tpu.memref_slice %arg4[%dma_start3A_789, %add3A_788, %dma_start3A_793] : memref<4x8192x1024xf32, #tpu.memory_space<hbm>> -> memref<1x8x1024xf32, #tpu.memory_space<hbm>>
      %dma_start3A_795 = tpu.memref_squeeze %dma_start3A_794 : memref<1x8x1024xf32, #tpu.memory_space<hbm>> -> memref<8x1024xf32, #tpu.memory_space<hbm>>
      tpu.enqueue_dma source(%arg19 : memref<8x1024xf32, #tpu.memory_space<vmem>>) target(%dma_start3A_795 : memref<8x1024xf32, #tpu.memory_space<hbm>>) target_semaphore(%arg46 : memref<!tpu.dma_semaphore, #tpu.memory_space<semaphore_mem>>)
    }
    %scan3A_48 = arith.constant 10 : i32
    %add3A_49 = arith.constant 248 : i32
    %add3A_50 = arith.addi %mul3A_2, %add3A_49 : i32
    %dma_start3A_51 = arith.constant 0 : i32
    %dma_start3A_52 = tpu.memref_slice %arg3[%add3A_50, %dma_start3A_51] : memref<8192x1024xf32, #tpu.memory_space<hbm>> -> memref<8x1024xf32, #tpu.memory_space<hbm>>
    %dma_start3A_53 = arith.constant 0 : i32
    %dma_start3A_54 = tpu.memref_slice %arg3[%add3A_50, %dma_start3A_53] : memref<8192x1024xf32, #tpu.memory_space<hbm>> -> memref<8x1024xf32, #tpu.memory_space<hbm>>
    tpu.enqueue_dma source(%dma_start3A_54 : memref<8x1024xf32, #tpu.memory_space<hbm>>) target(%arg6 : memref<8x1024xf32, #tpu.memory_space<vmem>>) target_semaphore(%arg21 : memref<!tpu.dma_semaphore, #tpu.memory_space<semaphore_mem>>)
    %add3A_55 = arith.constant 224 : i32
    %add3A_56 = arith.addi %mul3A_2, %add3A_55 : i32
    %dma_wait3A = arith.constant 0 : i32
    %dma_wait3A_57 = arith.constant 0 : i32
    %dma_wait3A_58 = tpu.memref_slice %arg4[%dma_wait3A, %add3A_56, %dma_wait3A_57] : memref<4x8192x1024xf32, #tpu.memory_space<hbm>> -> memref<1x8x1024xf32, #tpu.memory_space<hbm>>
    %dma_wait3A_59 = tpu.memref_squeeze %dma_wait3A_58 : memref<1x8x1024xf32, #tpu.memory_space<hbm>> -> memref<8x1024xf32, #tpu.memory_space<hbm>>
    %dma_wait3A_60 = arith.constant 0 : i32
    %dma_wait3A_61 = tpu.memref_slice %arg4[%dma_wait3A, %add3A_56, %dma_wait3A_60] : memref<4x8192x1024xf32, #tpu.memory_space<hbm>> -> memref<1x8x1024xf32, #tpu.memory_space<hbm>>
    %dma_wait3A_62 = tpu.memref_squeeze %dma_wait3A_61 : memref<1x8x1024xf32, #tpu.memory_space<hbm>> -> memref<8x1024xf32, #tpu.memory_space<hbm>>
    tpu.wait_dma2 semaphore(%arg39 : memref<!tpu.dma_semaphore, #tpu.memory_space<semaphore_mem>>) src(%arg12 : memref<8x1024xf32, #tpu.memory_space<vmem>>) dst(%dma_wait3A_62 : memref<8x1024xf32, #tpu.memory_space<hbm>>)
    %add3A_63 = arith.constant 248 : i32
    %add3A_64 = arith.addi %mul3A_2, %add3A_63 : i32
    %dma_start3A_65 = arith.constant 0 : i32
    %dma_start3A_66 = arith.constant 0 : i32
    %dma_start3A_67 = tpu.memref_slice %arg2[%dma_start3A_65, %add3A_64, %dma_start3A_66] : memref<4x8192x1024xf32, #tpu.memory_space<hbm>> -> memref<1x8x1024xf32, #tpu.memory_space<hbm>>
    %dma_start3A_68 = tpu.memref_squeeze %dma_start3A_67 : memref<1x8x1024xf32, #tpu.memory_space<hbm>> -> memref<8x1024xf32, #tpu.memory_space<hbm>>
    %dma_start3A_69 = arith.constant 0 : i32
    %dma_start3A_70 = tpu.memref_slice %arg2[%dma_start3A_65, %add3A_64, %dma_start3A_69] : memref<4x8192x1024xf32, #tpu.memory_space<hbm>> -> memref<1x8x1024xf32, #tpu.memory_space<hbm>>
    %dma_start3A_71 = tpu.memref_squeeze %dma_start3A_70 : memref<1x8x1024xf32, #tpu.memory_space<hbm>> -> memref<8x1024xf32, #tpu.memory_space<hbm>>
    tpu.enqueue_dma source(%dma_start3A_71 : memref<8x1024xf32, #tpu.memory_space<hbm>>) target(%arg12 : memref<8x1024xf32, #tpu.memory_space<vmem>>) target_semaphore(%arg27 : memref<!tpu.dma_semaphore, #tpu.memory_space<semaphore_mem>>)
    %add3A_72 = arith.constant 224 : i32
    %add3A_73 = arith.addi %mul3A_2, %add3A_72 : i32
    %dma_wait3A_74 = arith.constant 1 : i32
    %dma_wait3A_75 = arith.constant 0 : i32
    %dma_wait3A_76 = tpu.memref_slice %arg4[%dma_wait3A_74, %add3A_73, %dma_wait3A_75] : memref<4x8192x1024xf32, #tpu.memory_space<hbm>> -> memref<1x8x1024xf32, #tpu.memory_space<hbm>>
    %dma_wait3A_77 = tpu.memref_squeeze %dma_wait3A_76 : memref<1x8x1024xf32, #tpu.memory_space<hbm>> -> memref<8x1024xf32, #tpu.memory_space<hbm>>
    %dma_wait3A_78 = arith.constant 0 : i32
    %dma_wait3A_79 = tpu.memref_slice %arg4[%dma_wait3A_74, %add3A_73, %dma_wait3A_78] : memref<4x8192x1024xf32, #tpu.memory_space<hbm>> -> memref<1x8x1024xf32, #tpu.memory_space<hbm>>
    %dma_wait3A_80 = tpu.memref_squeeze %dma_wait3A_79 : memref<1x8x1024xf32, #tpu.memory_space<hbm>> -> memref<8x1024xf32, #tpu.memory_space<hbm>>
    tpu.wait_dma2 semaphore(%arg40 : memref<!tpu.dma_semaphore, #tpu.memory_space<semaphore_mem>>) src(%arg13 : memref<8x1024xf32, #tpu.memory_space<vmem>>) dst(%dma_wait3A_80 : memref<8x1024xf32, #tpu.memory_space<hbm>>)
    %add3A_81 = arith.constant 248 : i32
    %add3A_82 = arith.addi %mul3A_2, %add3A_81 : i32
    %dma_start3A_83 = arith.constant 1 : i32
    %dma_start3A_84 = arith.constant 0 : i32
    %dma_start3A_85 = tpu.memref_slice %arg2[%dma_start3A_83, %add3A_82, %dma_start3A_84] : memref<4x8192x1024xf32, #tpu.memory_space<hbm>> -> memref<1x8x1024xf32, #tpu.memory_space<hbm>>
    %dma_start3A_86 = tpu.memref_squeeze %dma_start3A_85 : memref<1x8x1024xf32, #tpu.memory_space<hbm>> -> memref<8x1024xf32, #tpu.memory_space<hbm>>
    %dma_start3A_87 = arith.constant 0 : i32
    %dma_start3A_88 = tpu.memref_slice %arg2[%dma_start3A_83, %add3A_82, %dma_start3A_87] : memref<4x8192x1024xf32, #tpu.memory_space<hbm>> -> memref<1x8x1024xf32, #tpu.memory_space<hbm>>
    %dma_start3A_89 = tpu.memref_squeeze %dma_start3A_88 : memref<1x8x1024xf32, #tpu.memory_space<hbm>> -> memref<8x1024xf32, #tpu.memory_space<hbm>>
    tpu.enqueue_dma source(%dma_start3A_89 : memref<8x1024xf32, #tpu.memory_space<hbm>>) target(%arg13 : memref<8x1024xf32, #tpu.memory_space<vmem>>) target_semaphore(%arg28 : memref<!tpu.dma_semaphore, #tpu.memory_space<semaphore_mem>>)
    %add3A_90 = arith.constant 224 : i32
    %add3A_91 = arith.addi %mul3A_2, %add3A_90 : i32
    %dma_wait3A_92 = arith.constant 2 : i32
    %dma_wait3A_93 = arith.constant 0 : i32
    %dma_wait3A_94 = tpu.memref_slice %arg4[%dma_wait3A_92, %add3A_91, %dma_wait3A_93] : memref<4x8192x1024xf32, #tpu.memory_space<hbm>> -> memref<1x8x1024xf32, #tpu.memory_space<hbm>>
    %dma_wait3A_95 = tpu.memref_squeeze %dma_wait3A_94 : memref<1x8x1024xf32, #tpu.memory_space<hbm>> -> memref<8x1024xf32, #tpu.memory_space<hbm>>
    %dma_wait3A_96 = arith.constant 0 : i32
    %dma_wait3A_97 = tpu.memref_slice %arg4[%dma_wait3A_92, %add3A_91, %dma_wait3A_96] : memref<4x8192x1024xf32, #tpu.memory_space<hbm>> -> memref<1x8x1024xf32, #tpu.memory_space<hbm>>
    %dma_wait3A_98 = tpu.memref_squeeze %dma_wait3A_97 : memref<1x8x1024xf32, #tpu.memory_space<hbm>> -> memref<8x1024xf32, #tpu.memory_space<hbm>>
    tpu.wait_dma2 semaphore(%arg41 : memref<!tpu.dma_semaphore, #tpu.memory_space<semaphore_mem>>) src(%arg14 : memref<8x1024xf32, #tpu.memory_space<vmem>>) dst(%dma_wait3A_98 : memref<8x1024xf32, #tpu.memory_space<hbm>>)
    %add3A_99 = arith.constant 248 : i32
    %add3A_100 = arith.addi %mul3A_2, %add3A_99 : i32
    %dma_start3A_101 = arith.constant 2 : i32
    %dma_start3A_102 = arith.constant 0 : i32
    %dma_start3A_103 = tpu.memref_slice %arg2[%dma_start3A_101, %add3A_100, %dma_start3A_102] : memref<4x8192x1024xf32, #tpu.memory_space<hbm>> -> memref<1x8x1024xf32, #tpu.memory_space<hbm>>
    %dma_start3A_104 = tpu.memref_squeeze %dma_start3A_103 : memref<1x8x1024xf32, #tpu.memory_space<hbm>> -> memref<8x1024xf32, #tpu.memory_space<hbm>>
    %dma_start3A_105 = arith.constant 0 : i32
    %dma_start3A_106 = tpu.memref_slice %arg2[%dma_start3A_101, %add3A_100, %dma_start3A_105] : memref<4x8192x1024xf32, #tpu.memory_space<hbm>> -> memref<1x8x1024xf32, #tpu.memory_space<hbm>>
    %dma_start3A_107 = tpu.memref_squeeze %dma_start3A_106 : memref<1x8x1024xf32, #tpu.memory_space<hbm>> -> memref<8x1024xf32, #tpu.memory_space<hbm>>
    tpu.enqueue_dma source(%dma_start3A_107 : memref<8x1024xf32, #tpu.memory_space<hbm>>) target(%arg14 : memref<8x1024xf32, #tpu.memory_space<vmem>>) target_semaphore(%arg29 : memref<!tpu.dma_semaphore, #tpu.memory_space<semaphore_mem>>)
    %add3A_108 = arith.constant 224 : i32
    %add3A_109 = arith.addi %mul3A_2, %add3A_108 : i32
    %dma_wait3A_110 = arith.constant 3 : i32
    %dma_wait3A_111 = arith.constant 0 : i32
    %dma_wait3A_112 = tpu.memref_slice %arg4[%dma_wait3A_110, %add3A_109, %dma_wait3A_111] : memref<4x8192x1024xf32, #tpu.memory_space<hbm>> -> memref<1x8x1024xf32, #tpu.memory_space<hbm>>
    %dma_wait3A_113 = tpu.memref_squeeze %dma_wait3A_112 : memref<1x8x1024xf32, #tpu.memory_space<hbm>> -> memref<8x1024xf32, #tpu.memory_space<hbm>>
    %dma_wait3A_114 = arith.constant 0 : i32
    %dma_wait3A_115 = tpu.memref_slice %arg4[%dma_wait3A_110, %add3A_109, %dma_wait3A_114] : memref<4x8192x1024xf32, #tpu.memory_space<hbm>> -> memref<1x8x1024xf32, #tpu.memory_space<hbm>>
    %dma_wait3A_116 = tpu.memref_squeeze %dma_wait3A_115 : memref<1x8x1024xf32, #tpu.memory_space<hbm>> -> memref<8x1024xf32, #tpu.memory_space<hbm>>
    tpu.wait_dma2 semaphore(%arg42 : memref<!tpu.dma_semaphore, #tpu.memory_space<semaphore_mem>>) src(%arg15 : memref<8x1024xf32, #tpu.memory_space<vmem>>) dst(%dma_wait3A_116 : memref<8x1024xf32, #tpu.memory_space<hbm>>)
    %add3A_117 = arith.constant 248 : i32
    %add3A_118 = arith.addi %mul3A_2, %add3A_117 : i32
    %dma_start3A_119 = arith.constant 3 : i32
    %dma_start3A_120 = arith.constant 0 : i32
    %dma_start3A_121 = tpu.memref_slice %arg2[%dma_start3A_119, %add3A_118, %dma_start3A_120] : memref<4x8192x1024xf32, #tpu.memory_space<hbm>> -> memref<1x8x1024xf32, #tpu.memory_space<hbm>>
    %dma_start3A_122 = tpu.memref_squeeze %dma_start3A_121 : memref<1x8x1024xf32, #tpu.memory_space<hbm>> -> memref<8x1024xf32, #tpu.memory_space<hbm>>
    %dma_start3A_123 = arith.constant 0 : i32
    %dma_start3A_124 = tpu.memref_slice %arg2[%dma_start3A_119, %add3A_118, %dma_start3A_123] : memref<4x8192x1024xf32, #tpu.memory_space<hbm>> -> memref<1x8x1024xf32, #tpu.memory_space<hbm>>
    %dma_start3A_125 = tpu.memref_squeeze %dma_start3A_124 : memref<1x8x1024xf32, #tpu.memory_space<hbm>> -> memref<8x1024xf32, #tpu.memory_space<hbm>>
    tpu.enqueue_dma source(%dma_start3A_125 : memref<8x1024xf32, #tpu.memory_space<hbm>>) target(%arg15 : memref<8x1024xf32, #tpu.memory_space<vmem>>) target_semaphore(%arg30 : memref<!tpu.dma_semaphore, #tpu.memory_space<semaphore_mem>>)
    %add3A_126 = arith.constant 240 : i32
    %add3A_127 = arith.addi %mul3A_2, %add3A_126 : i32
    %dma_wait3A_128 = arith.constant 0 : i32
    %dma_wait3A_129 = tpu.memref_slice %arg3[%add3A_127, %dma_wait3A_128] : memref<8192x1024xf32, #tpu.memory_space<hbm>> -> memref<8x1024xf32, #tpu.memory_space<hbm>>
    %dma_wait3A_130 = arith.constant 0 : i32
    %dma_wait3A_131 = tpu.memref_slice %arg3[%add3A_127, %dma_wait3A_130] : memref<8192x1024xf32, #tpu.memory_space<hbm>> -> memref<8x1024xf32, #tpu.memory_space<hbm>>
    tpu.wait_dma2 semaphore(%arg20 : memref<!tpu.dma_semaphore, #tpu.memory_space<semaphore_mem>>) src(%dma_wait3A_131 : memref<8x1024xf32, #tpu.memory_space<hbm>>) dst(%arg5 : memref<8x1024xf32, #tpu.memory_space<vmem>>)
    %add3A_132 = arith.constant 240 : i32
    %add3A_133 = arith.addi %mul3A_2, %add3A_132 : i32
    %dma_wait3A_134 = arith.constant 0 : i32
    %dma_wait3A_135 = arith.constant 0 : i32
    %dma_wait3A_136 = tpu.memref_slice %arg2[%dma_wait3A_134, %add3A_133, %dma_wait3A_135] : memref<4x8192x1024xf32, #tpu.memory_space<hbm>> -> memref<1x8x1024xf32, #tpu.memory_space<hbm>>
    %dma_wait3A_137 = tpu.memref_squeeze %dma_wait3A_136 : memref<1x8x1024xf32, #tpu.memory_space<hbm>> -> memref<8x1024xf32, #tpu.memory_space<hbm>>
    %dma_wait3A_138 = arith.constant 0 : i32
    %dma_wait3A_139 = tpu.memref_slice %arg2[%dma_wait3A_134, %add3A_133, %dma_wait3A_138] : memref<4x8192x1024xf32, #tpu.memory_space<hbm>> -> memref<1x8x1024xf32, #tpu.memory_space<hbm>>
    %dma_wait3A_140 = tpu.memref_squeeze %dma_wait3A_139 : memref<1x8x1024xf32, #tpu.memory_space<hbm>> -> memref<8x1024xf32, #tpu.memory_space<hbm>>
    tpu.wait_dma2 semaphore(%arg23 : memref<!tpu.dma_semaphore, #tpu.memory_space<semaphore_mem>>) src(%dma_wait3A_140 : memref<8x1024xf32, #tpu.memory_space<hbm>>) dst(%arg8 : memref<8x1024xf32, #tpu.memory_space<vmem>>)
    %add3A_141 = arith.constant 240 : i32
    %add3A_142 = arith.addi %mul3A_2, %add3A_141 : i32
    %dma_wait3A_143 = arith.constant 1 : i32
    %dma_wait3A_144 = arith.constant 0 : i32
    %dma_wait3A_145 = tpu.memref_slice %arg2[%dma_wait3A_143, %add3A_142, %dma_wait3A_144] : memref<4x8192x1024xf32, #tpu.memory_space<hbm>> -> memref<1x8x1024xf32, #tpu.memory_space<hbm>>
    %dma_wait3A_146 = tpu.memref_squeeze %dma_wait3A_145 : memref<1x8x1024xf32, #tpu.memory_space<hbm>> -> memref<8x1024xf32, #tpu.memory_space<hbm>>
    %dma_wait3A_147 = arith.constant 0 : i32
    %dma_wait3A_148 = tpu.memref_slice %arg2[%dma_wait3A_143, %add3A_142, %dma_wait3A_147] : memref<4x8192x1024xf32, #tpu.memory_space<hbm>> -> memref<1x8x1024xf32, #tpu.memory_space<hbm>>
    %dma_wait3A_149 = tpu.memref_squeeze %dma_wait3A_148 : memref<1x8x1024xf32, #tpu.memory_space<hbm>> -> memref<8x1024xf32, #tpu.memory_space<hbm>>
    tpu.wait_dma2 semaphore(%arg24 : memref<!tpu.dma_semaphore, #tpu.memory_space<semaphore_mem>>) src(%dma_wait3A_149 : memref<8x1024xf32, #tpu.memory_space<hbm>>) dst(%arg9 : memref<8x1024xf32, #tpu.memory_space<vmem>>)
    %add3A_150 = arith.constant 240 : i32
    %add3A_151 = arith.addi %mul3A_2, %add3A_150 : i32
    %dma_wait3A_152 = arith.constant 2 : i32
    %dma_wait3A_153 = arith.constant 0 : i32
    %dma_wait3A_154 = tpu.memref_slice %arg2[%dma_wait3A_152, %add3A_151, %dma_wait3A_153] : memref<4x8192x1024xf32, #tpu.memory_space<hbm>> -> memref<1x8x1024xf32, #tpu.memory_space<hbm>>
    %dma_wait3A_155 = tpu.memref_squeeze %dma_wait3A_154 : memref<1x8x1024xf32, #tpu.memory_space<hbm>> -> memref<8x1024xf32, #tpu.memory_space<hbm>>
    %dma_wait3A_156 = arith.constant 0 : i32
    %dma_wait3A_157 = tpu.memref_slice %arg2[%dma_wait3A_152, %add3A_151, %dma_wait3A_156] : memref<4x8192x1024xf32, #tpu.memory_space<hbm>> -> memref<1x8x1024xf32, #tpu.memory_space<hbm>>
    %dma_wait3A_158 = tpu.memref_squeeze %dma_wait3A_157 : memref<1x8x1024xf32, #tpu.memory_space<hbm>> -> memref<8x1024xf32, #tpu.memory_space<hbm>>
    tpu.wait_dma2 semaphore(%arg25 : memref<!tpu.dma_semaphore, #tpu.memory_space<semaphore_mem>>) src(%dma_wait3A_158 : memref<8x1024xf32, #tpu.memory_space<hbm>>) dst(%arg10 : memref<8x1024xf32, #tpu.memory_space<vmem>>)
    %add3A_159 = arith.constant 240 : i32
    %add3A_160 = arith.addi %mul3A_2, %add3A_159 : i32
    %dma_wait3A_161 = arith.constant 3 : i32
    %dma_wait3A_162 = arith.constant 0 : i32
    %dma_wait3A_163 = tpu.memref_slice %arg2[%dma_wait3A_161, %add3A_160, %dma_wait3A_162] : memref<4x8192x1024xf32, #tpu.memory_space<hbm>> -> memref<1x8x1024xf32, #tpu.memory_space<hbm>>
    %dma_wait3A_164 = tpu.memref_squeeze %dma_wait3A_163 : memref<1x8x1024xf32, #tpu.memory_space<hbm>> -> memref<8x1024xf32, #tpu.memory_space<hbm>>
    %dma_wait3A_165 = arith.constant 0 : i32
    %dma_wait3A_166 = tpu.memref_slice %arg2[%dma_wait3A_161, %add3A_160, %dma_wait3A_165] : memref<4x8192x1024xf32, #tpu.memory_space<hbm>> -> memref<1x8x1024xf32, #tpu.memory_space<hbm>>
    %dma_wait3A_167 = tpu.memref_squeeze %dma_wait3A_166 : memref<1x8x1024xf32, #tpu.memory_space<hbm>> -> memref<8x1024xf32, #tpu.memory_space<hbm>>
    tpu.wait_dma2 semaphore(%arg26 : memref<!tpu.dma_semaphore, #tpu.memory_space<semaphore_mem>>) src(%dma_wait3A_167 : memref<8x1024xf32, #tpu.memory_space<hbm>>) dst(%arg11 : memref<8x1024xf32, #tpu.memory_space<vmem>>)
    %scan3A_168 = arith.constant 0 : i32
    %scan3A_169 = arith.constant 0 : i32
    %scan3A_170 = arith.constant 128 : i32
    %scan3A_171 = arith.addi %scan3A_169, %scan3A_170 : i32
    %scan3A_172 = arith.constant 1 : i32
    scf.for %scan3A_402 = %scan3A_169 to %scan3A_171 step %scan3A_172  : i32 {
      %mul3A_403 = arith.constant 4 : i32
      %mul3A_404 = arith.muli %scan3A_402, %mul3A_403 : i32
      %add3A_405 = arith.constant 0 : i32
      %add3A_406 = arith.addi %mul3A_404, %add3A_405 : i32
      %mul3A_407 = arith.constant 16 : i32
      %mul3A_408 = arith.muli %add3A_406, %mul3A_407 : i32
      %jit3A = arith.constant 1024 : i32
      %div3A = arith.divsi %mul3A_408, %jit3A : i32
      %sign3A = arith.constant 0 : i32
      %sign3A_409 = arith.cmpi sgt, %mul3A_408, %sign3A : i32
      %sign3A_410 = arith.extui %sign3A_409 : i1 to i32
      %sign3A_411 = arith.constant 0 : i32
      %sign3A_412 = arith.cmpi slt, %mul3A_408, %sign3A_411 : i32
      %sign3A_413 = arith.extui %sign3A_412 : i1 to i32
      %sign3A_414 = arith.subi %sign3A_410, %sign3A_413 : i32
      %sign3A_415 = arith.constant 0 : i32
      %sign3A_416 = arith.cmpi sgt, %jit3A, %sign3A_415 : i32
      %sign3A_417 = arith.extui %sign3A_416 : i1 to i32
      %sign3A_418 = arith.constant 0 : i32
      %sign3A_419 = arith.cmpi slt, %jit3A, %sign3A_418 : i32
      %sign3A_420 = arith.extui %sign3A_419 : i1 to i32
      %sign3A_421 = arith.subi %sign3A_417, %sign3A_420 : i32
      %ne3A = arith.cmpi ne, %sign3A_414, %sign3A_421 : i32
      %rem3A = arith.remsi %mul3A_408, %jit3A : i32
      %ne3A_422 = arith.constant 0 : i32
      %ne3A_423 = arith.cmpi ne, %rem3A, %ne3A_422 : i32
      %and3A = arith.andi %ne3A, %ne3A_423 : i1
      %sub3A = arith.constant 1 : i32
      %sub3A_424 = arith.subi %div3A, %sub3A : i32
      %select_n3A = arith.select %and3A, %sub3A_424, %div3A : i32
      %jit3A_425 = arith.constant 1024 : i32
      %eq3A = arith.constant 0 : i32
      %eq3A_426 = arith.cmpi eq, %jit3A_425, %eq3A : i32
      %jit3A_427 = arith.constant 1 : i32
      %select_n3A_428 = arith.select %eq3A_426, %jit3A_427, %jit3A_425 : i32
      %rem3A_429 = arith.remsi %mul3A_408, %select_n3A_428 : i32
      %ne3A_430 = arith.constant 0 : i32
      %ne3A_431 = arith.cmpi ne, %rem3A_429, %ne3A_430 : i32
      %lt3A = arith.constant 0 : i32
      %lt3A_432 = arith.cmpi slt, %rem3A_429, %lt3A : i32
      %lt3A_433 = arith.constant 0 : i32
      %lt3A_434 = arith.cmpi slt, %select_n3A_428, %lt3A_433 : i32
      %ne3A_435 = arith.xori %lt3A_432, %lt3A_434 : i1
      %and3A_436 = arith.andi %ne3A_435, %ne3A_431 : i1
      %add3A_437 = arith.addi %rem3A_429, %select_n3A_428 : i32
      %select_n3A_438 = arith.select %and3A_436, %add3A_437, %rem3A_429 : i32
      %get3A = arith.index_cast %select_n3A : i32 to index
      %get3A_439 = arith.index_cast %select_n3A_438 : i32 to index
      %get3A_440 = tpu.vector_load %arg5[%get3A, %get3A_439] {strides = array<i32>} : memref<8x1024xf32, #tpu.memory_space<vmem>>, vector<1x16xf32>,
      %get3A_441 = vector.shape_cast %get3A_440 : vector<1x16xf32> to vector<16xf32>
      %get3A_442 = arith.index_cast %select_n3A : i32 to index
      %get3A_443 = arith.index_cast %select_n3A_438 : i32 to index
      %get3A_444 = tpu.vector_load %arg8[%get3A_442, %get3A_443] {strides = array<i32>} : memref<8x1024xf32, #tpu.memory_space<vmem>>, vector<1x16xf32>,
      %get3A_445 = vector.shape_cast %get3A_444 : vector<1x16xf32> to vector<16xf32>
      %add3A_446 = arith.addf %get3A_445, %get3A_441 : vector<16xf32>
      %swap3A = arith.index_cast %select_n3A : i32 to index
      %swap3A_447 = arith.index_cast %select_n3A_438 : i32 to index
      %swap3A_448 = tpu.vector_load %arg8[%swap3A, %swap3A_447] {strides = array<i32>} : memref<8x1024xf32, #tpu.memory_space<vmem>>, vector<1x16xf32>,
      %swap3A_449 = vector.shape_cast %swap3A_448 : vector<1x16xf32> to vector<16xf32>
      %swap3A_450 = vector.shape_cast %add3A_446 : vector<16xf32> to vector<1x16xf32>
      tpu.vector_store %arg8[%swap3A, %swap3A_447], %swap3A_450 {strides = array<i32>} : memref<8x1024xf32, #tpu.memory_space<vmem>>, vector<1x16xf32>,
      %get3A_451 = arith.index_cast %select_n3A : i32 to index
      %get3A_452 = arith.index_cast %select_n3A_438 : i32 to index
      %get3A_453 = tpu.vector_load %arg9[%get3A_451, %get3A_452] {strides = array<i32>} : memref<8x1024xf32, #tpu.memory_space<vmem>>, vector<1x16xf32>,
      %get3A_454 = vector.shape_cast %get3A_453 : vector<1x16xf32> to vector<16xf32>
      %add3A_455 = arith.addf %get3A_454, %get3A_441 : vector<16xf32>
      %swap3A_456 = arith.index_cast %select_n3A : i32 to index
      %swap3A_457 = arith.index_cast %select_n3A_438 : i32 to index
      %swap3A_458 = tpu.vector_load %arg9[%swap3A_456, %swap3A_457] {strides = array<i32>} : memref<8x1024xf32, #tpu.memory_space<vmem>>, vector<1x16xf32>,
      %swap3A_459 = vector.shape_cast %swap3A_458 : vector<1x16xf32> to vector<16xf32>
      %swap3A_460 = vector.shape_cast %add3A_455 : vector<16xf32> to vector<1x16xf32>
      tpu.vector_store %arg9[%swap3A_456, %swap3A_457], %swap3A_460 {strides = array<i32>} : memref<8x1024xf32, #tpu.memory_space<vmem>>, vector<1x16xf32>,
      %get3A_461 = arith.index_cast %select_n3A : i32 to index
      %get3A_462 = arith.index_cast %select_n3A_438 : i32 to index
      %get3A_463 = tpu.vector_load %arg10[%get3A_461, %get3A_462] {strides = array<i32>} : memref<8x1024xf32, #tpu.memory_space<vmem>>, vector<1x16xf32>,
      %get3A_464 = vector.shape_cast %get3A_463 : vector<1x16xf32> to vector<16xf32>
      %add3A_465 = arith.addf %get3A_464, %get3A_441 : vector<16xf32>
      %swap3A_466 = arith.index_cast %select_n3A : i32 to index
      %swap3A_467 = arith.index_cast %select_n3A_438 : i32 to index
      %swap3A_468 = tpu.vector_load %arg10[%swap3A_466, %swap3A_467] {strides = array<i32>} : memref<8x1024xf32, #tpu.memory_space<vmem>>, vector<1x16xf32>,
      %swap3A_469 = vector.shape_cast %swap3A_468 : vector<1x16xf32> to vector<16xf32>
      %swap3A_470 = vector.shape_cast %add3A_465 : vector<16xf32> to vector<1x16xf32>
      tpu.vector_store %arg10[%swap3A_466, %swap3A_467], %swap3A_470 {strides = array<i32>} : memref<8x1024xf32, #tpu.memory_space<vmem>>, vector<1x16xf32>,
      %get3A_471 = arith.index_cast %select_n3A : i32 to index
      %get3A_472 = arith.index_cast %select_n3A_438 : i32 to index
      %get3A_473 = tpu.vector_load %arg11[%get3A_471, %get3A_472] {strides = array<i32>} : memref<8x1024xf32, #tpu.memory_space<vmem>>, vector<1x16xf32>,
      %get3A_474 = vector.shape_cast %get3A_473 : vector<1x16xf32> to vector<16xf32>
      %add3A_475 = arith.addf %get3A_474, %get3A_441 : vector<16xf32>
      %swap3A_476 = arith.index_cast %select_n3A : i32 to index
      %swap3A_477 = arith.index_cast %select_n3A_438 : i32 to index
      %swap3A_478 = tpu.vector_load %arg11[%swap3A_476, %swap3A_477] {strides = array<i32>} : memref<8x1024xf32, #tpu.memory_space<vmem>>, vector<1x16xf32>,
      %swap3A_479 = vector.shape_cast %swap3A_478 : vector<1x16xf32> to vector<16xf32>
      %swap3A_480 = vector.shape_cast %add3A_475 : vector<16xf32> to vector<1x16xf32>
      tpu.vector_store %arg11[%swap3A_476, %swap3A_477], %swap3A_480 {strides = array<i32>} : memref<8x1024xf32, #tpu.memory_space<vmem>>, vector<1x16xf32>,
      %mul3A_481 = arith.constant 4 : i32
      %mul3A_482 = arith.muli %scan3A_402, %mul3A_481 : i32
      %add3A_483 = arith.constant 1 : i32
      %add3A_484 = arith.addi %mul3A_482, %add3A_483 : i32
      %mul3A_485 = arith.constant 16 : i32
      %mul3A_486 = arith.muli %add3A_484, %mul3A_485 : i32
      %jit3A_487 = arith.constant 1024 : i32
      %div3A_488 = arith.divsi %mul3A_486, %jit3A_487 : i32
      %sign3A_489 = arith.constant 0 : i32
      %sign3A_490 = arith.cmpi sgt, %mul3A_486, %sign3A_489 : i32
      %sign3A_491 = arith.extui %sign3A_490 : i1 to i32
      %sign3A_492 = arith.constant 0 : i32
      %sign3A_493 = arith.cmpi slt, %mul3A_486, %sign3A_492 : i32
      %sign3A_494 = arith.extui %sign3A_493 : i1 to i32
      %sign3A_495 = arith.subi %sign3A_491, %sign3A_494 : i32
      %sign3A_496 = arith.constant 0 : i32
      %sign3A_497 = arith.cmpi sgt, %jit3A_487, %sign3A_496 : i32
      %sign3A_498 = arith.extui %sign3A_497 : i1 to i32
      %sign3A_499 = arith.constant 0 : i32
      %sign3A_500 = arith.cmpi slt, %jit3A_487, %sign3A_499 : i32
      %sign3A_501 = arith.extui %sign3A_500 : i1 to i32
      %sign3A_502 = arith.subi %sign3A_498, %sign3A_501 : i32
      %ne3A_503 = arith.cmpi ne, %sign3A_495, %sign3A_502 : i32
      %rem3A_504 = arith.remsi %mul3A_486, %jit3A_487 : i32
      %ne3A_505 = arith.constant 0 : i32
      %ne3A_506 = arith.cmpi ne, %rem3A_504, %ne3A_505 : i32
      %and3A_507 = arith.andi %ne3A_503, %ne3A_506 : i1
      %sub3A_508 = arith.constant 1 : i32
      %sub3A_509 = arith.subi %div3A_488, %sub3A_508 : i32
      %select_n3A_510 = arith.select %and3A_507, %sub3A_509, %div3A_488 : i32
      %jit3A_511 = arith.constant 1024 : i32
      %eq3A_512 = arith.constant 0 : i32
      %eq3A_513 = arith.cmpi eq, %jit3A_511, %eq3A_512 : i32
      %jit3A_514 = arith.constant 1 : i32
      %select_n3A_515 = arith.select %eq3A_513, %jit3A_514, %jit3A_511 : i32
      %rem3A_516 = arith.remsi %mul3A_486, %select_n3A_515 : i32
      %ne3A_517 = arith.constant 0 : i32
      %ne3A_518 = arith.cmpi ne, %rem3A_516, %ne3A_517 : i32
      %lt3A_519 = arith.constant 0 : i32
      %lt3A_520 = arith.cmpi slt, %rem3A_516, %lt3A_519 : i32
      %lt3A_521 = arith.constant 0 : i32
      %lt3A_522 = arith.cmpi slt, %select_n3A_515, %lt3A_521 : i32
      %ne3A_523 = arith.xori %lt3A_520, %lt3A_522 : i1
      %and3A_524 = arith.andi %ne3A_523, %ne3A_518 : i1
      %add3A_525 = arith.addi %rem3A_516, %select_n3A_515 : i32
      %select_n3A_526 = arith.select %and3A_524, %add3A_525, %rem3A_516 : i32
      %get3A_527 = arith.index_cast %select_n3A_510 : i32 to index
      %get3A_528 = arith.index_cast %select_n3A_526 : i32 to index
      %get3A_529 = tpu.vector_load %arg5[%get3A_527, %get3A_528] {strides = array<i32>} : memref<8x1024xf32, #tpu.memory_space<vmem>>, vector<1x16xf32>,
      %get3A_530 = vector.shape_cast %get3A_529 : vector<1x16xf32> to vector<16xf32>
      %get3A_531 = arith.index_cast %select_n3A_510 : i32 to index
      %get3A_532 = arith.index_cast %select_n3A_526 : i32 to index
      %get3A_533 = tpu.vector_load %arg8[%get3A_531, %get3A_532] {strides = array<i32>} : memref<8x1024xf32, #tpu.memory_space<vmem>>, vector<1x16xf32>,
      %get3A_534 = vector.shape_cast %get3A_533 : vector<1x16xf32> to vector<16xf32>
      %add3A_535 = arith.addf %get3A_534, %get3A_530 : vector<16xf32>
      %swap3A_536 = arith.index_cast %select_n3A_510 : i32 to index
      %swap3A_537 = arith.index_cast %select_n3A_526 : i32 to index
      %swap3A_538 = tpu.vector_load %arg8[%swap3A_536, %swap3A_537] {strides = array<i32>} : memref<8x1024xf32, #tpu.memory_space<vmem>>, vector<1x16xf32>,
      %swap3A_539 = vector.shape_cast %swap3A_538 : vector<1x16xf32> to vector<16xf32>
      %swap3A_540 = vector.shape_cast %add3A_535 : vector<16xf32> to vector<1x16xf32>
      tpu.vector_store %arg8[%swap3A_536, %swap3A_537], %swap3A_540 {strides = array<i32>} : memref<8x1024xf32, #tpu.memory_space<vmem>>, vector<1x16xf32>,
      %get3A_541 = arith.index_cast %select_n3A_510 : i32 to index
      %get3A_542 = arith.index_cast %select_n3A_526 : i32 to index
      %get3A_543 = tpu.vector_load %arg9[%get3A_541, %get3A_542] {strides = array<i32>} : memref<8x1024xf32, #tpu.memory_space<vmem>>, vector<1x16xf32>,
      %get3A_544 = vector.shape_cast %get3A_543 : vector<1x16xf32> to vector<16xf32>
      %add3A_545 = arith.addf %get3A_544, %get3A_530 : vector<16xf32>
      %swap3A_546 = arith.index_cast %select_n3A_510 : i32 to index
      %swap3A_547 = arith.index_cast %select_n3A_526 : i32 to index
      %swap3A_548 = tpu.vector_load %arg9[%swap3A_546, %swap3A_547] {strides = array<i32>} : memref<8x1024xf32, #tpu.memory_space<vmem>>, vector<1x16xf32>,
      %swap3A_549 = vector.shape_cast %swap3A_548 : vector<1x16xf32> to vector<16xf32>
      %swap3A_550 = vector.shape_cast %add3A_545 : vector<16xf32> to vector<1x16xf32>
      tpu.vector_store %arg9[%swap3A_546, %swap3A_547], %swap3A_550 {strides = array<i32>} : memref<8x1024xf32, #tpu.memory_space<vmem>>, vector<1x16xf32>,
      %get3A_551 = arith.index_cast %select_n3A_510 : i32 to index
      %get3A_552 = arith.index_cast %select_n3A_526 : i32 to index
      %get3A_553 = tpu.vector_load %arg10[%get3A_551, %get3A_552] {strides = array<i32>} : memref<8x1024xf32, #tpu.memory_space<vmem>>, vector<1x16xf32>,
      %get3A_554 = vector.shape_cast %get3A_553 : vector<1x16xf32> to vector<16xf32>
      %add3A_555 = arith.addf %get3A_554, %get3A_530 : vector<16xf32>
      %swap3A_556 = arith.index_cast %select_n3A_510 : i32 to index
      %swap3A_557 = arith.index_cast %select_n3A_526 : i32 to index
      %swap3A_558 = tpu.vector_load %arg10[%swap3A_556, %swap3A_557] {strides = array<i32>} : memref<8x1024xf32, #tpu.memory_space<vmem>>, vector<1x16xf32>,
      %swap3A_559 = vector.shape_cast %swap3A_558 : vector<1x16xf32> to vector<16xf32>
      %swap3A_560 = vector.shape_cast %add3A_555 : vector<16xf32> to vector<1x16xf32>
      tpu.vector_store %arg10[%swap3A_556, %swap3A_557], %swap3A_560 {strides = array<i32>} : memref<8x1024xf32, #tpu.memory_space<vmem>>, vector<1x16xf32>,
      %get3A_561 = arith.index_cast %select_n3A_510 : i32 to index
      %get3A_562 = arith.index_cast %select_n3A_526 : i32 to index
      %get3A_563 = tpu.vector_load %arg11[%get3A_561, %get3A_562] {strides = array<i32>} : memref<8x1024xf32, #tpu.memory_space<vmem>>, vector<1x16xf32>,
      %get3A_564 = vector.shape_cast %get3A_563 : vector<1x16xf32> to vector<16xf32>
      %add3A_565 = arith.addf %get3A_564, %get3A_530 : vector<16xf32>
      %swap3A_566 = arith.index_cast %select_n3A_510 : i32 to index
      %swap3A_567 = arith.index_cast %select_n3A_526 : i32 to index
      %swap3A_568 = tpu.vector_load %arg11[%swap3A_566, %swap3A_567] {strides = array<i32>} : memref<8x1024xf32, #tpu.memory_space<vmem>>, vector<1x16xf32>,
      %swap3A_569 = vector.shape_cast %swap3A_568 : vector<1x16xf32> to vector<16xf32>
      %swap3A_570 = vector.shape_cast %add3A_565 : vector<16xf32> to vector<1x16xf32>
      tpu.vector_store %arg11[%swap3A_566, %swap3A_567], %swap3A_570 {strides = array<i32>} : memref<8x1024xf32, #tpu.memory_space<vmem>>, vector<1x16xf32>,
      %mul3A_571 = arith.constant 4 : i32
      %mul3A_572 = arith.muli %scan3A_402, %mul3A_571 : i32
      %add3A_573 = arith.constant 2 : i32
      %add3A_574 = arith.addi %mul3A_572, %add3A_573 : i32
      %mul3A_575 = arith.constant 16 : i32
      %mul3A_576 = arith.muli %add3A_574, %mul3A_575 : i32
      %jit3A_577 = arith.constant 1024 : i32
      %div3A_578 = arith.divsi %mul3A_576, %jit3A_577 : i32
      %sign3A_579 = arith.constant 0 : i32
      %sign3A_580 = arith.cmpi sgt, %mul3A_576, %sign3A_579 : i32
      %sign3A_581 = arith.extui %sign3A_580 : i1 to i32
      %sign3A_582 = arith.constant 0 : i32
      %sign3A_583 = arith.cmpi slt, %mul3A_576, %sign3A_582 : i32
      %sign3A_584 = arith.extui %sign3A_583 : i1 to i32
      %sign3A_585 = arith.subi %sign3A_581, %sign3A_584 : i32
      %sign3A_586 = arith.constant 0 : i32
      %sign3A_587 = arith.cmpi sgt, %jit3A_577, %sign3A_586 : i32
      %sign3A_588 = arith.extui %sign3A_587 : i1 to i32
      %sign3A_589 = arith.constant 0 : i32
      %sign3A_590 = arith.cmpi slt, %jit3A_577, %sign3A_589 : i32
      %sign3A_591 = arith.extui %sign3A_590 : i1 to i32
      %sign3A_592 = arith.subi %sign3A_588, %sign3A_591 : i32
      %ne3A_593 = arith.cmpi ne, %sign3A_585, %sign3A_592 : i32
      %rem3A_594 = arith.remsi %mul3A_576, %jit3A_577 : i32
      %ne3A_595 = arith.constant 0 : i32
      %ne3A_596 = arith.cmpi ne, %rem3A_594, %ne3A_595 : i32
      %and3A_597 = arith.andi %ne3A_593, %ne3A_596 : i1
      %sub3A_598 = arith.constant 1 : i32
      %sub3A_599 = arith.subi %div3A_578, %sub3A_598 : i32
      %select_n3A_600 = arith.select %and3A_597, %sub3A_599, %div3A_578 : i32
      %jit3A_601 = arith.constant 1024 : i32
      %eq3A_602 = arith.constant 0 : i32
      %eq3A_603 = arith.cmpi eq, %jit3A_601, %eq3A_602 : i32
      %jit3A_604 = arith.constant 1 : i32
      %select_n3A_605 = arith.select %eq3A_603, %jit3A_604, %jit3A_601 : i32
      %rem3A_606 = arith.remsi %mul3A_576, %select_n3A_605 : i32
      %ne3A_607 = arith.constant 0 : i32
      %ne3A_608 = arith.cmpi ne, %rem3A_606, %ne3A_607 : i32
      %lt3A_609 = arith.constant 0 : i32
      %lt3A_610 = arith.cmpi slt, %rem3A_606, %lt3A_609 : i32
      %lt3A_611 = arith.constant 0 : i32
      %lt3A_612 = arith.cmpi slt, %select_n3A_605, %lt3A_611 : i32
      %ne3A_613 = arith.xori %lt3A_610, %lt3A_612 : i1
      %and3A_614 = arith.andi %ne3A_613, %ne3A_608 : i1
      %add3A_615 = arith.addi %rem3A_606, %select_n3A_605 : i32
      %select_n3A_616 = arith.select %and3A_614, %add3A_615, %rem3A_606 : i32
      %get3A_617 = arith.index_cast %select_n3A_600 : i32 to index
      %get3A_618 = arith.index_cast %select_n3A_616 : i32 to index
      %get3A_619 = tpu.vector_load %arg5[%get3A_617, %get3A_618] {strides = array<i32>} : memref<8x1024xf32, #tpu.memory_space<vmem>>, vector<1x16xf32>,
      %get3A_620 = vector.shape_cast %get3A_619 : vector<1x16xf32> to vector<16xf32>
      %get3A_621 = arith.index_cast %select_n3A_600 : i32 to index
      %get3A_622 = arith.index_cast %select_n3A_616 : i32 to index
      %get3A_623 = tpu.vector_load %arg8[%get3A_621, %get3A_622] {strides = array<i32>} : memref<8x1024xf32, #tpu.memory_space<vmem>>, vector<1x16xf32>,
      %get3A_624 = vector.shape_cast %get3A_623 : vector<1x16xf32> to vector<16xf32>
      %add3A_625 = arith.addf %get3A_624, %get3A_620 : vector<16xf32>
      %swap3A_626 = arith.index_cast %select_n3A_600 : i32 to index
      %swap3A_627 = arith.index_cast %select_n3A_616 : i32 to index
      %swap3A_628 = tpu.vector_load %arg8[%swap3A_626, %swap3A_627] {strides = array<i32>} : memref<8x1024xf32, #tpu.memory_space<vmem>>, vector<1x16xf32>,
      %swap3A_629 = vector.shape_cast %swap3A_628 : vector<1x16xf32> to vector<16xf32>
      %swap3A_630 = vector.shape_cast %add3A_625 : vector<16xf32> to vector<1x16xf32>
      tpu.vector_store %arg8[%swap3A_626, %swap3A_627], %swap3A_630 {strides = array<i32>} : memref<8x1024xf32, #tpu.memory_space<vmem>>, vector<1x16xf32>,
      %get3A_631 = arith.index_cast %select_n3A_600 : i32 to index
      %get3A_632 = arith.index_cast %select_n3A_616 : i32 to index
      %get3A_633 = tpu.vector_load %arg9[%get3A_631, %get3A_632] {strides = array<i32>} : memref<8x1024xf32, #tpu.memory_space<vmem>>, vector<1x16xf32>,
      %get3A_634 = vector.shape_cast %get3A_633 : vector<1x16xf32> to vector<16xf32>
      %add3A_635 = arith.addf %get3A_634, %get3A_620 : vector<16xf32>
      %swap3A_636 = arith.index_cast %select_n3A_600 : i32 to index
      %swap3A_637 = arith.index_cast %select_n3A_616 : i32 to index
      %swap3A_638 = tpu.vector_load %arg9[%swap3A_636, %swap3A_637] {strides = array<i32>} : memref<8x1024xf32, #tpu.memory_space<vmem>>, vector<1x16xf32>,
      %swap3A_639 = vector.shape_cast %swap3A_638 : vector<1x16xf32> to vector<16xf32>
      %swap3A_640 = vector.shape_cast %add3A_635 : vector<16xf32> to vector<1x16xf32>
      tpu.vector_store %arg9[%swap3A_636, %swap3A_637], %swap3A_640 {strides = array<i32>} : memref<8x1024xf32, #tpu.memory_space<vmem>>, vector<1x16xf32>,
      %get3A_641 = arith.index_cast %select_n3A_600 : i32 to index
      %get3A_642 = arith.index_cast %select_n3A_616 : i32 to index
      %get3A_643 = tpu.vector_load %arg10[%get3A_641, %get3A_642] {strides = array<i32>} : memref<8x1024xf32, #tpu.memory_space<vmem>>, vector<1x16xf32>,
      %get3A_644 = vector.shape_cast %get3A_643 : vector<1x16xf32> to vector<16xf32>
      %add3A_645 = arith.addf %get3A_644, %get3A_620 : vector<16xf32>
      %swap3A_646 = arith.index_cast %select_n3A_600 : i32 to index
      %swap3A_647 = arith.index_cast %select_n3A_616 : i32 to index
      %swap3A_648 = tpu.vector_load %arg10[%swap3A_646, %swap3A_647] {strides = array<i32>} : memref<8x1024xf32, #tpu.memory_space<vmem>>, vector<1x16xf32>,
      %swap3A_649 = vector.shape_cast %swap3A_648 : vector<1x16xf32> to vector<16xf32>
      %swap3A_650 = vector.shape_cast %add3A_645 : vector<16xf32> to vector<1x16xf32>
      tpu.vector_store %arg10[%swap3A_646, %swap3A_647], %swap3A_650 {strides = array<i32>} : memref<8x1024xf32, #tpu.memory_space<vmem>>, vector<1x16xf32>,
      %get3A_651 = arith.index_cast %select_n3A_600 : i32 to index
      %get3A_652 = arith.index_cast %select_n3A_616 : i32 to index
      %get3A_653 = tpu.vector_load %arg11[%get3A_651, %get3A_652] {strides = array<i32>} : memref<8x1024xf32, #tpu.memory_space<vmem>>, vector<1x16xf32>,
      %get3A_654 = vector.shape_cast %get3A_653 : vector<1x16xf32> to vector<16xf32>
      %add3A_655 = arith.addf %get3A_654, %get3A_620 : vector<16xf32>
      %swap3A_656 = arith.index_cast %select_n3A_600 : i32 to index
      %swap3A_657 = arith.index_cast %select_n3A_616 : i32 to index
      %swap3A_658 = tpu.vector_load %arg11[%swap3A_656, %swap3A_657] {strides = array<i32>} : memref<8x1024xf32, #tpu.memory_space<vmem>>, vector<1x16xf32>,
      %swap3A_659 = vector.shape_cast %swap3A_658 : vector<1x16xf32> to vector<16xf32>
      %swap3A_660 = vector.shape_cast %add3A_655 : vector<16xf32> to vector<1x16xf32>
      tpu.vector_store %arg11[%swap3A_656, %swap3A_657], %swap3A_660 {strides = array<i32>} : memref<8x1024xf32, #tpu.memory_space<vmem>>, vector<1x16xf32>,
      %mul3A_661 = arith.constant 4 : i32
      %mul3A_662 = arith.muli %scan3A_402, %mul3A_661 : i32
      %add3A_663 = arith.constant 3 : i32
      %add3A_664 = arith.addi %mul3A_662, %add3A_663 : i32
      %mul3A_665 = arith.constant 16 : i32
      %mul3A_666 = arith.muli %add3A_664, %mul3A_665 : i32
      %jit3A_667 = arith.constant 1024 : i32
      %div3A_668 = arith.divsi %mul3A_666, %jit3A_667 : i32
      %sign3A_669 = arith.constant 0 : i32
      %sign3A_670 = arith.cmpi sgt, %mul3A_666, %sign3A_669 : i32
      %sign3A_671 = arith.extui %sign3A_670 : i1 to i32
      %sign3A_672 = arith.constant 0 : i32
      %sign3A_673 = arith.cmpi slt, %mul3A_666, %sign3A_672 : i32
      %sign3A_674 = arith.extui %sign3A_673 : i1 to i32
      %sign3A_675 = arith.subi %sign3A_671, %sign3A_674 : i32
      %sign3A_676 = arith.constant 0 : i32
      %sign3A_677 = arith.cmpi sgt, %jit3A_667, %sign3A_676 : i32
      %sign3A_678 = arith.extui %sign3A_677 : i1 to i32
      %sign3A_679 = arith.constant 0 : i32
      %sign3A_680 = arith.cmpi slt, %jit3A_667, %sign3A_679 : i32
      %sign3A_681 = arith.extui %sign3A_680 : i1 to i32
      %sign3A_682 = arith.subi %sign3A_678, %sign3A_681 : i32
      %ne3A_683 = arith.cmpi ne, %sign3A_675, %sign3A_682 : i32
      %rem3A_684 = arith.remsi %mul3A_666, %jit3A_667 : i32
      %ne3A_685 = arith.constant 0 : i32
      %ne3A_686 = arith.cmpi ne, %rem3A_684, %ne3A_685 : i32
      %and3A_687 = arith.andi %ne3A_683, %ne3A_686 : i1
      %sub3A_688 = arith.constant 1 : i32
      %sub3A_689 = arith.subi %div3A_668, %sub3A_688 : i32
      %select_n3A_690 = arith.select %and3A_687, %sub3A_689, %div3A_668 : i32
      %jit3A_691 = arith.constant 1024 : i32
      %eq3A_692 = arith.constant 0 : i32
      %eq3A_693 = arith.cmpi eq, %jit3A_691, %eq3A_692 : i32
      %jit3A_694 = arith.constant 1 : i32
      %select_n3A_695 = arith.select %eq3A_693, %jit3A_694, %jit3A_691 : i32
      %rem3A_696 = arith.remsi %mul3A_666, %select_n3A_695 : i32
      %ne3A_697 = arith.constant 0 : i32
      %ne3A_698 = arith.cmpi ne, %rem3A_696, %ne3A_697 : i32
      %lt3A_699 = arith.constant 0 : i32
      %lt3A_700 = arith.cmpi slt, %rem3A_696, %lt3A_699 : i32
      %lt3A_701 = arith.constant 0 : i32
      %lt3A_702 = arith.cmpi slt, %select_n3A_695, %lt3A_701 : i32
      %ne3A_703 = arith.xori %lt3A_700, %lt3A_702 : i1
      %and3A_704 = arith.andi %ne3A_703, %ne3A_698 : i1
      %add3A_705 = arith.addi %rem3A_696, %select_n3A_695 : i32
      %select_n3A_706 = arith.select %and3A_704, %add3A_705, %rem3A_696 : i32
      %get3A_707 = arith.index_cast %select_n3A_690 : i32 to index
      %get3A_708 = arith.index_cast %select_n3A_706 : i32 to index
      %get3A_709 = tpu.vector_load %arg5[%get3A_707, %get3A_708] {strides = array<i32>} : memref<8x1024xf32, #tpu.memory_space<vmem>>, vector<1x16xf32>,
      %get3A_710 = vector.shape_cast %get3A_709 : vector<1x16xf32> to vector<16xf32>
      %get3A_711 = arith.index_cast %select_n3A_690 : i32 to index
      %get3A_712 = arith.index_cast %select_n3A_706 : i32 to index
      %get3A_713 = tpu.vector_load %arg8[%get3A_711, %get3A_712] {strides = array<i32>} : memref<8x1024xf32, #tpu.memory_space<vmem>>, vector<1x16xf32>,
      %get3A_714 = vector.shape_cast %get3A_713 : vector<1x16xf32> to vector<16xf32>
      %add3A_715 = arith.addf %get3A_714, %get3A_710 : vector<16xf32>
      %swap3A_716 = arith.index_cast %select_n3A_690 : i32 to index
      %swap3A_717 = arith.index_cast %select_n3A_706 : i32 to index
      %swap3A_718 = tpu.vector_load %arg8[%swap3A_716, %swap3A_717] {strides = array<i32>} : memref<8x1024xf32, #tpu.memory_space<vmem>>, vector<1x16xf32>,
      %swap3A_719 = vector.shape_cast %swap3A_718 : vector<1x16xf32> to vector<16xf32>
      %swap3A_720 = vector.shape_cast %add3A_715 : vector<16xf32> to vector<1x16xf32>
      tpu.vector_store %arg8[%swap3A_716, %swap3A_717], %swap3A_720 {strides = array<i32>} : memref<8x1024xf32, #tpu.memory_space<vmem>>, vector<1x16xf32>,
      %get3A_721 = arith.index_cast %select_n3A_690 : i32 to index
      %get3A_722 = arith.index_cast %select_n3A_706 : i32 to index
      %get3A_723 = tpu.vector_load %arg9[%get3A_721, %get3A_722] {strides = array<i32>} : memref<8x1024xf32, #tpu.memory_space<vmem>>, vector<1x16xf32>,
      %get3A_724 = vector.shape_cast %get3A_723 : vector<1x16xf32> to vector<16xf32>
      %add3A_725 = arith.addf %get3A_724, %get3A_710 : vector<16xf32>
      %swap3A_726 = arith.index_cast %select_n3A_690 : i32 to index
      %swap3A_727 = arith.index_cast %select_n3A_706 : i32 to index
      %swap3A_728 = tpu.vector_load %arg9[%swap3A_726, %swap3A_727] {strides = array<i32>} : memref<8x1024xf32, #tpu.memory_space<vmem>>, vector<1x16xf32>,
      %swap3A_729 = vector.shape_cast %swap3A_728 : vector<1x16xf32> to vector<16xf32>
      %swap3A_730 = vector.shape_cast %add3A_725 : vector<16xf32> to vector<1x16xf32>
      tpu.vector_store %arg9[%swap3A_726, %swap3A_727], %swap3A_730 {strides = array<i32>} : memref<8x1024xf32, #tpu.memory_space<vmem>>, vector<1x16xf32>,
      %get3A_731 = arith.index_cast %select_n3A_690 : i32 to index
      %get3A_732 = arith.index_cast %select_n3A_706 : i32 to index
      %get3A_733 = tpu.vector_load %arg10[%get3A_731, %get3A_732] {strides = array<i32>} : memref<8x1024xf32, #tpu.memory_space<vmem>>, vector<1x16xf32>,
      %get3A_734 = vector.shape_cast %get3A_733 : vector<1x16xf32> to vector<16xf32>
      %add3A_735 = arith.addf %get3A_734, %get3A_710 : vector<16xf32>
      %swap3A_736 = arith.index_cast %select_n3A_690 : i32 to index
      %swap3A_737 = arith.index_cast %select_n3A_706 : i32 to index
      %swap3A_738 = tpu.vector_load %arg10[%swap3A_736, %swap3A_737] {strides = array<i32>} : memref<8x1024xf32, #tpu.memory_space<vmem>>, vector<1x16xf32>,
      %swap3A_739 = vector.shape_cast %swap3A_738 : vector<1x16xf32> to vector<16xf32>
      %swap3A_740 = vector.shape_cast %add3A_735 : vector<16xf32> to vector<1x16xf32>
      tpu.vector_store %arg10[%swap3A_736, %swap3A_737], %swap3A_740 {strides = array<i32>} : memref<8x1024xf32, #tpu.memory_space<vmem>>, vector<1x16xf32>,
      %get3A_741 = arith.index_cast %select_n3A_690 : i32 to index
      %get3A_742 = arith.index_cast %select_n3A_706 : i32 to index
      %get3A_743 = tpu.vector_load %arg11[%get3A_741, %get3A_742] {strides = array<i32>} : memref<8x1024xf32, #tpu.memory_space<vmem>>, vector<1x16xf32>,
      %get3A_744 = vector.shape_cast %get3A_743 : vector<1x16xf32> to vector<16xf32>
      %add3A_745 = arith.addf %get3A_744, %get3A_710 : vector<16xf32>
      %swap3A_746 = arith.index_cast %select_n3A_690 : i32 to index
      %swap3A_747 = arith.index_cast %select_n3A_706 : i32 to index
      %swap3A_748 = tpu.vector_load %arg11[%swap3A_746, %swap3A_747] {strides = array<i32>} : memref<8x1024xf32, #tpu.memory_space<vmem>>, vector<1x16xf32>,
      %swap3A_749 = vector.shape_cast %swap3A_748 : vector<1x16xf32> to vector<16xf32>
      %swap3A_750 = vector.shape_cast %add3A_745 : vector<16xf32> to vector<1x16xf32>
      tpu.vector_store %arg11[%swap3A_746, %swap3A_747], %swap3A_750 {strides = array<i32>} : memref<8x1024xf32, #tpu.memory_space<vmem>>, vector<1x16xf32>,
    }
    %scan3A_173 = arith.constant 128 : i32
    %add3A_174 = arith.constant 240 : i32
    %add3A_175 = arith.addi %mul3A_2, %add3A_174 : i32
    %dma_start3A_176 = arith.constant 0 : i32
    %dma_start3A_177 = arith.constant 0 : i32
    %dma_start3A_178 = tpu.memref_slice %arg4[%dma_start3A_176, %add3A_175, %dma_start3A_177] : memref<4x8192x1024xf32, #tpu.memory_space<hbm>> -> memref<1x8x1024xf32, #tpu.memory_space<hbm>>
    %dma_start3A_179 = tpu.memref_squeeze %dma_start3A_178 : memref<1x8x1024xf32, #tpu.memory_space<hbm>> -> memref<8x1024xf32, #tpu.memory_space<hbm>>
    %dma_start3A_180 = arith.constant 0 : i32
    %dma_start3A_181 = tpu.memref_slice %arg4[%dma_start3A_176, %add3A_175, %dma_start3A_180] : memref<4x8192x1024xf32, #tpu.memory_space<hbm>> -> memref<1x8x1024xf32, #tpu.memory_space<hbm>>
    %dma_start3A_182 = tpu.memref_squeeze %dma_start3A_181 : memref<1x8x1024xf32, #tpu.memory_space<hbm>> -> memref<8x1024xf32, #tpu.memory_space<hbm>>
    tpu.enqueue_dma source(%arg8 : memref<8x1024xf32, #tpu.memory_space<vmem>>) target(%dma_start3A_182 : memref<8x1024xf32, #tpu.memory_space<hbm>>) target_semaphore(%arg35 : memref<!tpu.dma_semaphore, #tpu.memory_space<semaphore_mem>>)
    %add3A_183 = arith.constant 240 : i32
    %add3A_184 = arith.addi %mul3A_2, %add3A_183 : i32
    %dma_start3A_185 = arith.constant 1 : i32
    %dma_start3A_186 = arith.constant 0 : i32
    %dma_start3A_187 = tpu.memref_slice %arg4[%dma_start3A_185, %add3A_184, %dma_start3A_186] : memref<4x8192x1024xf32, #tpu.memory_space<hbm>> -> memref<1x8x1024xf32, #tpu.memory_space<hbm>>
    %dma_start3A_188 = tpu.memref_squeeze %dma_start3A_187 : memref<1x8x1024xf32, #tpu.memory_space<hbm>> -> memref<8x1024xf32, #tpu.memory_space<hbm>>
    %dma_start3A_189 = arith.constant 0 : i32
    %dma_start3A_190 = tpu.memref_slice %arg4[%dma_start3A_185, %add3A_184, %dma_start3A_189] : memref<4x8192x1024xf32, #tpu.memory_space<hbm>> -> memref<1x8x1024xf32, #tpu.memory_space<hbm>>
    %dma_start3A_191 = tpu.memref_squeeze %dma_start3A_190 : memref<1x8x1024xf32, #tpu.memory_space<hbm>> -> memref<8x1024xf32, #tpu.memory_space<hbm>>
    tpu.enqueue_dma source(%arg9 : memref<8x1024xf32, #tpu.memory_space<vmem>>) target(%dma_start3A_191 : memref<8x1024xf32, #tpu.memory_space<hbm>>) target_semaphore(%arg36 : memref<!tpu.dma_semaphore, #tpu.memory_space<semaphore_mem>>)
    %add3A_192 = arith.constant 240 : i32
    %add3A_193 = arith.addi %mul3A_2, %add3A_192 : i32
    %dma_start3A_194 = arith.constant 2 : i32
    %dma_start3A_195 = arith.constant 0 : i32
    %dma_start3A_196 = tpu.memref_slice %arg4[%dma_start3A_194, %add3A_193, %dma_start3A_195] : memref<4x8192x1024xf32, #tpu.memory_space<hbm>> -> memref<1x8x1024xf32, #tpu.memory_space<hbm>>
    %dma_start3A_197 = tpu.memref_squeeze %dma_start3A_196 : memref<1x8x1024xf32, #tpu.memory_space<hbm>> -> memref<8x1024xf32, #tpu.memory_space<hbm>>
    %dma_start3A_198 = arith.constant 0 : i32
    %dma_start3A_199 = tpu.memref_slice %arg4[%dma_start3A_194, %add3A_193, %dma_start3A_198] : memref<4x8192x1024xf32, #tpu.memory_space<hbm>> -> memref<1x8x1024xf32, #tpu.memory_space<hbm>>
    %dma_start3A_200 = tpu.memref_squeeze %dma_start3A_199 : memref<1x8x1024xf32, #tpu.memory_space<hbm>> -> memref<8x1024xf32, #tpu.memory_space<hbm>>
    tpu.enqueue_dma source(%arg10 : memref<8x1024xf32, #tpu.memory_space<vmem>>) target(%dma_start3A_200 : memref<8x1024xf32, #tpu.memory_space<hbm>>) target_semaphore(%arg37 : memref<!tpu.dma_semaphore, #tpu.memory_space<semaphore_mem>>)
    %add3A_201 = arith.constant 240 : i32
    %add3A_202 = arith.addi %mul3A_2, %add3A_201 : i32
    %dma_start3A_203 = arith.constant 3 : i32
    %dma_start3A_204 = arith.constant 0 : i32
    %dma_start3A_205 = tpu.memref_slice %arg4[%dma_start3A_203, %add3A_202, %dma_start3A_204] : memref<4x8192x1024xf32, #tpu.memory_space<hbm>> -> memref<1x8x1024xf32, #tpu.memory_space<hbm>>
    %dma_start3A_206 = tpu.memref_squeeze %dma_start3A_205 : memref<1x8x1024xf32, #tpu.memory_space<hbm>> -> memref<8x1024xf32, #tpu.memory_space<hbm>>
    %dma_start3A_207 = arith.constant 0 : i32
    %dma_start3A_208 = tpu.memref_slice %arg4[%dma_start3A_203, %add3A_202, %dma_start3A_207] : memref<4x8192x1024xf32, #tpu.memory_space<hbm>> -> memref<1x8x1024xf32, #tpu.memory_space<hbm>>
    %dma_start3A_209 = tpu.memref_squeeze %dma_start3A_208 : memref<1x8x1024xf32, #tpu.memory_space<hbm>> -> memref<8x1024xf32, #tpu.memory_space<hbm>>
    tpu.enqueue_dma source(%arg11 : memref<8x1024xf32, #tpu.memory_space<vmem>>) target(%dma_start3A_209 : memref<8x1024xf32, #tpu.memory_space<hbm>>) target_semaphore(%arg38 : memref<!tpu.dma_semaphore, #tpu.memory_space<semaphore_mem>>)
    %add3A_210 = arith.constant 248 : i32
    %add3A_211 = arith.addi %mul3A_2, %add3A_210 : i32
    %dma_wait3A_212 = arith.constant 0 : i32
    %dma_wait3A_213 = tpu.memref_slice %arg3[%add3A_211, %dma_wait3A_212] : memref<8192x1024xf32, #tpu.memory_space<hbm>> -> memref<8x1024xf32, #tpu.memory_space<hbm>>
    %dma_wait3A_214 = arith.constant 0 : i32
    %dma_wait3A_215 = tpu.memref_slice %arg3[%add3A_211, %dma_wait3A_214] : memref<8192x1024xf32, #tpu.memory_space<hbm>> -> memref<8x1024xf32, #tpu.memory_space<hbm>>
    tpu.wait_dma2 semaphore(%arg21 : memref<!tpu.dma_semaphore, #tpu.memory_space<semaphore_mem>>) src(%dma_wait3A_215 : memref<8x1024xf32, #tpu.memory_space<hbm>>) dst(%arg6 : memref<8x1024xf32, #tpu.memory_space<vmem>>)
    %add3A_216 = arith.constant 248 : i32
    %add3A_217 = arith.addi %mul3A_2, %add3A_216 : i32
    %dma_wait3A_218 = arith.constant 0 : i32
    %dma_wait3A_219 = arith.constant 0 : i32
    %dma_wait3A_220 = tpu.memref_slice %arg2[%dma_wait3A_218, %add3A_217, %dma_wait3A_219] : memref<4x8192x1024xf32, #tpu.memory_space<hbm>> -> memref<1x8x1024xf32, #tpu.memory_space<hbm>>
    %dma_wait3A_221 = tpu.memref_squeeze %dma_wait3A_220 : memref<1x8x1024xf32, #tpu.memory_space<hbm>> -> memref<8x1024xf32, #tpu.memory_space<hbm>>
    %dma_wait3A_222 = arith.constant 0 : i32
    %dma_wait3A_223 = tpu.memref_slice %arg2[%dma_wait3A_218, %add3A_217, %dma_wait3A_222] : memref<4x8192x1024xf32, #tpu.memory_space<hbm>> -> memref<1x8x1024xf32, #tpu.memory_space<hbm>>
    %dma_wait3A_224 = tpu.memref_squeeze %dma_wait3A_223 : memref<1x8x1024xf32, #tpu.memory_space<hbm>> -> memref<8x1024xf32, #tpu.memory_space<hbm>>
    tpu.wait_dma2 semaphore(%arg27 : memref<!tpu.dma_semaphore, #tpu.memory_space<semaphore_mem>>) src(%dma_wait3A_224 : memref<8x1024xf32, #tpu.memory_space<hbm>>) dst(%arg12 : memref<8x1024xf32, #tpu.memory_space<vmem>>)
    %add3A_225 = arith.constant 248 : i32
    %add3A_226 = arith.addi %mul3A_2, %add3A_225 : i32
    %dma_wait3A_227 = arith.constant 1 : i32
    %dma_wait3A_228 = arith.constant 0 : i32
    %dma_wait3A_229 = tpu.memref_slice %arg2[%dma_wait3A_227, %add3A_226, %dma_wait3A_228] : memref<4x8192x1024xf32, #tpu.memory_space<hbm>> -> memref<1x8x1024xf32, #tpu.memory_space<hbm>>
    %dma_wait3A_230 = tpu.memref_squeeze %dma_wait3A_229 : memref<1x8x1024xf32, #tpu.memory_space<hbm>> -> memref<8x1024xf32, #tpu.memory_space<hbm>>
    %dma_wait3A_231 = arith.constant 0 : i32
    %dma_wait3A_232 = tpu.memref_slice %arg2[%dma_wait3A_227, %add3A_226, %dma_wait3A_231] : memref<4x8192x1024xf32, #tpu.memory_space<hbm>> -> memref<1x8x1024xf32, #tpu.memory_space<hbm>>
    %dma_wait3A_233 = tpu.memref_squeeze %dma_wait3A_232 : memref<1x8x1024xf32, #tpu.memory_space<hbm>> -> memref<8x1024xf32, #tpu.memory_space<hbm>>
    tpu.wait_dma2 semaphore(%arg28 : memref<!tpu.dma_semaphore, #tpu.memory_space<semaphore_mem>>) src(%dma_wait3A_233 : memref<8x1024xf32, #tpu.memory_space<hbm>>) dst(%arg13 : memref<8x1024xf32, #tpu.memory_space<vmem>>)
    %add3A_234 = arith.constant 248 : i32
    %add3A_235 = arith.addi %mul3A_2, %add3A_234 : i32
    %dma_wait3A_236 = arith.constant 2 : i32
    %dma_wait3A_237 = arith.constant 0 : i32
    %dma_wait3A_238 = tpu.memref_slice %arg2[%dma_wait3A_236, %add3A_235, %dma_wait3A_237] : memref<4x8192x1024xf32, #tpu.memory_space<hbm>> -> memref<1x8x1024xf32, #tpu.memory_space<hbm>>
    %dma_wait3A_239 = tpu.memref_squeeze %dma_wait3A_238 : memref<1x8x1024xf32, #tpu.memory_space<hbm>> -> memref<8x1024xf32, #tpu.memory_space<hbm>>
    %dma_wait3A_240 = arith.constant 0 : i32
    %dma_wait3A_241 = tpu.memref_slice %arg2[%dma_wait3A_236, %add3A_235, %dma_wait3A_240] : memref<4x8192x1024xf32, #tpu.memory_space<hbm>> -> memref<1x8x1024xf32, #tpu.memory_space<hbm>>
    %dma_wait3A_242 = tpu.memref_squeeze %dma_wait3A_241 : memref<1x8x1024xf32, #tpu.memory_space<hbm>> -> memref<8x1024xf32, #tpu.memory_space<hbm>>
    tpu.wait_dma2 semaphore(%arg29 : memref<!tpu.dma_semaphore, #tpu.memory_space<semaphore_mem>>) src(%dma_wait3A_242 : memref<8x1024xf32, #tpu.memory_space<hbm>>) dst(%arg14 : memref<8x1024xf32, #tpu.memory_space<vmem>>)
    %add3A_243 = arith.constant 248 : i32
    %add3A_244 = arith.addi %mul3A_2, %add3A_243 : i32
    %dma_wait3A_245 = arith.constant 3 : i32
    %dma_wait3A_246 = arith.constant 0 : i32
    %dma_wait3A_247 = tpu.memref_slice %arg2[%dma_wait3A_245, %add3A_244, %dma_wait3A_246] : memref<4x8192x1024xf32, #tpu.memory_space<hbm>> -> memref<1x8x1024xf32, #tpu.memory_space<hbm>>
    %dma_wait3A_248 = tpu.memref_squeeze %dma_wait3A_247 : memref<1x8x1024xf32, #tpu.memory_space<hbm>> -> memref<8x1024xf32, #tpu.memory_space<hbm>>
    %dma_wait3A_249 = arith.constant 0 : i32
    %dma_wait3A_250 = tpu.memref_slice %arg2[%dma_wait3A_245, %add3A_244, %dma_wait3A_249] : memref<4x8192x1024xf32, #tpu.memory_space<hbm>> -> memref<1x8x1024xf32, #tpu.memory_space<hbm>>
    %dma_wait3A_251 = tpu.memref_squeeze %dma_wait3A_250 : memref<1x8x1024xf32, #tpu.memory_space<hbm>> -> memref<8x1024xf32, #tpu.memory_space<hbm>>
    tpu.wait_dma2 semaphore(%arg30 : memref<!tpu.dma_semaphore, #tpu.memory_space<semaphore_mem>>) src(%dma_wait3A_251 : memref<8x1024xf32, #tpu.memory_space<hbm>>) dst(%arg15 : memref<8x1024xf32, #tpu.memory_space<vmem>>)
    %scan3A_252 = arith.constant 0 : i32
    %scan3A_253 = arith.constant 0 : i32
    %scan3A_254 = arith.constant 128 : i32
    %scan3A_255 = arith.addi %scan3A_253, %scan3A_254 : i32
    %scan3A_256 = arith.constant 1 : i32
    scf.for %scan3A_402 = %scan3A_253 to %scan3A_255 step %scan3A_256  : i32 {
      %mul3A_403 = arith.constant 4 : i32
      %mul3A_404 = arith.muli %scan3A_402, %mul3A_403 : i32
      %add3A_405 = arith.constant 0 : i32
      %add3A_406 = arith.addi %mul3A_404, %add3A_405 : i32
      %mul3A_407 = arith.constant 16 : i32
      %mul3A_408 = arith.muli %add3A_406, %mul3A_407 : i32
      %jit3A = arith.constant 1024 : i32
      %div3A = arith.divsi %mul3A_408, %jit3A : i32
      %sign3A = arith.constant 0 : i32
      %sign3A_409 = arith.cmpi sgt, %mul3A_408, %sign3A : i32
      %sign3A_410 = arith.extui %sign3A_409 : i1 to i32
      %sign3A_411 = arith.constant 0 : i32
      %sign3A_412 = arith.cmpi slt, %mul3A_408, %sign3A_411 : i32
      %sign3A_413 = arith.extui %sign3A_412 : i1 to i32
      %sign3A_414 = arith.subi %sign3A_410, %sign3A_413 : i32
      %sign3A_415 = arith.constant 0 : i32
      %sign3A_416 = arith.cmpi sgt, %jit3A, %sign3A_415 : i32
      %sign3A_417 = arith.extui %sign3A_416 : i1 to i32
      %sign3A_418 = arith.constant 0 : i32
      %sign3A_419 = arith.cmpi slt, %jit3A, %sign3A_418 : i32
      %sign3A_420 = arith.extui %sign3A_419 : i1 to i32
      %sign3A_421 = arith.subi %sign3A_417, %sign3A_420 : i32
      %ne3A = arith.cmpi ne, %sign3A_414, %sign3A_421 : i32
      %rem3A = arith.remsi %mul3A_408, %jit3A : i32
      %ne3A_422 = arith.constant 0 : i32
      %ne3A_423 = arith.cmpi ne, %rem3A, %ne3A_422 : i32
      %and3A = arith.andi %ne3A, %ne3A_423 : i1
      %sub3A = arith.constant 1 : i32
      %sub3A_424 = arith.subi %div3A, %sub3A : i32
      %select_n3A = arith.select %and3A, %sub3A_424, %div3A : i32
      %jit3A_425 = arith.constant 1024 : i32
      %eq3A = arith.constant 0 : i32
      %eq3A_426 = arith.cmpi eq, %jit3A_425, %eq3A : i32
      %jit3A_427 = arith.constant 1 : i32
      %select_n3A_428 = arith.select %eq3A_426, %jit3A_427, %jit3A_425 : i32
      %rem3A_429 = arith.remsi %mul3A_408, %select_n3A_428 : i32
      %ne3A_430 = arith.constant 0 : i32
      %ne3A_431 = arith.cmpi ne, %rem3A_429, %ne3A_430 : i32
      %lt3A = arith.constant 0 : i32
      %lt3A_432 = arith.cmpi slt, %rem3A_429, %lt3A : i32
      %lt3A_433 = arith.constant 0 : i32
      %lt3A_434 = arith.cmpi slt, %select_n3A_428, %lt3A_433 : i32
      %ne3A_435 = arith.xori %lt3A_432, %lt3A_434 : i1
      %and3A_436 = arith.andi %ne3A_435, %ne3A_431 : i1
      %add3A_437 = arith.addi %rem3A_429, %select_n3A_428 : i32
      %select_n3A_438 = arith.select %and3A_436, %add3A_437, %rem3A_429 : i32
      %get3A = arith.index_cast %select_n3A : i32 to index
      %get3A_439 = arith.index_cast %select_n3A_438 : i32 to index
      %get3A_440 = tpu.vector_load %arg6[%get3A, %get3A_439] {strides = array<i32>} : memref<8x1024xf32, #tpu.memory_space<vmem>>, vector<1x16xf32>,
      %get3A_441 = vector.shape_cast %get3A_440 : vector<1x16xf32> to vector<16xf32>
      %get3A_442 = arith.index_cast %select_n3A : i32 to index
      %get3A_443 = arith.index_cast %select_n3A_438 : i32 to index
      %get3A_444 = tpu.vector_load %arg12[%get3A_442, %get3A_443] {strides = array<i32>} : memref<8x1024xf32, #tpu.memory_space<vmem>>, vector<1x16xf32>,
      %get3A_445 = vector.shape_cast %get3A_444 : vector<1x16xf32> to vector<16xf32>
      %add3A_446 = arith.addf %get3A_445, %get3A_441 : vector<16xf32>
      %swap3A = arith.index_cast %select_n3A : i32 to index
      %swap3A_447 = arith.index_cast %select_n3A_438 : i32 to index
      %swap3A_448 = tpu.vector_load %arg12[%swap3A, %swap3A_447] {strides = array<i32>} : memref<8x1024xf32, #tpu.memory_space<vmem>>, vector<1x16xf32>,
      %swap3A_449 = vector.shape_cast %swap3A_448 : vector<1x16xf32> to vector<16xf32>
      %swap3A_450 = vector.shape_cast %add3A_446 : vector<16xf32> to vector<1x16xf32>
      tpu.vector_store %arg12[%swap3A, %swap3A_447], %swap3A_450 {strides = array<i32>} : memref<8x1024xf32, #tpu.memory_space<vmem>>, vector<1x16xf32>,
      %get3A_451 = arith.index_cast %select_n3A : i32 to index
      %get3A_452 = arith.index_cast %select_n3A_438 : i32 to index
      %get3A_453 = tpu.vector_load %arg13[%get3A_451, %get3A_452] {strides = array<i32>} : memref<8x1024xf32, #tpu.memory_space<vmem>>, vector<1x16xf32>,
      %get3A_454 = vector.shape_cast %get3A_453 : vector<1x16xf32> to vector<16xf32>
      %add3A_455 = arith.addf %get3A_454, %get3A_441 : vector<16xf32>
      %swap3A_456 = arith.index_cast %select_n3A : i32 to index
      %swap3A_457 = arith.index_cast %select_n3A_438 : i32 to index
      %swap3A_458 = tpu.vector_load %arg13[%swap3A_456, %swap3A_457] {strides = array<i32>} : memref<8x1024xf32, #tpu.memory_space<vmem>>, vector<1x16xf32>,
      %swap3A_459 = vector.shape_cast %swap3A_458 : vector<1x16xf32> to vector<16xf32>
      %swap3A_460 = vector.shape_cast %add3A_455 : vector<16xf32> to vector<1x16xf32>
      tpu.vector_store %arg13[%swap3A_456, %swap3A_457], %swap3A_460 {strides = array<i32>} : memref<8x1024xf32, #tpu.memory_space<vmem>>, vector<1x16xf32>,
      %get3A_461 = arith.index_cast %select_n3A : i32 to index
      %get3A_462 = arith.index_cast %select_n3A_438 : i32 to index
      %get3A_463 = tpu.vector_load %arg14[%get3A_461, %get3A_462] {strides = array<i32>} : memref<8x1024xf32, #tpu.memory_space<vmem>>, vector<1x16xf32>,
      %get3A_464 = vector.shape_cast %get3A_463 : vector<1x16xf32> to vector<16xf32>
      %add3A_465 = arith.addf %get3A_464, %get3A_441 : vector<16xf32>
      %swap3A_466 = arith.index_cast %select_n3A : i32 to index
      %swap3A_467 = arith.index_cast %select_n3A_438 : i32 to index
      %swap3A_468 = tpu.vector_load %arg14[%swap3A_466, %swap3A_467] {strides = array<i32>} : memref<8x1024xf32, #tpu.memory_space<vmem>>, vector<1x16xf32>,
      %swap3A_469 = vector.shape_cast %swap3A_468 : vector<1x16xf32> to vector<16xf32>
      %swap3A_470 = vector.shape_cast %add3A_465 : vector<16xf32> to vector<1x16xf32>
      tpu.vector_store %arg14[%swap3A_466, %swap3A_467], %swap3A_470 {strides = array<i32>} : memref<8x1024xf32, #tpu.memory_space<vmem>>, vector<1x16xf32>,
      %get3A_471 = arith.index_cast %select_n3A : i32 to index
      %get3A_472 = arith.index_cast %select_n3A_438 : i32 to index
      %get3A_473 = tpu.vector_load %arg15[%get3A_471, %get3A_472] {strides = array<i32>} : memref<8x1024xf32, #tpu.memory_space<vmem>>, vector<1x16xf32>,
      %get3A_474 = vector.shape_cast %get3A_473 : vector<1x16xf32> to vector<16xf32>
      %add3A_475 = arith.addf %get3A_474, %get3A_441 : vector<16xf32>
      %swap3A_476 = arith.index_cast %select_n3A : i32 to index
      %swap3A_477 = arith.index_cast %select_n3A_438 : i32 to index
      %swap3A_478 = tpu.vector_load %arg15[%swap3A_476, %swap3A_477] {strides = array<i32>} : memref<8x1024xf32, #tpu.memory_space<vmem>>, vector<1x16xf32>,
      %swap3A_479 = vector.shape_cast %swap3A_478 : vector<1x16xf32> to vector<16xf32>
      %swap3A_480 = vector.shape_cast %add3A_475 : vector<16xf32> to vector<1x16xf32>
      tpu.vector_store %arg15[%swap3A_476, %swap3A_477], %swap3A_480 {strides = array<i32>} : memref<8x1024xf32, #tpu.memory_space<vmem>>, vector<1x16xf32>,
      %mul3A_481 = arith.constant 4 : i32
      %mul3A_482 = arith.muli %scan3A_402, %mul3A_481 : i32
      %add3A_483 = arith.constant 1 : i32
      %add3A_484 = arith.addi %mul3A_482, %add3A_483 : i32
      %mul3A_485 = arith.constant 16 : i32
      %mul3A_486 = arith.muli %add3A_484, %mul3A_485 : i32
      %jit3A_487 = arith.constant 1024 : i32
      %div3A_488 = arith.divsi %mul3A_486, %jit3A_487 : i32
      %sign3A_489 = arith.constant 0 : i32
      %sign3A_490 = arith.cmpi sgt, %mul3A_486, %sign3A_489 : i32
      %sign3A_491 = arith.extui %sign3A_490 : i1 to i32
      %sign3A_492 = arith.constant 0 : i32
      %sign3A_493 = arith.cmpi slt, %mul3A_486, %sign3A_492 : i32
      %sign3A_494 = arith.extui %sign3A_493 : i1 to i32
      %sign3A_495 = arith.subi %sign3A_491, %sign3A_494 : i32
      %sign3A_496 = arith.constant 0 : i32
      %sign3A_497 = arith.cmpi sgt, %jit3A_487, %sign3A_496 : i32
      %sign3A_498 = arith.extui %sign3A_497 : i1 to i32
      %sign3A_499 = arith.constant 0 : i32
      %sign3A_500 = arith.cmpi slt, %jit3A_487, %sign3A_499 : i32
      %sign3A_501 = arith.extui %sign3A_500 : i1 to i32
      %sign3A_502 = arith.subi %sign3A_498, %sign3A_501 : i32
      %ne3A_503 = arith.cmpi ne, %sign3A_495, %sign3A_502 : i32
      %rem3A_504 = arith.remsi %mul3A_486, %jit3A_487 : i32
      %ne3A_505 = arith.constant 0 : i32
      %ne3A_506 = arith.cmpi ne, %rem3A_504, %ne3A_505 : i32
      %and3A_507 = arith.andi %ne3A_503, %ne3A_506 : i1
      %sub3A_508 = arith.constant 1 : i32
      %sub3A_509 = arith.subi %div3A_488, %sub3A_508 : i32
      %select_n3A_510 = arith.select %and3A_507, %sub3A_509, %div3A_488 : i32
      %jit3A_511 = arith.constant 1024 : i32
      %eq3A_512 = arith.constant 0 : i32
      %eq3A_513 = arith.cmpi eq, %jit3A_511, %eq3A_512 : i32
      %jit3A_514 = arith.constant 1 : i32
      %select_n3A_515 = arith.select %eq3A_513, %jit3A_514, %jit3A_511 : i32
      %rem3A_516 = arith.remsi %mul3A_486, %select_n3A_515 : i32
      %ne3A_517 = arith.constant 0 : i32
      %ne3A_518 = arith.cmpi ne, %rem3A_516, %ne3A_517 : i32
      %lt3A_519 = arith.constant 0 : i32
      %lt3A_520 = arith.cmpi slt, %rem3A_516, %lt3A_519 : i32
      %lt3A_521 = arith.constant 0 : i32
      %lt3A_522 = arith.cmpi slt, %select_n3A_515, %lt3A_521 : i32
      %ne3A_523 = arith.xori %lt3A_520, %lt3A_522 : i1
      %and3A_524 = arith.andi %ne3A_523, %ne3A_518 : i1
      %add3A_525 = arith.addi %rem3A_516, %select_n3A_515 : i32
      %select_n3A_526 = arith.select %and3A_524, %add3A_525, %rem3A_516 : i32
      %get3A_527 = arith.index_cast %select_n3A_510 : i32 to index
      %get3A_528 = arith.index_cast %select_n3A_526 : i32 to index
      %get3A_529 = tpu.vector_load %arg6[%get3A_527, %get3A_528] {strides = array<i32>} : memref<8x1024xf32, #tpu.memory_space<vmem>>, vector<1x16xf32>,
      %get3A_530 = vector.shape_cast %get3A_529 : vector<1x16xf32> to vector<16xf32>
      %get3A_531 = arith.index_cast %select_n3A_510 : i32 to index
      %get3A_532 = arith.index_cast %select_n3A_526 : i32 to index
      %get3A_533 = tpu.vector_load %arg12[%get3A_531, %get3A_532] {strides = array<i32>} : memref<8x1024xf32, #tpu.memory_space<vmem>>, vector<1x16xf32>,
      %get3A_534 = vector.shape_cast %get3A_533 : vector<1x16xf32> to vector<16xf32>
      %add3A_535 = arith.addf %get3A_534, %get3A_530 : vector<16xf32>
      %swap3A_536 = arith.index_cast %select_n3A_510 : i32 to index
      %swap3A_537 = arith.index_cast %select_n3A_526 : i32 to index
      %swap3A_538 = tpu.vector_load %arg12[%swap3A_536, %swap3A_537] {strides = array<i32>} : memref<8x1024xf32, #tpu.memory_space<vmem>>, vector<1x16xf32>,
      %swap3A_539 = vector.shape_cast %swap3A_538 : vector<1x16xf32> to vector<16xf32>
      %swap3A_540 = vector.shape_cast %add3A_535 : vector<16xf32> to vector<1x16xf32>
      tpu.vector_store %arg12[%swap3A_536, %swap3A_537], %swap3A_540 {strides = array<i32>} : memref<8x1024xf32, #tpu.memory_space<vmem>>, vector<1x16xf32>,
      %get3A_541 = arith.index_cast %select_n3A_510 : i32 to index
      %get3A_542 = arith.index_cast %select_n3A_526 : i32 to index
      %get3A_543 = tpu.vector_load %arg13[%get3A_541, %get3A_542] {strides = array<i32>} : memref<8x1024xf32, #tpu.memory_space<vmem>>, vector<1x16xf32>,
      %get3A_544 = vector.shape_cast %get3A_543 : vector<1x16xf32> to vector<16xf32>
      %add3A_545 = arith.addf %get3A_544, %get3A_530 : vector<16xf32>
      %swap3A_546 = arith.index_cast %select_n3A_510 : i32 to index
      %swap3A_547 = arith.index_cast %select_n3A_526 : i32 to index
      %swap3A_548 = tpu.vector_load %arg13[%swap3A_546, %swap3A_547] {strides = array<i32>} : memref<8x1024xf32, #tpu.memory_space<vmem>>, vector<1x16xf32>,
      %swap3A_549 = vector.shape_cast %swap3A_548 : vector<1x16xf32> to vector<16xf32>
      %swap3A_550 = vector.shape_cast %add3A_545 : vector<16xf32> to vector<1x16xf32>
      tpu.vector_store %arg13[%swap3A_546, %swap3A_547], %swap3A_550 {strides = array<i32>} : memref<8x1024xf32, #tpu.memory_space<vmem>>, vector<1x16xf32>,
      %get3A_551 = arith.index_cast %select_n3A_510 : i32 to index
      %get3A_552 = arith.index_cast %select_n3A_526 : i32 to index
      %get3A_553 = tpu.vector_load %arg14[%get3A_551, %get3A_552] {strides = array<i32>} : memref<8x1024xf32, #tpu.memory_space<vmem>>, vector<1x16xf32>,
      %get3A_554 = vector.shape_cast %get3A_553 : vector<1x16xf32> to vector<16xf32>
      %add3A_555 = arith.addf %get3A_554, %get3A_530 : vector<16xf32>
      %swap3A_556 = arith.index_cast %select_n3A_510 : i32 to index
      %swap3A_557 = arith.index_cast %select_n3A_526 : i32 to index
      %swap3A_558 = tpu.vector_load %arg14[%swap3A_556, %swap3A_557] {strides = array<i32>} : memref<8x1024xf32, #tpu.memory_space<vmem>>, vector<1x16xf32>,
      %swap3A_559 = vector.shape_cast %swap3A_558 : vector<1x16xf32> to vector<16xf32>
      %swap3A_560 = vector.shape_cast %add3A_555 : vector<16xf32> to vector<1x16xf32>
      tpu.vector_store %arg14[%swap3A_556, %swap3A_557], %swap3A_560 {strides = array<i32>} : memref<8x1024xf32, #tpu.memory_space<vmem>>, vector<1x16xf32>,
      %get3A_561 = arith.index_cast %select_n3A_510 : i32 to index
      %get3A_562 = arith.index_cast %select_n3A_526 : i32 to index
      %get3A_563 = tpu.vector_load %arg15[%get3A_561, %get3A_562] {strides = array<i32>} : memref<8x1024xf32, #tpu.memory_space<vmem>>, vector<1x16xf32>,
      %get3A_564 = vector.shape_cast %get3A_563 : vector<1x16xf32> to vector<16xf32>
      %add3A_565 = arith.addf %get3A_564, %get3A_530 : vector<16xf32>
      %swap3A_566 = arith.index_cast %select_n3A_510 : i32 to index
      %swap3A_567 = arith.index_cast %select_n3A_526 : i32 to index
      %swap3A_568 = tpu.vector_load %arg15[%swap3A_566, %swap3A_567] {strides = array<i32>} : memref<8x1024xf32, #tpu.memory_space<vmem>>, vector<1x16xf32>,
      %swap3A_569 = vector.shape_cast %swap3A_568 : vector<1x16xf32> to vector<16xf32>
      %swap3A_570 = vector.shape_cast %add3A_565 : vector<16xf32> to vector<1x16xf32>
      tpu.vector_store %arg15[%swap3A_566, %swap3A_567], %swap3A_570 {strides = array<i32>} : memref<8x1024xf32, #tpu.memory_space<vmem>>, vector<1x16xf32>,
      %mul3A_571 = arith.constant 4 : i32
      %mul3A_572 = arith.muli %scan3A_402, %mul3A_571 : i32
      %add3A_573 = arith.constant 2 : i32
      %add3A_574 = arith.addi %mul3A_572, %add3A_573 : i32
      %mul3A_575 = arith.constant 16 : i32
      %mul3A_576 = arith.muli %add3A_574, %mul3A_575 : i32
      %jit3A_577 = arith.constant 1024 : i32
      %div3A_578 = arith.divsi %mul3A_576, %jit3A_577 : i32
      %sign3A_579 = arith.constant 0 : i32
      %sign3A_580 = arith.cmpi sgt, %mul3A_576, %sign3A_579 : i32
      %sign3A_581 = arith.extui %sign3A_580 : i1 to i32
      %sign3A_582 = arith.constant 0 : i32
      %sign3A_583 = arith.cmpi slt, %mul3A_576, %sign3A_582 : i32
      %sign3A_584 = arith.extui %sign3A_583 : i1 to i32
      %sign3A_585 = arith.subi %sign3A_581, %sign3A_584 : i32
      %sign3A_586 = arith.constant 0 : i32
      %sign3A_587 = arith.cmpi sgt, %jit3A_577, %sign3A_586 : i32
      %sign3A_588 = arith.extui %sign3A_587 : i1 to i32
      %sign3A_589 = arith.constant 0 : i32
      %sign3A_590 = arith.cmpi slt, %jit3A_577, %sign3A_589 : i32
      %sign3A_591 = arith.extui %sign3A_590 : i1 to i32
      %sign3A_592 = arith.subi %sign3A_588, %sign3A_591 : i32
      %ne3A_593 = arith.cmpi ne, %sign3A_585, %sign3A_592 : i32
      %rem3A_594 = arith.remsi %mul3A_576, %jit3A_577 : i32
      %ne3A_595 = arith.constant 0 : i32
      %ne3A_596 = arith.cmpi ne, %rem3A_594, %ne3A_595 : i32
      %and3A_597 = arith.andi %ne3A_593, %ne3A_596 : i1
      %sub3A_598 = arith.constant 1 : i32
      %sub3A_599 = arith.subi %div3A_578, %sub3A_598 : i32
      %select_n3A_600 = arith.select %and3A_597, %sub3A_599, %div3A_578 : i32
      %jit3A_601 = arith.constant 1024 : i32
      %eq3A_602 = arith.constant 0 : i32
      %eq3A_603 = arith.cmpi eq, %jit3A_601, %eq3A_602 : i32
      %jit3A_604 = arith.constant 1 : i32
      %select_n3A_605 = arith.select %eq3A_603, %jit3A_604, %jit3A_601 : i32
      %rem3A_606 = arith.remsi %mul3A_576, %select_n3A_605 : i32
      %ne3A_607 = arith.constant 0 : i32
      %ne3A_608 = arith.cmpi ne, %rem3A_606, %ne3A_607 : i32
      %lt3A_609 = arith.constant 0 : i32
      %lt3A_610 = arith.cmpi slt, %rem3A_606, %lt3A_609 : i32
      %lt3A_611 = arith.constant 0 : i32
      %lt3A_612 = arith.cmpi slt, %select_n3A_605, %lt3A_611 : i32
      %ne3A_613 = arith.xori %lt3A_610, %lt3A_612 : i1
      %and3A_614 = arith.andi %ne3A_613, %ne3A_608 : i1
      %add3A_615 = arith.addi %rem3A_606, %select_n3A_605 : i32
      %select_n3A_616 = arith.select %and3A_614, %add3A_615, %rem3A_606 : i32
      %get3A_617 = arith.index_cast %select_n3A_600 : i32 to index
      %get3A_618 = arith.index_cast %select_n3A_616 : i32 to index
      %get3A_619 = tpu.vector_load %arg6[%get3A_617, %get3A_618] {strides = array<i32>} : memref<8x1024xf32, #tpu.memory_space<vmem>>, vector<1x16xf32>,
      %get3A_620 = vector.shape_cast %get3A_619 : vector<1x16xf32> to vector<16xf32>
      %get3A_621 = arith.index_cast %select_n3A_600 : i32 to index
      %get3A_622 = arith.index_cast %select_n3A_616 : i32 to index
      %get3A_623 = tpu.vector_load %arg12[%get3A_621, %get3A_622] {strides = array<i32>} : memref<8x1024xf32, #tpu.memory_space<vmem>>, vector<1x16xf32>,
      %get3A_624 = vector.shape_cast %get3A_623 : vector<1x16xf32> to vector<16xf32>
      %add3A_625 = arith.addf %get3A_624, %get3A_620 : vector<16xf32>
      %swap3A_626 = arith.index_cast %select_n3A_600 : i32 to index
      %swap3A_627 = arith.index_cast %select_n3A_616 : i32 to index
      %swap3A_628 = tpu.vector_load %arg12[%swap3A_626, %swap3A_627] {strides = array<i32>} : memref<8x1024xf32, #tpu.memory_space<vmem>>, vector<1x16xf32>,
      %swap3A_629 = vector.shape_cast %swap3A_628 : vector<1x16xf32> to vector<16xf32>
      %swap3A_630 = vector.shape_cast %add3A_625 : vector<16xf32> to vector<1x16xf32>
      tpu.vector_store %arg12[%swap3A_626, %swap3A_627], %swap3A_630 {strides = array<i32>} : memref<8x1024xf32, #tpu.memory_space<vmem>>, vector<1x16xf32>,
      %get3A_631 = arith.index_cast %select_n3A_600 : i32 to index
      %get3A_632 = arith.index_cast %select_n3A_616 : i32 to index
      %get3A_633 = tpu.vector_load %arg13[%get3A_631, %get3A_632] {strides = array<i32>} : memref<8x1024xf32, #tpu.memory_space<vmem>>, vector<1x16xf32>,
      %get3A_634 = vector.shape_cast %get3A_633 : vector<1x16xf32> to vector<16xf32>
      %add3A_635 = arith.addf %get3A_634, %get3A_620 : vector<16xf32>
      %swap3A_636 = arith.index_cast %select_n3A_600 : i32 to index
      %swap3A_637 = arith.index_cast %select_n3A_616 : i32 to index
      %swap3A_638 = tpu.vector_load %arg13[%swap3A_636, %swap3A_637] {strides = array<i32>} : memref<8x1024xf32, #tpu.memory_space<vmem>>, vector<1x16xf32>,
      %swap3A_639 = vector.shape_cast %swap3A_638 : vector<1x16xf32> to vector<16xf32>
      %swap3A_640 = vector.shape_cast %add3A_635 : vector<16xf32> to vector<1x16xf32>
      tpu.vector_store %arg13[%swap3A_636, %swap3A_637], %swap3A_640 {strides = array<i32>} : memref<8x1024xf32, #tpu.memory_space<vmem>>, vector<1x16xf32>,
      %get3A_641 = arith.index_cast %select_n3A_600 : i32 to index
      %get3A_642 = arith.index_cast %select_n3A_616 : i32 to index
      %get3A_643 = tpu.vector_load %arg14[%get3A_641, %get3A_642] {strides = array<i32>} : memref<8x1024xf32, #tpu.memory_space<vmem>>, vector<1x16xf32>,
      %get3A_644 = vector.shape_cast %get3A_643 : vector<1x16xf32> to vector<16xf32>
      %add3A_645 = arith.addf %get3A_644, %get3A_620 : vector<16xf32>
      %swap3A_646 = arith.index_cast %select_n3A_600 : i32 to index
      %swap3A_647 = arith.index_cast %select_n3A_616 : i32 to index
      %swap3A_648 = tpu.vector_load %arg14[%swap3A_646, %swap3A_647] {strides = array<i32>} : memref<8x1024xf32, #tpu.memory_space<vmem>>, vector<1x16xf32>,
      %swap3A_649 = vector.shape_cast %swap3A_648 : vector<1x16xf32> to vector<16xf32>
      %swap3A_650 = vector.shape_cast %add3A_645 : vector<16xf32> to vector<1x16xf32>
      tpu.vector_store %arg14[%swap3A_646, %swap3A_647], %swap3A_650 {strides = array<i32>} : memref<8x1024xf32, #tpu.memory_space<vmem>>, vector<1x16xf32>,
      %get3A_651 = arith.index_cast %select_n3A_600 : i32 to index
      %get3A_652 = arith.index_cast %select_n3A_616 : i32 to index
      %get3A_653 = tpu.vector_load %arg15[%get3A_651, %get3A_652] {strides = array<i32>} : memref<8x1024xf32, #tpu.memory_space<vmem>>, vector<1x16xf32>,
      %get3A_654 = vector.shape_cast %get3A_653 : vector<1x16xf32> to vector<16xf32>
      %add3A_655 = arith.addf %get3A_654, %get3A_620 : vector<16xf32>
      %swap3A_656 = arith.index_cast %select_n3A_600 : i32 to index
      %swap3A_657 = arith.index_cast %select_n3A_616 : i32 to index
      %swap3A_658 = tpu.vector_load %arg15[%swap3A_656, %swap3A_657] {strides = array<i32>} : memref<8x1024xf32, #tpu.memory_space<vmem>>, vector<1x16xf32>,
      %swap3A_659 = vector.shape_cast %swap3A_658 : vector<1x16xf32> to vector<16xf32>
      %swap3A_660 = vector.shape_cast %add3A_655 : vector<16xf32> to vector<1x16xf32>
      tpu.vector_store %arg15[%swap3A_656, %swap3A_657], %swap3A_660 {strides = array<i32>} : memref<8x1024xf32, #tpu.memory_space<vmem>>, vector<1x16xf32>,
      %mul3A_661 = arith.constant 4 : i32
      %mul3A_662 = arith.muli %scan3A_402, %mul3A_661 : i32
      %add3A_663 = arith.constant 3 : i32
      %add3A_664 = arith.addi %mul3A_662, %add3A_663 : i32
      %mul3A_665 = arith.constant 16 : i32
      %mul3A_666 = arith.muli %add3A_664, %mul3A_665 : i32
      %jit3A_667 = arith.constant 1024 : i32
      %div3A_668 = arith.divsi %mul3A_666, %jit3A_667 : i32
      %sign3A_669 = arith.constant 0 : i32
      %sign3A_670 = arith.cmpi sgt, %mul3A_666, %sign3A_669 : i32
      %sign3A_671 = arith.extui %sign3A_670 : i1 to i32
      %sign3A_672 = arith.constant 0 : i32
      %sign3A_673 = arith.cmpi slt, %mul3A_666, %sign3A_672 : i32
      %sign3A_674 = arith.extui %sign3A_673 : i1 to i32
      %sign3A_675 = arith.subi %sign3A_671, %sign3A_674 : i32
      %sign3A_676 = arith.constant 0 : i32
      %sign3A_677 = arith.cmpi sgt, %jit3A_667, %sign3A_676 : i32
      %sign3A_678 = arith.extui %sign3A_677 : i1 to i32
      %sign3A_679 = arith.constant 0 : i32
      %sign3A_680 = arith.cmpi slt, %jit3A_667, %sign3A_679 : i32
      %sign3A_681 = arith.extui %sign3A_680 : i1 to i32
      %sign3A_682 = arith.subi %sign3A_678, %sign3A_681 : i32
      %ne3A_683 = arith.cmpi ne, %sign3A_675, %sign3A_682 : i32
      %rem3A_684 = arith.remsi %mul3A_666, %jit3A_667 : i32
      %ne3A_685 = arith.constant 0 : i32
      %ne3A_686 = arith.cmpi ne, %rem3A_684, %ne3A_685 : i32
      %and3A_687 = arith.andi %ne3A_683, %ne3A_686 : i1
      %sub3A_688 = arith.constant 1 : i32
      %sub3A_689 = arith.subi %div3A_668, %sub3A_688 : i32
      %select_n3A_690 = arith.select %and3A_687, %sub3A_689, %div3A_668 : i32
      %jit3A_691 = arith.constant 1024 : i32
      %eq3A_692 = arith.constant 0 : i32
      %eq3A_693 = arith.cmpi eq, %jit3A_691, %eq3A_692 : i32
      %jit3A_694 = arith.constant 1 : i32
      %select_n3A_695 = arith.select %eq3A_693, %jit3A_694, %jit3A_691 : i32
      %rem3A_696 = arith.remsi %mul3A_666, %select_n3A_695 : i32
      %ne3A_697 = arith.constant 0 : i32
      %ne3A_698 = arith.cmpi ne, %rem3A_696, %ne3A_697 : i32
      %lt3A_699 = arith.constant 0 : i32
      %lt3A_700 = arith.cmpi slt, %rem3A_696, %lt3A_699 : i32
      %lt3A_701 = arith.constant 0 : i32
      %lt3A_702 = arith.cmpi slt, %select_n3A_695, %lt3A_701 : i32
      %ne3A_703 = arith.xori %lt3A_700, %lt3A_702 : i1
      %and3A_704 = arith.andi %ne3A_703, %ne3A_698 : i1
      %add3A_705 = arith.addi %rem3A_696, %select_n3A_695 : i32
      %select_n3A_706 = arith.select %and3A_704, %add3A_705, %rem3A_696 : i32
      %get3A_707 = arith.index_cast %select_n3A_690 : i32 to index
      %get3A_708 = arith.index_cast %select_n3A_706 : i32 to index
      %get3A_709 = tpu.vector_load %arg6[%get3A_707, %get3A_708] {strides = array<i32>} : memref<8x1024xf32, #tpu.memory_space<vmem>>, vector<1x16xf32>,
      %get3A_710 = vector.shape_cast %get3A_709 : vector<1x16xf32> to vector<16xf32>
      %get3A_711 = arith.index_cast %select_n3A_690 : i32 to index
      %get3A_712 = arith.index_cast %select_n3A_706 : i32 to index
      %get3A_713 = tpu.vector_load %arg12[%get3A_711, %get3A_712] {strides = array<i32>} : memref<8x1024xf32, #tpu.memory_space<vmem>>, vector<1x16xf32>,
      %get3A_714 = vector.shape_cast %get3A_713 : vector<1x16xf32> to vector<16xf32>
      %add3A_715 = arith.addf %get3A_714, %get3A_710 : vector<16xf32>
      %swap3A_716 = arith.index_cast %select_n3A_690 : i32 to index
      %swap3A_717 = arith.index_cast %select_n3A_706 : i32 to index
      %swap3A_718 = tpu.vector_load %arg12[%swap3A_716, %swap3A_717] {strides = array<i32>} : memref<8x1024xf32, #tpu.memory_space<vmem>>, vector<1x16xf32>,
      %swap3A_719 = vector.shape_cast %swap3A_718 : vector<1x16xf32> to vector<16xf32>
      %swap3A_720 = vector.shape_cast %add3A_715 : vector<16xf32> to vector<1x16xf32>
      tpu.vector_store %arg12[%swap3A_716, %swap3A_717], %swap3A_720 {strides = array<i32>} : memref<8x1024xf32, #tpu.memory_space<vmem>>, vector<1x16xf32>,
      %get3A_721 = arith.index_cast %select_n3A_690 : i32 to index
      %get3A_722 = arith.index_cast %select_n3A_706 : i32 to index
      %get3A_723 = tpu.vector_load %arg13[%get3A_721, %get3A_722] {strides = array<i32>} : memref<8x1024xf32, #tpu.memory_space<vmem>>, vector<1x16xf32>,
      %get3A_724 = vector.shape_cast %get3A_723 : vector<1x16xf32> to vector<16xf32>
      %add3A_725 = arith.addf %get3A_724, %get3A_710 : vector<16xf32>
      %swap3A_726 = arith.index_cast %select_n3A_690 : i32 to index
      %swap3A_727 = arith.index_cast %select_n3A_706 : i32 to index
      %swap3A_728 = tpu.vector_load %arg13[%swap3A_726, %swap3A_727] {strides = array<i32>} : memref<8x1024xf32, #tpu.memory_space<vmem>>, vector<1x16xf32>,
      %swap3A_729 = vector.shape_cast %swap3A_728 : vector<1x16xf32> to vector<16xf32>
      %swap3A_730 = vector.shape_cast %add3A_725 : vector<16xf32> to vector<1x16xf32>
      tpu.vector_store %arg13[%swap3A_726, %swap3A_727], %swap3A_730 {strides = array<i32>} : memref<8x1024xf32, #tpu.memory_space<vmem>>, vector<1x16xf32>,
      %get3A_731 = arith.index_cast %select_n3A_690 : i32 to index
      %get3A_732 = arith.index_cast %select_n3A_706 : i32 to index
      %get3A_733 = tpu.vector_load %arg14[%get3A_731, %get3A_732] {strides = array<i32>} : memref<8x1024xf32, #tpu.memory_space<vmem>>, vector<1x16xf32>,
      %get3A_734 = vector.shape_cast %get3A_733 : vector<1x16xf32> to vector<16xf32>
      %add3A_735 = arith.addf %get3A_734, %get3A_710 : vector<16xf32>
      %swap3A_736 = arith.index_cast %select_n3A_690 : i32 to index
      %swap3A_737 = arith.index_cast %select_n3A_706 : i32 to index
      %swap3A_738 = tpu.vector_load %arg14[%swap3A_736, %swap3A_737] {strides = array<i32>} : memref<8x1024xf32, #tpu.memory_space<vmem>>, vector<1x16xf32>,
      %swap3A_739 = vector.shape_cast %swap3A_738 : vector<1x16xf32> to vector<16xf32>
      %swap3A_740 = vector.shape_cast %add3A_735 : vector<16xf32> to vector<1x16xf32>
      tpu.vector_store %arg14[%swap3A_736, %swap3A_737], %swap3A_740 {strides = array<i32>} : memref<8x1024xf32, #tpu.memory_space<vmem>>, vector<1x16xf32>,
      %get3A_741 = arith.index_cast %select_n3A_690 : i32 to index
      %get3A_742 = arith.index_cast %select_n3A_706 : i32 to index
      %get3A_743 = tpu.vector_load %arg15[%get3A_741, %get3A_742] {strides = array<i32>} : memref<8x1024xf32, #tpu.memory_space<vmem>>, vector<1x16xf32>,
      %get3A_744 = vector.shape_cast %get3A_743 : vector<1x16xf32> to vector<16xf32>
      %add3A_745 = arith.addf %get3A_744, %get3A_710 : vector<16xf32>
      %swap3A_746 = arith.index_cast %select_n3A_690 : i32 to index
      %swap3A_747 = arith.index_cast %select_n3A_706 : i32 to index
      %swap3A_748 = tpu.vector_load %arg15[%swap3A_746, %swap3A_747] {strides = array<i32>} : memref<8x1024xf32, #tpu.memory_space<vmem>>, vector<1x16xf32>,
      %swap3A_749 = vector.shape_cast %swap3A_748 : vector<1x16xf32> to vector<16xf32>
      %swap3A_750 = vector.shape_cast %add3A_745 : vector<16xf32> to vector<1x16xf32>
      tpu.vector_store %arg15[%swap3A_746, %swap3A_747], %swap3A_750 {strides = array<i32>} : memref<8x1024xf32, #tpu.memory_space<vmem>>, vector<1x16xf32>,
    }
    %scan3A_257 = arith.constant 128 : i32
    %add3A_258 = arith.constant 248 : i32
    %add3A_259 = arith.addi %mul3A_2, %add3A_258 : i32
    %dma_start3A_260 = arith.constant 0 : i32
    %dma_start3A_261 = arith.constant 0 : i32
    %dma_start3A_262 = tpu.memref_slice %arg4[%dma_start3A_260, %add3A_259, %dma_start3A_261] : memref<4x8192x1024xf32, #tpu.memory_space<hbm>> -> memref<1x8x1024xf32, #tpu.memory_space<hbm>>
    %dma_start3A_263 = tpu.memref_squeeze %dma_start3A_262 : memref<1x8x1024xf32, #tpu.memory_space<hbm>> -> memref<8x1024xf32, #tpu.memory_space<hbm>>
    %dma_start3A_264 = arith.constant 0 : i32
    %dma_start3A_265 = tpu.memref_slice %arg4[%dma_start3A_260, %add3A_259, %dma_start3A_264] : memref<4x8192x1024xf32, #tpu.memory_space<hbm>> -> memref<1x8x1024xf32, #tpu.memory_space<hbm>>
    %dma_start3A_266 = tpu.memref_squeeze %dma_start3A_265 : memref<1x8x1024xf32, #tpu.memory_space<hbm>> -> memref<8x1024xf32, #tpu.memory_space<hbm>>
    tpu.enqueue_dma source(%arg12 : memref<8x1024xf32, #tpu.memory_space<vmem>>) target(%dma_start3A_266 : memref<8x1024xf32, #tpu.memory_space<hbm>>) target_semaphore(%arg39 : memref<!tpu.dma_semaphore, #tpu.memory_space<semaphore_mem>>)
    %add3A_267 = arith.constant 248 : i32
    %add3A_268 = arith.addi %mul3A_2, %add3A_267 : i32
    %dma_start3A_269 = arith.constant 1 : i32
    %dma_start3A_270 = arith.constant 0 : i32
    %dma_start3A_271 = tpu.memref_slice %arg4[%dma_start3A_269, %add3A_268, %dma_start3A_270] : memref<4x8192x1024xf32, #tpu.memory_space<hbm>> -> memref<1x8x1024xf32, #tpu.memory_space<hbm>>
    %dma_start3A_272 = tpu.memref_squeeze %dma_start3A_271 : memref<1x8x1024xf32, #tpu.memory_space<hbm>> -> memref<8x1024xf32, #tpu.memory_space<hbm>>
    %dma_start3A_273 = arith.constant 0 : i32
    %dma_start3A_274 = tpu.memref_slice %arg4[%dma_start3A_269, %add3A_268, %dma_start3A_273] : memref<4x8192x1024xf32, #tpu.memory_space<hbm>> -> memref<1x8x1024xf32, #tpu.memory_space<hbm>>
    %dma_start3A_275 = tpu.memref_squeeze %dma_start3A_274 : memref<1x8x1024xf32, #tpu.memory_space<hbm>> -> memref<8x1024xf32, #tpu.memory_space<hbm>>
    tpu.enqueue_dma source(%arg13 : memref<8x1024xf32, #tpu.memory_space<vmem>>) target(%dma_start3A_275 : memref<8x1024xf32, #tpu.memory_space<hbm>>) target_semaphore(%arg40 : memref<!tpu.dma_semaphore, #tpu.memory_space<semaphore_mem>>)
    %add3A_276 = arith.constant 248 : i32
    %add3A_277 = arith.addi %mul3A_2, %add3A_276 : i32
    %dma_start3A_278 = arith.constant 2 : i32
    %dma_start3A_279 = arith.constant 0 : i32
    %dma_start3A_280 = tpu.memref_slice %arg4[%dma_start3A_278, %add3A_277, %dma_start3A_279] : memref<4x8192x1024xf32, #tpu.memory_space<hbm>> -> memref<1x8x1024xf32, #tpu.memory_space<hbm>>
    %dma_start3A_281 = tpu.memref_squeeze %dma_start3A_280 : memref<1x8x1024xf32, #tpu.memory_space<hbm>> -> memref<8x1024xf32, #tpu.memory_space<hbm>>
    %dma_start3A_282 = arith.constant 0 : i32
    %dma_start3A_283 = tpu.memref_slice %arg4[%dma_start3A_278, %add3A_277, %dma_start3A_282] : memref<4x8192x1024xf32, #tpu.memory_space<hbm>> -> memref<1x8x1024xf32, #tpu.memory_space<hbm>>
    %dma_start3A_284 = tpu.memref_squeeze %dma_start3A_283 : memref<1x8x1024xf32, #tpu.memory_space<hbm>> -> memref<8x1024xf32, #tpu.memory_space<hbm>>
    tpu.enqueue_dma source(%arg14 : memref<8x1024xf32, #tpu.memory_space<vmem>>) target(%dma_start3A_284 : memref<8x1024xf32, #tpu.memory_space<hbm>>) target_semaphore(%arg41 : memref<!tpu.dma_semaphore, #tpu.memory_space<semaphore_mem>>)
    %add3A_285 = arith.constant 248 : i32
    %add3A_286 = arith.addi %mul3A_2, %add3A_285 : i32
    %dma_start3A_287 = arith.constant 3 : i32
    %dma_start3A_288 = arith.constant 0 : i32
    %dma_start3A_289 = tpu.memref_slice %arg4[%dma_start3A_287, %add3A_286, %dma_start3A_288] : memref<4x8192x1024xf32, #tpu.memory_space<hbm>> -> memref<1x8x1024xf32, #tpu.memory_space<hbm>>
    %dma_start3A_290 = tpu.memref_squeeze %dma_start3A_289 : memref<1x8x1024xf32, #tpu.memory_space<hbm>> -> memref<8x1024xf32, #tpu.memory_space<hbm>>
    %dma_start3A_291 = arith.constant 0 : i32
    %dma_start3A_292 = tpu.memref_slice %arg4[%dma_start3A_287, %add3A_286, %dma_start3A_291] : memref<4x8192x1024xf32, #tpu.memory_space<hbm>> -> memref<1x8x1024xf32, #tpu.memory_space<hbm>>
    %dma_start3A_293 = tpu.memref_squeeze %dma_start3A_292 : memref<1x8x1024xf32, #tpu.memory_space<hbm>> -> memref<8x1024xf32, #tpu.memory_space<hbm>>
    tpu.enqueue_dma source(%arg15 : memref<8x1024xf32, #tpu.memory_space<vmem>>) target(%dma_start3A_293 : memref<8x1024xf32, #tpu.memory_space<hbm>>) target_semaphore(%arg42 : memref<!tpu.dma_semaphore, #tpu.memory_space<semaphore_mem>>)
    %add3A_294 = arith.constant 232 : i32
    %add3A_295 = arith.addi %mul3A_2, %add3A_294 : i32
    %dma_wait3A_296 = arith.constant 0 : i32
    %dma_wait3A_297 = arith.constant 0 : i32
    %dma_wait3A_298 = tpu.memref_slice %arg4[%dma_wait3A_296, %add3A_295, %dma_wait3A_297] : memref<4x8192x1024xf32, #tpu.memory_space<hbm>> -> memref<1x8x1024xf32, #tpu.memory_space<hbm>>
    %dma_wait3A_299 = tpu.memref_squeeze %dma_wait3A_298 : memref<1x8x1024xf32, #tpu.memory_space<hbm>> -> memref<8x1024xf32, #tpu.memory_space<hbm>>
    %dma_wait3A_300 = arith.constant 0 : i32
    %dma_wait3A_301 = tpu.memref_slice %arg4[%dma_wait3A_296, %add3A_295, %dma_wait3A_300] : memref<4x8192x1024xf32, #tpu.memory_space<hbm>> -> memref<1x8x1024xf32, #tpu.memory_space<hbm>>
    %dma_wait3A_302 = tpu.memref_squeeze %dma_wait3A_301 : memref<1x8x1024xf32, #tpu.memory_space<hbm>> -> memref<8x1024xf32, #tpu.memory_space<hbm>>
    tpu.wait_dma2 semaphore(%arg43 : memref<!tpu.dma_semaphore, #tpu.memory_space<semaphore_mem>>) src(%arg16 : memref<8x1024xf32, #tpu.memory_space<vmem>>) dst(%dma_wait3A_302 : memref<8x1024xf32, #tpu.memory_space<hbm>>)
    %add3A_303 = arith.constant 232 : i32
    %add3A_304 = arith.addi %mul3A_2, %add3A_303 : i32
    %dma_wait3A_305 = arith.constant 1 : i32
    %dma_wait3A_306 = arith.constant 0 : i32
    %dma_wait3A_307 = tpu.memref_slice %arg4[%dma_wait3A_305, %add3A_304, %dma_wait3A_306] : memref<4x8192x1024xf32, #tpu.memory_space<hbm>> -> memref<1x8x1024xf32, #tpu.memory_space<hbm>>
    %dma_wait3A_308 = tpu.memref_squeeze %dma_wait3A_307 : memref<1x8x1024xf32, #tpu.memory_space<hbm>> -> memref<8x1024xf32, #tpu.memory_space<hbm>>
    %dma_wait3A_309 = arith.constant 0 : i32
    %dma_wait3A_310 = tpu.memref_slice %arg4[%dma_wait3A_305, %add3A_304, %dma_wait3A_309] : memref<4x8192x1024xf32, #tpu.memory_space<hbm>> -> memref<1x8x1024xf32, #tpu.memory_space<hbm>>
    %dma_wait3A_311 = tpu.memref_squeeze %dma_wait3A_310 : memref<1x8x1024xf32, #tpu.memory_space<hbm>> -> memref<8x1024xf32, #tpu.memory_space<hbm>>
    tpu.wait_dma2 semaphore(%arg44 : memref<!tpu.dma_semaphore, #tpu.memory_space<semaphore_mem>>) src(%arg17 : memref<8x1024xf32, #tpu.memory_space<vmem>>) dst(%dma_wait3A_311 : memref<8x1024xf32, #tpu.memory_space<hbm>>)
    %add3A_312 = arith.constant 232 : i32
    %add3A_313 = arith.addi %mul3A_2, %add3A_312 : i32
    %dma_wait3A_314 = arith.constant 2 : i32
    %dma_wait3A_315 = arith.constant 0 : i32
    %dma_wait3A_316 = tpu.memref_slice %arg4[%dma_wait3A_314, %add3A_313, %dma_wait3A_315] : memref<4x8192x1024xf32, #tpu.memory_space<hbm>> -> memref<1x8x1024xf32, #tpu.memory_space<hbm>>
    %dma_wait3A_317 = tpu.memref_squeeze %dma_wait3A_316 : memref<1x8x1024xf32, #tpu.memory_space<hbm>> -> memref<8x1024xf32, #tpu.memory_space<hbm>>
    %dma_wait3A_318 = arith.constant 0 : i32
    %dma_wait3A_319 = tpu.memref_slice %arg4[%dma_wait3A_314, %add3A_313, %dma_wait3A_318] : memref<4x8192x1024xf32, #tpu.memory_space<hbm>> -> memref<1x8x1024xf32, #tpu.memory_space<hbm>>
    %dma_wait3A_320 = tpu.memref_squeeze %dma_wait3A_319 : memref<1x8x1024xf32, #tpu.memory_space<hbm>> -> memref<8x1024xf32, #tpu.memory_space<hbm>>
    tpu.wait_dma2 semaphore(%arg45 : memref<!tpu.dma_semaphore, #tpu.memory_space<semaphore_mem>>) src(%arg18 : memref<8x1024xf32, #tpu.memory_space<vmem>>) dst(%dma_wait3A_320 : memref<8x1024xf32, #tpu.memory_space<hbm>>)
    %add3A_321 = arith.constant 232 : i32
    %add3A_322 = arith.addi %mul3A_2, %add3A_321 : i32
    %dma_wait3A_323 = arith.constant 3 : i32
    %dma_wait3A_324 = arith.constant 0 : i32
    %dma_wait3A_325 = tpu.memref_slice %arg4[%dma_wait3A_323, %add3A_322, %dma_wait3A_324] : memref<4x8192x1024xf32, #tpu.memory_space<hbm>> -> memref<1x8x1024xf32, #tpu.memory_space<hbm>>
    %dma_wait3A_326 = tpu.memref_squeeze %dma_wait3A_325 : memref<1x8x1024xf32, #tpu.memory_space<hbm>> -> memref<8x1024xf32, #tpu.memory_space<hbm>>
    %dma_wait3A_327 = arith.constant 0 : i32
    %dma_wait3A_328 = tpu.memref_slice %arg4[%dma_wait3A_323, %add3A_322, %dma_wait3A_327] : memref<4x8192x1024xf32, #tpu.memory_space<hbm>> -> memref<1x8x1024xf32, #tpu.memory_space<hbm>>
    %dma_wait3A_329 = tpu.memref_squeeze %dma_wait3A_328 : memref<1x8x1024xf32, #tpu.memory_space<hbm>> -> memref<8x1024xf32, #tpu.memory_space<hbm>>
    tpu.wait_dma2 semaphore(%arg46 : memref<!tpu.dma_semaphore, #tpu.memory_space<semaphore_mem>>) src(%arg19 : memref<8x1024xf32, #tpu.memory_space<vmem>>) dst(%dma_wait3A_329 : memref<8x1024xf32, #tpu.memory_space<hbm>>)
    %add3A_330 = arith.constant 240 : i32
    %add3A_331 = arith.addi %mul3A_2, %add3A_330 : i32
    %dma_wait3A_332 = arith.constant 0 : i32
    %dma_wait3A_333 = arith.constant 0 : i32
    %dma_wait3A_334 = tpu.memref_slice %arg4[%dma_wait3A_332, %add3A_331, %dma_wait3A_333] : memref<4x8192x1024xf32, #tpu.memory_space<hbm>> -> memref<1x8x1024xf32, #tpu.memory_space<hbm>>
    %dma_wait3A_335 = tpu.memref_squeeze %dma_wait3A_334 : memref<1x8x1024xf32, #tpu.memory_space<hbm>> -> memref<8x1024xf32, #tpu.memory_space<hbm>>
    %dma_wait3A_336 = arith.constant 0 : i32
    %dma_wait3A_337 = tpu.memref_slice %arg4[%dma_wait3A_332, %add3A_331, %dma_wait3A_336] : memref<4x8192x1024xf32, #tpu.memory_space<hbm>> -> memref<1x8x1024xf32, #tpu.memory_space<hbm>>
    %dma_wait3A_338 = tpu.memref_squeeze %dma_wait3A_337 : memref<1x8x1024xf32, #tpu.memory_space<hbm>> -> memref<8x1024xf32, #tpu.memory_space<hbm>>
    tpu.wait_dma2 semaphore(%arg35 : memref<!tpu.dma_semaphore, #tpu.memory_space<semaphore_mem>>) src(%arg8 : memref<8x1024xf32, #tpu.memory_space<vmem>>) dst(%dma_wait3A_338 : memref<8x1024xf32, #tpu.memory_space<hbm>>)
    %add3A_339 = arith.constant 240 : i32
    %add3A_340 = arith.addi %mul3A_2, %add3A_339 : i32
    %dma_wait3A_341 = arith.constant 1 : i32
    %dma_wait3A_342 = arith.constant 0 : i32
    %dma_wait3A_343 = tpu.memref_slice %arg4[%dma_wait3A_341, %add3A_340, %dma_wait3A_342] : memref<4x8192x1024xf32, #tpu.memory_space<hbm>> -> memref<1x8x1024xf32, #tpu.memory_space<hbm>>
    %dma_wait3A_344 = tpu.memref_squeeze %dma_wait3A_343 : memref<1x8x1024xf32, #tpu.memory_space<hbm>> -> memref<8x1024xf32, #tpu.memory_space<hbm>>
    %dma_wait3A_345 = arith.constant 0 : i32
    %dma_wait3A_346 = tpu.memref_slice %arg4[%dma_wait3A_341, %add3A_340, %dma_wait3A_345] : memref<4x8192x1024xf32, #tpu.memory_space<hbm>> -> memref<1x8x1024xf32, #tpu.memory_space<hbm>>
    %dma_wait3A_347 = tpu.memref_squeeze %dma_wait3A_346 : memref<1x8x1024xf32, #tpu.memory_space<hbm>> -> memref<8x1024xf32, #tpu.memory_space<hbm>>
    tpu.wait_dma2 semaphore(%arg36 : memref<!tpu.dma_semaphore, #tpu.memory_space<semaphore_mem>>) src(%arg9 : memref<8x1024xf32, #tpu.memory_space<vmem>>) dst(%dma_wait3A_347 : memref<8x1024xf32, #tpu.memory_space<hbm>>)
    %add3A_348 = arith.constant 240 : i32
    %add3A_349 = arith.addi %mul3A_2, %add3A_348 : i32
    %dma_wait3A_350 = arith.constant 2 : i32
    %dma_wait3A_351 = arith.constant 0 : i32
    %dma_wait3A_352 = tpu.memref_slice %arg4[%dma_wait3A_350, %add3A_349, %dma_wait3A_351] : memref<4x8192x1024xf32, #tpu.memory_space<hbm>> -> memref<1x8x1024xf32, #tpu.memory_space<hbm>>
    %dma_wait3A_353 = tpu.memref_squeeze %dma_wait3A_352 : memref<1x8x1024xf32, #tpu.memory_space<hbm>> -> memref<8x1024xf32, #tpu.memory_space<hbm>>
    %dma_wait3A_354 = arith.constant 0 : i32
    %dma_wait3A_355 = tpu.memref_slice %arg4[%dma_wait3A_350, %add3A_349, %dma_wait3A_354] : memref<4x8192x1024xf32, #tpu.memory_space<hbm>> -> memref<1x8x1024xf32, #tpu.memory_space<hbm>>
    %dma_wait3A_356 = tpu.memref_squeeze %dma_wait3A_355 : memref<1x8x1024xf32, #tpu.memory_space<hbm>> -> memref<8x1024xf32, #tpu.memory_space<hbm>>
    tpu.wait_dma2 semaphore(%arg37 : memref<!tpu.dma_semaphore, #tpu.memory_space<semaphore_mem>>) src(%arg10 : memref<8x1024xf32, #tpu.memory_space<vmem>>) dst(%dma_wait3A_356 : memref<8x1024xf32, #tpu.memory_space<hbm>>)
    %add3A_357 = arith.constant 240 : i32
    %add3A_358 = arith.addi %mul3A_2, %add3A_357 : i32
    %dma_wait3A_359 = arith.constant 3 : i32
    %dma_wait3A_360 = arith.constant 0 : i32
    %dma_wait3A_361 = tpu.memref_slice %arg4[%dma_wait3A_359, %add3A_358, %dma_wait3A_360] : memref<4x8192x1024xf32, #tpu.memory_space<hbm>> -> memref<1x8x1024xf32, #tpu.memory_space<hbm>>
    %dma_wait3A_362 = tpu.memref_squeeze %dma_wait3A_361 : memref<1x8x1024xf32, #tpu.memory_space<hbm>> -> memref<8x1024xf32, #tpu.memory_space<hbm>>
    %dma_wait3A_363 = arith.constant 0 : i32
    %dma_wait3A_364 = tpu.memref_slice %arg4[%dma_wait3A_359, %add3A_358, %dma_wait3A_363] : memref<4x8192x1024xf32, #tpu.memory_space<hbm>> -> memref<1x8x1024xf32, #tpu.memory_space<hbm>>
    %dma_wait3A_365 = tpu.memref_squeeze %dma_wait3A_364 : memref<1x8x1024xf32, #tpu.memory_space<hbm>> -> memref<8x1024xf32, #tpu.memory_space<hbm>>
    tpu.wait_dma2 semaphore(%arg38 : memref<!tpu.dma_semaphore, #tpu.memory_space<semaphore_mem>>) src(%arg11 : memref<8x1024xf32, #tpu.memory_space<vmem>>) dst(%dma_wait3A_365 : memref<8x1024xf32, #tpu.memory_space<hbm>>)
    %add3A_366 = arith.constant 248 : i32
    %add3A_367 = arith.addi %mul3A_2, %add3A_366 : i32
    %dma_wait3A_368 = arith.constant 0 : i32
    %dma_wait3A_369 = arith.constant 0 : i32
    %dma_wait3A_370 = tpu.memref_slice %arg4[%dma_wait3A_368, %add3A_367, %dma_wait3A_369] : memref<4x8192x1024xf32, #tpu.memory_space<hbm>> -> memref<1x8x1024xf32, #tpu.memory_space<hbm>>
    %dma_wait3A_371 = tpu.memref_squeeze %dma_wait3A_370 : memref<1x8x1024xf32, #tpu.memory_space<hbm>> -> memref<8x1024xf32, #tpu.memory_space<hbm>>
    %dma_wait3A_372 = arith.constant 0 : i32
    %dma_wait3A_373 = tpu.memref_slice %arg4[%dma_wait3A_368, %add3A_367, %dma_wait3A_372] : memref<4x8192x1024xf32, #tpu.memory_space<hbm>> -> memref<1x8x1024xf32, #tpu.memory_space<hbm>>
    %dma_wait3A_374 = tpu.memref_squeeze %dma_wait3A_373 : memref<1x8x1024xf32, #tpu.memory_space<hbm>> -> memref<8x1024xf32, #tpu.memory_space<hbm>>
    tpu.wait_dma2 semaphore(%arg39 : memref<!tpu.dma_semaphore, #tpu.memory_space<semaphore_mem>>) src(%arg12 : memref<8x1024xf32, #tpu.memory_space<vmem>>) dst(%dma_wait3A_374 : memref<8x1024xf32, #tpu.memory_space<hbm>>)
    %add3A_375 = arith.constant 248 : i32
    %add3A_376 = arith.addi %mul3A_2, %add3A_375 : i32
    %dma_wait3A_377 = arith.constant 1 : i32
    %dma_wait3A_378 = arith.constant 0 : i32
    %dma_wait3A_379 = tpu.memref_slice %arg4[%dma_wait3A_377, %add3A_376, %dma_wait3A_378] : memref<4x8192x1024xf32, #tpu.memory_space<hbm>> -> memref<1x8x1024xf32, #tpu.memory_space<hbm>>
    %dma_wait3A_380 = tpu.memref_squeeze %dma_wait3A_379 : memref<1x8x1024xf32, #tpu.memory_space<hbm>> -> memref<8x1024xf32, #tpu.memory_space<hbm>>
    %dma_wait3A_381 = arith.constant 0 : i32
    %dma_wait3A_382 = tpu.memref_slice %arg4[%dma_wait3A_377, %add3A_376, %dma_wait3A_381] : memref<4x8192x1024xf32, #tpu.memory_space<hbm>> -> memref<1x8x1024xf32, #tpu.memory_space<hbm>>
    %dma_wait3A_383 = tpu.memref_squeeze %dma_wait3A_382 : memref<1x8x1024xf32, #tpu.memory_space<hbm>> -> memref<8x1024xf32, #tpu.memory_space<hbm>>
    tpu.wait_dma2 semaphore(%arg40 : memref<!tpu.dma_semaphore, #tpu.memory_space<semaphore_mem>>) src(%arg13 : memref<8x1024xf32, #tpu.memory_space<vmem>>) dst(%dma_wait3A_383 : memref<8x1024xf32, #tpu.memory_space<hbm>>)
    %add3A_384 = arith.constant 248 : i32
    %add3A_385 = arith.addi %mul3A_2, %add3A_384 : i32
    %dma_wait3A_386 = arith.constant 2 : i32
    %dma_wait3A_387 = arith.constant 0 : i32
    %dma_wait3A_388 = tpu.memref_slice %arg4[%dma_wait3A_386, %add3A_385, %dma_wait3A_387] : memref<4x8192x1024xf32, #tpu.memory_space<hbm>> -> memref<1x8x1024xf32, #tpu.memory_space<hbm>>
    %dma_wait3A_389 = tpu.memref_squeeze %dma_wait3A_388 : memref<1x8x1024xf32, #tpu.memory_space<hbm>> -> memref<8x1024xf32, #tpu.memory_space<hbm>>
    %dma_wait3A_390 = arith.constant 0 : i32
    %dma_wait3A_391 = tpu.memref_slice %arg4[%dma_wait3A_386, %add3A_385, %dma_wait3A_390] : memref<4x8192x1024xf32, #tpu.memory_space<hbm>> -> memref<1x8x1024xf32, #tpu.memory_space<hbm>>
    %dma_wait3A_392 = tpu.memref_squeeze %dma_wait3A_391 : memref<1x8x1024xf32, #tpu.memory_space<hbm>> -> memref<8x1024xf32, #tpu.memory_space<hbm>>
    tpu.wait_dma2 semaphore(%arg41 : memref<!tpu.dma_semaphore, #tpu.memory_space<semaphore_mem>>) src(%arg14 : memref<8x1024xf32, #tpu.memory_space<vmem>>) dst(%dma_wait3A_392 : memref<8x1024xf32, #tpu.memory_space<hbm>>)
    %add3A_393 = arith.constant 248 : i32
    %add3A_394 = arith.addi %mul3A_2, %add3A_393 : i32
    %dma_wait3A_395 = arith.constant 3 : i32
    %dma_wait3A_396 = arith.constant 0 : i32
    %dma_wait3A_397 = tpu.memref_slice %arg4[%dma_wait3A_395, %add3A_394, %dma_wait3A_396] : memref<4x8192x1024xf32, #tpu.memory_space<hbm>> -> memref<1x8x1024xf32, #tpu.memory_space<hbm>>
    %dma_wait3A_398 = tpu.memref_squeeze %dma_wait3A_397 : memref<1x8x1024xf32, #tpu.memory_space<hbm>> -> memref<8x1024xf32, #tpu.memory_space<hbm>>
    %dma_wait3A_399 = arith.constant 0 : i32
    %dma_wait3A_400 = tpu.memref_slice %arg4[%dma_wait3A_395, %add3A_394, %dma_wait3A_399] : memref<4x8192x1024xf32, #tpu.memory_space<hbm>> -> memref<1x8x1024xf32, #tpu.memory_space<hbm>>
    %dma_wait3A_401 = tpu.memref_squeeze %dma_wait3A_400 : memref<1x8x1024xf32, #tpu.memory_space<hbm>> -> memref<8x1024xf32, #tpu.memory_space<hbm>>
    tpu.wait_dma2 semaphore(%arg42 : memref<!tpu.dma_semaphore, #tpu.memory_space<semaphore_mem>>) src(%arg15 : memref<8x1024xf32, #tpu.memory_space<vmem>>) dst(%dma_wait3A_401 : memref<8x1024xf32, #tpu.memory_space<hbm>>)
    return
  }
}

</mosaic_0001>

<sc_bundles>
// kernel: kernel.3.cloned.1.call-start
scs
__scs_entry_jumppad:
0x0: {  	(pc) =	sbr.rel $0x88, $3  }
0x1: {  	(tag) =	ssettag $0x0;
	lr =	simm.s32 $0x1  }
0x2: {  	[smem:$0x3F9F] =	sst lr;
	_ =	strace $0xD0000000  }
0x3: {  	_ = 	snop  }
0x4: {  	_ = 	snop  }
0x5: {  	_ = 	snop  }
0x6: {  	_ = 	snop  }
0x7: {  	_ = 	snop  }
__scs_overlays_trampoline_lowered:
0x8: {  	[smem:$0x3FAE] =	sst s0  }
0x9: {  	[smem:$0x3FAF] =	sst s1  }
0xa: {  	[smem:$0x3FB0] =	sst s2  }
0xb: {  	[smem:$0x3FB1] =	sst s3  }
0xc: {  	[smem:$0x3FB2] =	sst s4  }
0xd: {  	[smem:$0x3FB3] =	sst s5  }
0xe: {  	[smem:$0x3FB4] =	sst s6  }
0xf: {  	[smem:$0x3FB5] =	sst s7  }
0x10: {  	[smem:$0x3FB6] =	sst s8  }
0x11: {  	[smem:$0x3FB7] =	sst s9;
	s0 =	simm.s32 @!p0 $0x0  }
0x12: {  	s1 =	sld [smem:$0x3F9D];
	s0 =	simm.s32 @p0 $0x1  }
0x13: {  	[smem:$0x3FB8] =	sst s0;
	s0 =	simm.s32 @!p1 $0x0  }
0x14: {  	s2 =	sld [smem:$0x3F9C];
	s0 =	simm.s32 @p1 $0x1  }
0x15: {  	[smem:$0x3FB9] =	sst s0;
	s0 =	simm.s32 @!p2 $0x0  }
0x16: {  	s3 =	sld [smem:$0x3FDB];
	s0 =	simm.s32 @p2 $0x1  }
0x17: {  	s4 =	simm.s32 $0x1BF5;
	[smem:$0x3FBB] =	sst s0  }
0x18: {  	s0 =	sld [smem:$0x3F9E];
	_ =	swait.ge [sflag:s4], $0x0  }
0x19: {  	s7 =	sld [smem:$0x3F9F]  }
0x1a: {  	s8 =	sadd.s32 $0xFFFFE003, lr  }
0x1b: {  	s9 =	sadd.s32 $0xFFFFFEF7, lr;
	s5 =	simm.s32 $0xFFFFFFFF;
	p2 =	slt.u32 s8, $0xFFFFF086  }
0x1c: {  	p1 =	slt.u32 s9, $0xF7A;
	s5 =	simm.s32 @!p2 $0x0  }
0x1d: {  	s5 =	simm.s32 @p1 $0x1;
	p0 =	seq.s32 s7, s2  }
0x1e: {  	s7 =	smul.u32 @!p0 $0xF7A, s2;
	p2 =	seq.s32 @!p0 s5, $0x0  }
0x1f: {  	s9 =	smul.u32 $0xF7A, s1;
	s8 =	simm.s32 @!p0 $0x1BF5;
	p2 =	por !p2, p0  }
0x20: {  	[sflag:s8] =	ssyncset.s32 @!p0 $0xFFFFF086;
	s6 =	sadd.s32 @!p0 s3, s7;
	s7 =	simm.s32 @!p0 $0x108  }
0x21: {  	s3 =	sadd.s32 s3, s9;
	s6 =	sadd.s32 @!p0 $0x88, s6;
	s7 =	simm.s32 @p2 $0x1082  }
0x22: {  	[simem:s7], [sflag:s8] =	dma.local @!p0 [hbm:s6], $0xF7A  }
0x23: {  	s9 =	sor.u32 $0xD0000000, s2;
	s6 =	simm.s32 $0x108;
	_ =	swait.ge @!p0 [sflag:s8], $0x0  }
0x24: {  	s3 =	sadd.s32 $0x88, s3;
	s6 =	simm.s32 @!p1 $0x1082;
	[sflag:s4] =	ssyncset.s32 $0xFFFFF086  }
0x25: {  	[simem:s6], [sflag:s4] =	dma.local [hbm:s3], $0xF7A  }
0x26: {  	[smem:$0x3F9F] =	sst s1;
	(tag) =	ssettag s2;
	_ =	strace s9  }
0x27: {  	s1 =	sld [smem:$0x3FAF]  }
0x28: {  	s2 =	sld [smem:$0x3FB0]  }
0x29: {  	s4 =	sld [smem:$0x3FB2]  }
0x2a: {  	p0 =	seq.s32 s5, $0x0;
	s5 =	sld [smem:$0x3FB3]  }
0x2b: {  	s6 =	sld [smem:$0x3FB4]  }
0x2c: {  	s7 =	sld [smem:$0x3FB5]  }
0x2d: {  	s3 =	simm.s32 $0x108;
	s8 =	sld [smem:$0x3FB6]  }
0x2e: {  	s3 =	simm.s32 @!p0 $0x1082;
	s9 =	sld [smem:$0x3FB7]  }
0x2f: {  	lr =	sadd.s32 s0, s3;
	s0 =	sld [smem:$0x3FAE]  }
0x30: {  	s3 =	sld [smem:$0x3FB1]  }
0x31: {  	[smem:$0x3FBA] =	sst s10  }
0x32: {  	s10 =	sld [smem:$0x3FB8];
	_ =	sdelay $0x3  }
0x33: {  	p0 =	seq.s32 s10, $0x1;
	s10 =	sld [smem:$0x3FBA];
	_ =	sdelay $0x3  }
0x34: {  	[smem:$0x3FBA] =	sst s10  }
0x35: {  	s10 =	sld [smem:$0x3FB9];
	_ =	sdelay $0x3  }
0x36: {  	p1 =	seq.s32 s10, $0x1;
	s10 =	sld [smem:$0x3FBA];
	_ =	sdelay $0x3  }
0x37: {  	[smem:$0x3FBA] =	sst s10  }
0x38: {  	s10 =	sld [smem:$0x3FBB]  }
0x39: {  	_ = 	snop;
	(pc) =	sbr.ind lr, $3  }
0x3a: {  	_ = 	snop  }
0x3b: {  	_ = 	snop  }
0x3c: {  	p2 =	seq.s32 s10, $0x1;
	s10 =	sld [smem:$0x3FBA]  }
0x3d: {  	_ =	shalt  }
0x3e: {  	_ =	shalt  }
0x3f: {  	_ =	shalt  }
0x40: {  	_ =	shalt  }
0x41: {  	_ =	shalt  }
0x42: {  	_ =	shalt  }
0x43: {  	_ =	shalt  }
0x44: {  	_ =	shalt  }
0x45: {  	_ =	shalt  }
0x46: {  	_ =	shalt  }
0x47: {  	_ =	shalt  }
0x48: {  	_ =	shalt  }
0x49: {  	_ =	shalt  }
0x4a: {  	_ =	shalt  }
0x4b: {  	_ =	shalt  }
0x4c: {  	_ =	shalt  }
0x4d: {  	_ =	shalt  }
0x4e: {  	_ =	shalt  }
0x4f: {  	_ =	shalt  }
0x50: {  	_ =	shalt  }
0x51: {  	_ =	shalt  }
0x52: {  	_ =	shalt  }
0x53: {  	_ =	shalt  }
0x54: {  	_ =	shalt  }
0x55: {  	_ =	shalt  }
0x56: {  	_ =	shalt  }
0x57: {  	_ =	shalt  }
0x58: {  	_ =	shalt  }
0x59: {  	_ =	shalt  }
0x5a: {  	_ =	shalt  }
0x5b: {  	_ =	shalt  }
0x5c: {  	_ =	shalt  }
0x5d: {  	_ =	shalt  }
0x5e: {  	_ =	shalt  }
0x5f: {  	_ =	shalt  }
0x60: {  	_ =	shalt  }
0x61: {  	_ =	shalt  }
0x62: {  	_ =	shalt  }
0x63: {  	_ =	shalt  }
0x64: {  	_ =	shalt  }
0x65: {  	_ =	shalt  }
0x66: {  	_ =	shalt  }
0x67: {  	_ =	shalt  }
0x68: {  	_ =	shalt  }
0x69: {  	_ =	shalt  }
0x6a: {  	_ =	shalt  }
0x6b: {  	_ =	shalt  }
0x6c: {  	_ =	shalt  }
0x6d: {  	_ =	shalt  }
0x6e: {  	_ =	shalt  }
0x6f: {  	_ =	shalt  }
0x70: {  	_ =	shalt  }
0x71: {  	_ =	shalt  }
0x72: {  	_ =	shalt  }
0x73: {  	_ =	shalt  }
0x74: {  	_ =	shalt  }
0x75: {  	_ =	shalt  }
0x76: {  	_ =	shalt  }
0x77: {  	_ =	shalt  }
0x78: {  	_ =	shalt  }
0x79: {  	_ =	shalt  }
0x7a: {  	_ =	shalt  }
0x7b: {  	_ =	shalt  }
0x7c: {  	_ =	shalt  }
0x7d: {  	_ =	shalt  }
0x7e: {  	_ =	shalt  }
0x7f: {  	_ =	shalt  }
0x80: {  	_ =	shalt  }
0x81: {  	_ =	shalt  }
0x82: {  	_ =	shalt  }
0x83: {  	_ =	shalt  }
0x84: {  	_ =	shalt  }
0x85: {  	_ =	shalt  }
0x86: {  	_ =	shalt  }
0x87: {  	_ =	shalt  }
.Lfunc_end0:
.L_simem_size_0:
called_computation_lowered:
.L_overlay_start_0:
0x88: {  	s2 =	sld [smem:$0x3FD9]  }
0x89: {  	s3 =	sld [smem:$0x3FFE];
	_ =	sdelay $0x1  }
0x8a: {  	s1 =	srdreg.scid  }
0x8b: {  	s0 =	sand.u32 $0x1, s1  }
0x8c: {  	s18 =	sshll.u32 s0, $0xA;
	s2 =	sadd.s32 s3, s2  }
0x8d: {  	s2 =	sadd.s32 s2, s18  }
0x8e: {  	[smem:$0x3FC6] =	sst s2  }
0x8f: {  	_ = 	snop  }
0x90: {  	s2 =	sld [smem:$0x3FC9]  }
0x91: {  	s19 =	sld [smem:$0x3FC8]  }
0x92: {  	s4 =	sld [smem:$0x3FD0];
	(tm) =	ssettm $0x1  }
0x93: {  	s5 =	sld [smem:$0x3FFB];
	_ =	sdelay $0x3  }
0x94: {  	_ =	strace s5  }
0x95: {  	s5 =	sld [smem:$0x3FFC];
	_ =	sdelay $0x3  }
0x96: {  	_ =	strace s5  }
0x97: {  	s5 =	sld [smem:$0x3FFD];
	_ =	sdelay $0x3  }
0x98: {  	_ =	strace s5  }
0x99: {  	_ =	strace $0x8FFFFFFF  }
0x9a: {  	s20 =	sld [smem:$0x3FDB];
	_ =	sdelay $0x1  }
0x9b: {  	s6 =	simm.s32 $_scs_section_size  }
0x9c: {  	s7 =	simm.s32 $_size__tile_overlayer_lowered;
	s8 =	simm.s32 $_tile_overlayer_lowered  }
0x9d: {  	s23 =	simm.s32 $0x1BFF;
	s22 =	sshll.u32 s8, $0x1;
	s5 =	sadd.s32 s6, s20  }
0x9e: {  	s9 =	simm.s32 $0x0;
	s21 =	sshll.u32 s7, $0x1;
	s7 =	sadd.s32 s22, s5  }
0x9f: {  	[timem:s9], [sflag:s23] =	dma.local [hbm:s7], s21  }
0xa0: {  	_ =	swait.ge [sflag:s23], s21  }
0xa1: {  	s6 =	ssub.s32 $0x0, s21;
	[sflag:s23] =	ssyncset.done $0x0  }
0xa2: {  	[sflag:s23] =	ssyncadd.s32 s6;
	_ =	sdelay $0x1  }
0xa3: {  	s24 =	simm.s32 $0x1B8B  }
0xa4: {  	_ =	swait.ge [sflag:s24], $0x1  }
0xa5: {  	[sflag:s24] =	ssyncset.done $0x0  }
0xa6: {  	s25 =	simm.s32 $0x1B8E;
	[sflag:s24] =	ssyncadd.s32 $0xFFFFFFFF  }
0xa7: {  	s26 =	simm.s32 $execute0_lowered;
	[smem:$0x3FD2] =	sst s25  }
0xa8: {  	s6 =	sshll.u32 s26, $0x1;
	_ =	strace $0x80000046;
	[dreg:$0x1] =	wrdreg $0xFFFFFFFF  }
0xa9: {  	s28 =	simm.s32 $_size_execute0_lowered;
	s5 =	sadd.s32 s5, s6;
	[dreg:$0x0] =	wrdreg $0x0  }
0xaa: {  	s6 =	sshll.u32 s28, $0x1;
	[dreg:$0x2] =	wrdreg s5  }
0xab: {  	[dreg:$0x3] =	wrdreg s6  }
0xac: {  	[dreg:$0x4] =	wrdreg $0xC0  }
0xad: {  	_ =	task [dreg:s9], $0x5FFFF  }
0xae: {  	[dreg:$0x1] =	wrdreg $0xFFFFFFFF  }
0xaf: {  	[dreg:$0x0] =	wrdreg $0x60  }
0xb0: {  	[dreg:$0x2] =	wrdreg s2  }
0xb1: {  	[dreg:$0x3] =	wrdreg s19  }
0xb2: {  	[dreg:$0x4] =	wrdreg s4  }
0xb3: {  	[dreg:$0x5] =	wrdreg $0x9  }
0xb4: {  	_ =	task.clear_ibuf [dreg:s9], $0x6FFFF;
	_ =	strace $0x90000046  }
0xb5: {  	s29 =	simm.s32 $0x9;
	_ =	strace $0x80000048  }
0xb6: {  	_ =	swait.ge [sflag:s29], $0x1  }
0xb7: {  	[sflag:s29] =	ssyncadd.s32 $0xFFFFFFFF  }
0xb8: {  	_ =	strace $0x90000048  }
0xb9: {  	_ =	sfence  }
0xba: {  	s30 =	sld [smem:$0x0];
	_ =	sdelay $0x2  }
0xbb: {  	s31 =	sshll.u32 s1, $0xD;
	s1 =	sshrl.u32 s1, $0x2  }
0xbc: {  	s3 =	sand.u32 $0x4000, s31;
	s1 =	sadd.s32 s1, s30  }
0xbd: {  	s0 =	sor.u32 s3, s0;
	s1 =	sshll.u32 s1, $0x11  }
0xbe: {  	s0 =	sor.u32 s1, s0  }
0xbf: {  	s0 =	sadd.s32 $0x8F2B, s0  }
0xc0: {  	[sflag:s0] =	ssyncadd.remote.s32 $0x1  }
0xc1: {  	_ =	sfence.sel $0xFFFF  }
0xc2: {  	[dreg:$0x0] =	wrdreg $0xFFFFFFFF;
	(pc) =	sbr.abs _section_cstart, $3  }
0xc3: {  	[dreg:$0x1] =	wrdreg $0xFFFFFFFF  }
0xc4: {  	_ =	task.clear_ibuf [dreg:s9], $0x2FFFF;
	_ =	strace $0x9FFFFFFF  }
0xc5: {  	(tm) =	ssettm $0x7FFFFFFF  }
tec
execute0_lowered:
.L_overlay_start_1:
0x0: {  	(tag) =	ssettag $0x1  }
0x1: {  	s1 =	rddreg [dreg:$0x0]  }
0x2: {  	s15 =	rddreg [dreg:$0x1];
	s0 =	srdreg.scid  }
0x3: {  	s4 =	rddreg [dreg:$0x2];
	s2 =	stileid.u32;
	s0 =	sand.u32 $0x1, s0  }
0x4: {  	s5 =	simm.s32 $0x0;
	s2 =	sshll.u32 s2, $0x9;
	s3 =	sshll.u32 s0, $0x8  }
0x5: {  	[smem:$0x7FF] =	sst s5;
	s0 =	ssub.s32 $0x2, s0;
	s6 =	sor.u32 s3, s2  }
0x6: {  	_ =	strace $0x80000047;
	s31 =	sshrl.u32 s0, $0x1;
	s3 =	sshll.u32 s6, $0x7  }
0x7: {  	s0 =	ssub.s32 s0, s31;
	[dreg:$0x4] =	wrdreg s6;
	s31 =	sadd.s32 $0x200000, s4  }
0x8: {  	s8 =	sshrl.u32 s6, $0x3;
	s7 =	sadd.s32 s15, s3;
	[dreg:$0x1b] =	wrdreg s31  }
0x9: {  	s6 =	sor.u32 $0x1, s8;
	[dreg:$0x5] =	wrdreg s7  }
0xa: {  	s10 =	sor.u32 $0x2, s8;
	[dreg:$0x7] =	wrdreg s6  }
0xb: {  	s2 =	sor.u32 $0x3, s8;
	[dreg:$0x8] =	wrdreg s10  }
0xc: {  	s0 =	smax.u32 s0, $0x1;
	[dreg:$0x9] =	wrdreg s2  }
0xd: {  	s9 =	sadd.s32 s1, s3;
	s11 =	sor.u32 $0x7C00, s3;
	[dreg:$0x17] =	wrdreg s0  }
0xe: {  	s7 =	sadd.s32 s15, s11;
	[dreg:$0x6] =	wrdreg s9  }
0xf: {  	s12 =	sor.u32 $0x107C00, s3;
	s13 =	sadd.s32 s1, s11;
	[dreg:$0xa] =	wrdreg s7  }
0x10: {  	s16 =	sor.u32 $0x207C00, s3;
	s14 =	sadd.s32 s1, s12;
	[dreg:$0xb] =	wrdreg s13  }
0x11: {  	s8 =	sor.u32 $0x307C00, s3;
	s10 =	sadd.s32 s1, s16;
	[dreg:$0xc] =	wrdreg s14  }
0x12: {  	s3 =	sadd.s32 s3, s4;
	s17 =	sadd.s32 s1, s8;
	[dreg:$0xd] =	wrdreg s10  }
0x13: {  	s18 =	sadd.s32 $0x107800, s3;
	[dreg:$0xe] =	wrdreg s17  }
0x14: {  	s19 =	sadd.s32 $0x7800, s3;
	[dreg:$0xf] =	wrdreg s18  }
0x15: {  	s20 =	sadd.s32 $0x207800, s3;
	[dreg:$0x10] =	wrdreg s19  }
0x16: {  	s3 =	sadd.s32 $0x307800, s3;
	[dreg:$0x11] =	wrdreg s20  }
0x17: {  	s2 =	sadd.s32 s4, s11;
	[dreg:$0x12] =	wrdreg s3  }
0x18: {  	s21 =	sadd.s32 s4, s12;
	[dreg:$0x13] =	wrdreg s2  }
0x19: {  	s30 =	simm.s32 $0x8000;
	s22 =	sadd.s32 s4, s16;
	[dreg:$0x14] =	wrdreg s21  }
0x1a: {  	s28 =	simm.s32 $0xB;
	s23 =	sadd.s32 s4, s8;
	[dreg:$0x15] =	wrdreg s22  }
0x1b: {  	s29 =	simm.s32 $0x12;
	s24 =	sadd.s32 $0x100000, s9;
	[dreg:$0x16] =	wrdreg s23  }
0x1c: {  	s25 =	sadd.s32 $0x200000, s9;
	s26 =	sadd.s32 $0x300000, s9;
	[dreg:$0x18] =	wrdreg s24  }
0x1d: {  	s16 =	simm.s32 $0x6000;
	s11 =	simm.s32 $0x18000;
	[dreg:$0x19] =	wrdreg s25  }
0x1e: {  	s12 =	simm.s32 $0x11;
	s8 =	simm.s32 $0x13;
	[dreg:$0x1a] =	wrdreg s26  }
0x1f: {  	s17 =	simm.s32 $0x5;
	s18 =	simm.s32 $0x6;
	s19 =	simm.s32 $0x7  }
0x20: {  	s23 =	simm.s32 $0x2;
	s24 =	simm.s32 $0x8;
	s25 =	simm.s32 $0x9  }
0x21: {  	s26 =	simm.s32 $0xA;
	s20 =	simm.s32 $0x10;
	s2 =	simm.s32 $0x0  }
.LBB2_1:
0x22: {  	[dreg:$0x1c] =	wrdreg s2  }
0x23: {  	s0 =	rddreg [dreg:$0x5]  }
0x24: {  	[tilespmem:s5], [sflag:$0x1] =	stream.linear.gather [hbm4b:s0+s5], $0x2000, $0x38;
	[tilespmem:$0x1E000] =	vst v63  }
0x25: {  	s10 =	rddreg [dreg:$0x6]  }
0x26: {  	[tilespmem:s16], [sflag:$0x4] =	stream.linear.gather [hbm4b:s10+s5], $0x2000, $0x38;
	[tilespmem:$0x1E000] =	vst v63  }
0x27: {  	s13 =	rddreg [dreg:$0x18]  }
0x28: {  	[tilespmem:s30], [sflag:$0x5] =	stream.linear.gather [hbm4b:s13+s5], $0x2000, $0x38;
	[tilespmem:$0x1E000] =	vst v63  }
0x29: {  	s14 =	rddreg [dreg:$0x19];
	s21 =	simm.s32 $0xA000  }
0x2a: {  	[tilespmem:s21], [sflag:$0x6] =	stream.linear.gather [hbm4b:s14+s5], $0x2000, $0x38;
	[tilespmem:$0x1E000] =	vst v63  }
0x2b: {  	s22 =	rddreg [dreg:$0x1a];
	s31 =	simm.s32 $0xC000;
	s21 =	simm.s32 $0x0  }
0x2c: {  	[tilespmem:s31], [sflag:$0x7] =	stream.linear.gather [hbm4b:s22+s5], $0x2000, $0x38;
	[tilespmem:$0x1E000] =	vst v63  }
.LBB2_2:
0x2d: {  	s22 =	smul.u32 $0x3, s21  }
0x2e: {  	s0 =	rddreg [dreg:$0x7]  }
0x2f: {  	s0 =	sadd.s32 s0, s22  }
0x30: {  	s31 =	sshll.u32 s0, $0xA  }
0x31: {  	s3 =	simm.s32 $0x2000;
	p0 =	seq.s32 s21, $0x0;
	s2 =	sadd.s32 s15, s31  }
0x32: {  	[tilespmem:s3], [sflag:$0x2] =	stream.linear.gather [hbm4b:s2+s5], $0x2000, $0x38;
	[tilespmem:$0x1E000] =	vst v63  }
0x33: {  	s6 =	simm.s32 @p0 $0xE000;
	s2 =	sadd.s32 @p0 s1, s31;
	s3 =	simm.s32 @p0 $0x0  }
0x34: {  	[tilespmem:s6], [sflag:$0x8] =	stream.linear.gather @p0 [hbm4b:s2+s3], $0x2000, $0x38;
	[tilespmem:$0x1E000] =	vst v63  }
0x35: {  	s2 =	simm.s32 @!p0 $0x14  }
0x36: {  	_ =	swait.ge @!p0 [sflag:s2], $0x2000  }
0x37: {  	s7 =	simm.s32 @!p0 $0xE000;
	[sflag:s2] =	ssyncset.done @!p0 $0x0  }
0x38: {  	s6 =	simm.s32 @!p0 $0x0;
	[sflag:s2] =	ssyncadd.s32 @!p0 $0xFFFFE000;
	s2 =	sadd.s32 @!p0 s1, s31  }
0x39: {  	[tilespmem:s7], [sflag:$0x8] =	stream.linear.gather @!p0 [hbm4b:s2+s6], $0x2000, $0x38;
	[tilespmem:$0x1E000] =	vst v63  }
0x3a: {  	s0 =	sshll.u32 s0, $0xD;
	s2 =	simm.s32 @!p0 $0x15  }
0x3b: {  	s14 =	sshrl.u32 s0, $0x3;
	_ =	swait.ge @!p0 [sflag:s2], $0x2000  }
0x3c: {  	s9 =	simm.s32 $0x10000;
	s0 =	sadd.s32 $0x100000, s14;
	[sflag:s2] =	ssyncset.done @!p0 $0x0  }
0x3d: {  	s10 =	sadd.s32 s1, s0;
	[sflag:s2] =	ssyncadd.s32 @!p0 $0xFFFFE000;
	s2 =	sor.u32 @p0 $0x200000, s31  }
0x3e: {  	[tilespmem:s9], [sflag:$0x9] =	stream.linear.gather [hbm4b:s10+s5], $0x2000, $0x38;
	[tilespmem:$0x1E000] =	vst v63  }
0x3f: {  	s2 =	sadd.s32 @p0 s1, s2;
	s9 =	simm.s32 @p0 $0x12000  }
0x40: {  	[tilespmem:s9], [sflag:$0xA] =	stream.linear.gather @p0 [hbm4b:s2+s3], $0x2000, $0x38;
	[tilespmem:$0x1E000] =	vst v63  }
0x41: {  	s2 =	simm.s32 @!p0 $0x16  }
0x42: {  	_ =	swait.ge @!p0 [sflag:s2], $0x2000  }
0x43: {  	s3 =	sor.u32 @!p0 $0x200000, s31;
	[sflag:s2] =	ssyncset.done @!p0 $0x0  }
0x44: {  	[sflag:s2] =	ssyncadd.s32 @!p0 $0xFFFFE000;
	s2 =	sadd.s32 @!p0 s1, s3;
	s3 =	simm.s32 @!p0 $0x12000  }
0x45: {  	[tilespmem:s3], [sflag:$0xA] =	stream.linear.gather @!p0 [hbm4b:s2+s6], $0x2000, $0x38;
	[tilespmem:$0x1E000] =	vst v63  }
0x46: {  	s2 =	simm.s32 @!p0 $0x17  }
0x47: {  	s7 =	sadd.s32 $0x300000, s14;
	_ =	swait.ge @!p0 [sflag:s2], $0x2000  }
0x48: {  	s14 =	simm.s32 $0x14000;
	s13 =	sadd.s32 s1, s7;
	[sflag:s2] =	ssyncset.done @!p0 $0x0  }
0x49: {  	s9 =	simm.s32 $0x1;
	s3 =	simm.s32 $0x0;
	[sflag:s2] =	ssyncadd.s32 @!p0 $0xFFFFE000  }
0x4a: {  	[tilespmem:s14], [sflag:$0xB] =	stream.linear.gather [hbm4b:s13+s3], $0x2000, $0x38;
	[tilespmem:$0x1E000] =	vst v63  }
0x4b: {  	_ =	swait.ge [sflag:s9], $0x2000  }
0x4c: {  	[sflag:s9] =	ssyncset.done $0x0  }
0x4d: {  	s10 =	simm.s32 $0x4;
	[sflag:s9] =	ssyncadd.s32 $0xFFFFE000  }
0x4e: {  	_ =	swait.ge [sflag:s10], $0x2000  }
0x4f: {  	[sflag:s10] =	ssyncset.done $0x0  }
0x50: {  	[sflag:s10] =	ssyncadd.s32 $0xFFFFE000  }
0x51: {  	_ =	swait.ge [sflag:s17], $0x2000  }
0x52: {  	[sflag:s17] =	ssyncset.done $0x0  }
0x53: {  	[sflag:s17] =	ssyncadd.s32 $0xFFFFE000  }
0x54: {  	_ =	swait.ge [sflag:s18], $0x2000  }
0x55: {  	[sflag:s18] =	ssyncset.done $0x0  }
0x56: {  	[sflag:s18] =	ssyncadd.s32 $0xFFFFE000  }
0x57: {  	s13 =	sand.u32 $0x1C00, s3;
	s14 =	sand.u32 $0x380, s3;
	_ =	swait.ge [sflag:s19], $0x2000  }
0x58: {  	s3 =	sand.u32 $0x40, s3;
	s2 =	sor.u32 s14, s13;
	[sflag:s19] =	ssyncset.done $0x0  }
0x59: {  	s2 =	sor.u32 s3, s2;
	[sflag:s19] =	ssyncadd.s32 $0xFFFFE000  }
0x5a: {  	v2 =	vld [tilespmem:s2+$0x0]  }
0x5b: {  	v5 =	vld [tilespmem:s2+$0x10]  }
0x5c: {  	v1 =	vld [tilespmem:s2+$0x20]  }
0x5d: {  	v3 =	vld [tilespmem:s2+$0x6000]  }
0x5e: {  	v4 =	vld [tilespmem:s2+$0x8000]  }
0x5f: {  	v6 =	vld [tilespmem:s2+$0xA000]  }
0x60: {  	v7 =	vld [tilespmem:s2+$0xC000]  }
0x61: {  	v8 =	vld [tilespmem:s2+$0x6010]  }
0x62: {  	v9 =	vld [tilespmem:s2+$0x8010]  }
0x63: {  	v0 =	vld [tilespmem:s2+$0x30];
	v3 =	vadd.f32 v3, v2  }
0x64: {  	v10 =	vld [tilespmem:s2+$0xA010];
	v4 =	vadd.f32 v4, v2  }
0x65: {  	v11 =	vld [tilespmem:s2+$0xC010];
	[tilespmem:s2+$0x6000] =	vst v3;
	v3 =	vadd.f32 v6, v2  }
0x66: {  	[tilespmem:s2+$0x8000] =	vst v4;
	v6 =	vld [tilespmem:s2+$0x6020];
	v2 =	vadd.f32 v7, v2  }
0x67: {  	v7 =	vadd.f32 v8, v5;
	v8 =	vadd.f32 v9, v5;
	[tilespmem:s2+$0xA000] =	vst v3;
	v3 =	vld [tilespmem:s2+$0x8020]  }
0x68: {  	v4 =	vld [tilespmem:s2+$0xA020];
	[tilespmem:s2+$0xC000] =	vst v2  }
0x69: {  	v2 =	vld [tilespmem:s2+$0xC020];
	[tilespmem:s2+$0x8010] =	vst v8;
	v8 =	vadd.f32 v10, v5  }
0x6a: {  	s6 =	simm.s32 $0x200;
	s3 =	simm.s32 $0x40;
	s9 =	simm.s32 $0x8;
	[tilespmem:s2+$0x6010] =	vst v7;
	v7 =	vadd.f32 v11, v5;
	v5 =	vld [tilespmem:s2+$0x6030]  }
.LBB2_3:
0x6b: {  	s10 =	sand.u32 $0x1C00, s6;
	s13 =	sand.u32 $0x380, s9;
	p1 =	sne.s32 s9, $0x3F8;
	[tilespmem:s2+$0xA010] =	vst v8;
	v6 =	vadd.f32 v6, v1;
	v8 =	vld [tilespmem:s2+$0x8030]  }
0x6c: {  	s14 =	sand.u32 $0x40, s3;
	s10 =	sor.u32 s13, s10;
	[tilespmem:s2+$0xC010] =	vst v7;
	v3 =	vadd.f32 v3, v1;
	v7 =	vld [tilespmem:s2+$0xA030]  }
0x6d: {  	s10 =	sor.u32 s14, s10;
	[tilespmem:s2+$0x6020] =	vst v6;
	v4 =	vadd.f32 v4, v1;
	v6 =	vld [tilespmem:s2+$0xC030]  }
0x6e: {  	v9 =	vld [tilespmem:s10+$0x0];
	[tilespmem:s2+$0x8020] =	vst v3;
	v2 =	vadd.f32 v2, v1  }
0x6f: {  	v10 =	vld [tilespmem:s10+$0x10];
	[tilespmem:s2+$0xA020] =	vst v4;
	v3 =	vadd.f32 v5, v0  }
0x70: {  	v1 =	vld [tilespmem:s10+$0x20];
	[tilespmem:s2+$0xC020] =	vst v2;
	v2 =	vadd.f32 v8, v0  }
0x71: {  	v4 =	vld [tilespmem:s10+$0x30];
	[tilespmem:s2+$0x6030] =	vst v3;
	v3 =	vadd.f32 v7, v0  }
0x72: {  	v5 =	vld [tilespmem:s10+$0x6000];
	[tilespmem:s2+$0x8030] =	vst v2;
	v0 =	vadd.f32 v6, v0  }
0x73: {  	v2 =	vld [tilespmem:s10+$0x8000];
	[tilespmem:s2+$0xA030] =	vst v3  }
0x74: {  	v3 =	vld [tilespmem:s10+$0xA000];
	[tilespmem:s2+$0xC030] =	vst v0;
	s2 =	smov.u32 s10  }
0x75: {  	v6 =	vld [tilespmem:s2+$0xC000]  }
0x76: {  	v7 =	vld [tilespmem:s2+$0x6010];
	v0 =	vmov v4  }
0x77: {  	v4 =	vadd.f32 v5, v9;
	v5 =	vld [tilespmem:s2+$0x8010]  }
0x78: {  	v2 =	vadd.f32 v2, v9;
	v8 =	vld [tilespmem:s2+$0xA010]  }
0x79: {  	[tilespmem:s2+$0x6000] =	vst v4;
	v3 =	vadd.f32 v3, v9;
	v11 =	vld [tilespmem:s2+$0xC010]  }
.Ltmp0:
0x7a: {  	[tilespmem:s2+$0x8000] =	vst v2;
	v2 =	vadd.f32 v6, v9;
	v6 =	vld [tilespmem:s2+$0x6020];
	(pc) =	sbr.rel @p1 .LBB2_3-.Ltmp0, $4  }
0x7b: {  	[tilespmem:s2+$0xA000] =	vst v3;
	v7 =	vadd.f32 v7, v10;
	v3 =	vld [tilespmem:s2+$0x8020]  }
0x7c: {  	[tilespmem:s2+$0xC000] =	vst v2;
	v5 =	vadd.f32 v5, v10;
	v4 =	vld [tilespmem:s2+$0xA020]  }
0x7d: {  	[tilespmem:s2+$0x6010] =	vst v7;
	v8 =	vadd.f32 v8, v10;
	v2 =	vld [tilespmem:s2+$0xC020]  }
0x7e: {  	s3 =	sadd.s32 $0x40, s3;
	s6 =	sadd.s32 $0x200, s6;
	s9 =	sadd.s32 $0x8, s9;
	[tilespmem:s2+$0x8010] =	vst v5;
	v7 =	vadd.f32 v11, v10;
	v5 =	vld [tilespmem:s2+$0x6030]  }
0x7f: {  	[tilespmem:s2+$0xA010] =	vst v8;
	v8 =	vld [tilespmem:s2+$0x8030];
	v6 =	vadd.f32 v6, v1  }
0x80: {  	[tilespmem:s2+$0xC010] =	vst v7;
	v7 =	vld [tilespmem:s2+$0xA030];
	v3 =	vadd.f32 v3, v1  }
0x81: {  	[tilespmem:s2+$0x6020] =	vst v6;
	v4 =	vadd.f32 v4, v1;
	v6 =	vld [tilespmem:s2+$0xC030]  }
0x82: {  	[tilespmem:s2+$0x8020] =	vst v3;
	v1 =	vadd.f32 v2, v1  }
0x83: {  	s3 =	smul.u32 $0x18, s21;
	[tilespmem:s2+$0xA020] =	vst v4;
	v2 =	vadd.f32 v5, v0  }
0x84: {  	s6 =	rddreg [dreg:$0x4];
	[tilespmem:s2+$0xC020] =	vst v1;
	v1 =	vadd.f32 v8, v0  }
0x85: {  	s3 =	sadd.s32 s6, s3;
	[tilespmem:s2+$0x6030] =	vst v2;
	v2 =	vadd.f32 v7, v0  }
0x86: {  	s3 =	sshll.u32 s3, $0x7;
	[tilespmem:s2+$0x8030] =	vst v1;
	v0 =	vadd.f32 v6, v0  }
0x87: {  	s14 =	sand.u32 $0x1FFFFF80, s3;
	[tilespmem:s2+$0xA030] =	vst v2  }
0x88: {  	s13 =	sadd.s32 s4, s3;
	[tilespmem:s2+$0xC030] =	vst v0;
	s2 =	sadd.s32 s4, s14  }
0x89: {  	[hbm4b:s13+s5] =	stream.linear.scatter [tilespmem:s16], [sflag:$0x10], $0x2000, $0x38;
	[tilespmem:$0x1E000] =	vst v63  }
0x8a: {  	s16 =	sadd.s32 $0x100000, s2  }
0x8b: {  	[hbm4b:s16+s5] =	stream.linear.scatter [tilespmem:s30], [sflag:$0x11], $0x2000, $0x38;
	[tilespmem:$0x1E000] =	vst v63  }
0x8c: {  	s30 =	rddreg [dreg:$0x1b]  }
0x8d: {  	s9 =	simm.s32 $0xA000;
	s13 =	rddreg [dreg:$0x8];
	s3 =	sadd.s32 s3, s30  }
0x8e: {  	[hbm4b:s3+s5] =	stream.linear.scatter [tilespmem:s9], [sflag:$0x12], $0x2000, $0x38;
	[tilespmem:$0x1E000] =	vst v63  }
0x8f: {  	s10 =	simm.s32 $0xC000;
	s2 =	sadd.s32 $0x300000, s2;
	s14 =	sadd.s32 s13, s22  }
0x90: {  	[hbm4b:s2+s5] =	stream.linear.scatter [tilespmem:s10], [sflag:$0x13], $0x2000, $0x38;
	[tilespmem:$0x1E000] =	vst v63  }
0x91: {  	s2 =	sshll.u32 s14, $0xA  }
0x92: {  	s16 =	smov.u32 s15;
	s9 =	simm.s32 $0x4000;
	s15 =	sadd.s32 s15, s2  }
0x93: {  	[tilespmem:s9], [sflag:$0x3] =	stream.linear.gather [hbm4b:s15+s5], $0x2000, $0x38;
	[tilespmem:$0x1E000] =	vst v63  }
0x94: {  	s10 =	simm.s32 @p0 $0x16000;
	s6 =	sadd.s32 @p0 s1, s2;
	s9 =	simm.s32 @p0 $0x0  }
0x95: {  	[tilespmem:s10], [sflag:$0xC] =	stream.linear.gather @p0 [hbm4b:s6+s9], $0x2000, $0x38;
	[tilespmem:$0x1E000] =	vst v63  }
0x96: {  	s6 =	simm.s32 @!p0 $0x18  }
0x97: {  	_ =	swait.ge @!p0 [sflag:s6], $0x2000  }
0x98: {  	s13 =	simm.s32 @!p0 $0x16000;
	[sflag:s6] =	ssyncset.done @!p0 $0x0  }
0x99: {  	s10 =	simm.s32 @!p0 $0x0;
	[sflag:s6] =	ssyncadd.s32 @!p0 $0xFFFFE000;
	s6 =	sadd.s32 @!p0 s1, s2  }
0x9a: {  	[tilespmem:s13], [sflag:$0xC] =	stream.linear.gather @!p0 [hbm4b:s6+s10], $0x2000, $0x38;
	[tilespmem:$0x1E000] =	vst v63  }
0x9b: {  	s3 =	sshll.u32 s14, $0xD;
	s6 =	simm.s32 @!p0 $0x19  }
0x9c: {  	s3 =	sshrl.u32 s3, $0x3;
	_ =	swait.ge @!p0 [sflag:s6], $0x2000  }
0x9d: {  	s13 =	sadd.s32 $0x100000, s3;
	[sflag:s6] =	ssyncset.done @!p0 $0x0  }
0x9e: {  	s30 =	sadd.s32 s1, s13;
	[sflag:s6] =	ssyncadd.s32 @!p0 $0xFFFFE000;
	s6 =	sor.u32 @p0 $0x200000, s2  }
0x9f: {  	[tilespmem:s11], [sflag:$0xD] =	stream.linear.gather [hbm4b:s30+s5], $0x2000, $0x38;
	[tilespmem:$0x1E000] =	vst v63  }
0xa0: {  	s14 =	simm.s32 @p0 $0x1A000;
	s6 =	sadd.s32 @p0 s1, s6  }
0xa1: {  	[tilespmem:s14], [sflag:$0xE] =	stream.linear.gather @p0 [hbm4b:s6+s9], $0x2000, $0x38;
	[tilespmem:$0x1E000] =	vst v63  }
0xa2: {  	s6 =	simm.s32 @!p0 $0x1A  }
0xa3: {  	_ =	swait.ge @!p0 [sflag:s6], $0x2000  }
0xa4: {  	s9 =	sor.u32 @!p0 $0x200000, s2;
	[sflag:s6] =	ssyncset.done @!p0 $0x0  }
0xa5: {  	[sflag:s6] =	ssyncadd.s32 @!p0 $0xFFFFE000;
	s6 =	sadd.s32 @!p0 s1, s9;
	s9 =	simm.s32 @!p0 $0x1A000  }
0xa6: {  	[tilespmem:s9], [sflag:$0xE] =	stream.linear.gather @!p0 [hbm4b:s6+s10], $0x2000, $0x38;
	[tilespmem:$0x1E000] =	vst v63  }
0xa7: {  	s6 =	simm.s32 @!p0 $0x1B  }
0xa8: {  	_ =	swait.ge @!p0 [sflag:s6], $0x2000  }
0xa9: {  	s11 =	simm.s32 $0x1C000;
	s14 =	sadd.s32 $0x300000, s3;
	[sflag:s6] =	ssyncset.done @!p0 $0x0  }
0xaa: {  	s3 =	sadd.s32 s1, s14;
	s10 =	simm.s32 $0x0;
	[sflag:s6] =	ssyncadd.s32 @!p0 $0xFFFFE000  }
0xab: {  	[tilespmem:s11], [sflag:$0xF] =	stream.linear.gather [hbm4b:s3+s10], $0x2000, $0x38;
	[tilespmem:$0x1E000] =	vst v63  }
0xac: {  	_ =	swait.ge [sflag:s23], $0x2000  }
0xad: {  	[sflag:s23] =	ssyncset.done $0x0  }
0xae: {  	[sflag:s23] =	ssyncadd.s32 $0xFFFFE000  }
0xaf: {  	_ =	swait.ge [sflag:s24], $0x2000  }
0xb0: {  	[sflag:s24] =	ssyncset.done $0x0  }
0xb1: {  	[sflag:s24] =	ssyncadd.s32 $0xFFFFE000  }
0xb2: {  	_ =	swait.ge [sflag:s25], $0x2000  }
0xb3: {  	[sflag:s25] =	ssyncset.done $0x0  }
0xb4: {  	[sflag:s25] =	ssyncadd.s32 $0xFFFFE000  }
0xb5: {  	_ =	swait.ge [sflag:s26], $0x2000  }
0xb6: {  	[sflag:s26] =	ssyncset.done $0x0  }
0xb7: {  	[sflag:s26] =	ssyncadd.s32 $0xFFFFE000  }
0xb8: {  	s15 =	sand.u32 $0x1C00, s10;
	s30 =	sand.u32 $0x380, s10;
	_ =	swait.ge [sflag:s28], $0x2000  }
0xb9: {  	s6 =	sand.u32 $0x40, s10;
	s3 =	sor.u32 s30, s15;
	[sflag:s28] =	ssyncset.done $0x0  }
0xba: {  	s3 =	sor.u32 s6, s3;
	[sflag:s28] =	ssyncadd.s32 $0xFFFFE000  }
0xbb: {  	v2 =	vld [tilespmem:s3+$0x2000]  }
0xbc: {  	v5 =	vld [tilespmem:s3+$0x2010]  }
0xbd: {  	v1 =	vld [tilespmem:s3+$0x2020]  }
0xbe: {  	v3 =	vld [tilespmem:s3+$0xE000]  }
0xbf: {  	v4 =	vld [tilespmem:s3+$0x10000]  }
0xc0: {  	v6 =	vld [tilespmem:s3+$0x12000]  }
0xc1: {  	v7 =	vld [tilespmem:s3+$0x14000]  }
0xc2: {  	v8 =	vld [tilespmem:s3+$0xE010]  }
0xc3: {  	v9 =	vld [tilespmem:s3+$0x10010]  }
0xc4: {  	v0 =	vld [tilespmem:s3+$0x2030];
	v3 =	vadd.f32 v3, v2  }
0xc5: {  	v10 =	vld [tilespmem:s3+$0x12010];
	v4 =	vadd.f32 v4, v2  }
0xc6: {  	v11 =	vld [tilespmem:s3+$0x14010];
	[tilespmem:s3+$0xE000] =	vst v3;
	v3 =	vadd.f32 v6, v2  }
0xc7: {  	[tilespmem:s3+$0x10000] =	vst v4;
	v6 =	vld [tilespmem:s3+$0xE020];
	v2 =	vadd.f32 v7, v2  }
0xc8: {  	v7 =	vadd.f32 v8, v5;
	v8 =	vadd.f32 v9, v5;
	[tilespmem:s3+$0x12000] =	vst v3;
	v3 =	vld [tilespmem:s3+$0x10020]  }
0xc9: {  	v4 =	vld [tilespmem:s3+$0x12020];
	[tilespmem:s3+$0x14000] =	vst v2  }
0xca: {  	v2 =	vld [tilespmem:s3+$0x14020];
	[tilespmem:s3+$0x10010] =	vst v8;
	v8 =	vadd.f32 v10, v5  }
0xcb: {  	s9 =	simm.s32 $0x200;
	s10 =	simm.s32 $0x8;
	s6 =	simm.s32 $0x40;
	[tilespmem:s3+$0xE010] =	vst v7;
	v7 =	vadd.f32 v11, v5;
	v5 =	vld [tilespmem:s3+$0xE030]  }
.LBB2_5:
0xcc: {  	s11 =	sand.u32 $0x1C00, s9;
	s30 =	sand.u32 $0x380, s10;
	p0 =	sne.s32 s10, $0x3F8;
	[tilespmem:s3+$0x12010] =	vst v8;
	v6 =	vadd.f32 v6, v1;
	v8 =	vld [tilespmem:s3+$0x10030]  }
0xcd: {  	s15 =	sand.u32 $0x40, s6;
	s11 =	sor.u32 s30, s11;
	[tilespmem:s3+$0x14010] =	vst v7;
	v3 =	vadd.f32 v3, v1;
	v7 =	vld [tilespmem:s3+$0x12030]  }
0xce: {  	s11 =	sor.u32 s15, s11;
	[tilespmem:s3+$0xE020] =	vst v6;
	v4 =	vadd.f32 v4, v1;
	v6 =	vld [tilespmem:s3+$0x14030]  }
0xcf: {  	v9 =	vld [tilespmem:s11+$0x2000];
	[tilespmem:s3+$0x10020] =	vst v3;
	v2 =	vadd.f32 v2, v1  }
0xd0: {  	v10 =	vld [tilespmem:s11+$0x2010];
	[tilespmem:s3+$0x12020] =	vst v4;
	v3 =	vadd.f32 v5, v0  }
0xd1: {  	v1 =	vld [tilespmem:s11+$0x2020];
	[tilespmem:s3+$0x14020] =	vst v2;
	v2 =	vadd.f32 v8, v0  }
0xd2: {  	v4 =	vld [tilespmem:s11+$0x2030];
	[tilespmem:s3+$0xE030] =	vst v3;
	v3 =	vadd.f32 v7, v0  }
0xd3: {  	v5 =	vld [tilespmem:s11+$0xE000];
	[tilespmem:s3+$0x10030] =	vst v2;
	v0 =	vadd.f32 v6, v0  }
0xd4: {  	v2 =	vld [tilespmem:s11+$0x10000];
	[tilespmem:s3+$0x12030] =	vst v3  }
0xd5: {  	v3 =	vld [tilespmem:s11+$0x12000];
	[tilespmem:s3+$0x14030] =	vst v0;
	s3 =	smov.u32 s11  }
0xd6: {  	v6 =	vld [tilespmem:s3+$0x14000]  }
0xd7: {  	v7 =	vld [tilespmem:s3+$0xE010];
	v0 =	vmov v4  }
0xd8: {  	v4 =	vadd.f32 v5, v9;
	v5 =	vld [tilespmem:s3+$0x10010]  }
0xd9: {  	v2 =	vadd.f32 v2, v9;
	v8 =	vld [tilespmem:s3+$0x12010]  }
0xda: {  	[tilespmem:s3+$0xE000] =	vst v4;
	v3 =	vadd.f32 v3, v9;
	v11 =	vld [tilespmem:s3+$0x14010]  }
.Ltmp1:
0xdb: {  	[tilespmem:s3+$0x10000] =	vst v2;
	v2 =	vadd.f32 v6, v9;
	v6 =	vld [tilespmem:s3+$0xE020];
	(pc) =	sbr.rel @p0 .LBB2_5-.Ltmp1, $4  }
0xdc: {  	[tilespmem:s3+$0x12000] =	vst v3;
	v7 =	vadd.f32 v7, v10;
	v3 =	vld [tilespmem:s3+$0x10020]  }
0xdd: {  	[tilespmem:s3+$0x14000] =	vst v2;
	v5 =	vadd.f32 v5, v10;
	v4 =	vld [tilespmem:s3+$0x12020]  }
0xde: {  	[tilespmem:s3+$0xE010] =	vst v7;
	v8 =	vadd.f32 v8, v10;
	v2 =	vld [tilespmem:s3+$0x14020]  }
0xdf: {  	s6 =	sadd.s32 $0x40, s6;
	s9 =	sadd.s32 $0x200, s9;
	s10 =	sadd.s32 $0x8, s10;
	[tilespmem:s3+$0x10010] =	vst v5;
	v7 =	vadd.f32 v11, v10;
	v5 =	vld [tilespmem:s3+$0xE030]  }
0xe0: {  	[tilespmem:s3+$0x12010] =	vst v8;
	v8 =	vld [tilespmem:s3+$0x10030];
	v6 =	vadd.f32 v6, v1  }
0xe1: {  	[tilespmem:s3+$0x14010] =	vst v7;
	v7 =	vld [tilespmem:s3+$0x12030];
	v3 =	vadd.f32 v3, v1  }
0xe2: {  	[tilespmem:s3+$0xE020] =	vst v6;
	v4 =	vadd.f32 v4, v1;
	v6 =	vld [tilespmem:s3+$0x14030]  }
0xe3: {  	[tilespmem:s3+$0x10020] =	vst v3;
	v1 =	vadd.f32 v2, v1  }
0xe4: {  	[tilespmem:s3+$0x12020] =	vst v4;
	v2 =	vadd.f32 v5, v0  }
0xe5: {  	[tilespmem:s3+$0x14020] =	vst v1;
	v1 =	vadd.f32 v8, v0  }
0xe6: {  	[tilespmem:s3+$0xE030] =	vst v2;
	v2 =	vadd.f32 v7, v0  }
0xe7: {  	[tilespmem:s3+$0x10030] =	vst v1;
	v0 =	vadd.f32 v6, v0  }
0xe8: {  	[tilespmem:s3+$0x12030] =	vst v2  }
0xe9: {  	s11 =	sadd.s32 s4, s31;
	s6 =	simm.s32 $0x0;
	s9 =	simm.s32 $0xE000;
	[tilespmem:s3+$0x14030] =	vst v0  }
0xea: {  	[hbm4b:s11+s6] =	stream.linear.scatter [tilespmem:s9], [sflag:$0x14], $0x2000, $0x38;
	[tilespmem:$0x1E000] =	vst v63  }
0xeb: {  	s0 =	sadd.s32 s4, s0;
	s15 =	simm.s32 $0x10000;
	s3 =	sor.u32 $0x200000, s31  }
0xec: {  	[hbm4b:s0+s6] =	stream.linear.scatter [tilespmem:s15], [sflag:$0x15], $0x2000, $0x38;
	[tilespmem:$0x1E000] =	vst v63  }
0xed: {  	s9 =	simm.s32 $0x12000;
	s0 =	sadd.s32 s4, s3;
	s15 =	rddreg [dreg:$0x9]  }
0xee: {  	[hbm4b:s0+s6] =	stream.linear.scatter [tilespmem:s9], [sflag:$0x16], $0x2000, $0x38;
	[tilespmem:$0x1E000] =	vst v63  }
0xef: {  	s0 =	sadd.s32 s15, s22  }
0xf0: {  	s10 =	sadd.s32 s4, s7;
	s11 =	simm.s32 $0x14000;
	s0 =	sshll.u32 s0, $0xA  }
0xf1: {  	[hbm4b:s10+s6] =	stream.linear.scatter [tilespmem:s11], [sflag:$0x17], $0x2000, $0x38;
	[tilespmem:$0x1E000] =	vst v63  }
0xf2: {  	s31 =	sadd.s32 s16, s0  }
0xf3: {  	[tilespmem:s6], [sflag:$0x1] =	stream.linear.gather [hbm4b:s31+s6], $0x2000, $0x38;
	[tilespmem:$0x1E000] =	vst v63  }
0xf4: {  	_ =	swait.ge [sflag:s20], $0x2000  }
0xf5: {  	s15 =	smov.u32 s16;
	[sflag:s20] =	ssyncset.done $0x0  }
0xf6: {  	s7 =	sadd.s32 s1, s0;
	s16 =	simm.s32 $0x6000;
	[sflag:s20] =	ssyncadd.s32 $0xFFFFE000  }
0xf7: {  	[tilespmem:s16], [sflag:$0x4] =	stream.linear.gather [hbm4b:s7+s6], $0x2000, $0x38;
	[tilespmem:$0x1E000] =	vst v63  }
0xf8: {  	s9 =	sand.u32 $0x1FFFFC00, s0;
	_ =	swait.ge [sflag:s12], $0x2000  }
0xf9: {  	s3 =	sadd.s32 s1, s9;
	[sflag:s12] =	ssyncset.done $0x0  }
0xfa: {  	s30 =	simm.s32 $0x8000;
	s10 =	sadd.s32 $0x100000, s3;
	[sflag:s12] =	ssyncadd.s32 $0xFFFFE000  }
0xfb: {  	[tilespmem:s30], [sflag:$0x5] =	stream.linear.gather [hbm4b:s10+s6], $0x2000, $0x38;
	[tilespmem:$0x1E000] =	vst v63  }
0xfc: {  	_ =	swait.ge [sflag:s29], $0x2000  }
0xfd: {  	s0 =	sor.u32 $0x200000, s0;
	[sflag:s29] =	ssyncset.done $0x0  }
0xfe: {  	s11 =	simm.s32 $0xA000;
	s0 =	sadd.s32 s1, s0;
	[sflag:s29] =	ssyncadd.s32 $0xFFFFE000  }
0xff: {  	[tilespmem:s11], [sflag:$0x6] =	stream.linear.gather [hbm4b:s0+s6], $0x2000, $0x38;
	[tilespmem:$0x1E000] =	vst v63  }
0x100: {  	_ =	swait.ge [sflag:s8], $0x2000  }
0x101: {  	s22 =	sadd.s32 $0x300000, s3;
	[sflag:s8] =	ssyncset.done $0x0  }
0x102: {  	s31 =	simm.s32 $0xC000;
	s3 =	simm.s32 $0x3;
	[sflag:s8] =	ssyncadd.s32 $0xFFFFE000  }
0x103: {  	[tilespmem:s31], [sflag:$0x7] =	stream.linear.gather [hbm4b:s22+s6], $0x2000, $0x38;
	[tilespmem:$0x1E000] =	vst v63  }
0x104: {  	_ =	swait.ge [sflag:s3], $0x2000  }
0x105: {  	[sflag:s3] =	ssyncset.done $0x0  }
0x106: {  	s7 =	simm.s32 $0xC;
	[sflag:s3] =	ssyncadd.s32 $0xFFFFE000  }
0x107: {  	_ =	swait.ge [sflag:s7], $0x2000  }
0x108: {  	[sflag:s7] =	ssyncset.done $0x0  }
0x109: {  	s9 =	simm.s32 $0xD;
	[sflag:s7] =	ssyncadd.s32 $0xFFFFE000  }
0x10a: {  	_ =	swait.ge [sflag:s9], $0x2000  }
0x10b: {  	[sflag:s9] =	ssyncset.done $0x0  }
0x10c: {  	s10 =	simm.s32 $0xE;
	[sflag:s9] =	ssyncadd.s32 $0xFFFFE000  }
0x10d: {  	_ =	swait.ge [sflag:s10], $0x2000  }
0x10e: {  	[sflag:s10] =	ssyncset.done $0x0  }
0x10f: {  	s11 =	simm.s32 $0xF;
	[sflag:s10] =	ssyncadd.s32 $0xFFFFE000  }
0x110: {  	s22 =	sand.u32 $0x1C00, s6;
	s31 =	sand.u32 $0x380, s6;
	_ =	swait.ge [sflag:s11], $0x2000  }
0x111: {  	s6 =	sand.u32 $0x40, s6;
	s0 =	sor.u32 s31, s22;
	[sflag:s11] =	ssyncset.done $0x0  }
0x112: {  	s0 =	sor.u32 s6, s0;
	[sflag:s11] =	ssyncadd.s32 $0xFFFFE000  }
0x113: {  	v2 =	vld [tilespmem:s0+$0x4000]  }
0x114: {  	v5 =	vld [tilespmem:s0+$0x4010]  }
0x115: {  	v1 =	vld [tilespmem:s0+$0x4020]  }
0x116: {  	v3 =	vld [tilespmem:s0+$0x16000]  }
0x117: {  	v4 =	vld [tilespmem:s0+$0x18000]  }
0x118: {  	v6 =	vld [tilespmem:s0+$0x1A000]  }
0x119: {  	v7 =	vld [tilespmem:s0+$0x1C000]  }
0x11a: {  	v8 =	vld [tilespmem:s0+$0x16010]  }
0x11b: {  	v9 =	vld [tilespmem:s0+$0x18010]  }
0x11c: {  	v0 =	vld [tilespmem:s0+$0x4030];
	v3 =	vadd.f32 v3, v2  }
0x11d: {  	v10 =	vld [tilespmem:s0+$0x1A010];
	v4 =	vadd.f32 v4, v2  }
0x11e: {  	v11 =	vld [tilespmem:s0+$0x1C010];
	[tilespmem:s0+$0x16000] =	vst v3;
	v3 =	vadd.f32 v6, v2  }
0x11f: {  	[tilespmem:s0+$0x18000] =	vst v4;
	v6 =	vld [tilespmem:s0+$0x16020];
	v2 =	vadd.f32 v7, v2  }
0x120: {  	v7 =	vadd.f32 v8, v5;
	v8 =	vadd.f32 v9, v5;
	[tilespmem:s0+$0x1A000] =	vst v3;
	v3 =	vld [tilespmem:s0+$0x18020]  }
0x121: {  	v4 =	vld [tilespmem:s0+$0x1A020];
	[tilespmem:s0+$0x1C000] =	vst v2  }
0x122: {  	v2 =	vld [tilespmem:s0+$0x1C020];
	[tilespmem:s0+$0x18010] =	vst v8;
	v8 =	vadd.f32 v10, v5  }
0x123: {  	s6 =	simm.s32 $0x200;
	s3 =	simm.s32 $0x40;
	s7 =	simm.s32 $0x8;
	[tilespmem:s0+$0x16010] =	vst v7;
	v7 =	vadd.f32 v11, v5;
	v5 =	vld [tilespmem:s0+$0x16030]  }
.LBB2_7:
0x124: {  	s9 =	sand.u32 $0x1C00, s6;
	s10 =	sand.u32 $0x380, s7;
	p0 =	sne.s32 s7, $0x3F8;
	[tilespmem:s0+$0x1A010] =	vst v8;
	v6 =	vadd.f32 v6, v1;
	v8 =	vld [tilespmem:s0+$0x18030]  }
0x125: {  	s11 =	sand.u32 $0x40, s3;
	s9 =	sor.u32 s10, s9;
	[tilespmem:s0+$0x1C010] =	vst v7;
	v3 =	vadd.f32 v3, v1;
	v7 =	vld [tilespmem:s0+$0x1A030]  }
0x126: {  	s9 =	sor.u32 s11, s9;
	[tilespmem:s0+$0x16020] =	vst v6;
	v4 =	vadd.f32 v4, v1;
	v6 =	vld [tilespmem:s0+$0x1C030]  }
0x127: {  	v9 =	vld [tilespmem:s9+$0x4000];
	[tilespmem:s0+$0x18020] =	vst v3;
	v2 =	vadd.f32 v2, v1  }
0x128: {  	v10 =	vld [tilespmem:s9+$0x4010];
	[tilespmem:s0+$0x1A020] =	vst v4;
	v3 =	vadd.f32 v5, v0  }
0x129: {  	v1 =	vld [tilespmem:s9+$0x4020];
	[tilespmem:s0+$0x1C020] =	vst v2;
	v2 =	vadd.f32 v8, v0  }
0x12a: {  	v4 =	vld [tilespmem:s9+$0x4030];
	[tilespmem:s0+$0x16030] =	vst v3;
	v3 =	vadd.f32 v7, v0  }
0x12b: {  	v5 =	vld [tilespmem:s9+$0x16000];
	[tilespmem:s0+$0x18030] =	vst v2;
	v0 =	vadd.f32 v6, v0  }
0x12c: {  	v2 =	vld [tilespmem:s9+$0x18000];
	[tilespmem:s0+$0x1A030] =	vst v3  }
0x12d: {  	v3 =	vld [tilespmem:s9+$0x1A000];
	[tilespmem:s0+$0x1C030] =	vst v0;
	s0 =	smov.u32 s9  }
0x12e: {  	v6 =	vld [tilespmem:s0+$0x1C000]  }
0x12f: {  	v7 =	vld [tilespmem:s0+$0x16010];
	v0 =	vmov v4  }
0x130: {  	v4 =	vadd.f32 v5, v9;
	v5 =	vld [tilespmem:s0+$0x18010]  }
0x131: {  	v2 =	vadd.f32 v2, v9;
	v8 =	vld [tilespmem:s0+$0x1A010]  }
0x132: {  	[tilespmem:s0+$0x16000] =	vst v4;
	v3 =	vadd.f32 v3, v9;
	v11 =	vld [tilespmem:s0+$0x1C010]  }
.Ltmp2:
0x133: {  	[tilespmem:s0+$0x18000] =	vst v2;
	v2 =	vadd.f32 v6, v9;
	v6 =	vld [tilespmem:s0+$0x16020];
	(pc) =	sbr.rel @p0 .LBB2_7-.Ltmp2, $4  }
0x134: {  	[tilespmem:s0+$0x1A000] =	vst v3;
	v7 =	vadd.f32 v7, v10;
	v3 =	vld [tilespmem:s0+$0x18020]  }
0x135: {  	[tilespmem:s0+$0x1C000] =	vst v2;
	v5 =	vadd.f32 v5, v10;
	v4 =	vld [tilespmem:s0+$0x1A020]  }
0x136: {  	[tilespmem:s0+$0x16010] =	vst v7;
	v8 =	vadd.f32 v8, v10;
	v2 =	vld [tilespmem:s0+$0x1C020]  }
0x137: {  	s3 =	sadd.s32 $0x40, s3;
	s6 =	sadd.s32 $0x200, s6;
	s7 =	sadd.s32 $0x8, s7;
	[tilespmem:s0+$0x18010] =	vst v5;
	v7 =	vadd.f32 v11, v10;
	v5 =	vld [tilespmem:s0+$0x16030]  }
0x138: {  	[tilespmem:s0+$0x1A010] =	vst v8;
	v56 =	vld [tilespmem:s0+$0x18030];
	v6 =	vadd.f32 v6, v1  }
0x139: {  	v57 =	vld [tilespmem:s0+$0x1A030];
	[tilespmem:s0+$0x1C010] =	vst v7;
	v3 =	vadd.f32 v3, v1  }
0x13a: {  	v58 =	vld [tilespmem:s0+$0x1C030];
	[tilespmem:s0+$0x16020] =	vst v6;
	v4 =	vadd.f32 v4, v1  }
0x13b: {  	[tilespmem:s0+$0x18020] =	vst v3;
	v59 =	vadd.f32 v2, v1  }
0x13c: {  	[tilespmem:s0+$0x1A020] =	vst v4;
	v60 =	vadd.f32 v5, v0  }
0x13d: {  	[tilespmem:s0+$0x1C020] =	vst v59;
	v61 =	vadd.f32 v56, v0  }
0x13e: {  	v62 =	vadd.f32 v57, v0;
	[tilespmem:s0+$0x16030] =	vst v60  }
0x13f: {  	v63 =	vadd.f32 v58, v0;
	[tilespmem:s0+$0x18030] =	vst v61  }
0x140: {  	[tilespmem:s0+$0x1A030] =	vst v62  }
0x141: {  	s7 =	sadd.s32 s4, s2;
	s3 =	simm.s32 $0x16000;
	s21 =	sadd.s32 $0x1, s21;
	[tilespmem:s0+$0x1C030] =	vst v63  }
0x142: {  	[hbm4b:s7+s5] =	stream.linear.scatter [tilespmem:s3], [sflag:$0x18], $0x2000, $0x38;
	[tilespmem:$0x1E000] =	vst v63  }
0x143: {  	s9 =	sadd.s32 s4, s13;
	s11 =	simm.s32 $0x18000;
	p0 =	sne.s32 s21, $0xA  }
0x144: {  	[hbm4b:s9+s5] =	stream.linear.scatter [tilespmem:s11], [sflag:$0x19], $0x2000, $0x38;
	[tilespmem:$0x1E000] =	vst v63  }
.Ltmp3:
0x145: {  	s10 =	sor.u32 $0x200000, s2;
	(pc) =	sbr.rel @p0 .LBB2_2-.Ltmp3, $4  }
0x146: {  	s13 =	simm.s32 $0x1A000;
	s0 =	sadd.s32 s4, s10  }
0x147: {  	[hbm4b:s0+s5] =	stream.linear.scatter [tilespmem:s13], [sflag:$0x1A], $0x2000, $0x38;
	[tilespmem:$0x1E000] =	vst v63  }
0x148: {  	s22 =	sadd.s32 s4, s14;
	s31 =	simm.s32 $0x1C000  }
0x149: {  	[hbm4b:s22+s5] =	stream.linear.scatter [tilespmem:s31], [sflag:$0x1B], $0x2000, $0x38;
	[tilespmem:$0x1E000] =	vst v63  }
0x14a: {  	s0 =	simm.s32 $0x0  }
0x14b: {  	s2 =	rddreg [dreg:$0xa];
	s3 =	simm.s32 $0x2000;
	s13 =	simm.s32 $0x14  }
0x14c: {  	[tilespmem:s3], [sflag:$0x2] =	stream.linear.gather [hbm4b:s2+s0], $0x2000, $0x38;
	[tilespmem:$0x1E000] =	vst v63  }
0x14d: {  	_ =	swait.ge [sflag:s13], $0x2000  }
0x14e: {  	s9 =	simm.s32 $0xE000;
	[sflag:s13] =	ssyncset.done $0x0  }
0x14f: {  	s14 =	simm.s32 $0x15;
	s7 =	rddreg [dreg:$0xb];
	[sflag:s13] =	ssyncadd.s32 $0xFFFFE000  }
0x150: {  	[tilespmem:s9], [sflag:$0x8] =	stream.linear.gather [hbm4b:s7+s0], $0x2000, $0x38;
	[tilespmem:$0x1E000] =	vst v63  }
0x151: {  	_ =	swait.ge [sflag:s14], $0x2000  }
0x152: {  	[sflag:s14] =	ssyncset.done $0x0  }
0x153: {  	s21 =	simm.s32 $0x10000;
	s10 =	rddreg [dreg:$0xc];
	[sflag:s14] =	ssyncadd.s32 $0xFFFFE000  }
0x154: {  	[tilespmem:s21], [sflag:$0x9] =	stream.linear.gather [hbm4b:s10+s0], $0x2000, $0x38;
	[tilespmem:$0x1E000] =	vst v63  }
0x155: {  	s21 =	simm.s32 $0x16  }
0x156: {  	_ =	swait.ge [sflag:s21], $0x2000  }
0x157: {  	[sflag:s21] =	ssyncset.done $0x0  }
0x158: {  	s31 =	simm.s32 $0x12000;
	s22 =	rddreg [dreg:$0xd];
	[sflag:s21] =	ssyncadd.s32 $0xFFFFE000  }
0x159: {  	[tilespmem:s31], [sflag:$0xA] =	stream.linear.gather [hbm4b:s22+s0], $0x2000, $0x38;
	[tilespmem:$0x1E000] =	vst v63  }
0x15a: {  	s22 =	simm.s32 $0x17  }
0x15b: {  	_ =	swait.ge [sflag:s22], $0x2000  }
0x15c: {  	s6 =	simm.s32 $0x14000;
	[sflag:s22] =	ssyncset.done $0x0  }
0x15d: {  	s7 =	simm.s32 $0x1;
	s3 =	rddreg [dreg:$0xe];
	[sflag:s22] =	ssyncadd.s32 $0xFFFFE000  }
0x15e: {  	[tilespmem:s6], [sflag:$0xB] =	stream.linear.gather [hbm4b:s3+s0], $0x2000, $0x38;
	[tilespmem:$0x1E000] =	vst v63  }
0x15f: {  	_ =	swait.ge [sflag:s7], $0x2000  }
0x160: {  	[sflag:s7] =	ssyncset.done $0x0  }
0x161: {  	s9 =	simm.s32 $0x4;
	[sflag:s7] =	ssyncadd.s32 $0xFFFFE000  }
0x162: {  	_ =	swait.ge [sflag:s9], $0x2000  }
0x163: {  	[sflag:s9] =	ssyncset.done $0x0  }
0x164: {  	[sflag:s9] =	ssyncadd.s32 $0xFFFFE000  }
0x165: {  	_ =	swait.ge [sflag:s17], $0x2000  }
0x166: {  	[sflag:s17] =	ssyncset.done $0x0  }
0x167: {  	[sflag:s17] =	ssyncadd.s32 $0xFFFFE000  }
0x168: {  	_ =	swait.ge [sflag:s18], $0x2000  }
0x169: {  	[sflag:s18] =	ssyncset.done $0x0  }
0x16a: {  	[sflag:s18] =	ssyncadd.s32 $0xFFFFE000  }
0x16b: {  	s10 =	sand.u32 $0x1C00, s0;
	s31 =	sand.u32 $0x380, s0;
	_ =	swait.ge [sflag:s19], $0x2000  }
0x16c: {  	s2 =	sor.u32 s31, s10;
	s0 =	sand.u32 $0x40, s0;
	[sflag:s19] =	ssyncset.done $0x0  }
0x16d: {  	s0 =	sor.u32 s0, s2;
	[sflag:s19] =	ssyncadd.s32 $0xFFFFE000  }
0x16e: {  	v2 =	vld [tilespmem:s0+$0x0]  }
0x16f: {  	v5 =	vld [tilespmem:s0+$0x10]  }
0x170: {  	v1 =	vld [tilespmem:s0+$0x20]  }
0x171: {  	v3 =	vld [tilespmem:s0+$0x6000]  }
0x172: {  	v4 =	vld [tilespmem:s0+$0x8000]  }
0x173: {  	v6 =	vld [tilespmem:s0+$0xA000]  }
0x174: {  	v7 =	vld [tilespmem:s0+$0xC000]  }
0x175: {  	v8 =	vld [tilespmem:s0+$0x6010]  }
0x176: {  	v9 =	vld [tilespmem:s0+$0x8010]  }
0x177: {  	v0 =	vld [tilespmem:s0+$0x30];
	v3 =	vadd.f32 v3, v2  }
0x178: {  	v10 =	vld [tilespmem:s0+$0xA010];
	v4 =	vadd.f32 v4, v2  }
0x179: {  	v11 =	vld [tilespmem:s0+$0xC010];
	[tilespmem:s0+$0x6000] =	vst v3;
	v3 =	vadd.f32 v6, v2  }
0x17a: {  	[tilespmem:s0+$0x8000] =	vst v4;
	v6 =	vld [tilespmem:s0+$0x6020];
	v2 =	vadd.f32 v7, v2  }
0x17b: {  	v7 =	vadd.f32 v8, v5;
	v8 =	vadd.f32 v9, v5;
	[tilespmem:s0+$0xA000] =	vst v3;
	v3 =	vld [tilespmem:s0+$0x8020]  }
0x17c: {  	v4 =	vld [tilespmem:s0+$0xA020];
	[tilespmem:s0+$0xC000] =	vst v2  }
0x17d: {  	v2 =	vld [tilespmem:s0+$0xC020];
	[tilespmem:s0+$0x8010] =	vst v8;
	v8 =	vadd.f32 v10, v5  }
0x17e: {  	s3 =	simm.s32 $0x200;
	s6 =	simm.s32 $0x8;
	s2 =	simm.s32 $0x40;
	[tilespmem:s0+$0x6010] =	vst v7;
	v7 =	vadd.f32 v11, v5;
	v5 =	vld [tilespmem:s0+$0x6030]  }
.LBB2_10:
0x17f: {  	s7 =	sand.u32 $0x1C00, s3;
	s9 =	sand.u32 $0x380, s6;
	p0 =	sne.s32 s6, $0x3F8;
	[tilespmem:s0+$0xA010] =	vst v8;
	v6 =	vadd.f32 v6, v1;
	v8 =	vld [tilespmem:s0+$0x8030]  }
0x180: {  	s10 =	sand.u32 $0x40, s2;
	s7 =	sor.u32 s9, s7;
	[tilespmem:s0+$0xC010] =	vst v7;
	v3 =	vadd.f32 v3, v1;
	v7 =	vld [tilespmem:s0+$0xA030]  }
0x181: {  	s7 =	sor.u32 s10, s7;
	[tilespmem:s0+$0x6020] =	vst v6;
	v4 =	vadd.f32 v4, v1;
	v6 =	vld [tilespmem:s0+$0xC030]  }
0x182: {  	v9 =	vld [tilespmem:s7+$0x0];
	[tilespmem:s0+$0x8020] =	vst v3;
	v2 =	vadd.f32 v2, v1  }
0x183: {  	v10 =	vld [tilespmem:s7+$0x10];
	[tilespmem:s0+$0xA020] =	vst v4;
	v3 =	vadd.f32 v5, v0  }
0x184: {  	v1 =	vld [tilespmem:s7+$0x20];
	[tilespmem:s0+$0xC020] =	vst v2;
	v2 =	vadd.f32 v8, v0  }
0x185: {  	v4 =	vld [tilespmem:s7+$0x30];
	[tilespmem:s0+$0x6030] =	vst v3;
	v3 =	vadd.f32 v7, v0  }
0x186: {  	v5 =	vld [tilespmem:s7+$0x6000];
	[tilespmem:s0+$0x8030] =	vst v2;
	v0 =	vadd.f32 v6, v0  }
0x187: {  	v2 =	vld [tilespmem:s7+$0x8000];
	[tilespmem:s0+$0xA030] =	vst v3  }
0x188: {  	v3 =	vld [tilespmem:s7+$0xA000];
	[tilespmem:s0+$0xC030] =	vst v0;
	s0 =	smov.u32 s7  }
0x189: {  	v6 =	vld [tilespmem:s0+$0xC000]  }
0x18a: {  	v7 =	vld [tilespmem:s0+$0x6010];
	v0 =	vmov v4  }
0x18b: {  	v4 =	vadd.f32 v5, v9;
	v5 =	vld [tilespmem:s0+$0x8010]  }
0x18c: {  	v2 =	vadd.f32 v2, v9;
	v8 =	vld [tilespmem:s0+$0xA010]  }
0x18d: {  	[tilespmem:s0+$0x6000] =	vst v4;
	v3 =	vadd.f32 v3, v9;
	v11 =	vld [tilespmem:s0+$0xC010]  }
.Ltmp4:
0x18e: {  	[tilespmem:s0+$0x8000] =	vst v2;
	v2 =	vadd.f32 v6, v9;
	v6 =	vld [tilespmem:s0+$0x6020];
	(pc) =	sbr.rel @p0 .LBB2_10-.Ltmp4, $4  }
0x18f: {  	[tilespmem:s0+$0xA000] =	vst v3;
	v7 =	vadd.f32 v7, v10;
	v3 =	vld [tilespmem:s0+$0x8020]  }
0x190: {  	[tilespmem:s0+$0xC000] =	vst v2;
	v5 =	vadd.f32 v5, v10;
	v4 =	vld [tilespmem:s0+$0xA020]  }
0x191: {  	[tilespmem:s0+$0x6010] =	vst v7;
	v8 =	vadd.f32 v8, v10;
	v2 =	vld [tilespmem:s0+$0xC020]  }
0x192: {  	s2 =	sadd.s32 $0x40, s2;
	s3 =	sadd.s32 $0x200, s3;
	s6 =	sadd.s32 $0x8, s6;
	[tilespmem:s0+$0x8010] =	vst v5;
	v7 =	vadd.f32 v11, v10;
	v5 =	vld [tilespmem:s0+$0x6030]  }
0x193: {  	[tilespmem:s0+$0xA010] =	vst v8;
	v8 =	vld [tilespmem:s0+$0x8030];
	v6 =	vadd.f32 v6, v1  }
0x194: {  	[tilespmem:s0+$0xC010] =	vst v7;
	v7 =	vld [tilespmem:s0+$0xA030];
	v3 =	vadd.f32 v3, v1  }
0x195: {  	[tilespmem:s0+$0x6020] =	vst v6;
	v4 =	vadd.f32 v4, v1;
	v6 =	vld [tilespmem:s0+$0xC030]  }
0x196: {  	[tilespmem:s0+$0x8020] =	vst v3;
	v1 =	vadd.f32 v2, v1  }
0x197: {  	[tilespmem:s0+$0xA020] =	vst v4;
	v2 =	vadd.f32 v5, v0  }
0x198: {  	[tilespmem:s0+$0xC020] =	vst v1;
	v1 =	vadd.f32 v8, v0  }
0x199: {  	[tilespmem:s0+$0x6030] =	vst v2;
	v2 =	vadd.f32 v7, v0  }
0x19a: {  	[tilespmem:s0+$0x8030] =	vst v1;
	v0 =	vadd.f32 v6, v0  }
0x19b: {  	[tilespmem:s0+$0xA030] =	vst v2  }
0x19c: {  	s2 =	rddreg [dreg:$0x10];
	[tilespmem:s0+$0xC030] =	vst v0;
	s0 =	simm.s32 $0x0  }
0x19d: {  	[hbm4b:s2+s0] =	stream.linear.scatter [tilespmem:s16], [sflag:$0x10], $0x2000, $0x38;
	[tilespmem:$0x1E000] =	vst v63  }
0x19e: {  	s3 =	rddreg [dreg:$0xf]  }
0x19f: {  	[hbm4b:s3+s0] =	stream.linear.scatter [tilespmem:s30], [sflag:$0x11], $0x2000, $0x38;
	[tilespmem:$0x1E000] =	vst v63  }
0x1a0: {  	s6 =	rddreg [dreg:$0x11];
	s3 =	simm.s32 $0xA000  }
0x1a1: {  	[hbm4b:s6+s0] =	stream.linear.scatter [tilespmem:s3], [sflag:$0x12], $0x2000, $0x38;
	[tilespmem:$0x1E000] =	vst v63  }
0x1a2: {  	s7 =	rddreg [dreg:$0x12];
	s9 =	simm.s32 $0xC000  }
0x1a3: {  	[hbm4b:s7+s0] =	stream.linear.scatter [tilespmem:s9], [sflag:$0x13], $0x2000, $0x38;
	[tilespmem:$0x1E000] =	vst v63  }
0x1a4: {  	_ =	swait.ge [sflag:s23], $0x2000  }
0x1a5: {  	[sflag:s23] =	ssyncset.done $0x0  }
0x1a6: {  	[sflag:s23] =	ssyncadd.s32 $0xFFFFE000  }
0x1a7: {  	_ =	swait.ge [sflag:s24], $0x2000  }
0x1a8: {  	[sflag:s24] =	ssyncset.done $0x0  }
0x1a9: {  	[sflag:s24] =	ssyncadd.s32 $0xFFFFE000  }
0x1aa: {  	_ =	swait.ge [sflag:s25], $0x2000  }
0x1ab: {  	[sflag:s25] =	ssyncset.done $0x0  }
0x1ac: {  	[sflag:s25] =	ssyncadd.s32 $0xFFFFE000  }
0x1ad: {  	_ =	swait.ge [sflag:s26], $0x2000  }
0x1ae: {  	[sflag:s26] =	ssyncset.done $0x0  }
0x1af: {  	[sflag:s26] =	ssyncadd.s32 $0xFFFFE000  }
0x1b0: {  	s10 =	sand.u32 $0x1C00, s0;
	s31 =	sand.u32 $0x380, s0;
	_ =	swait.ge [sflag:s28], $0x2000  }
0x1b1: {  	s2 =	sor.u32 s31, s10;
	s0 =	sand.u32 $0x40, s0;
	[sflag:s28] =	ssyncset.done $0x0  }
0x1b2: {  	s0 =	sor.u32 s0, s2;
	[sflag:s28] =	ssyncadd.s32 $0xFFFFE000  }
0x1b3: {  	v2 =	vld [tilespmem:s0+$0x2000]  }
0x1b4: {  	v5 =	vld [tilespmem:s0+$0x2010]  }
0x1b5: {  	v1 =	vld [tilespmem:s0+$0x2020]  }
0x1b6: {  	v3 =	vld [tilespmem:s0+$0xE000]  }
0x1b7: {  	v4 =	vld [tilespmem:s0+$0x10000]  }
0x1b8: {  	v6 =	vld [tilespmem:s0+$0x12000]  }
0x1b9: {  	v7 =	vld [tilespmem:s0+$0x14000]  }
0x1ba: {  	v8 =	vld [tilespmem:s0+$0xE010]  }
0x1bb: {  	v9 =	vld [tilespmem:s0+$0x10010]  }
0x1bc: {  	v0 =	vld [tilespmem:s0+$0x2030];
	v3 =	vadd.f32 v3, v2  }
0x1bd: {  	v10 =	vld [tilespmem:s0+$0x12010];
	v4 =	vadd.f32 v4, v2  }
0x1be: {  	v11 =	vld [tilespmem:s0+$0x14010];
	[tilespmem:s0+$0xE000] =	vst v3;
	v3 =	vadd.f32 v6, v2  }
0x1bf: {  	[tilespmem:s0+$0x10000] =	vst v4;
	v6 =	vld [tilespmem:s0+$0xE020];
	v2 =	vadd.f32 v7, v2  }
0x1c0: {  	v7 =	vadd.f32 v8, v5;
	v8 =	vadd.f32 v9, v5;
	[tilespmem:s0+$0x12000] =	vst v3;
	v3 =	vld [tilespmem:s0+$0x10020]  }
0x1c1: {  	v4 =	vld [tilespmem:s0+$0x12020];
	[tilespmem:s0+$0x14000] =	vst v2  }
0x1c2: {  	v2 =	vld [tilespmem:s0+$0x14020];
	[tilespmem:s0+$0x10010] =	vst v8;
	v8 =	vadd.f32 v10, v5  }
0x1c3: {  	s3 =	simm.s32 $0x200;
	s6 =	simm.s32 $0x8;
	s2 =	simm.s32 $0x40;
	[tilespmem:s0+$0xE010] =	vst v7;
	v7 =	vadd.f32 v11, v5;
	v5 =	vld [tilespmem:s0+$0xE030]  }
.LBB2_12:
0x1c4: {  	s7 =	sand.u32 $0x1C00, s3;
	s9 =	sand.u32 $0x380, s6;
	p0 =	sne.s32 s6, $0x3F8;
	[tilespmem:s0+$0x12010] =	vst v8;
	v6 =	vadd.f32 v6, v1;
	v8 =	vld [tilespmem:s0+$0x10030]  }
0x1c5: {  	s10 =	sand.u32 $0x40, s2;
	s7 =	sor.u32 s9, s7;
	[tilespmem:s0+$0x14010] =	vst v7;
	v3 =	vadd.f32 v3, v1;
	v7 =	vld [tilespmem:s0+$0x12030]  }
0x1c6: {  	s7 =	sor.u32 s10, s7;
	[tilespmem:s0+$0xE020] =	vst v6;
	v4 =	vadd.f32 v4, v1;
	v6 =	vld [tilespmem:s0+$0x14030]  }
0x1c7: {  	v9 =	vld [tilespmem:s7+$0x2000];
	[tilespmem:s0+$0x10020] =	vst v3;
	v2 =	vadd.f32 v2, v1  }
0x1c8: {  	v10 =	vld [tilespmem:s7+$0x2010];
	[tilespmem:s0+$0x12020] =	vst v4;
	v3 =	vadd.f32 v5, v0  }
0x1c9: {  	v1 =	vld [tilespmem:s7+$0x2020];
	[tilespmem:s0+$0x14020] =	vst v2;
	v2 =	vadd.f32 v8, v0  }
0x1ca: {  	v4 =	vld [tilespmem:s7+$0x2030];
	[tilespmem:s0+$0xE030] =	vst v3;
	v3 =	vadd.f32 v7, v0  }
0x1cb: {  	v5 =	vld [tilespmem:s7+$0xE000];
	[tilespmem:s0+$0x10030] =	vst v2;
	v0 =	vadd.f32 v6, v0  }
0x1cc: {  	v2 =	vld [tilespmem:s7+$0x10000];
	[tilespmem:s0+$0x12030] =	vst v3  }
0x1cd: {  	v3 =	vld [tilespmem:s7+$0x12000];
	[tilespmem:s0+$0x14030] =	vst v0;
	s0 =	smov.u32 s7  }
0x1ce: {  	v6 =	vld [tilespmem:s0+$0x14000]  }
0x1cf: {  	v7 =	vld [tilespmem:s0+$0xE010];
	v0 =	vmov v4  }
0x1d0: {  	v4 =	vadd.f32 v5, v9;
	v5 =	vld [tilespmem:s0+$0x10010]  }
0x1d1: {  	v2 =	vadd.f32 v2, v9;
	v8 =	vld [tilespmem:s0+$0x12010]  }
0x1d2: {  	[tilespmem:s0+$0xE000] =	vst v4;
	v3 =	vadd.f32 v3, v9;
	v11 =	vld [tilespmem:s0+$0x14010]  }
.Ltmp5:
0x1d3: {  	[tilespmem:s0+$0x10000] =	vst v2;
	v2 =	vadd.f32 v6, v9;
	v6 =	vld [tilespmem:s0+$0xE020];
	(pc) =	sbr.rel @p0 .LBB2_12-.Ltmp5, $4  }
0x1d4: {  	[tilespmem:s0+$0x12000] =	vst v3;
	v7 =	vadd.f32 v7, v10;
	v3 =	vld [tilespmem:s0+$0x10020]  }
0x1d5: {  	[tilespmem:s0+$0x14000] =	vst v2;
	v5 =	vadd.f32 v5, v10;
	v4 =	vld [tilespmem:s0+$0x12020]  }
0x1d6: {  	[tilespmem:s0+$0xE010] =	vst v7;
	v8 =	vadd.f32 v8, v10;
	v2 =	vld [tilespmem:s0+$0x14020]  }
0x1d7: {  	s2 =	sadd.s32 $0x40, s2;
	s3 =	sadd.s32 $0x200, s3;
	s6 =	sadd.s32 $0x8, s6;
	[tilespmem:s0+$0x10010] =	vst v5;
	v7 =	vadd.f32 v11, v10;
	v5 =	vld [tilespmem:s0+$0xE030]  }
0x1d8: {  	[tilespmem:s0+$0x12010] =	vst v8;
	v56 =	vld [tilespmem:s0+$0x10030];
	v6 =	vadd.f32 v6, v1  }
0x1d9: {  	v57 =	vld [tilespmem:s0+$0x12030];
	[tilespmem:s0+$0x14010] =	vst v7;
	v3 =	vadd.f32 v3, v1  }
0x1da: {  	v58 =	vld [tilespmem:s0+$0x14030];
	[tilespmem:s0+$0xE020] =	vst v6;
	v4 =	vadd.f32 v4, v1  }
0x1db: {  	[tilespmem:s0+$0x10020] =	vst v3;
	v59 =	vadd.f32 v2, v1  }
0x1dc: {  	[tilespmem:s0+$0x12020] =	vst v4;
	v60 =	vadd.f32 v5, v0  }
0x1dd: {  	[tilespmem:s0+$0x14020] =	vst v59;
	v61 =	vadd.f32 v56, v0  }
0x1de: {  	v62 =	vadd.f32 v57, v0;
	[tilespmem:s0+$0xE030] =	vst v60  }
0x1df: {  	v63 =	vadd.f32 v58, v0;
	[tilespmem:s0+$0x10030] =	vst v61  }
0x1e0: {  	[tilespmem:s0+$0x12030] =	vst v62  }
0x1e1: {  	s6 =	rddreg [dreg:$0x13];
	s2 =	simm.s32 $0xE000;
	[tilespmem:s0+$0x14030] =	vst v63  }
0x1e2: {  	[hbm4b:s6+s5] =	stream.linear.scatter [tilespmem:s2], [sflag:$0x14], $0x2000, $0x38;
	[tilespmem:$0x1E000] =	vst v63  }
0x1e3: {  	s7 =	rddreg [dreg:$0x14];
	s9 =	simm.s32 $0x10000  }
0x1e4: {  	[hbm4b:s7+s5] =	stream.linear.scatter [tilespmem:s9], [sflag:$0x15], $0x2000, $0x38;
	[tilespmem:$0x1E000] =	vst v63  }
0x1e5: {  	s10 =	rddreg [dreg:$0x15];
	s31 =	simm.s32 $0x12000  }
0x1e6: {  	[hbm4b:s10+s5] =	stream.linear.scatter [tilespmem:s31], [sflag:$0x16], $0x2000, $0x38;
	[tilespmem:$0x1E000] =	vst v63  }
0x1e7: {  	s3 =	simm.s32 $0x14000;
	s2 =	rddreg [dreg:$0x16];
	s6 =	simm.s32 $0x18  }
0x1e8: {  	[hbm4b:s2+s5] =	stream.linear.scatter [tilespmem:s3], [sflag:$0x17], $0x2000, $0x38;
	[tilespmem:$0x1E000] =	vst v63  }
0x1e9: {  	_ =	swait.ge [sflag:s6], $0x2000  }
0x1ea: {  	[sflag:s6] =	ssyncset.done $0x0  }
0x1eb: {  	s7 =	simm.s32 $0x19;
	[sflag:s6] =	ssyncadd.s32 $0xFFFFE000  }
0x1ec: {  	_ =	swait.ge [sflag:s7], $0x2000  }
0x1ed: {  	[sflag:s7] =	ssyncset.done $0x0  }
0x1ee: {  	s9 =	simm.s32 $0x1A;
	[sflag:s7] =	ssyncadd.s32 $0xFFFFE000  }
0x1ef: {  	_ =	swait.ge [sflag:s9], $0x2000  }
0x1f0: {  	[sflag:s9] =	ssyncset.done $0x0  }
0x1f1: {  	s10 =	simm.s32 $0x1B;
	[sflag:s9] =	ssyncadd.s32 $0xFFFFE000  }
0x1f2: {  	_ =	swait.ge [sflag:s10], $0x2000  }
0x1f3: {  	[sflag:s10] =	ssyncset.done $0x0  }
0x1f4: {  	[sflag:s10] =	ssyncadd.s32 $0xFFFFE000  }
0x1f5: {  	_ =	swait.ge [sflag:s20], $0x2000  }
0x1f6: {  	[sflag:s20] =	ssyncset.done $0x0  }
0x1f7: {  	[sflag:s20] =	ssyncadd.s32 $0xFFFFE000  }
0x1f8: {  	_ =	swait.ge [sflag:s12], $0x2000  }
0x1f9: {  	[sflag:s12] =	ssyncset.done $0x0  }
0x1fa: {  	[sflag:s12] =	ssyncadd.s32 $0xFFFFE000  }
0x1fb: {  	_ =	swait.ge [sflag:s29], $0x2000  }
0x1fc: {  	[sflag:s29] =	ssyncset.done $0x0  }
0x1fd: {  	[sflag:s29] =	ssyncadd.s32 $0xFFFFE000  }
0x1fe: {  	_ =	swait.ge [sflag:s8], $0x2000  }
0x1ff: {  	[sflag:s8] =	ssyncset.done $0x0  }
0x200: {  	[sflag:s8] =	ssyncadd.s32 $0xFFFFE000  }
0x201: {  	_ =	swait.ge [sflag:s13], $0x2000  }
0x202: {  	[sflag:s13] =	ssyncset.done $0x0  }
0x203: {  	[sflag:s13] =	ssyncadd.s32 $0xFFFFE000  }
0x204: {  	_ =	swait.ge [sflag:s14], $0x2000  }
0x205: {  	[sflag:s14] =	ssyncset.done $0x0  }
0x206: {  	[sflag:s14] =	ssyncadd.s32 $0xFFFFE000  }
0x207: {  	_ =	swait.ge [sflag:s21], $0x2000  }
0x208: {  	[sflag:s21] =	ssyncset.done $0x0  }
0x209: {  	[sflag:s21] =	ssyncadd.s32 $0xFFFFE000  }
0x20a: {  	_ =	swait.ge [sflag:s22], $0x2000  }
0x20b: {  	s21 =	rddreg [dreg:$0x1c]  }
0x20c: {  	s31 =	rddreg [dreg:$0x17];
	s2 =	sadd.s32 $0x1, s21  }
0x20d: {  	p0 =	sne.s32 s2, s31  }
.Ltmp6:
0x20e: {  	_ = 	snop;
	(pc) =	sbr.rel @p0 .LBB2_1-.Ltmp6, $3  }
0x20f: {  	_ =	sdelay $0x1  }
0x210: {  	[sflag:s22] =	ssyncset.done $0x0  }
0x211: {  	[sflag:s22] =	ssyncadd.s32 $0xFFFFE000  }
0x212: {  	_ =	sfence.sel $0x180000  }
0x213: {  	[bflag:$0x0] =	sbarrier.arrive $0xFFFF  }
0x214: {  	_ =	strace $0x90000047  }
0x215: {  	s0 =	stileid.u32;
	[bflag:$0x2] =	sbarrier.arrive $0xFFFF  }
0x216: {  	p0 =	sne.s32 s0, $0x0;
	s0 =	rddreg [dreg:$0x3]  }
0x217: {  	s0 =	sadd.s32 @!p0 $0x100000, s0  }
0x218: {  	[sflag:s0] =	ssyncadd.tile.s32 @!p0 $0x1;
	_ =	shalt  }
.Lfunc_end2:
_tile_overlayer_lowered:
.L_overlay_start_2:
0x219: {  	(tag) =	ssettag $0x2  }
0x21a: {  	s0 =	rddreg [dreg:$0x0];
	s2 =	stileid.u32  }
0x21b: {  	s1 =	rddreg [dreg:$0x1];
	p0 =	sne.s32 s2, $0x0  }
0x21c: {  	s3 =	rddreg [dreg:$0x2];
	[bflag:$0x3] =	sbarrier.arrive $0xFFFF;
	s2 =	simm.s32 @!p0 $0x1C1C  }
0x21d: {  	[timem:s3], [sflag:s2] =	dma.local @!p0 [hbm:s0], s1  }
0x21e: {  	s0 =	simm.s32 @!p0 $0x1C  }
0x21f: {  	_ =	swait.ge @!p0 [sflag:s0], s1  }
0x220: {  	s1 =	ssub.s32 @!p0 $0x0, s1;
	[sflag:s0] =	ssyncset.done @!p0 $0x0  }
0x221: {  	[sflag:s0] =	ssyncadd.s32 @!p0 s1  }
0x222: {  	[bflag:$0x3] =	sbarrier.arrive $0xFFFF  }
0x223: {  	_ =	shalt  }

</sc_bundles>
